<compile_context>
chip_gen: v7x
topology: tpu7x:2x2x1
jax: 0.10.2.dev20260603
libtpu: 0.0.44.dev20260713+nightly
codegen_flags: <defaults>
</compile_context>

<pallas_src>
import functools

import jax
import jax.numpy as jnp
from jax import lax
from jax.experimental import pallas as pl
from jax.experimental.pallas import tpu as pltpu
from jax.experimental.pallas import tpu_sc as plsc

_B, _C, _K1, _D = 4096, 10, 6, 64
_NW = 32
_BPW = _B // _NW
_HALF = _BPW // 2
_LG = 16
_ND = _D // _LG
_ROWS = _B * _K1 * _LG // 128


_CH = 32
_NROUND = _BPW // _CH
_DP = 128


def _streams(total):
    out, off = [], 0
    while off < total:
        n = min(128, total - off)
        out.append((off, n))
        off += n
    return out


def _sc_scores(u_half, u_offs, w_half, w_offs, u2, w2):
    mesh = plsc.VectorSubcoreMesh(core_axis_name="c", subcore_axis_name="s")

    @functools.partial(
        pl.kernel,
        out_type=jax.ShapeDtypeStruct((_B * _K1, _LG), jnp.float32),
        mesh=mesh,
        scratch_types=[
            pltpu.VMEM((_BPW * _C,), jnp.int32),
            pltpu.VMEM((_BPW * _K1,), jnp.int32),
            pltpu.VMEM((_BPW * _C * _LG,), jnp.int32),
            pltpu.VMEM((_BPW * _K1 * _LG,), jnp.int32),
            pltpu.VMEM((_CH * _C, _DP), jnp.float32),
            pltpu.VMEM((_CH * _K1, _DP), jnp.float32),
            pltpu.VMEM((_CH * _K1, _LG), jnp.float32),
            pltpu.SemaphoreType.DMA,
        ],
        compiler_params=pltpu.CompilerParams(needs_layout_passes=False),
    )
    def body(uh_hbm, uo_hbm, wh_hbm, wo_hbm, ut_hbm, wt_hbm, out_hbm,
             uh_v, wh_v, uo_v, wo_v, u_rows, w_rows, out_v, sem):
        wid = lax.axis_index("s") * 2 + lax.axis_index("c")
        base = wid * _BPW
        pltpu.sync_copy(uh_hbm.at[pl.ds(base * _C, _BPW * _C)], uh_v)
        pltpu.sync_copy(wh_hbm.at[pl.ds(base * _K1, _BPW * _K1)], wh_v)
        pltpu.sync_copy(
            uo_hbm.at[pl.ds(base * _C * _LG, _BPW * _C * _LG)], uo_v)
        pltpu.sync_copy(
            wo_hbm.at[pl.ds(base * _K1 * _LG, _BPW * _K1 * _LG)], wo_v)

        for rnd in range(_NROUND):
            off = rnd * _CH
            copies = []
            for (so, sn) in _streams(_CH * _C):
                copies.append(pltpu.async_copy(
                    ut_hbm.at[uh_v.at[pl.ds(off * _C + so, sn)]],
                    u_rows.at[pl.ds(so, sn)], sem))
            for (so, sn) in _streams(_CH * _K1):
                copies.append(pltpu.async_copy(
                    wt_hbm.at[wh_v.at[pl.ds(off * _K1 + so, sn)]],
                    w_rows.at[pl.ds(so, sn)], sem))
            for cp in copies:
                cp.wait()

            zeros16 = jnp.zeros((_LG,), jnp.int32)

            def elem(e, carry):
                ucols = [uo_v[pl.ds(((off + e) * _C + c) * _LG, _LG)]
                         for c in range(_C)]
                wcols = [wo_v[pl.ds(((off + e) * _K1 + t) * _LG, _LG)]
                         for t in range(_K1)]
                urow = [zeros16 + (e * _C + c) for c in range(_C)]
                wrow = [zeros16 + (e * _K1 + t) for t in range(_K1)]
                accs = []
                for d in range(_ND):
                    a = plsc.load_gather(
                        u_rows, [urow[0], ucols[0] + (d * _LG)])
                    for c in range(1, _C):
                        a = a + plsc.load_gather(
                            u_rows, [urow[c], ucols[c] + (d * _LG)])
                    accs.append(a)
                for t in range(_K1):
                    p = accs[0] * plsc.load_gather(
                        w_rows, [wrow[t], wcols[t]])
                    for d in range(1, _ND):
                        p = p + accs[d] * plsc.load_gather(
                            w_rows, [wrow[t], wcols[t] + (d * _LG)])
                    if t > 0:
                        p = -p
                    out_v[e * _K1 + t, pl.ds(0, _LG)] = p
                return carry

            lax.fori_loop(0, _CH, elem, 0)
            pltpu.sync_copy(
                out_v, out_hbm.at[pl.ds((base + off) * _K1, _CH * _K1)])

    return body(u_half, u_offs, w_half, w_offs, u2, w2)


_TW = 25600
_SPLIT = 512000


def _tc_relayout_body(xa_ref, xb_ref, o_ref):
    d_ids = lax.broadcasted_iota(jnp.int32, (_D, _DP), 0)
    p_ids = lax.broadcasted_iota(jnp.int32, (_D, _DP), 1)
    e_lo = (d_ids == p_ids).astype(jnp.float32)
    e_hi = (d_ids == (p_ids - _D)).astype(jnp.float32)
    o_ref[...] = (
        jax.lax.dot_general(
            xa_ref[...], e_lo, (((0,), (0,)), ((), ())),
            preferred_element_type=jnp.float32)
        + jax.lax.dot_general(
            xb_ref[...], e_hi, (((0,), (0,)), ((), ())),
            preferred_element_type=jnp.float32))


def _tc_relayout(table):
    nblk = _SPLIT // _TW
    last = (table.shape[0] - 1) // _TW
    return pl.pallas_call(
        _tc_relayout_body,
        grid=(nblk,),
        in_specs=[
            pl.BlockSpec((_D, _TW), lambda j: (0, j)),
            pl.BlockSpec((_D, _TW),
                         lambda j: (0, jnp.minimum(j + nblk, last))),
        ],
        out_specs=pl.BlockSpec((_TW, _DP), lambda j: (j, 0)),
        out_shape=jax.ShapeDtypeStruct((_SPLIT, _DP), jnp.float32),
        compiler_params=pltpu.CompilerParams(
            vmem_limit_bytes=63 * 1024 * 1024),
    )(table.T, table.T)


def _tc_loss_body(x_ref, o_ref):
    x = x_ref[...]
    col = lax.broadcasted_iota(jnp.int32, (128, 8), 0) // _LG
    grp = lax.broadcasted_iota(jnp.int32, (128, 8), 1)
    sel = (col == grp).astype(jnp.float32)
    s = jnp.dot(x, sel, preferred_element_type=jnp.float32)
    ls = jnp.minimum(s, 0.0) - jnp.log1p(jnp.exp(-jnp.abs(s)))
    o_ref[0, 0] = -jnp.sum(ls)


def _tc_loss(lanes_flat):
    return pl.pallas_call(
        _tc_loss_body,
        out_shape=jax.ShapeDtypeStruct((1, 1), jnp.float32),
        in_specs=[pl.BlockSpec(memory_space=pltpu.VMEM)],
        out_specs=pl.BlockSpec(memory_space=pltpu.SMEM),
    )(lanes_flat)


def kernel(pos_u, pos_w, neg_w, u_weight, w_weight):
    u_idx = pos_u.astype(jnp.int32).reshape(_B * _C)
    w_idx = jnp.concatenate(
        [pos_w.astype(jnp.int32)[:, None], neg_w.astype(jnp.int32)],
        axis=1).reshape(_B * _K1)
    u2 = _tc_relayout(u_weight)
    w2 = _tc_relayout(w_weight)
    u_half = jnp.where(u_idx >= _SPLIT, u_idx - _SPLIT, u_idx)
    w_half = jnp.where(w_idx >= _SPLIT, w_idx - _SPLIT, w_idx)
    lanes16 = jnp.arange(_LG, dtype=jnp.int32)[None, :]
    u_offs = (jnp.where(u_idx >= _SPLIT, _D, 0)[:, None]
              + lanes16).reshape(_B * _C * _LG)
    w_offs = (jnp.where(w_idx >= _SPLIT, _D, 0)[:, None]
              + lanes16).reshape(_B * _K1 * _LG)
    lanes = _sc_scores(u_half, u_offs, w_half, w_offs, u2, w2)
    return _tc_loss(lanes.reshape(_ROWS, 128))[0, 0]

# --- scband reference (transcript-rebuilt; emitter-appended) ---
"""Pipeline reference for scband-cbow-negmodel-75153337745588 (READ-ONLY COPY).

The authoritative reference and input builder live on the scoring server;
editing this copy changes nothing except your own understanding.
"""

import jax, jax.numpy as jnp
import numpy as np

V, D = 1000000, 64
B, C, K = 4096, 10, 5

def setup_inputs(seed: int = 0):
    key = jax.random.key(seed)
    k1, k2, k3, k4, k5 = jax.random.split(key, 5)
    pos_u = jax.random.randint(k1, (B, C), 0, V)
    pos_w = jax.random.randint(k2, (B,), 0, V)
    neg_w = jax.random.randint(k3, (B, K), 0, V)
    r = 0.5 / D
    u_weight = jax.random.uniform(k4, (V, D), minval=-r, maxval=r, dtype=jnp.float32)
    w_weight = jax.random.uniform(k5, (V, D), minval=-r, maxval=r, dtype=jnp.float32)
    return {"pos_u": pos_u, "pos_w": pos_w, "neg_w": neg_w, "u_weight": u_weight, "w_weight": w_weight}

def reference(pos_u, pos_w, neg_w, u_weight, w_weight):
    # compute_context_matrix: gather context embeddings and sum over context window
    u_embed = jnp.take(u_weight, pos_u, axis=0).sum(axis=1)  # [B, D]
    pos_w_embed = jnp.take(w_weight, pos_w, axis=0)          # [B, D]
    neg_w_embed = jnp.take(w_weight, neg_w, axis=0)          # [B, K, D]
    score1 = jnp.sum(u_embed * pos_w_embed, axis=1)          # [B]
    score1 = jax.nn.log_sigmoid(score1)
    score2 = jnp.einsum('bkd,bd->bk', neg_w_embed, u_embed)  # bmm(neg, u.unsqueeze(2)) -> [B, K]
    score2 = jax.nn.log_sigmoid(-score2)
    loss = score1.sum() + score2.sum()
    return -loss

if __name__ == "__main__":
    import jax
    _d = setup_inputs()
    print(jax.jit(kernel)(*tuple(_d.values())))

</pallas_src>

<mosaic_0001>
#map = affine_map<(d0, d1) -> (0)>
#map1 = affine_map<(d0, d1) -> (0, 0)>
module attributes {stable_mosaic.version = 14 : i64} {
  func.func @body(%arg0: i32, %arg1: i32, %arg2: memref<40960xi32, #tpu.memory_space<hbm>>, %arg3: memref<655360xi32, #tpu.memory_space<hbm>>, %arg4: memref<24576xi32, #tpu.memory_space<hbm>>, %arg5: memref<393216xi32, #tpu.memory_space<hbm>>, %arg6: memref<512000x128xf32, #tpu.memory_space<hbm>>, %arg7: memref<512000x128xf32, #tpu.memory_space<hbm>>, %arg8: memref<24576x16xf32, #tpu.memory_space<hbm>>, %arg9: memref<1280xi32, #tpu.memory_space<vmem>>, %arg10: memref<768xi32, #tpu.memory_space<vmem>>, %arg11: memref<20480xi32, #tpu.memory_space<vmem>>, %arg12: memref<12288xi32, #tpu.memory_space<vmem>>, %arg13: memref<320x128xf32, #tpu.memory_space<vmem>>, %arg14: memref<192x128xf32, #tpu.memory_space<vmem>>, %arg15: memref<192x16xf32, #tpu.memory_space<vmem>>, %arg16: memref<!tpu.dma_semaphore, #tpu.memory_space<semaphore_mem>>) attributes {dimension_semantics = [#tpu.dimension_semantics<core_parallel>, #tpu.dimension_semantics<subcore_parallel>], iteration_bounds = array<i64: 2, 16>, scalar_prefetch = 0 : i64, scratch_operands = 8 : i64, tpu.core_type = #tpu.core_type<sc_vector_subcore>, window_params = [{transform_indices = #map}, {transform_indices = #map}, {transform_indices = #map}, {transform_indices = #map}, {transform_indices = #map1}, {transform_indices = #map1}, {transform_indices = #map1}]} {
    %mul3A = arith.constant 2 : i32
    %mul3A_0 = arith.muli %arg1, %mul3A : i32
    %add3A = arith.addi %mul3A_0, %arg0 : i32
    %mul3A_1 = arith.constant 128 : i32
    %mul3A_2 = arith.muli %add3A, %mul3A_1 : i32
    %mul3A_3 = arith.constant 10 : i32
    %mul3A_4 = arith.muli %mul3A_2, %mul3A_3 : i32
    "tpu.region"() ({
      %run_scoped3A = tpu.sem_alloc : memref<!tpu.dma_semaphore, #tpu.memory_space<semaphore_mem>>
      %dma_start3A_379 = tpu.memref_slice %arg2[%mul3A_4] : memref<40960xi32, #tpu.memory_space<hbm>> -> memref<1280xi32, #tpu.memory_space<hbm>>
      %dma_start3A_380 = tpu.memref_slice %arg2[%mul3A_4] : memref<40960xi32, #tpu.memory_space<hbm>> -> memref<1280xi32, #tpu.memory_space<hbm>>
      tpu.enqueue_dma source(%dma_start3A_380 : memref<1280xi32, #tpu.memory_space<hbm>>) target(%arg9 : memref<1280xi32, #tpu.memory_space<vmem>>) target_semaphore(%run_scoped3A : memref<!tpu.dma_semaphore, #tpu.memory_space<semaphore_mem>>)
      %dma_wait3A_381 = tpu.memref_slice %arg2[%mul3A_4] : memref<40960xi32, #tpu.memory_space<hbm>> -> memref<1280xi32, #tpu.memory_space<hbm>>
      %dma_wait3A_382 = tpu.memref_slice %arg2[%mul3A_4] : memref<40960xi32, #tpu.memory_space<hbm>> -> memref<1280xi32, #tpu.memory_space<hbm>>
      tpu.wait_dma2 semaphore(%run_scoped3A : memref<!tpu.dma_semaphore, #tpu.memory_space<semaphore_mem>>) src(%dma_wait3A_382 : memref<1280xi32, #tpu.memory_space<hbm>>) dst(%arg9 : memref<1280xi32, #tpu.memory_space<vmem>>)
      tpu.yield
    }) : () -> ()
    %mul3A_5 = arith.constant 6 : i32
    %mul3A_6 = arith.muli %mul3A_2, %mul3A_5 : i32
    "tpu.region"() ({
      %run_scoped3A = tpu.sem_alloc : memref<!tpu.dma_semaphore, #tpu.memory_space<semaphore_mem>>
      %dma_start3A_379 = tpu.memref_slice %arg4[%mul3A_6] : memref<24576xi32, #tpu.memory_space<hbm>> -> memref<768xi32, #tpu.memory_space<hbm>>
      %dma_start3A_380 = tpu.memref_slice %arg4[%mul3A_6] : memref<24576xi32, #tpu.memory_space<hbm>> -> memref<768xi32, #tpu.memory_space<hbm>>
      tpu.enqueue_dma source(%dma_start3A_380 : memref<768xi32, #tpu.memory_space<hbm>>) target(%arg10 : memref<768xi32, #tpu.memory_space<vmem>>) target_semaphore(%run_scoped3A : memref<!tpu.dma_semaphore, #tpu.memory_space<semaphore_mem>>)
      %dma_wait3A_381 = tpu.memref_slice %arg4[%mul3A_6] : memref<24576xi32, #tpu.memory_space<hbm>> -> memref<768xi32, #tpu.memory_space<hbm>>
      %dma_wait3A_382 = tpu.memref_slice %arg4[%mul3A_6] : memref<24576xi32, #tpu.memory_space<hbm>> -> memref<768xi32, #tpu.memory_space<hbm>>
      tpu.wait_dma2 semaphore(%run_scoped3A : memref<!tpu.dma_semaphore, #tpu.memory_space<semaphore_mem>>) src(%dma_wait3A_382 : memref<768xi32, #tpu.memory_space<hbm>>) dst(%arg10 : memref<768xi32, #tpu.memory_space<vmem>>)
      tpu.yield
    }) : () -> ()
    %mul3A_7 = arith.constant 10 : i32
    %mul3A_8 = arith.muli %mul3A_2, %mul3A_7 : i32
    %mul3A_9 = arith.constant 16 : i32
    %mul3A_10 = arith.muli %mul3A_8, %mul3A_9 : i32
    "tpu.region"() ({
      %run_scoped3A = tpu.sem_alloc : memref<!tpu.dma_semaphore, #tpu.memory_space<semaphore_mem>>
      %dma_start3A_379 = tpu.memref_slice %arg3[%mul3A_10] : memref<655360xi32, #tpu.memory_space<hbm>> -> memref<20480xi32, #tpu.memory_space<hbm>>
      %dma_start3A_380 = tpu.memref_slice %arg3[%mul3A_10] : memref<655360xi32, #tpu.memory_space<hbm>> -> memref<20480xi32, #tpu.memory_space<hbm>>
      tpu.enqueue_dma source(%dma_start3A_380 : memref<20480xi32, #tpu.memory_space<hbm>>) target(%arg11 : memref<20480xi32, #tpu.memory_space<vmem>>) target_semaphore(%run_scoped3A : memref<!tpu.dma_semaphore, #tpu.memory_space<semaphore_mem>>)
      %dma_wait3A_381 = tpu.memref_slice %arg3[%mul3A_10] : memref<655360xi32, #tpu.memory_space<hbm>> -> memref<20480xi32, #tpu.memory_space<hbm>>
      %dma_wait3A_382 = tpu.memref_slice %arg3[%mul3A_10] : memref<655360xi32, #tpu.memory_space<hbm>> -> memref<20480xi32, #tpu.memory_space<hbm>>
      tpu.wait_dma2 semaphore(%run_scoped3A : memref<!tpu.dma_semaphore, #tpu.memory_space<semaphore_mem>>) src(%dma_wait3A_382 : memref<20480xi32, #tpu.memory_space<hbm>>) dst(%arg11 : memref<20480xi32, #tpu.memory_space<vmem>>)
      tpu.yield
    }) : () -> ()
    %mul3A_11 = arith.constant 6 : i32
    %mul3A_12 = arith.muli %mul3A_2, %mul3A_11 : i32
    %mul3A_13 = arith.constant 16 : i32
    %mul3A_14 = arith.muli %mul3A_12, %mul3A_13 : i32
    "tpu.region"() ({
      %run_scoped3A = tpu.sem_alloc : memref<!tpu.dma_semaphore, #tpu.memory_space<semaphore_mem>>
      %dma_start3A_379 = tpu.memref_slice %arg5[%mul3A_14] : memref<393216xi32, #tpu.memory_space<hbm>> -> memref<12288xi32, #tpu.memory_space<hbm>>
      %dma_start3A_380 = tpu.memref_slice %arg5[%mul3A_14] : memref<393216xi32, #tpu.memory_space<hbm>> -> memref<12288xi32, #tpu.memory_space<hbm>>
      tpu.enqueue_dma source(%dma_start3A_380 : memref<12288xi32, #tpu.memory_space<hbm>>) target(%arg12 : memref<12288xi32, #tpu.memory_space<vmem>>) target_semaphore(%run_scoped3A : memref<!tpu.dma_semaphore, #tpu.memory_space<semaphore_mem>>)
      %dma_wait3A_381 = tpu.memref_slice %arg5[%mul3A_14] : memref<393216xi32, #tpu.memory_space<hbm>> -> memref<12288xi32, #tpu.memory_space<hbm>>
      %dma_wait3A_382 = tpu.memref_slice %arg5[%mul3A_14] : memref<393216xi32, #tpu.memory_space<hbm>> -> memref<12288xi32, #tpu.memory_space<hbm>>
      tpu.wait_dma2 semaphore(%run_scoped3A : memref<!tpu.dma_semaphore, #tpu.memory_space<semaphore_mem>>) src(%dma_wait3A_382 : memref<12288xi32, #tpu.memory_space<hbm>>) dst(%arg12 : memref<12288xi32, #tpu.memory_space<vmem>>)
      tpu.yield
    }) : () -> ()
    %dma_start3A = arith.constant 0 : i32
    %dma_start3A_15 = arith.constant 0 : i32
    %dma_start3A_16 = tpu.memref_slice %arg13[%dma_start3A, %dma_start3A_15] : memref<320x128xf32, #tpu.memory_space<vmem>> -> memref<128x128xf32, #tpu.memory_space<vmem>>
    %dma_start3A_17 = arith.constant 0 : i32
    %dma_start3A_18 = tpu.memref_slice %arg9[%dma_start3A_17] : memref<1280xi32, #tpu.memory_space<vmem>> -> memref<128xi32, #tpu.memory_space<vmem>>
    %dma_start3A_19 = arith.constant 0 : i32
    %dma_start3A_20 = arith.constant 0 : i32
    %dma_start3A_21 = tpu.memref_slice %arg6[%dma_start3A_19, %dma_start3A_20] : memref<512000x128xf32, #tpu.memory_space<hbm>> -> memref<512000x128xf32, #tpu.memory_space<hbm>>
    tpu.enqueue_indirect_dma source(%dma_start3A_21 : memref<512000x128xf32, #tpu.memory_space<hbm>>) target(%dma_start3A_16 : memref<128x128xf32, #tpu.memory_space<vmem>>) offsets(%dma_start3A_18 : memref<128xi32, #tpu.memory_space<vmem>>) semaphore(%arg16 : memref<!tpu.dma_semaphore, #tpu.memory_space<semaphore_mem>>)
    %dma_start3A_22 = arith.constant 128 : i32
    %dma_start3A_23 = arith.constant 0 : i32
    %dma_start3A_24 = tpu.memref_slice %arg13[%dma_start3A_22, %dma_start3A_23] : memref<320x128xf32, #tpu.memory_space<vmem>> -> memref<128x128xf32, #tpu.memory_space<vmem>>
    %dma_start3A_25 = arith.constant 128 : i32
    %dma_start3A_26 = tpu.memref_slice %arg9[%dma_start3A_25] : memref<1280xi32, #tpu.memory_space<vmem>> -> memref<128xi32, #tpu.memory_space<vmem>>
    %dma_start3A_27 = arith.constant 0 : i32
    %dma_start3A_28 = arith.constant 0 : i32
    %dma_start3A_29 = tpu.memref_slice %arg6[%dma_start3A_27, %dma_start3A_28] : memref<512000x128xf32, #tpu.memory_space<hbm>> -> memref<512000x128xf32, #tpu.memory_space<hbm>>
    tpu.enqueue_indirect_dma source(%dma_start3A_29 : memref<512000x128xf32, #tpu.memory_space<hbm>>) target(%dma_start3A_24 : memref<128x128xf32, #tpu.memory_space<vmem>>) offsets(%dma_start3A_26 : memref<128xi32, #tpu.memory_space<vmem>>) semaphore(%arg16 : memref<!tpu.dma_semaphore, #tpu.memory_space<semaphore_mem>>)
    %dma_start3A_30 = arith.constant 256 : i32
    %dma_start3A_31 = arith.constant 0 : i32
    %dma_start3A_32 = tpu.memref_slice %arg13[%dma_start3A_30, %dma_start3A_31] : memref<320x128xf32, #tpu.memory_space<vmem>> -> memref<64x128xf32, #tpu.memory_space<vmem>>
    %dma_start3A_33 = arith.constant 256 : i32
    %dma_start3A_34 = tpu.memref_slice %arg9[%dma_start3A_33] : memref<1280xi32, #tpu.memory_space<vmem>> -> memref<64xi32, #tpu.memory_space<vmem>>
    %dma_start3A_35 = arith.constant 0 : i32
    %dma_start3A_36 = arith.constant 0 : i32
    %dma_start3A_37 = tpu.memref_slice %arg6[%dma_start3A_35, %dma_start3A_36] : memref<512000x128xf32, #tpu.memory_space<hbm>> -> memref<512000x128xf32, #tpu.memory_space<hbm>>
    tpu.enqueue_indirect_dma source(%dma_start3A_37 : memref<512000x128xf32, #tpu.memory_space<hbm>>) target(%dma_start3A_32 : memref<64x128xf32, #tpu.memory_space<vmem>>) offsets(%dma_start3A_34 : memref<64xi32, #tpu.memory_space<vmem>>) semaphore(%arg16 : memref<!tpu.dma_semaphore, #tpu.memory_space<semaphore_mem>>)
    %dma_start3A_38 = arith.constant 0 : i32
    %dma_start3A_39 = arith.constant 0 : i32
    %dma_start3A_40 = tpu.memref_slice %arg14[%dma_start3A_38, %dma_start3A_39] : memref<192x128xf32, #tpu.memory_space<vmem>> -> memref<128x128xf32, #tpu.memory_space<vmem>>
    %dma_start3A_41 = arith.constant 0 : i32
    %dma_start3A_42 = tpu.memref_slice %arg10[%dma_start3A_41] : memref<768xi32, #tpu.memory_space<vmem>> -> memref<128xi32, #tpu.memory_space<vmem>>
    %dma_start3A_43 = arith.constant 0 : i32
    %dma_start3A_44 = arith.constant 0 : i32
    %dma_start3A_45 = tpu.memref_slice %arg7[%dma_start3A_43, %dma_start3A_44] : memref<512000x128xf32, #tpu.memory_space<hbm>> -> memref<512000x128xf32, #tpu.memory_space<hbm>>
    tpu.enqueue_indirect_dma source(%dma_start3A_45 : memref<512000x128xf32, #tpu.memory_space<hbm>>) target(%dma_start3A_40 : memref<128x128xf32, #tpu.memory_space<vmem>>) offsets(%dma_start3A_42 : memref<128xi32, #tpu.memory_space<vmem>>) semaphore(%arg16 : memref<!tpu.dma_semaphore, #tpu.memory_space<semaphore_mem>>)
    %dma_start3A_46 = arith.constant 128 : i32
    %dma_start3A_47 = arith.constant 0 : i32
    %dma_start3A_48 = tpu.memref_slice %arg14[%dma_start3A_46, %dma_start3A_47] : memref<192x128xf32, #tpu.memory_space<vmem>> -> memref<64x128xf32, #tpu.memory_space<vmem>>
    %dma_start3A_49 = arith.constant 128 : i32
    %dma_start3A_50 = tpu.memref_slice %arg10[%dma_start3A_49] : memref<768xi32, #tpu.memory_space<vmem>> -> memref<64xi32, #tpu.memory_space<vmem>>
    %dma_start3A_51 = arith.constant 0 : i32
    %dma_start3A_52 = arith.constant 0 : i32
    %dma_start3A_53 = tpu.memref_slice %arg7[%dma_start3A_51, %dma_start3A_52] : memref<512000x128xf32, #tpu.memory_space<hbm>> -> memref<512000x128xf32, #tpu.memory_space<hbm>>
    tpu.enqueue_indirect_dma source(%dma_start3A_53 : memref<512000x128xf32, #tpu.memory_space<hbm>>) target(%dma_start3A_48 : memref<64x128xf32, #tpu.memory_space<vmem>>) offsets(%dma_start3A_50 : memref<64xi32, #tpu.memory_space<vmem>>) semaphore(%arg16 : memref<!tpu.dma_semaphore, #tpu.memory_space<semaphore_mem>>)
    %dma_wait3A = arith.constant 0 : i32
    %dma_wait3A_54 = arith.constant 0 : i32
    %dma_wait3A_55 = tpu.memref_slice %arg13[%dma_wait3A, %dma_wait3A_54] : memref<320x128xf32, #tpu.memory_space<vmem>> -> memref<128x128xf32, #tpu.memory_space<vmem>>
    %dma_wait3A_56 = arith.constant 0 : i32
    %dma_wait3A_57 = tpu.memref_slice %arg9[%dma_wait3A_56] : memref<1280xi32, #tpu.memory_space<vmem>> -> memref<128xi32, #tpu.memory_space<vmem>>
    %dma_wait3A_58 = arith.constant 0 : i32
    %dma_wait3A_59 = arith.constant 0 : i32
    %dma_wait3A_60 = tpu.memref_slice %arg6[%dma_wait3A_58, %dma_wait3A_59] : memref<512000x128xf32, #tpu.memory_space<hbm>> -> memref<512000x128xf32, #tpu.memory_space<hbm>>
    tpu.wait_indirect_dma semaphore(%arg16 : memref<!tpu.dma_semaphore, #tpu.memory_space<semaphore_mem>>) src(%dma_wait3A_60 : memref<512000x128xf32, #tpu.memory_space<hbm>>) dst(%dma_wait3A_55 : memref<128x128xf32, #tpu.memory_space<vmem>>)
    %dma_wait3A_61 = arith.constant 128 : i32
    %dma_wait3A_62 = arith.constant 0 : i32
    %dma_wait3A_63 = tpu.memref_slice %arg13[%dma_wait3A_61, %dma_wait3A_62] : memref<320x128xf32, #tpu.memory_space<vmem>> -> memref<128x128xf32, #tpu.memory_space<vmem>>
    %dma_wait3A_64 = arith.constant 128 : i32
    %dma_wait3A_65 = tpu.memref_slice %arg9[%dma_wait3A_64] : memref<1280xi32, #tpu.memory_space<vmem>> -> memref<128xi32, #tpu.memory_space<vmem>>
    %dma_wait3A_66 = arith.constant 0 : i32
    %dma_wait3A_67 = arith.constant 0 : i32
    %dma_wait3A_68 = tpu.memref_slice %arg6[%dma_wait3A_66, %dma_wait3A_67] : memref<512000x128xf32, #tpu.memory_space<hbm>> -> memref<512000x128xf32, #tpu.memory_space<hbm>>
    tpu.wait_indirect_dma semaphore(%arg16 : memref<!tpu.dma_semaphore, #tpu.memory_space<semaphore_mem>>) src(%dma_wait3A_68 : memref<512000x128xf32, #tpu.memory_space<hbm>>) dst(%dma_wait3A_63 : memref<128x128xf32, #tpu.memory_space<vmem>>)
    %dma_wait3A_69 = arith.constant 256 : i32
    %dma_wait3A_70 = arith.constant 0 : i32
    %dma_wait3A_71 = tpu.memref_slice %arg13[%dma_wait3A_69, %dma_wait3A_70] : memref<320x128xf32, #tpu.memory_space<vmem>> -> memref<64x128xf32, #tpu.memory_space<vmem>>
    %dma_wait3A_72 = arith.constant 256 : i32
    %dma_wait3A_73 = tpu.memref_slice %arg9[%dma_wait3A_72] : memref<1280xi32, #tpu.memory_space<vmem>> -> memref<64xi32, #tpu.memory_space<vmem>>
    %dma_wait3A_74 = arith.constant 0 : i32
    %dma_wait3A_75 = arith.constant 0 : i32
    %dma_wait3A_76 = tpu.memref_slice %arg6[%dma_wait3A_74, %dma_wait3A_75] : memref<512000x128xf32, #tpu.memory_space<hbm>> -> memref<512000x128xf32, #tpu.memory_space<hbm>>
    tpu.wait_indirect_dma semaphore(%arg16 : memref<!tpu.dma_semaphore, #tpu.memory_space<semaphore_mem>>) src(%dma_wait3A_76 : memref<512000x128xf32, #tpu.memory_space<hbm>>) dst(%dma_wait3A_71 : memref<64x128xf32, #tpu.memory_space<vmem>>)
    %dma_wait3A_77 = arith.constant 0 : i32
    %dma_wait3A_78 = arith.constant 0 : i32
    %dma_wait3A_79 = tpu.memref_slice %arg14[%dma_wait3A_77, %dma_wait3A_78] : memref<192x128xf32, #tpu.memory_space<vmem>> -> memref<128x128xf32, #tpu.memory_space<vmem>>
    %dma_wait3A_80 = arith.constant 0 : i32
    %dma_wait3A_81 = tpu.memref_slice %arg10[%dma_wait3A_80] : memref<768xi32, #tpu.memory_space<vmem>> -> memref<128xi32, #tpu.memory_space<vmem>>
    %dma_wait3A_82 = arith.constant 0 : i32
    %dma_wait3A_83 = arith.constant 0 : i32
    %dma_wait3A_84 = tpu.memref_slice %arg7[%dma_wait3A_82, %dma_wait3A_83] : memref<512000x128xf32, #tpu.memory_space<hbm>> -> memref<512000x128xf32, #tpu.memory_space<hbm>>
    tpu.wait_indirect_dma semaphore(%arg16 : memref<!tpu.dma_semaphore, #tpu.memory_space<semaphore_mem>>) src(%dma_wait3A_84 : memref<512000x128xf32, #tpu.memory_space<hbm>>) dst(%dma_wait3A_79 : memref<128x128xf32, #tpu.memory_space<vmem>>)
    %dma_wait3A_85 = arith.constant 128 : i32
    %dma_wait3A_86 = arith.constant 0 : i32
    %dma_wait3A_87 = tpu.memref_slice %arg14[%dma_wait3A_85, %dma_wait3A_86] : memref<192x128xf32, #tpu.memory_space<vmem>> -> memref<64x128xf32, #tpu.memory_space<vmem>>
    %dma_wait3A_88 = arith.constant 128 : i32
    %dma_wait3A_89 = tpu.memref_slice %arg10[%dma_wait3A_88] : memref<768xi32, #tpu.memory_space<vmem>> -> memref<64xi32, #tpu.memory_space<vmem>>
    %dma_wait3A_90 = arith.constant 0 : i32
    %dma_wait3A_91 = arith.constant 0 : i32
    %dma_wait3A_92 = tpu.memref_slice %arg7[%dma_wait3A_90, %dma_wait3A_91] : memref<512000x128xf32, #tpu.memory_space<hbm>> -> memref<512000x128xf32, #tpu.memory_space<hbm>>
    tpu.wait_indirect_dma semaphore(%arg16 : memref<!tpu.dma_semaphore, #tpu.memory_space<semaphore_mem>>) src(%dma_wait3A_92 : memref<512000x128xf32, #tpu.memory_space<hbm>>) dst(%dma_wait3A_87 : memref<64x128xf32, #tpu.memory_space<vmem>>)
    %broadcast_in_dim3A = arith.constant 0 : i32
    %broadcast_in_dim3A_93 = vector.broadcast %broadcast_in_dim3A : i32 to vector<16xi32>
    %scan3A = arith.constant 0 : i32
    %scan3A_94 = arith.constant 0 : i32
    %scan3A_95 = arith.constant 32 : i32
    %scan3A_96 = arith.addi %scan3A_94, %scan3A_95 : i32
    %scan3A_97 = arith.constant 1 : i32
    scf.for %scan3A_379 = %scan3A_94 to %scan3A_96 step %scan3A_97  : i32 {
      %add3A_380 = arith.constant 0 : i32
      %add3A_381 = arith.addi %add3A_380, %scan3A_379 : i32
      %mul3A_382 = arith.constant 10 : i32
      %mul3A_383 = arith.muli %add3A_381, %mul3A_382 : i32
      %add3A_384 = arith.constant 0 : i32
      %add3A_385 = arith.addi %mul3A_383, %add3A_384 : i32
      %mul3A_386 = arith.constant 16 : i32
      %mul3A_387 = arith.muli %add3A_385, %mul3A_386 : i32
      %get3A = arith.index_cast %mul3A_387 : i32 to index
      %get3A_388 = tpu.vector_load %arg11[%get3A] {strides = array<i32>} : memref<20480xi32, #tpu.memory_space<vmem>>, vector<16xi32>,
      %add3A_389 = arith.constant 0 : i32
      %add3A_390 = arith.addi %add3A_389, %scan3A_379 : i32
      %mul3A_391 = arith.constant 10 : i32
      %mul3A_392 = arith.muli %add3A_390, %mul3A_391 : i32
      %add3A_393 = arith.constant 1 : i32
      %add3A_394 = arith.addi %mul3A_392, %add3A_393 : i32
      %mul3A_395 = arith.constant 16 : i32
      %mul3A_396 = arith.muli %add3A_394, %mul3A_395 : i32
      %get3A_397 = arith.index_cast %mul3A_396 : i32 to index
      %get3A_398 = tpu.vector_load %arg11[%get3A_397] {strides = array<i32>} : memref<20480xi32, #tpu.memory_space<vmem>>, vector<16xi32>,
      %add3A_399 = arith.constant 0 : i32
      %add3A_400 = arith.addi %add3A_399, %scan3A_379 : i32
      %mul3A_401 = arith.constant 10 : i32
      %mul3A_402 = arith.muli %add3A_400, %mul3A_401 : i32
      %add3A_403 = arith.constant 2 : i32
      %add3A_404 = arith.addi %mul3A_402, %add3A_403 : i32
      %mul3A_405 = arith.constant 16 : i32
      %mul3A_406 = arith.muli %add3A_404, %mul3A_405 : i32
      %get3A_407 = arith.index_cast %mul3A_406 : i32 to index
      %get3A_408 = tpu.vector_load %arg11[%get3A_407] {strides = array<i32>} : memref<20480xi32, #tpu.memory_space<vmem>>, vector<16xi32>,
      %add3A_409 = arith.constant 0 : i32
      %add3A_410 = arith.addi %add3A_409, %scan3A_379 : i32
      %mul3A_411 = arith.constant 10 : i32
      %mul3A_412 = arith.muli %add3A_410, %mul3A_411 : i32
      %add3A_413 = arith.constant 3 : i32
      %add3A_414 = arith.addi %mul3A_412, %add3A_413 : i32
      %mul3A_415 = arith.constant 16 : i32
      %mul3A_416 = arith.muli %add3A_414, %mul3A_415 : i32
      %get3A_417 = arith.index_cast %mul3A_416 : i32 to index
      %get3A_418 = tpu.vector_load %arg11[%get3A_417] {strides = array<i32>} : memref<20480xi32, #tpu.memory_space<vmem>>, vector<16xi32>,
      %add3A_419 = arith.constant 0 : i32
      %add3A_420 = arith.addi %add3A_419, %scan3A_379 : i32
      %mul3A_421 = arith.constant 10 : i32
      %mul3A_422 = arith.muli %add3A_420, %mul3A_421 : i32
      %add3A_423 = arith.constant 4 : i32
      %add3A_424 = arith.addi %mul3A_422, %add3A_423 : i32
      %mul3A_425 = arith.constant 16 : i32
      %mul3A_426 = arith.muli %add3A_424, %mul3A_425 : i32
      %get3A_427 = arith.index_cast %mul3A_426 : i32 to index
      %get3A_428 = tpu.vector_load %arg11[%get3A_427] {strides = array<i32>} : memref<20480xi32, #tpu.memory_space<vmem>>, vector<16xi32>,
      %add3A_429 = arith.constant 0 : i32
      %add3A_430 = arith.addi %add3A_429, %scan3A_379 : i32
      %mul3A_431 = arith.constant 10 : i32
      %mul3A_432 = arith.muli %add3A_430, %mul3A_431 : i32
      %add3A_433 = arith.constant 5 : i32
      %add3A_434 = arith.addi %mul3A_432, %add3A_433 : i32
      %mul3A_435 = arith.constant 16 : i32
      %mul3A_436 = arith.muli %add3A_434, %mul3A_435 : i32
      %get3A_437 = arith.index_cast %mul3A_436 : i32 to index
      %get3A_438 = tpu.vector_load %arg11[%get3A_437] {strides = array<i32>} : memref<20480xi32, #tpu.memory_space<vmem>>, vector<16xi32>,
      %add3A_439 = arith.constant 0 : i32
      %add3A_440 = arith.addi %add3A_439, %scan3A_379 : i32
      %mul3A_441 = arith.constant 10 : i32
      %mul3A_442 = arith.muli %add3A_440, %mul3A_441 : i32
      %add3A_443 = arith.constant 6 : i32
      %add3A_444 = arith.addi %mul3A_442, %add3A_443 : i32
      %mul3A_445 = arith.constant 16 : i32
      %mul3A_446 = arith.muli %add3A_444, %mul3A_445 : i32
      %get3A_447 = arith.index_cast %mul3A_446 : i32 to index
      %get3A_448 = tpu.vector_load %arg11[%get3A_447] {strides = array<i32>} : memref<20480xi32, #tpu.memory_space<vmem>>, vector<16xi32>,
      %add3A_449 = arith.constant 0 : i32
      %add3A_450 = arith.addi %add3A_449, %scan3A_379 : i32
      %mul3A_451 = arith.constant 10 : i32
      %mul3A_452 = arith.muli %add3A_450, %mul3A_451 : i32
      %add3A_453 = arith.constant 7 : i32
      %add3A_454 = arith.addi %mul3A_452, %add3A_453 : i32
      %mul3A_455 = arith.constant 16 : i32
      %mul3A_456 = arith.muli %add3A_454, %mul3A_455 : i32
      %get3A_457 = arith.index_cast %mul3A_456 : i32 to index
      %get3A_458 = tpu.vector_load %arg11[%get3A_457] {strides = array<i32>} : memref<20480xi32, #tpu.memory_space<vmem>>, vector<16xi32>,
      %add3A_459 = arith.constant 0 : i32
      %add3A_460 = arith.addi %add3A_459, %scan3A_379 : i32
      %mul3A_461 = arith.constant 10 : i32
      %mul3A_462 = arith.muli %add3A_460, %mul3A_461 : i32
      %add3A_463 = arith.constant 8 : i32
      %add3A_464 = arith.addi %mul3A_462, %add3A_463 : i32
      %mul3A_465 = arith.constant 16 : i32
      %mul3A_466 = arith.muli %add3A_464, %mul3A_465 : i32
      %get3A_467 = arith.index_cast %mul3A_466 : i32 to index
      %get3A_468 = tpu.vector_load %arg11[%get3A_467] {strides = array<i32>} : memref<20480xi32, #tpu.memory_space<vmem>>, vector<16xi32>,
      %add3A_469 = arith.constant 0 : i32
      %add3A_470 = arith.addi %add3A_469, %scan3A_379 : i32
      %mul3A_471 = arith.constant 10 : i32
      %mul3A_472 = arith.muli %add3A_470, %mul3A_471 : i32
      %add3A_473 = arith.constant 9 : i32
      %add3A_474 = arith.addi %mul3A_472, %add3A_473 : i32
      %mul3A_475 = arith.constant 16 : i32
      %mul3A_476 = arith.muli %add3A_474, %mul3A_475 : i32
      %get3A_477 = arith.index_cast %mul3A_476 : i32 to index
      %get3A_478 = tpu.vector_load %arg11[%get3A_477] {strides = array<i32>} : memref<20480xi32, #tpu.memory_space<vmem>>, vector<16xi32>,
      %add3A_479 = arith.constant 0 : i32
      %add3A_480 = arith.addi %add3A_479, %scan3A_379 : i32
      %mul3A_481 = arith.constant 6 : i32
      %mul3A_482 = arith.muli %add3A_480, %mul3A_481 : i32
      %add3A_483 = arith.constant 0 : i32
      %add3A_484 = arith.addi %mul3A_482, %add3A_483 : i32
      %mul3A_485 = arith.constant 16 : i32
      %mul3A_486 = arith.muli %add3A_484, %mul3A_485 : i32
      %get3A_487 = arith.index_cast %mul3A_486 : i32 to index
      %get3A_488 = tpu.vector_load %arg12[%get3A_487] {strides = array<i32>} : memref<12288xi32, #tpu.memory_space<vmem>>, vector<16xi32>,
      %add3A_489 = arith.constant 0 : i32
      %add3A_490 = arith.addi %add3A_489, %scan3A_379 : i32
      %mul3A_491 = arith.constant 6 : i32
      %mul3A_492 = arith.muli %add3A_490, %mul3A_491 : i32
      %add3A_493 = arith.constant 1 : i32
      %add3A_494 = arith.addi %mul3A_492, %add3A_493 : i32
      %mul3A_495 = arith.constant 16 : i32
      %mul3A_496 = arith.muli %add3A_494, %mul3A_495 : i32
      %get3A_497 = arith.index_cast %mul3A_496 : i32 to index
      %get3A_498 = tpu.vector_load %arg12[%get3A_497] {strides = array<i32>} : memref<12288xi32, #tpu.memory_space<vmem>>, vector<16xi32>,
      %add3A_499 = arith.constant 0 : i32
      %add3A_500 = arith.addi %add3A_499, %scan3A_379 : i32
      %mul3A_501 = arith.constant 6 : i32
      %mul3A_502 = arith.muli %add3A_500, %mul3A_501 : i32
      %add3A_503 = arith.constant 2 : i32
      %add3A_504 = arith.addi %mul3A_502, %add3A_503 : i32
      %mul3A_505 = arith.constant 16 : i32
      %mul3A_506 = arith.muli %add3A_504, %mul3A_505 : i32
      %get3A_507 = arith.index_cast %mul3A_506 : i32 to index
      %get3A_508 = tpu.vector_load %arg12[%get3A_507] {strides = array<i32>} : memref<12288xi32, #tpu.memory_space<vmem>>, vector<16xi32>,
      %add3A_509 = arith.constant 0 : i32
      %add3A_510 = arith.addi %add3A_509, %scan3A_379 : i32
      %mul3A_511 = arith.constant 6 : i32
      %mul3A_512 = arith.muli %add3A_510, %mul3A_511 : i32
      %add3A_513 = arith.constant 3 : i32
      %add3A_514 = arith.addi %mul3A_512, %add3A_513 : i32
      %mul3A_515 = arith.constant 16 : i32
      %mul3A_516 = arith.muli %add3A_514, %mul3A_515 : i32
      %get3A_517 = arith.index_cast %mul3A_516 : i32 to index
      %get3A_518 = tpu.vector_load %arg12[%get3A_517] {strides = array<i32>} : memref<12288xi32, #tpu.memory_space<vmem>>, vector<16xi32>,
      %add3A_519 = arith.constant 0 : i32
      %add3A_520 = arith.addi %add3A_519, %scan3A_379 : i32
      %mul3A_521 = arith.constant 6 : i32
      %mul3A_522 = arith.muli %add3A_520, %mul3A_521 : i32
      %add3A_523 = arith.constant 4 : i32
      %add3A_524 = arith.addi %mul3A_522, %add3A_523 : i32
      %mul3A_525 = arith.constant 16 : i32
      %mul3A_526 = arith.muli %add3A_524, %mul3A_525 : i32
      %get3A_527 = arith.index_cast %mul3A_526 : i32 to index
      %get3A_528 = tpu.vector_load %arg12[%get3A_527] {strides = array<i32>} : memref<12288xi32, #tpu.memory_space<vmem>>, vector<16xi32>,
      %add3A_529 = arith.constant 0 : i32
      %add3A_530 = arith.addi %add3A_529, %scan3A_379 : i32
      %mul3A_531 = arith.constant 6 : i32
      %mul3A_532 = arith.muli %add3A_530, %mul3A_531 : i32
      %add3A_533 = arith.constant 5 : i32
      %add3A_534 = arith.addi %mul3A_532, %add3A_533 : i32
      %mul3A_535 = arith.constant 16 : i32
      %mul3A_536 = arith.muli %add3A_534, %mul3A_535 : i32
      %get3A_537 = arith.index_cast %mul3A_536 : i32 to index
      %get3A_538 = tpu.vector_load %arg12[%get3A_537] {strides = array<i32>} : memref<12288xi32, #tpu.memory_space<vmem>>, vector<16xi32>,
      %mul3A_539 = arith.constant 10 : i32
      %mul3A_540 = arith.muli %scan3A_379, %mul3A_539 : i32
      %add3A_541 = arith.constant 0 : i32
      %add3A_542 = arith.addi %mul3A_540, %add3A_541 : i32
      %add3A_543 = vector.broadcast %add3A_542 : i32 to vector<16xi32>
      %add3A_544 = arith.addi %broadcast_in_dim3A_93, %add3A_543 : vector<16xi32>
      %mul3A_545 = arith.constant 10 : i32
      %mul3A_546 = arith.muli %scan3A_379, %mul3A_545 : i32
      %add3A_547 = arith.constant 1 : i32
      %add3A_548 = arith.addi %mul3A_546, %add3A_547 : i32
      %add3A_549 = vector.broadcast %add3A_548 : i32 to vector<16xi32>
      %add3A_550 = arith.addi %broadcast_in_dim3A_93, %add3A_549 : vector<16xi32>
      %mul3A_551 = arith.constant 10 : i32
      %mul3A_552 = arith.muli %scan3A_379, %mul3A_551 : i32
      %add3A_553 = arith.constant 2 : i32
      %add3A_554 = arith.addi %mul3A_552, %add3A_553 : i32
      %add3A_555 = vector.broadcast %add3A_554 : i32 to vector<16xi32>
      %add3A_556 = arith.addi %broadcast_in_dim3A_93, %add3A_555 : vector<16xi32>
      %mul3A_557 = arith.constant 10 : i32
      %mul3A_558 = arith.muli %scan3A_379, %mul3A_557 : i32
      %add3A_559 = arith.constant 3 : i32
      %add3A_560 = arith.addi %mul3A_558, %add3A_559 : i32
      %add3A_561 = vector.broadcast %add3A_560 : i32 to vector<16xi32>
      %add3A_562 = arith.addi %broadcast_in_dim3A_93, %add3A_561 : vector<16xi32>
      %mul3A_563 = arith.constant 10 : i32
      %mul3A_564 = arith.muli %scan3A_379, %mul3A_563 : i32
      %add3A_565 = arith.constant 4 : i32
      %add3A_566 = arith.addi %mul3A_564, %add3A_565 : i32
      %add3A_567 = vector.broadcast %add3A_566 : i32 to vector<16xi32>
      %add3A_568 = arith.addi %broadcast_in_dim3A_93, %add3A_567 : vector<16xi32>
      %mul3A_569 = arith.constant 10 : i32
      %mul3A_570 = arith.muli %scan3A_379, %mul3A_569 : i32
      %add3A_571 = arith.constant 5 : i32
      %add3A_572 = arith.addi %mul3A_570, %add3A_571 : i32
      %add3A_573 = vector.broadcast %add3A_572 : i32 to vector<16xi32>
      %add3A_574 = arith.addi %broadcast_in_dim3A_93, %add3A_573 : vector<16xi32>
      %mul3A_575 = arith.constant 10 : i32
      %mul3A_576 = arith.muli %scan3A_379, %mul3A_575 : i32
      %add3A_577 = arith.constant 6 : i32
      %add3A_578 = arith.addi %mul3A_576, %add3A_577 : i32
      %add3A_579 = vector.broadcast %add3A_578 : i32 to vector<16xi32>
      %add3A_580 = arith.addi %broadcast_in_dim3A_93, %add3A_579 : vector<16xi32>
      %mul3A_581 = arith.constant 10 : i32
      %mul3A_582 = arith.muli %scan3A_379, %mul3A_581 : i32
      %add3A_583 = arith.constant 7 : i32
      %add3A_584 = arith.addi %mul3A_582, %add3A_583 : i32
      %add3A_585 = vector.broadcast %add3A_584 : i32 to vector<16xi32>
      %add3A_586 = arith.addi %broadcast_in_dim3A_93, %add3A_585 : vector<16xi32>
      %mul3A_587 = arith.constant 10 : i32
      %mul3A_588 = arith.muli %scan3A_379, %mul3A_587 : i32
      %add3A_589 = arith.constant 8 : i32
      %add3A_590 = arith.addi %mul3A_588, %add3A_589 : i32
      %add3A_591 = vector.broadcast %add3A_590 : i32 to vector<16xi32>
      %add3A_592 = arith.addi %broadcast_in_dim3A_93, %add3A_591 : vector<16xi32>
      %mul3A_593 = arith.constant 10 : i32
      %mul3A_594 = arith.muli %scan3A_379, %mul3A_593 : i32
      %add3A_595 = arith.constant 9 : i32
      %add3A_596 = arith.addi %mul3A_594, %add3A_595 : i32
      %add3A_597 = vector.broadcast %add3A_596 : i32 to vector<16xi32>
      %add3A_598 = arith.addi %broadcast_in_dim3A_93, %add3A_597 : vector<16xi32>
      %mul3A_599 = arith.constant 6 : i32
      %mul3A_600 = arith.muli %scan3A_379, %mul3A_599 : i32
      %add3A_601 = arith.constant 0 : i32
      %add3A_602 = arith.addi %mul3A_600, %add3A_601 : i32
      %add3A_603 = vector.broadcast %add3A_602 : i32 to vector<16xi32>
      %add3A_604 = arith.addi %broadcast_in_dim3A_93, %add3A_603 : vector<16xi32>
      %mul3A_605 = arith.constant 6 : i32
      %mul3A_606 = arith.muli %scan3A_379, %mul3A_605 : i32
      %add3A_607 = arith.constant 1 : i32
      %add3A_608 = arith.addi %mul3A_606, %add3A_607 : i32
      %add3A_609 = vector.broadcast %add3A_608 : i32 to vector<16xi32>
      %add3A_610 = arith.addi %broadcast_in_dim3A_93, %add3A_609 : vector<16xi32>
      %mul3A_611 = arith.constant 6 : i32
      %mul3A_612 = arith.muli %scan3A_379, %mul3A_611 : i32
      %add3A_613 = arith.constant 2 : i32
      %add3A_614 = arith.addi %mul3A_612, %add3A_613 : i32
      %add3A_615 = vector.broadcast %add3A_614 : i32 to vector<16xi32>
      %add3A_616 = arith.addi %broadcast_in_dim3A_93, %add3A_615 : vector<16xi32>
      %mul3A_617 = arith.constant 6 : i32
      %mul3A_618 = arith.muli %scan3A_379, %mul3A_617 : i32
      %add3A_619 = arith.constant 3 : i32
      %add3A_620 = arith.addi %mul3A_618, %add3A_619 : i32
      %add3A_621 = vector.broadcast %add3A_620 : i32 to vector<16xi32>
      %add3A_622 = arith.addi %broadcast_in_dim3A_93, %add3A_621 : vector<16xi32>
      %mul3A_623 = arith.constant 6 : i32
      %mul3A_624 = arith.muli %scan3A_379, %mul3A_623 : i32
      %add3A_625 = arith.constant 4 : i32
      %add3A_626 = arith.addi %mul3A_624, %add3A_625 : i32
      %add3A_627 = vector.broadcast %add3A_626 : i32 to vector<16xi32>
      %add3A_628 = arith.addi %broadcast_in_dim3A_93, %add3A_627 : vector<16xi32>
      %mul3A_629 = arith.constant 6 : i32
      %mul3A_630 = arith.muli %scan3A_379, %mul3A_629 : i32
      %add3A_631 = arith.constant 5 : i32
      %add3A_632 = arith.addi %mul3A_630, %add3A_631 : i32
      %add3A_633 = vector.broadcast %add3A_632 : i32 to vector<16xi32>
      %add3A_634 = arith.addi %broadcast_in_dim3A_93, %add3A_633 : vector<16xi32>
      %add3A_635 = arith.constant 0 : i32
      %add3A_636 = vector.broadcast %add3A_635 : i32 to vector<16xi32>
      %add3A_637 = arith.addi %get3A_388, %add3A_636 : vector<16xi32>
      %gather3A = tpu.vector_load_idx %arg13[%add3A_544, %add3A_637] : memref<320x128xf32, #tpu.memory_space<vmem>>[vector<16xi32>, vector<16xi32>], vector<16xf32>,
      %add3A_638 = arith.constant 0 : i32
      %add3A_639 = vector.broadcast %add3A_638 : i32 to vector<16xi32>
      %add3A_640 = arith.addi %get3A_398, %add3A_639 : vector<16xi32>
      %gather3A_641 = tpu.vector_load_idx %arg13[%add3A_550, %add3A_640] : memref<320x128xf32, #tpu.memory_space<vmem>>[vector<16xi32>, vector<16xi32>], vector<16xf32>,
      %add3A_642 = arith.addf %gather3A, %gather3A_641 : vector<16xf32>
      %add3A_643 = arith.constant 0 : i32
      %add3A_644 = vector.broadcast %add3A_643 : i32 to vector<16xi32>
      %add3A_645 = arith.addi %get3A_408, %add3A_644 : vector<16xi32>
      %gather3A_646 = tpu.vector_load_idx %arg13[%add3A_556, %add3A_645] : memref<320x128xf32, #tpu.memory_space<vmem>>[vector<16xi32>, vector<16xi32>], vector<16xf32>,
      %add3A_647 = arith.addf %add3A_642, %gather3A_646 : vector<16xf32>
      %add3A_648 = arith.constant 0 : i32
      %add3A_649 = vector.broadcast %add3A_648 : i32 to vector<16xi32>
      %add3A_650 = arith.addi %get3A_418, %add3A_649 : vector<16xi32>
      %gather3A_651 = tpu.vector_load_idx %arg13[%add3A_562, %add3A_650] : memref<320x128xf32, #tpu.memory_space<vmem>>[vector<16xi32>, vector<16xi32>], vector<16xf32>,
      %add3A_652 = arith.addf %add3A_647, %gather3A_651 : vector<16xf32>
      %add3A_653 = arith.constant 0 : i32
      %add3A_654 = vector.broadcast %add3A_653 : i32 to vector<16xi32>
      %add3A_655 = arith.addi %get3A_428, %add3A_654 : vector<16xi32>
      %gather3A_656 = tpu.vector_load_idx %arg13[%add3A_568, %add3A_655] : memref<320x128xf32, #tpu.memory_space<vmem>>[vector<16xi32>, vector<16xi32>], vector<16xf32>,
      %add3A_657 = arith.addf %add3A_652, %gather3A_656 : vector<16xf32>
      %add3A_658 = arith.constant 0 : i32
      %add3A_659 = vector.broadcast %add3A_658 : i32 to vector<16xi32>
      %add3A_660 = arith.addi %get3A_438, %add3A_659 : vector<16xi32>
      %gather3A_661 = tpu.vector_load_idx %arg13[%add3A_574, %add3A_660] : memref<320x128xf32, #tpu.memory_space<vmem>>[vector<16xi32>, vector<16xi32>], vector<16xf32>,
      %add3A_662 = arith.addf %add3A_657, %gather3A_661 : vector<16xf32>
      %add3A_663 = arith.constant 0 : i32
      %add3A_664 = vector.broadcast %add3A_663 : i32 to vector<16xi32>
      %add3A_665 = arith.addi %get3A_448, %add3A_664 : vector<16xi32>
      %gather3A_666 = tpu.vector_load_idx %arg13[%add3A_580, %add3A_665] : memref<320x128xf32, #tpu.memory_space<vmem>>[vector<16xi32>, vector<16xi32>], vector<16xf32>,
      %add3A_667 = arith.addf %add3A_662, %gather3A_666 : vector<16xf32>
      %add3A_668 = arith.constant 0 : i32
      %add3A_669 = vector.broadcast %add3A_668 : i32 to vector<16xi32>
      %add3A_670 = arith.addi %get3A_458, %add3A_669 : vector<16xi32>
      %gather3A_671 = tpu.vector_load_idx %arg13[%add3A_586, %add3A_670] : memref<320x128xf32, #tpu.memory_space<vmem>>[vector<16xi32>, vector<16xi32>], vector<16xf32>,
      %add3A_672 = arith.addf %add3A_667, %gather3A_671 : vector<16xf32>
      %add3A_673 = arith.constant 0 : i32
      %add3A_674 = vector.broadcast %add3A_673 : i32 to vector<16xi32>
      %add3A_675 = arith.addi %get3A_468, %add3A_674 : vector<16xi32>
      %gather3A_676 = tpu.vector_load_idx %arg13[%add3A_592, %add3A_675] : memref<320x128xf32, #tpu.memory_space<vmem>>[vector<16xi32>, vector<16xi32>], vector<16xf32>,
      %add3A_677 = arith.addf %add3A_672, %gather3A_676 : vector<16xf32>
      %add3A_678 = arith.constant 0 : i32
      %add3A_679 = vector.broadcast %add3A_678 : i32 to vector<16xi32>
      %add3A_680 = arith.addi %get3A_478, %add3A_679 : vector<16xi32>
      %gather3A_681 = tpu.vector_load_idx %arg13[%add3A_598, %add3A_680] : memref<320x128xf32, #tpu.memory_space<vmem>>[vector<16xi32>, vector<16xi32>], vector<16xf32>,
      %add3A_682 = arith.addf %add3A_677, %gather3A_681 : vector<16xf32>
      %add3A_683 = arith.constant 16 : i32
      %add3A_684 = vector.broadcast %add3A_683 : i32 to vector<16xi32>
      %add3A_685 = arith.addi %get3A_388, %add3A_684 : vector<16xi32>
      %gather3A_686 = tpu.vector_load_idx %arg13[%add3A_544, %add3A_685] : memref<320x128xf32, #tpu.memory_space<vmem>>[vector<16xi32>, vector<16xi32>], vector<16xf32>,
      %add3A_687 = arith.constant 16 : i32
      %add3A_688 = vector.broadcast %add3A_687 : i32 to vector<16xi32>
      %add3A_689 = arith.addi %get3A_398, %add3A_688 : vector<16xi32>
      %gather3A_690 = tpu.vector_load_idx %arg13[%add3A_550, %add3A_689] : memref<320x128xf32, #tpu.memory_space<vmem>>[vector<16xi32>, vector<16xi32>], vector<16xf32>,
      %add3A_691 = arith.addf %gather3A_686, %gather3A_690 : vector<16xf32>
      %add3A_692 = arith.constant 16 : i32
      %add3A_693 = vector.broadcast %add3A_692 : i32 to vector<16xi32>
      %add3A_694 = arith.addi %get3A_408, %add3A_693 : vector<16xi32>
      %gather3A_695 = tpu.vector_load_idx %arg13[%add3A_556, %add3A_694] : memref<320x128xf32, #tpu.memory_space<vmem>>[vector<16xi32>, vector<16xi32>], vector<16xf32>,
      %add3A_696 = arith.addf %add3A_691, %gather3A_695 : vector<16xf32>
      %add3A_697 = arith.constant 16 : i32
      %add3A_698 = vector.broadcast %add3A_697 : i32 to vector<16xi32>
      %add3A_699 = arith.addi %get3A_418, %add3A_698 : vector<16xi32>
      %gather3A_700 = tpu.vector_load_idx %arg13[%add3A_562, %add3A_699] : memref<320x128xf32, #tpu.memory_space<vmem>>[vector<16xi32>, vector<16xi32>], vector<16xf32>,
      %add3A_701 = arith.addf %add3A_696, %gather3A_700 : vector<16xf32>
      %add3A_702 = arith.constant 16 : i32
      %add3A_703 = vector.broadcast %add3A_702 : i32 to vector<16xi32>
      %add3A_704 = arith.addi %get3A_428, %add3A_703 : vector<16xi32>
      %gather3A_705 = tpu.vector_load_idx %arg13[%add3A_568, %add3A_704] : memref<320x128xf32, #tpu.memory_space<vmem>>[vector<16xi32>, vector<16xi32>], vector<16xf32>,
      %add3A_706 = arith.addf %add3A_701, %gather3A_705 : vector<16xf32>
      %add3A_707 = arith.constant 16 : i32
      %add3A_708 = vector.broadcast %add3A_707 : i32 to vector<16xi32>
      %add3A_709 = arith.addi %get3A_438, %add3A_708 : vector<16xi32>
      %gather3A_710 = tpu.vector_load_idx %arg13[%add3A_574, %add3A_709] : memref<320x128xf32, #tpu.memory_space<vmem>>[vector<16xi32>, vector<16xi32>], vector<16xf32>,
      %add3A_711 = arith.addf %add3A_706, %gather3A_710 : vector<16xf32>
      %add3A_712 = arith.constant 16 : i32
      %add3A_713 = vector.broadcast %add3A_712 : i32 to vector<16xi32>
      %add3A_714 = arith.addi %get3A_448, %add3A_713 : vector<16xi32>
      %gather3A_715 = tpu.vector_load_idx %arg13[%add3A_580, %add3A_714] : memref<320x128xf32, #tpu.memory_space<vmem>>[vector<16xi32>, vector<16xi32>], vector<16xf32>,
      %add3A_716 = arith.addf %add3A_711, %gather3A_715 : vector<16xf32>
      %add3A_717 = arith.constant 16 : i32
      %add3A_718 = vector.broadcast %add3A_717 : i32 to vector<16xi32>
      %add3A_719 = arith.addi %get3A_458, %add3A_718 : vector<16xi32>
      %gather3A_720 = tpu.vector_load_idx %arg13[%add3A_586, %add3A_719] : memref<320x128xf32, #tpu.memory_space<vmem>>[vector<16xi32>, vector<16xi32>], vector<16xf32>,
      %add3A_721 = arith.addf %add3A_716, %gather3A_720 : vector<16xf32>
      %add3A_722 = arith.constant 16 : i32
      %add3A_723 = vector.broadcast %add3A_722 : i32 to vector<16xi32>
      %add3A_724 = arith.addi %get3A_468, %add3A_723 : vector<16xi32>
      %gather3A_725 = tpu.vector_load_idx %arg13[%add3A_592, %add3A_724] : memref<320x128xf32, #tpu.memory_space<vmem>>[vector<16xi32>, vector<16xi32>], vector<16xf32>,
      %add3A_726 = arith.addf %add3A_721, %gather3A_725 : vector<16xf32>
      %add3A_727 = arith.constant 16 : i32
      %add3A_728 = vector.broadcast %add3A_727 : i32 to vector<16xi32>
      %add3A_729 = arith.addi %get3A_478, %add3A_728 : vector<16xi32>
      %gather3A_730 = tpu.vector_load_idx %arg13[%add3A_598, %add3A_729] : memref<320x128xf32, #tpu.memory_space<vmem>>[vector<16xi32>, vector<16xi32>], vector<16xf32>,
      %add3A_731 = arith.addf %add3A_726, %gather3A_730 : vector<16xf32>
      %add3A_732 = arith.constant 32 : i32
      %add3A_733 = vector.broadcast %add3A_732 : i32 to vector<16xi32>
      %add3A_734 = arith.addi %get3A_388, %add3A_733 : vector<16xi32>
      %gather3A_735 = tpu.vector_load_idx %arg13[%add3A_544, %add3A_734] : memref<320x128xf32, #tpu.memory_space<vmem>>[vector<16xi32>, vector<16xi32>], vector<16xf32>,
      %add3A_736 = arith.constant 32 : i32
      %add3A_737 = vector.broadcast %add3A_736 : i32 to vector<16xi32>
      %add3A_738 = arith.addi %get3A_398, %add3A_737 : vector<16xi32>
      %gather3A_739 = tpu.vector_load_idx %arg13[%add3A_550, %add3A_738] : memref<320x128xf32, #tpu.memory_space<vmem>>[vector<16xi32>, vector<16xi32>], vector<16xf32>,
      %add3A_740 = arith.addf %gather3A_735, %gather3A_739 : vector<16xf32>
      %add3A_741 = arith.constant 32 : i32
      %add3A_742 = vector.broadcast %add3A_741 : i32 to vector<16xi32>
      %add3A_743 = arith.addi %get3A_408, %add3A_742 : vector<16xi32>
      %gather3A_744 = tpu.vector_load_idx %arg13[%add3A_556, %add3A_743] : memref<320x128xf32, #tpu.memory_space<vmem>>[vector<16xi32>, vector<16xi32>], vector<16xf32>,
      %add3A_745 = arith.addf %add3A_740, %gather3A_744 : vector<16xf32>
      %add3A_746 = arith.constant 32 : i32
      %add3A_747 = vector.broadcast %add3A_746 : i32 to vector<16xi32>
      %add3A_748 = arith.addi %get3A_418, %add3A_747 : vector<16xi32>
      %gather3A_749 = tpu.vector_load_idx %arg13[%add3A_562, %add3A_748] : memref<320x128xf32, #tpu.memory_space<vmem>>[vector<16xi32>, vector<16xi32>], vector<16xf32>,
      %add3A_750 = arith.addf %add3A_745, %gather3A_749 : vector<16xf32>
      %add3A_751 = arith.constant 32 : i32
      %add3A_752 = vector.broadcast %add3A_751 : i32 to vector<16xi32>
      %add3A_753 = arith.addi %get3A_428, %add3A_752 : vector<16xi32>
      %gather3A_754 = tpu.vector_load_idx %arg13[%add3A_568, %add3A_753] : memref<320x128xf32, #tpu.memory_space<vmem>>[vector<16xi32>, vector<16xi32>], vector<16xf32>,
      %add3A_755 = arith.addf %add3A_750, %gather3A_754 : vector<16xf32>
      %add3A_756 = arith.constant 32 : i32
      %add3A_757 = vector.broadcast %add3A_756 : i32 to vector<16xi32>
      %add3A_758 = arith.addi %get3A_438, %add3A_757 : vector<16xi32>
      %gather3A_759 = tpu.vector_load_idx %arg13[%add3A_574, %add3A_758] : memref<320x128xf32, #tpu.memory_space<vmem>>[vector<16xi32>, vector<16xi32>], vector<16xf32>,
      %add3A_760 = arith.addf %add3A_755, %gather3A_759 : vector<16xf32>
      %add3A_761 = arith.constant 32 : i32
      %add3A_762 = vector.broadcast %add3A_761 : i32 to vector<16xi32>
      %add3A_763 = arith.addi %get3A_448, %add3A_762 : vector<16xi32>
      %gather3A_764 = tpu.vector_load_idx %arg13[%add3A_580, %add3A_763] : memref<320x128xf32, #tpu.memory_space<vmem>>[vector<16xi32>, vector<16xi32>], vector<16xf32>,
      %add3A_765 = arith.addf %add3A_760, %gather3A_764 : vector<16xf32>
      %add3A_766 = arith.constant 32 : i32
      %add3A_767 = vector.broadcast %add3A_766 : i32 to vector<16xi32>
      %add3A_768 = arith.addi %get3A_458, %add3A_767 : vector<16xi32>
      %gather3A_769 = tpu.vector_load_idx %arg13[%add3A_586, %add3A_768] : memref<320x128xf32, #tpu.memory_space<vmem>>[vector<16xi32>, vector<16xi32>], vector<16xf32>,
      %add3A_770 = arith.addf %add3A_765, %gather3A_769 : vector<16xf32>
      %add3A_771 = arith.constant 32 : i32
      %add3A_772 = vector.broadcast %add3A_771 : i32 to vector<16xi32>
      %add3A_773 = arith.addi %get3A_468, %add3A_772 : vector<16xi32>
      %gather3A_774 = tpu.vector_load_idx %arg13[%add3A_592, %add3A_773] : memref<320x128xf32, #tpu.memory_space<vmem>>[vector<16xi32>, vector<16xi32>], vector<16xf32>,
      %add3A_775 = arith.addf %add3A_770, %gather3A_774 : vector<16xf32>
      %add3A_776 = arith.constant 32 : i32
      %add3A_777 = vector.broadcast %add3A_776 : i32 to vector<16xi32>
      %add3A_778 = arith.addi %get3A_478, %add3A_777 : vector<16xi32>
      %gather3A_779 = tpu.vector_load_idx %arg13[%add3A_598, %add3A_778] : memref<320x128xf32, #tpu.memory_space<vmem>>[vector<16xi32>, vector<16xi32>], vector<16xf32>,
      %add3A_780 = arith.addf %add3A_775, %gather3A_779 : vector<16xf32>
      %add3A_781 = arith.constant 48 : i32
      %add3A_782 = vector.broadcast %add3A_781 : i32 to vector<16xi32>
      %add3A_783 = arith.addi %get3A_388, %add3A_782 : vector<16xi32>
      %gather3A_784 = tpu.vector_load_idx %arg13[%add3A_544, %add3A_783] : memref<320x128xf32, #tpu.memory_space<vmem>>[vector<16xi32>, vector<16xi32>], vector<16xf32>,
      %add3A_785 = arith.constant 48 : i32
      %add3A_786 = vector.broadcast %add3A_785 : i32 to vector<16xi32>
      %add3A_787 = arith.addi %get3A_398, %add3A_786 : vector<16xi32>
      %gather3A_788 = tpu.vector_load_idx %arg13[%add3A_550, %add3A_787] : memref<320x128xf32, #tpu.memory_space<vmem>>[vector<16xi32>, vector<16xi32>], vector<16xf32>,
      %add3A_789 = arith.addf %gather3A_784, %gather3A_788 : vector<16xf32>
      %add3A_790 = arith.constant 48 : i32
      %add3A_791 = vector.broadcast %add3A_790 : i32 to vector<16xi32>
      %add3A_792 = arith.addi %get3A_408, %add3A_791 : vector<16xi32>
      %gather3A_793 = tpu.vector_load_idx %arg13[%add3A_556, %add3A_792] : memref<320x128xf32, #tpu.memory_space<vmem>>[vector<16xi32>, vector<16xi32>], vector<16xf32>,
      %add3A_794 = arith.addf %add3A_789, %gather3A_793 : vector<16xf32>
      %add3A_795 = arith.constant 48 : i32
      %add3A_796 = vector.broadcast %add3A_795 : i32 to vector<16xi32>
      %add3A_797 = arith.addi %get3A_418, %add3A_796 : vector<16xi32>
      %gather3A_798 = tpu.vector_load_idx %arg13[%add3A_562, %add3A_797] : memref<320x128xf32, #tpu.memory_space<vmem>>[vector<16xi32>, vector<16xi32>], vector<16xf32>,
      %add3A_799 = arith.addf %add3A_794, %gather3A_798 : vector<16xf32>
      %add3A_800 = arith.constant 48 : i32
      %add3A_801 = vector.broadcast %add3A_800 : i32 to vector<16xi32>
      %add3A_802 = arith.addi %get3A_428, %add3A_801 : vector<16xi32>
      %gather3A_803 = tpu.vector_load_idx %arg13[%add3A_568, %add3A_802] : memref<320x128xf32, #tpu.memory_space<vmem>>[vector<16xi32>, vector<16xi32>], vector<16xf32>,
      %add3A_804 = arith.addf %add3A_799, %gather3A_803 : vector<16xf32>
      %add3A_805 = arith.constant 48 : i32
      %add3A_806 = vector.broadcast %add3A_805 : i32 to vector<16xi32>
      %add3A_807 = arith.addi %get3A_438, %add3A_806 : vector<16xi32>
      %gather3A_808 = tpu.vector_load_idx %arg13[%add3A_574, %add3A_807] : memref<320x128xf32, #tpu.memory_space<vmem>>[vector<16xi32>, vector<16xi32>], vector<16xf32>,
      %add3A_809 = arith.addf %add3A_804, %gather3A_808 : vector<16xf32>
      %add3A_810 = arith.constant 48 : i32
      %add3A_811 = vector.broadcast %add3A_810 : i32 to vector<16xi32>
      %add3A_812 = arith.addi %get3A_448, %add3A_811 : vector<16xi32>
      %gather3A_813 = tpu.vector_load_idx %arg13[%add3A_580, %add3A_812] : memref<320x128xf32, #tpu.memory_space<vmem>>[vector<16xi32>, vector<16xi32>], vector<16xf32>,
      %add3A_814 = arith.addf %add3A_809, %gather3A_813 : vector<16xf32>
      %add3A_815 = arith.constant 48 : i32
      %add3A_816 = vector.broadcast %add3A_815 : i32 to vector<16xi32>
      %add3A_817 = arith.addi %get3A_458, %add3A_816 : vector<16xi32>
      %gather3A_818 = tpu.vector_load_idx %arg13[%add3A_586, %add3A_817] : memref<320x128xf32, #tpu.memory_space<vmem>>[vector<16xi32>, vector<16xi32>], vector<16xf32>,
      %add3A_819 = arith.addf %add3A_814, %gather3A_818 : vector<16xf32>
      %add3A_820 = arith.constant 48 : i32
      %add3A_821 = vector.broadcast %add3A_820 : i32 to vector<16xi32>
      %add3A_822 = arith.addi %get3A_468, %add3A_821 : vector<16xi32>
      %gather3A_823 = tpu.vector_load_idx %arg13[%add3A_592, %add3A_822] : memref<320x128xf32, #tpu.memory_space<vmem>>[vector<16xi32>, vector<16xi32>], vector<16xf32>,
      %add3A_824 = arith.addf %add3A_819, %gather3A_823 : vector<16xf32>
      %add3A_825 = arith.constant 48 : i32
      %add3A_826 = vector.broadcast %add3A_825 : i32 to vector<16xi32>
      %add3A_827 = arith.addi %get3A_478, %add3A_826 : vector<16xi32>
      %gather3A_828 = tpu.vector_load_idx %arg13[%add3A_598, %add3A_827] : memref<320x128xf32, #tpu.memory_space<vmem>>[vector<16xi32>, vector<16xi32>], vector<16xf32>,
      %add3A_829 = arith.addf %add3A_824, %gather3A_828 : vector<16xf32>
      %gather3A_830 = tpu.vector_load_idx %arg14[%add3A_604, %get3A_488] : memref<192x128xf32, #tpu.memory_space<vmem>>[vector<16xi32>, vector<16xi32>], vector<16xf32>,
      %mul3A_831 = arith.mulf %add3A_682, %gather3A_830 : vector<16xf32>
      %add3A_832 = arith.constant 16 : i32
      %add3A_833 = vector.broadcast %add3A_832 : i32 to vector<16xi32>
      %add3A_834 = arith.addi %get3A_488, %add3A_833 : vector<16xi32>
      %gather3A_835 = tpu.vector_load_idx %arg14[%add3A_604, %add3A_834] : memref<192x128xf32, #tpu.memory_space<vmem>>[vector<16xi32>, vector<16xi32>], vector<16xf32>,
      %mul3A_836 = arith.mulf %add3A_731, %gather3A_835 : vector<16xf32>
      %add3A_837 = arith.addf %mul3A_831, %mul3A_836 : vector<16xf32>
      %add3A_838 = arith.constant 32 : i32
      %add3A_839 = vector.broadcast %add3A_838 : i32 to vector<16xi32>
      %add3A_840 = arith.addi %get3A_488, %add3A_839 : vector<16xi32>
      %gather3A_841 = tpu.vector_load_idx %arg14[%add3A_604, %add3A_840] : memref<192x128xf32, #tpu.memory_space<vmem>>[vector<16xi32>, vector<16xi32>], vector<16xf32>,
      %mul3A_842 = arith.mulf %add3A_780, %gather3A_841 : vector<16xf32>
      %add3A_843 = arith.addf %add3A_837, %mul3A_842 : vector<16xf32>
      %add3A_844 = arith.constant 48 : i32
      %add3A_845 = vector.broadcast %add3A_844 : i32 to vector<16xi32>
      %add3A_846 = arith.addi %get3A_488, %add3A_845 : vector<16xi32>
      %gather3A_847 = tpu.vector_load_idx %arg14[%add3A_604, %add3A_846] : memref<192x128xf32, #tpu.memory_space<vmem>>[vector<16xi32>, vector<16xi32>], vector<16xf32>,
      %mul3A_848 = arith.mulf %add3A_829, %gather3A_847 : vector<16xf32>
      %add3A_849 = arith.addf %add3A_843, %mul3A_848 : vector<16xf32>
      %mul3A_850 = arith.constant 6 : i32
      %mul3A_851 = arith.muli %scan3A_379, %mul3A_850 : i32
      %add3A_852 = arith.constant 0 : i32
      %add3A_853 = arith.addi %mul3A_851, %add3A_852 : i32
      %swap3A = arith.index_cast %add3A_853 : i32 to index
      %swap3A_854 = arith.constant 0 : index
      %swap3A_855 = tpu.vector_load %arg15[%swap3A, %swap3A_854] {strides = array<i32>} : memref<192x16xf32, #tpu.memory_space<vmem>>, vector<16xf32>,
      tpu.vector_store %arg15[%swap3A, %swap3A_854], %add3A_849 {strides = array<i32>} : memref<192x16xf32, #tpu.memory_space<vmem>>, vector<16xf32>,
      %gather3A_856 = tpu.vector_load_idx %arg14[%add3A_610, %get3A_498] : memref<192x128xf32, #tpu.memory_space<vmem>>[vector<16xi32>, vector<16xi32>], vector<16xf32>,
      %mul3A_857 = arith.mulf %add3A_682, %gather3A_856 : vector<16xf32>
      %add3A_858 = arith.constant 16 : i32
      %add3A_859 = vector.broadcast %add3A_858 : i32 to vector<16xi32>
      %add3A_860 = arith.addi %get3A_498, %add3A_859 : vector<16xi32>
      %gather3A_861 = tpu.vector_load_idx %arg14[%add3A_610, %add3A_860] : memref<192x128xf32, #tpu.memory_space<vmem>>[vector<16xi32>, vector<16xi32>], vector<16xf32>,
      %mul3A_862 = arith.mulf %add3A_731, %gather3A_861 : vector<16xf32>
      %add3A_863 = arith.addf %mul3A_857, %mul3A_862 : vector<16xf32>
      %add3A_864 = arith.constant 32 : i32
      %add3A_865 = vector.broadcast %add3A_864 : i32 to vector<16xi32>
      %add3A_866 = arith.addi %get3A_498, %add3A_865 : vector<16xi32>
      %gather3A_867 = tpu.vector_load_idx %arg14[%add3A_610, %add3A_866] : memref<192x128xf32, #tpu.memory_space<vmem>>[vector<16xi32>, vector<16xi32>], vector<16xf32>,
      %mul3A_868 = arith.mulf %add3A_780, %gather3A_867 : vector<16xf32>
      %add3A_869 = arith.addf %add3A_863, %mul3A_868 : vector<16xf32>
      %add3A_870 = arith.constant 48 : i32
      %add3A_871 = vector.broadcast %add3A_870 : i32 to vector<16xi32>
      %add3A_872 = arith.addi %get3A_498, %add3A_871 : vector<16xi32>
      %gather3A_873 = tpu.vector_load_idx %arg14[%add3A_610, %add3A_872] : memref<192x128xf32, #tpu.memory_space<vmem>>[vector<16xi32>, vector<16xi32>], vector<16xf32>,
      %mul3A_874 = arith.mulf %add3A_829, %gather3A_873 : vector<16xf32>
      %add3A_875 = arith.addf %add3A_869, %mul3A_874 : vector<16xf32>
      %neg3A = arith.constant 0.000000e+00 : f32
      %neg3A_876 = vector.broadcast %neg3A : f32 to vector<16xf32>
      %neg3A_877 = arith.subf %neg3A_876, %add3A_875 : vector<16xf32>
      %mul3A_878 = arith.constant 6 : i32
      %mul3A_879 = arith.muli %scan3A_379, %mul3A_878 : i32
      %add3A_880 = arith.constant 1 : i32
      %add3A_881 = arith.addi %mul3A_879, %add3A_880 : i32
      %swap3A_882 = arith.index_cast %add3A_881 : i32 to index
      %swap3A_883 = arith.constant 0 : index
      %swap3A_884 = tpu.vector_load %arg15[%swap3A_882, %swap3A_883] {strides = array<i32>} : memref<192x16xf32, #tpu.memory_space<vmem>>, vector<16xf32>,
      tpu.vector_store %arg15[%swap3A_882, %swap3A_883], %neg3A_877 {strides = array<i32>} : memref<192x16xf32, #tpu.memory_space<vmem>>, vector<16xf32>,
      %gather3A_885 = tpu.vector_load_idx %arg14[%add3A_616, %get3A_508] : memref<192x128xf32, #tpu.memory_space<vmem>>[vector<16xi32>, vector<16xi32>], vector<16xf32>,
      %mul3A_886 = arith.mulf %add3A_682, %gather3A_885 : vector<16xf32>
      %add3A_887 = arith.constant 16 : i32
      %add3A_888 = vector.broadcast %add3A_887 : i32 to vector<16xi32>
      %add3A_889 = arith.addi %get3A_508, %add3A_888 : vector<16xi32>
      %gather3A_890 = tpu.vector_load_idx %arg14[%add3A_616, %add3A_889] : memref<192x128xf32, #tpu.memory_space<vmem>>[vector<16xi32>, vector<16xi32>], vector<16xf32>,
      %mul3A_891 = arith.mulf %add3A_731, %gather3A_890 : vector<16xf32>
      %add3A_892 = arith.addf %mul3A_886, %mul3A_891 : vector<16xf32>
      %add3A_893 = arith.constant 32 : i32
      %add3A_894 = vector.broadcast %add3A_893 : i32 to vector<16xi32>
      %add3A_895 = arith.addi %get3A_508, %add3A_894 : vector<16xi32>
      %gather3A_896 = tpu.vector_load_idx %arg14[%add3A_616, %add3A_895] : memref<192x128xf32, #tpu.memory_space<vmem>>[vector<16xi32>, vector<16xi32>], vector<16xf32>,
      %mul3A_897 = arith.mulf %add3A_780, %gather3A_896 : vector<16xf32>
      %add3A_898 = arith.addf %add3A_892, %mul3A_897 : vector<16xf32>
      %add3A_899 = arith.constant 48 : i32
      %add3A_900 = vector.broadcast %add3A_899 : i32 to vector<16xi32>
      %add3A_901 = arith.addi %get3A_508, %add3A_900 : vector<16xi32>
      %gather3A_902 = tpu.vector_load_idx %arg14[%add3A_616, %add3A_901] : memref<192x128xf32, #tpu.memory_space<vmem>>[vector<16xi32>, vector<16xi32>], vector<16xf32>,
      %mul3A_903 = arith.mulf %add3A_829, %gather3A_902 : vector<16xf32>
      %add3A_904 = arith.addf %add3A_898, %mul3A_903 : vector<16xf32>
      %neg3A_905 = arith.constant 0.000000e+00 : f32
      %neg3A_906 = vector.broadcast %neg3A_905 : f32 to vector<16xf32>
      %neg3A_907 = arith.subf %neg3A_906, %add3A_904 : vector<16xf32>
      %mul3A_908 = arith.constant 6 : i32
      %mul3A_909 = arith.muli %scan3A_379, %mul3A_908 : i32
      %add3A_910 = arith.constant 2 : i32
      %add3A_911 = arith.addi %mul3A_909, %add3A_910 : i32
      %swap3A_912 = arith.index_cast %add3A_911 : i32 to index
      %swap3A_913 = arith.constant 0 : index
      %swap3A_914 = tpu.vector_load %arg15[%swap3A_912, %swap3A_913] {strides = array<i32>} : memref<192x16xf32, #tpu.memory_space<vmem>>, vector<16xf32>,
      tpu.vector_store %arg15[%swap3A_912, %swap3A_913], %neg3A_907 {strides = array<i32>} : memref<192x16xf32, #tpu.memory_space<vmem>>, vector<16xf32>,
      %gather3A_915 = tpu.vector_load_idx %arg14[%add3A_622, %get3A_518] : memref<192x128xf32, #tpu.memory_space<vmem>>[vector<16xi32>, vector<16xi32>], vector<16xf32>,
      %mul3A_916 = arith.mulf %add3A_682, %gather3A_915 : vector<16xf32>
      %add3A_917 = arith.constant 16 : i32
      %add3A_918 = vector.broadcast %add3A_917 : i32 to vector<16xi32>
      %add3A_919 = arith.addi %get3A_518, %add3A_918 : vector<16xi32>
      %gather3A_920 = tpu.vector_load_idx %arg14[%add3A_622, %add3A_919] : memref<192x128xf32, #tpu.memory_space<vmem>>[vector<16xi32>, vector<16xi32>], vector<16xf32>,
      %mul3A_921 = arith.mulf %add3A_731, %gather3A_920 : vector<16xf32>
      %add3A_922 = arith.addf %mul3A_916, %mul3A_921 : vector<16xf32>
      %add3A_923 = arith.constant 32 : i32
      %add3A_924 = vector.broadcast %add3A_923 : i32 to vector<16xi32>
      %add3A_925 = arith.addi %get3A_518, %add3A_924 : vector<16xi32>
      %gather3A_926 = tpu.vector_load_idx %arg14[%add3A_622, %add3A_925] : memref<192x128xf32, #tpu.memory_space<vmem>>[vector<16xi32>, vector<16xi32>], vector<16xf32>,
      %mul3A_927 = arith.mulf %add3A_780, %gather3A_926 : vector<16xf32>
      %add3A_928 = arith.addf %add3A_922, %mul3A_927 : vector<16xf32>
      %add3A_929 = arith.constant 48 : i32
      %add3A_930 = vector.broadcast %add3A_929 : i32 to vector<16xi32>
      %add3A_931 = arith.addi %get3A_518, %add3A_930 : vector<16xi32>
      %gather3A_932 = tpu.vector_load_idx %arg14[%add3A_622, %add3A_931] : memref<192x128xf32, #tpu.memory_space<vmem>>[vector<16xi32>, vector<16xi32>], vector<16xf32>,
      %mul3A_933 = arith.mulf %add3A_829, %gather3A_932 : vector<16xf32>
      %add3A_934 = arith.addf %add3A_928, %mul3A_933 : vector<16xf32>
      %neg3A_935 = arith.constant 0.000000e+00 : f32
      %neg3A_936 = vector.broadcast %neg3A_935 : f32 to vector<16xf32>
      %neg3A_937 = arith.subf %neg3A_936, %add3A_934 : vector<16xf32>
      %mul3A_938 = arith.constant 6 : i32
      %mul3A_939 = arith.muli %scan3A_379, %mul3A_938 : i32
      %add3A_940 = arith.constant 3 : i32
      %add3A_941 = arith.addi %mul3A_939, %add3A_940 : i32
      %swap3A_942 = arith.index_cast %add3A_941 : i32 to index
      %swap3A_943 = arith.constant 0 : index
      %swap3A_944 = tpu.vector_load %arg15[%swap3A_942, %swap3A_943] {strides = array<i32>} : memref<192x16xf32, #tpu.memory_space<vmem>>, vector<16xf32>,
      tpu.vector_store %arg15[%swap3A_942, %swap3A_943], %neg3A_937 {strides = array<i32>} : memref<192x16xf32, #tpu.memory_space<vmem>>, vector<16xf32>,
      %gather3A_945 = tpu.vector_load_idx %arg14[%add3A_628, %get3A_528] : memref<192x128xf32, #tpu.memory_space<vmem>>[vector<16xi32>, vector<16xi32>], vector<16xf32>,
      %mul3A_946 = arith.mulf %add3A_682, %gather3A_945 : vector<16xf32>
      %add3A_947 = arith.constant 16 : i32
      %add3A_948 = vector.broadcast %add3A_947 : i32 to vector<16xi32>
      %add3A_949 = arith.addi %get3A_528, %add3A_948 : vector<16xi32>
      %gather3A_950 = tpu.vector_load_idx %arg14[%add3A_628, %add3A_949] : memref<192x128xf32, #tpu.memory_space<vmem>>[vector<16xi32>, vector<16xi32>], vector<16xf32>,
      %mul3A_951 = arith.mulf %add3A_731, %gather3A_950 : vector<16xf32>
      %add3A_952 = arith.addf %mul3A_946, %mul3A_951 : vector<16xf32>
      %add3A_953 = arith.constant 32 : i32
      %add3A_954 = vector.broadcast %add3A_953 : i32 to vector<16xi32>
      %add3A_955 = arith.addi %get3A_528, %add3A_954 : vector<16xi32>
      %gather3A_956 = tpu.vector_load_idx %arg14[%add3A_628, %add3A_955] : memref<192x128xf32, #tpu.memory_space<vmem>>[vector<16xi32>, vector<16xi32>], vector<16xf32>,
      %mul3A_957 = arith.mulf %add3A_780, %gather3A_956 : vector<16xf32>
      %add3A_958 = arith.addf %add3A_952, %mul3A_957 : vector<16xf32>
      %add3A_959 = arith.constant 48 : i32
      %add3A_960 = vector.broadcast %add3A_959 : i32 to vector<16xi32>
      %add3A_961 = arith.addi %get3A_528, %add3A_960 : vector<16xi32>
      %gather3A_962 = tpu.vector_load_idx %arg14[%add3A_628, %add3A_961] : memref<192x128xf32, #tpu.memory_space<vmem>>[vector<16xi32>, vector<16xi32>], vector<16xf32>,
      %mul3A_963 = arith.mulf %add3A_829, %gather3A_962 : vector<16xf32>
      %add3A_964 = arith.addf %add3A_958, %mul3A_963 : vector<16xf32>
      %neg3A_965 = arith.constant 0.000000e+00 : f32
      %neg3A_966 = vector.broadcast %neg3A_965 : f32 to vector<16xf32>
      %neg3A_967 = arith.subf %neg3A_966, %add3A_964 : vector<16xf32>
      %mul3A_968 = arith.constant 6 : i32
      %mul3A_969 = arith.muli %scan3A_379, %mul3A_968 : i32
      %add3A_970 = arith.constant 4 : i32
      %add3A_971 = arith.addi %mul3A_969, %add3A_970 : i32
      %swap3A_972 = arith.index_cast %add3A_971 : i32 to index
      %swap3A_973 = arith.constant 0 : index
      %swap3A_974 = tpu.vector_load %arg15[%swap3A_972, %swap3A_973] {strides = array<i32>} : memref<192x16xf32, #tpu.memory_space<vmem>>, vector<16xf32>,
      tpu.vector_store %arg15[%swap3A_972, %swap3A_973], %neg3A_967 {strides = array<i32>} : memref<192x16xf32, #tpu.memory_space<vmem>>, vector<16xf32>,
      %gather3A_975 = tpu.vector_load_idx %arg14[%add3A_634, %get3A_538] : memref<192x128xf32, #tpu.memory_space<vmem>>[vector<16xi32>, vector<16xi32>], vector<16xf32>,
      %mul3A_976 = arith.mulf %add3A_682, %gather3A_975 : vector<16xf32>
      %add3A_977 = arith.constant 16 : i32
      %add3A_978 = vector.broadcast %add3A_977 : i32 to vector<16xi32>
      %add3A_979 = arith.addi %get3A_538, %add3A_978 : vector<16xi32>
      %gather3A_980 = tpu.vector_load_idx %arg14[%add3A_634, %add3A_979] : memref<192x128xf32, #tpu.memory_space<vmem>>[vector<16xi32>, vector<16xi32>], vector<16xf32>,
      %mul3A_981 = arith.mulf %add3A_731, %gather3A_980 : vector<16xf32>
      %add3A_982 = arith.addf %mul3A_976, %mul3A_981 : vector<16xf32>
      %add3A_983 = arith.constant 32 : i32
      %add3A_984 = vector.broadcast %add3A_983 : i32 to vector<16xi32>
      %add3A_985 = arith.addi %get3A_538, %add3A_984 : vector<16xi32>
      %gather3A_986 = tpu.vector_load_idx %arg14[%add3A_634, %add3A_985] : memref<192x128xf32, #tpu.memory_space<vmem>>[vector<16xi32>, vector<16xi32>], vector<16xf32>,
      %mul3A_987 = arith.mulf %add3A_780, %gather3A_986 : vector<16xf32>
      %add3A_988 = arith.addf %add3A_982, %mul3A_987 : vector<16xf32>
      %add3A_989 = arith.constant 48 : i32
      %add3A_990 = vector.broadcast %add3A_989 : i32 to vector<16xi32>
      %add3A_991 = arith.addi %get3A_538, %add3A_990 : vector<16xi32>
      %gather3A_992 = tpu.vector_load_idx %arg14[%add3A_634, %add3A_991] : memref<192x128xf32, #tpu.memory_space<vmem>>[vector<16xi32>, vector<16xi32>], vector<16xf32>,
      %mul3A_993 = arith.mulf %add3A_829, %gather3A_992 : vector<16xf32>
      %add3A_994 = arith.addf %add3A_988, %mul3A_993 : vector<16xf32>
      %neg3A_995 = arith.constant 0.000000e+00 : f32
      %neg3A_996 = vector.broadcast %neg3A_995 : f32 to vector<16xf32>
      %neg3A_997 = arith.subf %neg3A_996, %add3A_994 : vector<16xf32>
      %mul3A_998 = arith.constant 6 : i32
      %mul3A_999 = arith.muli %scan3A_379, %mul3A_998 : i32
      %add3A_1000 = arith.constant 5 : i32
      %add3A_1001 = arith.addi %mul3A_999, %add3A_1000 : i32
      %swap3A_1002 = arith.index_cast %add3A_1001 : i32 to index
      %swap3A_1003 = arith.constant 0 : index
      %swap3A_1004 = tpu.vector_load %arg15[%swap3A_1002, %swap3A_1003] {strides = array<i32>} : memref<192x16xf32, #tpu.memory_space<vmem>>, vector<16xf32>,
      tpu.vector_store %arg15[%swap3A_1002, %swap3A_1003], %neg3A_997 {strides = array<i32>} : memref<192x16xf32, #tpu.memory_space<vmem>>, vector<16xf32>,
    }
    %scan3A_98 = arith.constant 32 : i32
    %add3A_99 = arith.constant 0 : i32
    %add3A_100 = arith.addi %mul3A_2, %add3A_99 : i32
    %mul3A_101 = arith.constant 6 : i32
    %mul3A_102 = arith.muli %add3A_100, %mul3A_101 : i32
    "tpu.region"() ({
      %run_scoped3A = tpu.sem_alloc : memref<!tpu.dma_semaphore, #tpu.memory_space<semaphore_mem>>
      %dma_start3A_379 = arith.constant 0 : i32
      %dma_start3A_380 = tpu.memref_slice %arg8[%mul3A_102, %dma_start3A_379] : memref<24576x16xf32, #tpu.memory_space<hbm>> -> memref<192x16xf32, #tpu.memory_space<hbm>>
      %dma_start3A_381 = arith.constant 0 : i32
      %dma_start3A_382 = tpu.memref_slice %arg8[%mul3A_102, %dma_start3A_381] : memref<24576x16xf32, #tpu.memory_space<hbm>> -> memref<192x16xf32, #tpu.memory_space<hbm>>
      tpu.enqueue_dma source(%arg15 : memref<192x16xf32, #tpu.memory_space<vmem>>) target(%dma_start3A_382 : memref<192x16xf32, #tpu.memory_space<hbm>>) target_semaphore(%run_scoped3A : memref<!tpu.dma_semaphore, #tpu.memory_space<semaphore_mem>>)
      %dma_wait3A_383 = arith.constant 0 : i32
      %dma_wait3A_384 = tpu.memref_slice %arg8[%mul3A_102, %dma_wait3A_383] : memref<24576x16xf32, #tpu.memory_space<hbm>> -> memref<192x16xf32, #tpu.memory_space<hbm>>
      %dma_wait3A_385 = arith.constant 0 : i32
      %dma_wait3A_386 = tpu.memref_slice %arg8[%mul3A_102, %dma_wait3A_385] : memref<24576x16xf32, #tpu.memory_space<hbm>> -> memref<192x16xf32, #tpu.memory_space<hbm>>
      tpu.wait_dma2 semaphore(%run_scoped3A : memref<!tpu.dma_semaphore, #tpu.memory_space<semaphore_mem>>) src(%arg15 : memref<192x16xf32, #tpu.memory_space<vmem>>) dst(%dma_wait3A_386 : memref<192x16xf32, #tpu.memory_space<hbm>>)
      tpu.yield
    }) : () -> ()
    %dma_start3A_103 = arith.constant 0 : i32
    %dma_start3A_104 = arith.constant 0 : i32
    %dma_start3A_105 = tpu.memref_slice %arg13[%dma_start3A_103, %dma_start3A_104] : memref<320x128xf32, #tpu.memory_space<vmem>> -> memref<128x128xf32, #tpu.memory_space<vmem>>
    %dma_start3A_106 = arith.constant 320 : i32
    %dma_start3A_107 = tpu.memref_slice %arg9[%dma_start3A_106] : memref<1280xi32, #tpu.memory_space<vmem>> -> memref<128xi32, #tpu.memory_space<vmem>>
    %dma_start3A_108 = arith.constant 0 : i32
    %dma_start3A_109 = arith.constant 0 : i32
    %dma_start3A_110 = tpu.memref_slice %arg6[%dma_start3A_108, %dma_start3A_109] : memref<512000x128xf32, #tpu.memory_space<hbm>> -> memref<512000x128xf32, #tpu.memory_space<hbm>>
    tpu.enqueue_indirect_dma source(%dma_start3A_110 : memref<512000x128xf32, #tpu.memory_space<hbm>>) target(%dma_start3A_105 : memref<128x128xf32, #tpu.memory_space<vmem>>) offsets(%dma_start3A_107 : memref<128xi32, #tpu.memory_space<vmem>>) semaphore(%arg16 : memref<!tpu.dma_semaphore, #tpu.memory_space<semaphore_mem>>)
    %dma_start3A_111 = arith.constant 128 : i32
    %dma_start3A_112 = arith.constant 0 : i32
    %dma_start3A_113 = tpu.memref_slice %arg13[%dma_start3A_111, %dma_start3A_112] : memref<320x128xf32, #tpu.memory_space<vmem>> -> memref<128x128xf32, #tpu.memory_space<vmem>>
    %dma_start3A_114 = arith.constant 448 : i32
    %dma_start3A_115 = tpu.memref_slice %arg9[%dma_start3A_114] : memref<1280xi32, #tpu.memory_space<vmem>> -> memref<128xi32, #tpu.memory_space<vmem>>
    %dma_start3A_116 = arith.constant 0 : i32
    %dma_start3A_117 = arith.constant 0 : i32
    %dma_start3A_118 = tpu.memref_slice %arg6[%dma_start3A_116, %dma_start3A_117] : memref<512000x128xf32, #tpu.memory_space<hbm>> -> memref<512000x128xf32, #tpu.memory_space<hbm>>
    tpu.enqueue_indirect_dma source(%dma_start3A_118 : memref<512000x128xf32, #tpu.memory_space<hbm>>) target(%dma_start3A_113 : memref<128x128xf32, #tpu.memory_space<vmem>>) offsets(%dma_start3A_115 : memref<128xi32, #tpu.memory_space<vmem>>) semaphore(%arg16 : memref<!tpu.dma_semaphore, #tpu.memory_space<semaphore_mem>>)
    %dma_start3A_119 = arith.constant 256 : i32
    %dma_start3A_120 = arith.constant 0 : i32
    %dma_start3A_121 = tpu.memref_slice %arg13[%dma_start3A_119, %dma_start3A_120] : memref<320x128xf32, #tpu.memory_space<vmem>> -> memref<64x128xf32, #tpu.memory_space<vmem>>
    %dma_start3A_122 = arith.constant 576 : i32
    %dma_start3A_123 = tpu.memref_slice %arg9[%dma_start3A_122] : memref<1280xi32, #tpu.memory_space<vmem>> -> memref<64xi32, #tpu.memory_space<vmem>>
    %dma_start3A_124 = arith.constant 0 : i32
    %dma_start3A_125 = arith.constant 0 : i32
    %dma_start3A_126 = tpu.memref_slice %arg6[%dma_start3A_124, %dma_start3A_125] : memref<512000x128xf32, #tpu.memory_space<hbm>> -> memref<512000x128xf32, #tpu.memory_space<hbm>>
    tpu.enqueue_indirect_dma source(%dma_start3A_126 : memref<512000x128xf32, #tpu.memory_space<hbm>>) target(%dma_start3A_121 : memref<64x128xf32, #tpu.memory_space<vmem>>) offsets(%dma_start3A_123 : memref<64xi32, #tpu.memory_space<vmem>>) semaphore(%arg16 : memref<!tpu.dma_semaphore, #tpu.memory_space<semaphore_mem>>)
    %dma_start3A_127 = arith.constant 0 : i32
    %dma_start3A_128 = arith.constant 0 : i32
    %dma_start3A_129 = tpu.memref_slice %arg14[%dma_start3A_127, %dma_start3A_128] : memref<192x128xf32, #tpu.memory_space<vmem>> -> memref<128x128xf32, #tpu.memory_space<vmem>>
    %dma_start3A_130 = arith.constant 192 : i32
    %dma_start3A_131 = tpu.memref_slice %arg10[%dma_start3A_130] : memref<768xi32, #tpu.memory_space<vmem>> -> memref<128xi32, #tpu.memory_space<vmem>>
    %dma_start3A_132 = arith.constant 0 : i32
    %dma_start3A_133 = arith.constant 0 : i32
    %dma_start3A_134 = tpu.memref_slice %arg7[%dma_start3A_132, %dma_start3A_133] : memref<512000x128xf32, #tpu.memory_space<hbm>> -> memref<512000x128xf32, #tpu.memory_space<hbm>>
    tpu.enqueue_indirect_dma source(%dma_start3A_134 : memref<512000x128xf32, #tpu.memory_space<hbm>>) target(%dma_start3A_129 : memref<128x128xf32, #tpu.memory_space<vmem>>) offsets(%dma_start3A_131 : memref<128xi32, #tpu.memory_space<vmem>>) semaphore(%arg16 : memref<!tpu.dma_semaphore, #tpu.memory_space<semaphore_mem>>)
    %dma_start3A_135 = arith.constant 128 : i32
    %dma_start3A_136 = arith.constant 0 : i32
    %dma_start3A_137 = tpu.memref_slice %arg14[%dma_start3A_135, %dma_start3A_136] : memref<192x128xf32, #tpu.memory_space<vmem>> -> memref<64x128xf32, #tpu.memory_space<vmem>>
    %dma_start3A_138 = arith.constant 320 : i32
    %dma_start3A_139 = tpu.memref_slice %arg10[%dma_start3A_138] : memref<768xi32, #tpu.memory_space<vmem>> -> memref<64xi32, #tpu.memory_space<vmem>>
    %dma_start3A_140 = arith.constant 0 : i32
    %dma_start3A_141 = arith.constant 0 : i32
    %dma_start3A_142 = tpu.memref_slice %arg7[%dma_start3A_140, %dma_start3A_141] : memref<512000x128xf32, #tpu.memory_space<hbm>> -> memref<512000x128xf32, #tpu.memory_space<hbm>>
    tpu.enqueue_indirect_dma source(%dma_start3A_142 : memref<512000x128xf32, #tpu.memory_space<hbm>>) target(%dma_start3A_137 : memref<64x128xf32, #tpu.memory_space<vmem>>) offsets(%dma_start3A_139 : memref<64xi32, #tpu.memory_space<vmem>>) semaphore(%arg16 : memref<!tpu.dma_semaphore, #tpu.memory_space<semaphore_mem>>)
    %dma_wait3A_143 = arith.constant 0 : i32
    %dma_wait3A_144 = arith.constant 0 : i32
    %dma_wait3A_145 = tpu.memref_slice %arg13[%dma_wait3A_143, %dma_wait3A_144] : memref<320x128xf32, #tpu.memory_space<vmem>> -> memref<128x128xf32, #tpu.memory_space<vmem>>
    %dma_wait3A_146 = arith.constant 320 : i32
    %dma_wait3A_147 = tpu.memref_slice %arg9[%dma_wait3A_146] : memref<1280xi32, #tpu.memory_space<vmem>> -> memref<128xi32, #tpu.memory_space<vmem>>
    %dma_wait3A_148 = arith.constant 0 : i32
    %dma_wait3A_149 = arith.constant 0 : i32
    %dma_wait3A_150 = tpu.memref_slice %arg6[%dma_wait3A_148, %dma_wait3A_149] : memref<512000x128xf32, #tpu.memory_space<hbm>> -> memref<512000x128xf32, #tpu.memory_space<hbm>>
    tpu.wait_indirect_dma semaphore(%arg16 : memref<!tpu.dma_semaphore, #tpu.memory_space<semaphore_mem>>) src(%dma_wait3A_150 : memref<512000x128xf32, #tpu.memory_space<hbm>>) dst(%dma_wait3A_145 : memref<128x128xf32, #tpu.memory_space<vmem>>)
    %dma_wait3A_151 = arith.constant 128 : i32
    %dma_wait3A_152 = arith.constant 0 : i32
    %dma_wait3A_153 = tpu.memref_slice %arg13[%dma_wait3A_151, %dma_wait3A_152] : memref<320x128xf32, #tpu.memory_space<vmem>> -> memref<128x128xf32, #tpu.memory_space<vmem>>
    %dma_wait3A_154 = arith.constant 448 : i32
    %dma_wait3A_155 = tpu.memref_slice %arg9[%dma_wait3A_154] : memref<1280xi32, #tpu.memory_space<vmem>> -> memref<128xi32, #tpu.memory_space<vmem>>
    %dma_wait3A_156 = arith.constant 0 : i32
    %dma_wait3A_157 = arith.constant 0 : i32
    %dma_wait3A_158 = tpu.memref_slice %arg6[%dma_wait3A_156, %dma_wait3A_157] : memref<512000x128xf32, #tpu.memory_space<hbm>> -> memref<512000x128xf32, #tpu.memory_space<hbm>>
    tpu.wait_indirect_dma semaphore(%arg16 : memref<!tpu.dma_semaphore, #tpu.memory_space<semaphore_mem>>) src(%dma_wait3A_158 : memref<512000x128xf32, #tpu.memory_space<hbm>>) dst(%dma_wait3A_153 : memref<128x128xf32, #tpu.memory_space<vmem>>)
    %dma_wait3A_159 = arith.constant 256 : i32
    %dma_wait3A_160 = arith.constant 0 : i32
    %dma_wait3A_161 = tpu.memref_slice %arg13[%dma_wait3A_159, %dma_wait3A_160] : memref<320x128xf32, #tpu.memory_space<vmem>> -> memref<64x128xf32, #tpu.memory_space<vmem>>
    %dma_wait3A_162 = arith.constant 576 : i32
    %dma_wait3A_163 = tpu.memref_slice %arg9[%dma_wait3A_162] : memref<1280xi32, #tpu.memory_space<vmem>> -> memref<64xi32, #tpu.memory_space<vmem>>
    %dma_wait3A_164 = arith.constant 0 : i32
    %dma_wait3A_165 = arith.constant 0 : i32
    %dma_wait3A_166 = tpu.memref_slice %arg6[%dma_wait3A_164, %dma_wait3A_165] : memref<512000x128xf32, #tpu.memory_space<hbm>> -> memref<512000x128xf32, #tpu.memory_space<hbm>>
    tpu.wait_indirect_dma semaphore(%arg16 : memref<!tpu.dma_semaphore, #tpu.memory_space<semaphore_mem>>) src(%dma_wait3A_166 : memref<512000x128xf32, #tpu.memory_space<hbm>>) dst(%dma_wait3A_161 : memref<64x128xf32, #tpu.memory_space<vmem>>)
    %dma_wait3A_167 = arith.constant 0 : i32
    %dma_wait3A_168 = arith.constant 0 : i32
    %dma_wait3A_169 = tpu.memref_slice %arg14[%dma_wait3A_167, %dma_wait3A_168] : memref<192x128xf32, #tpu.memory_space<vmem>> -> memref<128x128xf32, #tpu.memory_space<vmem>>
    %dma_wait3A_170 = arith.constant 192 : i32
    %dma_wait3A_171 = tpu.memref_slice %arg10[%dma_wait3A_170] : memref<768xi32, #tpu.memory_space<vmem>> -> memref<128xi32, #tpu.memory_space<vmem>>
    %dma_wait3A_172 = arith.constant 0 : i32
    %dma_wait3A_173 = arith.constant 0 : i32
    %dma_wait3A_174 = tpu.memref_slice %arg7[%dma_wait3A_172, %dma_wait3A_173] : memref<512000x128xf32, #tpu.memory_space<hbm>> -> memref<512000x128xf32, #tpu.memory_space<hbm>>
    tpu.wait_indirect_dma semaphore(%arg16 : memref<!tpu.dma_semaphore, #tpu.memory_space<semaphore_mem>>) src(%dma_wait3A_174 : memref<512000x128xf32, #tpu.memory_space<hbm>>) dst(%dma_wait3A_169 : memref<128x128xf32, #tpu.memory_space<vmem>>)
    %dma_wait3A_175 = arith.constant 128 : i32
    %dma_wait3A_176 = arith.constant 0 : i32
    %dma_wait3A_177 = tpu.memref_slice %arg14[%dma_wait3A_175, %dma_wait3A_176] : memref<192x128xf32, #tpu.memory_space<vmem>> -> memref<64x128xf32, #tpu.memory_space<vmem>>
    %dma_wait3A_178 = arith.constant 320 : i32
    %dma_wait3A_179 = tpu.memref_slice %arg10[%dma_wait3A_178] : memref<768xi32, #tpu.memory_space<vmem>> -> memref<64xi32, #tpu.memory_space<vmem>>
    %dma_wait3A_180 = arith.constant 0 : i32
    %dma_wait3A_181 = arith.constant 0 : i32
    %dma_wait3A_182 = tpu.memref_slice %arg7[%dma_wait3A_180, %dma_wait3A_181] : memref<512000x128xf32, #tpu.memory_space<hbm>> -> memref<512000x128xf32, #tpu.memory_space<hbm>>
    tpu.wait_indirect_dma semaphore(%arg16 : memref<!tpu.dma_semaphore, #tpu.memory_space<semaphore_mem>>) src(%dma_wait3A_182 : memref<512000x128xf32, #tpu.memory_space<hbm>>) dst(%dma_wait3A_177 : memref<64x128xf32, #tpu.memory_space<vmem>>)
    %broadcast_in_dim3A_183 = arith.constant 0 : i32
    %broadcast_in_dim3A_184 = vector.broadcast %broadcast_in_dim3A_183 : i32 to vector<16xi32>
    %scan3A_185 = arith.constant 0 : i32
    %scan3A_186 = arith.constant 0 : i32
    %scan3A_187 = arith.constant 32 : i32
    %scan3A_188 = arith.addi %scan3A_186, %scan3A_187 : i32
    %scan3A_189 = arith.constant 1 : i32
    scf.for %scan3A_379 = %scan3A_186 to %scan3A_188 step %scan3A_189  : i32 {
      %add3A_380 = arith.constant 32 : i32
      %add3A_381 = arith.addi %add3A_380, %scan3A_379 : i32
      %mul3A_382 = arith.constant 10 : i32
      %mul3A_383 = arith.muli %add3A_381, %mul3A_382 : i32
      %add3A_384 = arith.constant 0 : i32
      %add3A_385 = arith.addi %mul3A_383, %add3A_384 : i32
      %mul3A_386 = arith.constant 16 : i32
      %mul3A_387 = arith.muli %add3A_385, %mul3A_386 : i32
      %get3A = arith.index_cast %mul3A_387 : i32 to index
      %get3A_388 = tpu.vector_load %arg11[%get3A] {strides = array<i32>} : memref<20480xi32, #tpu.memory_space<vmem>>, vector<16xi32>,
      %add3A_389 = arith.constant 32 : i32
      %add3A_390 = arith.addi %add3A_389, %scan3A_379 : i32
      %mul3A_391 = arith.constant 10 : i32
      %mul3A_392 = arith.muli %add3A_390, %mul3A_391 : i32
      %add3A_393 = arith.constant 1 : i32
      %add3A_394 = arith.addi %mul3A_392, %add3A_393 : i32
      %mul3A_395 = arith.constant 16 : i32
      %mul3A_396 = arith.muli %add3A_394, %mul3A_395 : i32
      %get3A_397 = arith.index_cast %mul3A_396 : i32 to index
      %get3A_398 = tpu.vector_load %arg11[%get3A_397] {strides = array<i32>} : memref<20480xi32, #tpu.memory_space<vmem>>, vector<16xi32>,
      %add3A_399 = arith.constant 32 : i32
      %add3A_400 = arith.addi %add3A_399, %scan3A_379 : i32
      %mul3A_401 = arith.constant 10 : i32
      %mul3A_402 = arith.muli %add3A_400, %mul3A_401 : i32
      %add3A_403 = arith.constant 2 : i32
      %add3A_404 = arith.addi %mul3A_402, %add3A_403 : i32
      %mul3A_405 = arith.constant 16 : i32
      %mul3A_406 = arith.muli %add3A_404, %mul3A_405 : i32
      %get3A_407 = arith.index_cast %mul3A_406 : i32 to index
      %get3A_408 = tpu.vector_load %arg11[%get3A_407] {strides = array<i32>} : memref<20480xi32, #tpu.memory_space<vmem>>, vector<16xi32>,
      %add3A_409 = arith.constant 32 : i32
      %add3A_410 = arith.addi %add3A_409, %scan3A_379 : i32
      %mul3A_411 = arith.constant 10 : i32
      %mul3A_412 = arith.muli %add3A_410, %mul3A_411 : i32
      %add3A_413 = arith.constant 3 : i32
      %add3A_414 = arith.addi %mul3A_412, %add3A_413 : i32
      %mul3A_415 = arith.constant 16 : i32
      %mul3A_416 = arith.muli %add3A_414, %mul3A_415 : i32
      %get3A_417 = arith.index_cast %mul3A_416 : i32 to index
      %get3A_418 = tpu.vector_load %arg11[%get3A_417] {strides = array<i32>} : memref<20480xi32, #tpu.memory_space<vmem>>, vector<16xi32>,
      %add3A_419 = arith.constant 32 : i32
      %add3A_420 = arith.addi %add3A_419, %scan3A_379 : i32
      %mul3A_421 = arith.constant 10 : i32
      %mul3A_422 = arith.muli %add3A_420, %mul3A_421 : i32
      %add3A_423 = arith.constant 4 : i32
      %add3A_424 = arith.addi %mul3A_422, %add3A_423 : i32
      %mul3A_425 = arith.constant 16 : i32
      %mul3A_426 = arith.muli %add3A_424, %mul3A_425 : i32
      %get3A_427 = arith.index_cast %mul3A_426 : i32 to index
      %get3A_428 = tpu.vector_load %arg11[%get3A_427] {strides = array<i32>} : memref<20480xi32, #tpu.memory_space<vmem>>, vector<16xi32>,
      %add3A_429 = arith.constant 32 : i32
      %add3A_430 = arith.addi %add3A_429, %scan3A_379 : i32
      %mul3A_431 = arith.constant 10 : i32
      %mul3A_432 = arith.muli %add3A_430, %mul3A_431 : i32
      %add3A_433 = arith.constant 5 : i32
      %add3A_434 = arith.addi %mul3A_432, %add3A_433 : i32
      %mul3A_435 = arith.constant 16 : i32
      %mul3A_436 = arith.muli %add3A_434, %mul3A_435 : i32
      %get3A_437 = arith.index_cast %mul3A_436 : i32 to index
      %get3A_438 = tpu.vector_load %arg11[%get3A_437] {strides = array<i32>} : memref<20480xi32, #tpu.memory_space<vmem>>, vector<16xi32>,
      %add3A_439 = arith.constant 32 : i32
      %add3A_440 = arith.addi %add3A_439, %scan3A_379 : i32
      %mul3A_441 = arith.constant 10 : i32
      %mul3A_442 = arith.muli %add3A_440, %mul3A_441 : i32
      %add3A_443 = arith.constant 6 : i32
      %add3A_444 = arith.addi %mul3A_442, %add3A_443 : i32
      %mul3A_445 = arith.constant 16 : i32
      %mul3A_446 = arith.muli %add3A_444, %mul3A_445 : i32
      %get3A_447 = arith.index_cast %mul3A_446 : i32 to index
      %get3A_448 = tpu.vector_load %arg11[%get3A_447] {strides = array<i32>} : memref<20480xi32, #tpu.memory_space<vmem>>, vector<16xi32>,
      %add3A_449 = arith.constant 32 : i32
      %add3A_450 = arith.addi %add3A_449, %scan3A_379 : i32
      %mul3A_451 = arith.constant 10 : i32
      %mul3A_452 = arith.muli %add3A_450, %mul3A_451 : i32
      %add3A_453 = arith.constant 7 : i32
      %add3A_454 = arith.addi %mul3A_452, %add3A_453 : i32
      %mul3A_455 = arith.constant 16 : i32
      %mul3A_456 = arith.muli %add3A_454, %mul3A_455 : i32
      %get3A_457 = arith.index_cast %mul3A_456 : i32 to index
      %get3A_458 = tpu.vector_load %arg11[%get3A_457] {strides = array<i32>} : memref<20480xi32, #tpu.memory_space<vmem>>, vector<16xi32>,
      %add3A_459 = arith.constant 32 : i32
      %add3A_460 = arith.addi %add3A_459, %scan3A_379 : i32
      %mul3A_461 = arith.constant 10 : i32
      %mul3A_462 = arith.muli %add3A_460, %mul3A_461 : i32
      %add3A_463 = arith.constant 8 : i32
      %add3A_464 = arith.addi %mul3A_462, %add3A_463 : i32
      %mul3A_465 = arith.constant 16 : i32
      %mul3A_466 = arith.muli %add3A_464, %mul3A_465 : i32
      %get3A_467 = arith.index_cast %mul3A_466 : i32 to index
      %get3A_468 = tpu.vector_load %arg11[%get3A_467] {strides = array<i32>} : memref<20480xi32, #tpu.memory_space<vmem>>, vector<16xi32>,
      %add3A_469 = arith.constant 32 : i32
      %add3A_470 = arith.addi %add3A_469, %scan3A_379 : i32
      %mul3A_471 = arith.constant 10 : i32
      %mul3A_472 = arith.muli %add3A_470, %mul3A_471 : i32
      %add3A_473 = arith.constant 9 : i32
      %add3A_474 = arith.addi %mul3A_472, %add3A_473 : i32
      %mul3A_475 = arith.constant 16 : i32
      %mul3A_476 = arith.muli %add3A_474, %mul3A_475 : i32
      %get3A_477 = arith.index_cast %mul3A_476 : i32 to index
      %get3A_478 = tpu.vector_load %arg11[%get3A_477] {strides = array<i32>} : memref<20480xi32, #tpu.memory_space<vmem>>, vector<16xi32>,
      %add3A_479 = arith.constant 32 : i32
      %add3A_480 = arith.addi %add3A_479, %scan3A_379 : i32
      %mul3A_481 = arith.constant 6 : i32
      %mul3A_482 = arith.muli %add3A_480, %mul3A_481 : i32
      %add3A_483 = arith.constant 0 : i32
      %add3A_484 = arith.addi %mul3A_482, %add3A_483 : i32
      %mul3A_485 = arith.constant 16 : i32
      %mul3A_486 = arith.muli %add3A_484, %mul3A_485 : i32
      %get3A_487 = arith.index_cast %mul3A_486 : i32 to index
      %get3A_488 = tpu.vector_load %arg12[%get3A_487] {strides = array<i32>} : memref<12288xi32, #tpu.memory_space<vmem>>, vector<16xi32>,
      %add3A_489 = arith.constant 32 : i32
      %add3A_490 = arith.addi %add3A_489, %scan3A_379 : i32
      %mul3A_491 = arith.constant 6 : i32
      %mul3A_492 = arith.muli %add3A_490, %mul3A_491 : i32
      %add3A_493 = arith.constant 1 : i32
      %add3A_494 = arith.addi %mul3A_492, %add3A_493 : i32
      %mul3A_495 = arith.constant 16 : i32
      %mul3A_496 = arith.muli %add3A_494, %mul3A_495 : i32
      %get3A_497 = arith.index_cast %mul3A_496 : i32 to index
      %get3A_498 = tpu.vector_load %arg12[%get3A_497] {strides = array<i32>} : memref<12288xi32, #tpu.memory_space<vmem>>, vector<16xi32>,
      %add3A_499 = arith.constant 32 : i32
      %add3A_500 = arith.addi %add3A_499, %scan3A_379 : i32
      %mul3A_501 = arith.constant 6 : i32
      %mul3A_502 = arith.muli %add3A_500, %mul3A_501 : i32
      %add3A_503 = arith.constant 2 : i32
      %add3A_504 = arith.addi %mul3A_502, %add3A_503 : i32
      %mul3A_505 = arith.constant 16 : i32
      %mul3A_506 = arith.muli %add3A_504, %mul3A_505 : i32
      %get3A_507 = arith.index_cast %mul3A_506 : i32 to index
      %get3A_508 = tpu.vector_load %arg12[%get3A_507] {strides = array<i32>} : memref<12288xi32, #tpu.memory_space<vmem>>, vector<16xi32>,
      %add3A_509 = arith.constant 32 : i32
      %add3A_510 = arith.addi %add3A_509, %scan3A_379 : i32
      %mul3A_511 = arith.constant 6 : i32
      %mul3A_512 = arith.muli %add3A_510, %mul3A_511 : i32
      %add3A_513 = arith.constant 3 : i32
      %add3A_514 = arith.addi %mul3A_512, %add3A_513 : i32
      %mul3A_515 = arith.constant 16 : i32
      %mul3A_516 = arith.muli %add3A_514, %mul3A_515 : i32
      %get3A_517 = arith.index_cast %mul3A_516 : i32 to index
      %get3A_518 = tpu.vector_load %arg12[%get3A_517] {strides = array<i32>} : memref<12288xi32, #tpu.memory_space<vmem>>, vector<16xi32>,
      %add3A_519 = arith.constant 32 : i32
      %add3A_520 = arith.addi %add3A_519, %scan3A_379 : i32
      %mul3A_521 = arith.constant 6 : i32
      %mul3A_522 = arith.muli %add3A_520, %mul3A_521 : i32
      %add3A_523 = arith.constant 4 : i32
      %add3A_524 = arith.addi %mul3A_522, %add3A_523 : i32
      %mul3A_525 = arith.constant 16 : i32
      %mul3A_526 = arith.muli %add3A_524, %mul3A_525 : i32
      %get3A_527 = arith.index_cast %mul3A_526 : i32 to index
      %get3A_528 = tpu.vector_load %arg12[%get3A_527] {strides = array<i32>} : memref<12288xi32, #tpu.memory_space<vmem>>, vector<16xi32>,
      %add3A_529 = arith.constant 32 : i32
      %add3A_530 = arith.addi %add3A_529, %scan3A_379 : i32
      %mul3A_531 = arith.constant 6 : i32
      %mul3A_532 = arith.muli %add3A_530, %mul3A_531 : i32
      %add3A_533 = arith.constant 5 : i32
      %add3A_534 = arith.addi %mul3A_532, %add3A_533 : i32
      %mul3A_535 = arith.constant 16 : i32
      %mul3A_536 = arith.muli %add3A_534, %mul3A_535 : i32
      %get3A_537 = arith.index_cast %mul3A_536 : i32 to index
      %get3A_538 = tpu.vector_load %arg12[%get3A_537] {strides = array<i32>} : memref<12288xi32, #tpu.memory_space<vmem>>, vector<16xi32>,
      %mul3A_539 = arith.constant 10 : i32
      %mul3A_540 = arith.muli %scan3A_379, %mul3A_539 : i32
      %add3A_541 = arith.constant 0 : i32
      %add3A_542 = arith.addi %mul3A_540, %add3A_541 : i32
      %add3A_543 = vector.broadcast %add3A_542 : i32 to vector<16xi32>
      %add3A_544 = arith.addi %broadcast_in_dim3A_184, %add3A_543 : vector<16xi32>
      %mul3A_545 = arith.constant 10 : i32
      %mul3A_546 = arith.muli %scan3A_379, %mul3A_545 : i32
      %add3A_547 = arith.constant 1 : i32
      %add3A_548 = arith.addi %mul3A_546, %add3A_547 : i32
      %add3A_549 = vector.broadcast %add3A_548 : i32 to vector<16xi32>
      %add3A_550 = arith.addi %broadcast_in_dim3A_184, %add3A_549 : vector<16xi32>
      %mul3A_551 = arith.constant 10 : i32
      %mul3A_552 = arith.muli %scan3A_379, %mul3A_551 : i32
      %add3A_553 = arith.constant 2 : i32
      %add3A_554 = arith.addi %mul3A_552, %add3A_553 : i32
      %add3A_555 = vector.broadcast %add3A_554 : i32 to vector<16xi32>
      %add3A_556 = arith.addi %broadcast_in_dim3A_184, %add3A_555 : vector<16xi32>
      %mul3A_557 = arith.constant 10 : i32
      %mul3A_558 = arith.muli %scan3A_379, %mul3A_557 : i32
      %add3A_559 = arith.constant 3 : i32
      %add3A_560 = arith.addi %mul3A_558, %add3A_559 : i32
      %add3A_561 = vector.broadcast %add3A_560 : i32 to vector<16xi32>
      %add3A_562 = arith.addi %broadcast_in_dim3A_184, %add3A_561 : vector<16xi32>
      %mul3A_563 = arith.constant 10 : i32
      %mul3A_564 = arith.muli %scan3A_379, %mul3A_563 : i32
      %add3A_565 = arith.constant 4 : i32
      %add3A_566 = arith.addi %mul3A_564, %add3A_565 : i32
      %add3A_567 = vector.broadcast %add3A_566 : i32 to vector<16xi32>
      %add3A_568 = arith.addi %broadcast_in_dim3A_184, %add3A_567 : vector<16xi32>
      %mul3A_569 = arith.constant 10 : i32
      %mul3A_570 = arith.muli %scan3A_379, %mul3A_569 : i32
      %add3A_571 = arith.constant 5 : i32
      %add3A_572 = arith.addi %mul3A_570, %add3A_571 : i32
      %add3A_573 = vector.broadcast %add3A_572 : i32 to vector<16xi32>
      %add3A_574 = arith.addi %broadcast_in_dim3A_184, %add3A_573 : vector<16xi32>
      %mul3A_575 = arith.constant 10 : i32
      %mul3A_576 = arith.muli %scan3A_379, %mul3A_575 : i32
      %add3A_577 = arith.constant 6 : i32
      %add3A_578 = arith.addi %mul3A_576, %add3A_577 : i32
      %add3A_579 = vector.broadcast %add3A_578 : i32 to vector<16xi32>
      %add3A_580 = arith.addi %broadcast_in_dim3A_184, %add3A_579 : vector<16xi32>
      %mul3A_581 = arith.constant 10 : i32
      %mul3A_582 = arith.muli %scan3A_379, %mul3A_581 : i32
      %add3A_583 = arith.constant 7 : i32
      %add3A_584 = arith.addi %mul3A_582, %add3A_583 : i32
      %add3A_585 = vector.broadcast %add3A_584 : i32 to vector<16xi32>
      %add3A_586 = arith.addi %broadcast_in_dim3A_184, %add3A_585 : vector<16xi32>
      %mul3A_587 = arith.constant 10 : i32
      %mul3A_588 = arith.muli %scan3A_379, %mul3A_587 : i32
      %add3A_589 = arith.constant 8 : i32
      %add3A_590 = arith.addi %mul3A_588, %add3A_589 : i32
      %add3A_591 = vector.broadcast %add3A_590 : i32 to vector<16xi32>
      %add3A_592 = arith.addi %broadcast_in_dim3A_184, %add3A_591 : vector<16xi32>
      %mul3A_593 = arith.constant 10 : i32
      %mul3A_594 = arith.muli %scan3A_379, %mul3A_593 : i32
      %add3A_595 = arith.constant 9 : i32
      %add3A_596 = arith.addi %mul3A_594, %add3A_595 : i32
      %add3A_597 = vector.broadcast %add3A_596 : i32 to vector<16xi32>
      %add3A_598 = arith.addi %broadcast_in_dim3A_184, %add3A_597 : vector<16xi32>
      %mul3A_599 = arith.constant 6 : i32
      %mul3A_600 = arith.muli %scan3A_379, %mul3A_599 : i32
      %add3A_601 = arith.constant 0 : i32
      %add3A_602 = arith.addi %mul3A_600, %add3A_601 : i32
      %add3A_603 = vector.broadcast %add3A_602 : i32 to vector<16xi32>
      %add3A_604 = arith.addi %broadcast_in_dim3A_184, %add3A_603 : vector<16xi32>
      %mul3A_605 = arith.constant 6 : i32
      %mul3A_606 = arith.muli %scan3A_379, %mul3A_605 : i32
      %add3A_607 = arith.constant 1 : i32
      %add3A_608 = arith.addi %mul3A_606, %add3A_607 : i32
      %add3A_609 = vector.broadcast %add3A_608 : i32 to vector<16xi32>
      %add3A_610 = arith.addi %broadcast_in_dim3A_184, %add3A_609 : vector<16xi32>
      %mul3A_611 = arith.constant 6 : i32
      %mul3A_612 = arith.muli %scan3A_379, %mul3A_611 : i32
      %add3A_613 = arith.constant 2 : i32
      %add3A_614 = arith.addi %mul3A_612, %add3A_613 : i32
      %add3A_615 = vector.broadcast %add3A_614 : i32 to vector<16xi32>
      %add3A_616 = arith.addi %broadcast_in_dim3A_184, %add3A_615 : vector<16xi32>
      %mul3A_617 = arith.constant 6 : i32
      %mul3A_618 = arith.muli %scan3A_379, %mul3A_617 : i32
      %add3A_619 = arith.constant 3 : i32
      %add3A_620 = arith.addi %mul3A_618, %add3A_619 : i32
      %add3A_621 = vector.broadcast %add3A_620 : i32 to vector<16xi32>
      %add3A_622 = arith.addi %broadcast_in_dim3A_184, %add3A_621 : vector<16xi32>
      %mul3A_623 = arith.constant 6 : i32
      %mul3A_624 = arith.muli %scan3A_379, %mul3A_623 : i32
      %add3A_625 = arith.constant 4 : i32
      %add3A_626 = arith.addi %mul3A_624, %add3A_625 : i32
      %add3A_627 = vector.broadcast %add3A_626 : i32 to vector<16xi32>
      %add3A_628 = arith.addi %broadcast_in_dim3A_184, %add3A_627 : vector<16xi32>
      %mul3A_629 = arith.constant 6 : i32
      %mul3A_630 = arith.muli %scan3A_379, %mul3A_629 : i32
      %add3A_631 = arith.constant 5 : i32
      %add3A_632 = arith.addi %mul3A_630, %add3A_631 : i32
      %add3A_633 = vector.broadcast %add3A_632 : i32 to vector<16xi32>
      %add3A_634 = arith.addi %broadcast_in_dim3A_184, %add3A_633 : vector<16xi32>
      %add3A_635 = arith.constant 0 : i32
      %add3A_636 = vector.broadcast %add3A_635 : i32 to vector<16xi32>
      %add3A_637 = arith.addi %get3A_388, %add3A_636 : vector<16xi32>
      %gather3A = tpu.vector_load_idx %arg13[%add3A_544, %add3A_637] : memref<320x128xf32, #tpu.memory_space<vmem>>[vector<16xi32>, vector<16xi32>], vector<16xf32>,
      %add3A_638 = arith.constant 0 : i32
      %add3A_639 = vector.broadcast %add3A_638 : i32 to vector<16xi32>
      %add3A_640 = arith.addi %get3A_398, %add3A_639 : vector<16xi32>
      %gather3A_641 = tpu.vector_load_idx %arg13[%add3A_550, %add3A_640] : memref<320x128xf32, #tpu.memory_space<vmem>>[vector<16xi32>, vector<16xi32>], vector<16xf32>,
      %add3A_642 = arith.addf %gather3A, %gather3A_641 : vector<16xf32>
      %add3A_643 = arith.constant 0 : i32
      %add3A_644 = vector.broadcast %add3A_643 : i32 to vector<16xi32>
      %add3A_645 = arith.addi %get3A_408, %add3A_644 : vector<16xi32>
      %gather3A_646 = tpu.vector_load_idx %arg13[%add3A_556, %add3A_645] : memref<320x128xf32, #tpu.memory_space<vmem>>[vector<16xi32>, vector<16xi32>], vector<16xf32>,
      %add3A_647 = arith.addf %add3A_642, %gather3A_646 : vector<16xf32>
      %add3A_648 = arith.constant 0 : i32
      %add3A_649 = vector.broadcast %add3A_648 : i32 to vector<16xi32>
      %add3A_650 = arith.addi %get3A_418, %add3A_649 : vector<16xi32>
      %gather3A_651 = tpu.vector_load_idx %arg13[%add3A_562, %add3A_650] : memref<320x128xf32, #tpu.memory_space<vmem>>[vector<16xi32>, vector<16xi32>], vector<16xf32>,
      %add3A_652 = arith.addf %add3A_647, %gather3A_651 : vector<16xf32>
      %add3A_653 = arith.constant 0 : i32
      %add3A_654 = vector.broadcast %add3A_653 : i32 to vector<16xi32>
      %add3A_655 = arith.addi %get3A_428, %add3A_654 : vector<16xi32>
      %gather3A_656 = tpu.vector_load_idx %arg13[%add3A_568, %add3A_655] : memref<320x128xf32, #tpu.memory_space<vmem>>[vector<16xi32>, vector<16xi32>], vector<16xf32>,
      %add3A_657 = arith.addf %add3A_652, %gather3A_656 : vector<16xf32>
      %add3A_658 = arith.constant 0 : i32
      %add3A_659 = vector.broadcast %add3A_658 : i32 to vector<16xi32>
      %add3A_660 = arith.addi %get3A_438, %add3A_659 : vector<16xi32>
      %gather3A_661 = tpu.vector_load_idx %arg13[%add3A_574, %add3A_660] : memref<320x128xf32, #tpu.memory_space<vmem>>[vector<16xi32>, vector<16xi32>], vector<16xf32>,
      %add3A_662 = arith.addf %add3A_657, %gather3A_661 : vector<16xf32>
      %add3A_663 = arith.constant 0 : i32
      %add3A_664 = vector.broadcast %add3A_663 : i32 to vector<16xi32>
      %add3A_665 = arith.addi %get3A_448, %add3A_664 : vector<16xi32>
      %gather3A_666 = tpu.vector_load_idx %arg13[%add3A_580, %add3A_665] : memref<320x128xf32, #tpu.memory_space<vmem>>[vector<16xi32>, vector<16xi32>], vector<16xf32>,
      %add3A_667 = arith.addf %add3A_662, %gather3A_666 : vector<16xf32>
      %add3A_668 = arith.constant 0 : i32
      %add3A_669 = vector.broadcast %add3A_668 : i32 to vector<16xi32>
      %add3A_670 = arith.addi %get3A_458, %add3A_669 : vector<16xi32>
      %gather3A_671 = tpu.vector_load_idx %arg13[%add3A_586, %add3A_670] : memref<320x128xf32, #tpu.memory_space<vmem>>[vector<16xi32>, vector<16xi32>], vector<16xf32>,
      %add3A_672 = arith.addf %add3A_667, %gather3A_671 : vector<16xf32>
      %add3A_673 = arith.constant 0 : i32
      %add3A_674 = vector.broadcast %add3A_673 : i32 to vector<16xi32>
      %add3A_675 = arith.addi %get3A_468, %add3A_674 : vector<16xi32>
      %gather3A_676 = tpu.vector_load_idx %arg13[%add3A_592, %add3A_675] : memref<320x128xf32, #tpu.memory_space<vmem>>[vector<16xi32>, vector<16xi32>], vector<16xf32>,
      %add3A_677 = arith.addf %add3A_672, %gather3A_676 : vector<16xf32>
      %add3A_678 = arith.constant 0 : i32
      %add3A_679 = vector.broadcast %add3A_678 : i32 to vector<16xi32>
      %add3A_680 = arith.addi %get3A_478, %add3A_679 : vector<16xi32>
      %gather3A_681 = tpu.vector_load_idx %arg13[%add3A_598, %add3A_680] : memref<320x128xf32, #tpu.memory_space<vmem>>[vector<16xi32>, vector<16xi32>], vector<16xf32>,
      %add3A_682 = arith.addf %add3A_677, %gather3A_681 : vector<16xf32>
      %add3A_683 = arith.constant 16 : i32
      %add3A_684 = vector.broadcast %add3A_683 : i32 to vector<16xi32>
      %add3A_685 = arith.addi %get3A_388, %add3A_684 : vector<16xi32>
      %gather3A_686 = tpu.vector_load_idx %arg13[%add3A_544, %add3A_685] : memref<320x128xf32, #tpu.memory_space<vmem>>[vector<16xi32>, vector<16xi32>], vector<16xf32>,
      %add3A_687 = arith.constant 16 : i32
      %add3A_688 = vector.broadcast %add3A_687 : i32 to vector<16xi32>
      %add3A_689 = arith.addi %get3A_398, %add3A_688 : vector<16xi32>
      %gather3A_690 = tpu.vector_load_idx %arg13[%add3A_550, %add3A_689] : memref<320x128xf32, #tpu.memory_space<vmem>>[vector<16xi32>, vector<16xi32>], vector<16xf32>,
      %add3A_691 = arith.addf %gather3A_686, %gather3A_690 : vector<16xf32>
      %add3A_692 = arith.constant 16 : i32
      %add3A_693 = vector.broadcast %add3A_692 : i32 to vector<16xi32>
      %add3A_694 = arith.addi %get3A_408, %add3A_693 : vector<16xi32>
      %gather3A_695 = tpu.vector_load_idx %arg13[%add3A_556, %add3A_694] : memref<320x128xf32, #tpu.memory_space<vmem>>[vector<16xi32>, vector<16xi32>], vector<16xf32>,
      %add3A_696 = arith.addf %add3A_691, %gather3A_695 : vector<16xf32>
      %add3A_697 = arith.constant 16 : i32
      %add3A_698 = vector.broadcast %add3A_697 : i32 to vector<16xi32>
      %add3A_699 = arith.addi %get3A_418, %add3A_698 : vector<16xi32>
      %gather3A_700 = tpu.vector_load_idx %arg13[%add3A_562, %add3A_699] : memref<320x128xf32, #tpu.memory_space<vmem>>[vector<16xi32>, vector<16xi32>], vector<16xf32>,
      %add3A_701 = arith.addf %add3A_696, %gather3A_700 : vector<16xf32>
      %add3A_702 = arith.constant 16 : i32
      %add3A_703 = vector.broadcast %add3A_702 : i32 to vector<16xi32>
      %add3A_704 = arith.addi %get3A_428, %add3A_703 : vector<16xi32>
      %gather3A_705 = tpu.vector_load_idx %arg13[%add3A_568, %add3A_704] : memref<320x128xf32, #tpu.memory_space<vmem>>[vector<16xi32>, vector<16xi32>], vector<16xf32>,
      %add3A_706 = arith.addf %add3A_701, %gather3A_705 : vector<16xf32>
      %add3A_707 = arith.constant 16 : i32
      %add3A_708 = vector.broadcast %add3A_707 : i32 to vector<16xi32>
      %add3A_709 = arith.addi %get3A_438, %add3A_708 : vector<16xi32>
      %gather3A_710 = tpu.vector_load_idx %arg13[%add3A_574, %add3A_709] : memref<320x128xf32, #tpu.memory_space<vmem>>[vector<16xi32>, vector<16xi32>], vector<16xf32>,
      %add3A_711 = arith.addf %add3A_706, %gather3A_710 : vector<16xf32>
      %add3A_712 = arith.constant 16 : i32
      %add3A_713 = vector.broadcast %add3A_712 : i32 to vector<16xi32>
      %add3A_714 = arith.addi %get3A_448, %add3A_713 : vector<16xi32>
      %gather3A_715 = tpu.vector_load_idx %arg13[%add3A_580, %add3A_714] : memref<320x128xf32, #tpu.memory_space<vmem>>[vector<16xi32>, vector<16xi32>], vector<16xf32>,
      %add3A_716 = arith.addf %add3A_711, %gather3A_715 : vector<16xf32>
      %add3A_717 = arith.constant 16 : i32
      %add3A_718 = vector.broadcast %add3A_717 : i32 to vector<16xi32>
      %add3A_719 = arith.addi %get3A_458, %add3A_718 : vector<16xi32>
      %gather3A_720 = tpu.vector_load_idx %arg13[%add3A_586, %add3A_719] : memref<320x128xf32, #tpu.memory_space<vmem>>[vector<16xi32>, vector<16xi32>], vector<16xf32>,
      %add3A_721 = arith.addf %add3A_716, %gather3A_720 : vector<16xf32>
      %add3A_722 = arith.constant 16 : i32
      %add3A_723 = vector.broadcast %add3A_722 : i32 to vector<16xi32>
      %add3A_724 = arith.addi %get3A_468, %add3A_723 : vector<16xi32>
      %gather3A_725 = tpu.vector_load_idx %arg13[%add3A_592, %add3A_724] : memref<320x128xf32, #tpu.memory_space<vmem>>[vector<16xi32>, vector<16xi32>], vector<16xf32>,
      %add3A_726 = arith.addf %add3A_721, %gather3A_725 : vector<16xf32>
      %add3A_727 = arith.constant 16 : i32
      %add3A_728 = vector.broadcast %add3A_727 : i32 to vector<16xi32>
      %add3A_729 = arith.addi %get3A_478, %add3A_728 : vector<16xi32>
      %gather3A_730 = tpu.vector_load_idx %arg13[%add3A_598, %add3A_729] : memref<320x128xf32, #tpu.memory_space<vmem>>[vector<16xi32>, vector<16xi32>], vector<16xf32>,
      %add3A_731 = arith.addf %add3A_726, %gather3A_730 : vector<16xf32>
      %add3A_732 = arith.constant 32 : i32
      %add3A_733 = vector.broadcast %add3A_732 : i32 to vector<16xi32>
      %add3A_734 = arith.addi %get3A_388, %add3A_733 : vector<16xi32>
      %gather3A_735 = tpu.vector_load_idx %arg13[%add3A_544, %add3A_734] : memref<320x128xf32, #tpu.memory_space<vmem>>[vector<16xi32>, vector<16xi32>], vector<16xf32>,
      %add3A_736 = arith.constant 32 : i32
      %add3A_737 = vector.broadcast %add3A_736 : i32 to vector<16xi32>
      %add3A_738 = arith.addi %get3A_398, %add3A_737 : vector<16xi32>
      %gather3A_739 = tpu.vector_load_idx %arg13[%add3A_550, %add3A_738] : memref<320x128xf32, #tpu.memory_space<vmem>>[vector<16xi32>, vector<16xi32>], vector<16xf32>,
      %add3A_740 = arith.addf %gather3A_735, %gather3A_739 : vector<16xf32>
      %add3A_741 = arith.constant 32 : i32
      %add3A_742 = vector.broadcast %add3A_741 : i32 to vector<16xi32>
      %add3A_743 = arith.addi %get3A_408, %add3A_742 : vector<16xi32>
      %gather3A_744 = tpu.vector_load_idx %arg13[%add3A_556, %add3A_743] : memref<320x128xf32, #tpu.memory_space<vmem>>[vector<16xi32>, vector<16xi32>], vector<16xf32>,
      %add3A_745 = arith.addf %add3A_740, %gather3A_744 : vector<16xf32>
      %add3A_746 = arith.constant 32 : i32
      %add3A_747 = vector.broadcast %add3A_746 : i32 to vector<16xi32>
      %add3A_748 = arith.addi %get3A_418, %add3A_747 : vector<16xi32>
      %gather3A_749 = tpu.vector_load_idx %arg13[%add3A_562, %add3A_748] : memref<320x128xf32, #tpu.memory_space<vmem>>[vector<16xi32>, vector<16xi32>], vector<16xf32>,
      %add3A_750 = arith.addf %add3A_745, %gather3A_749 : vector<16xf32>
      %add3A_751 = arith.constant 32 : i32
      %add3A_752 = vector.broadcast %add3A_751 : i32 to vector<16xi32>
      %add3A_753 = arith.addi %get3A_428, %add3A_752 : vector<16xi32>
      %gather3A_754 = tpu.vector_load_idx %arg13[%add3A_568, %add3A_753] : memref<320x128xf32, #tpu.memory_space<vmem>>[vector<16xi32>, vector<16xi32>], vector<16xf32>,
      %add3A_755 = arith.addf %add3A_750, %gather3A_754 : vector<16xf32>
      %add3A_756 = arith.constant 32 : i32
      %add3A_757 = vector.broadcast %add3A_756 : i32 to vector<16xi32>
      %add3A_758 = arith.addi %get3A_438, %add3A_757 : vector<16xi32>
      %gather3A_759 = tpu.vector_load_idx %arg13[%add3A_574, %add3A_758] : memref<320x128xf32, #tpu.memory_space<vmem>>[vector<16xi32>, vector<16xi32>], vector<16xf32>,
      %add3A_760 = arith.addf %add3A_755, %gather3A_759 : vector<16xf32>
      %add3A_761 = arith.constant 32 : i32
      %add3A_762 = vector.broadcast %add3A_761 : i32 to vector<16xi32>
      %add3A_763 = arith.addi %get3A_448, %add3A_762 : vector<16xi32>
      %gather3A_764 = tpu.vector_load_idx %arg13[%add3A_580, %add3A_763] : memref<320x128xf32, #tpu.memory_space<vmem>>[vector<16xi32>, vector<16xi32>], vector<16xf32>,
      %add3A_765 = arith.addf %add3A_760, %gather3A_764 : vector<16xf32>
      %add3A_766 = arith.constant 32 : i32
      %add3A_767 = vector.broadcast %add3A_766 : i32 to vector<16xi32>
      %add3A_768 = arith.addi %get3A_458, %add3A_767 : vector<16xi32>
      %gather3A_769 = tpu.vector_load_idx %arg13[%add3A_586, %add3A_768] : memref<320x128xf32, #tpu.memory_space<vmem>>[vector<16xi32>, vector<16xi32>], vector<16xf32>,
      %add3A_770 = arith.addf %add3A_765, %gather3A_769 : vector<16xf32>
      %add3A_771 = arith.constant 32 : i32
      %add3A_772 = vector.broadcast %add3A_771 : i32 to vector<16xi32>
      %add3A_773 = arith.addi %get3A_468, %add3A_772 : vector<16xi32>
      %gather3A_774 = tpu.vector_load_idx %arg13[%add3A_592, %add3A_773] : memref<320x128xf32, #tpu.memory_space<vmem>>[vector<16xi32>, vector<16xi32>], vector<16xf32>,
      %add3A_775 = arith.addf %add3A_770, %gather3A_774 : vector<16xf32>
      %add3A_776 = arith.constant 32 : i32
      %add3A_777 = vector.broadcast %add3A_776 : i32 to vector<16xi32>
      %add3A_778 = arith.addi %get3A_478, %add3A_777 : vector<16xi32>
      %gather3A_779 = tpu.vector_load_idx %arg13[%add3A_598, %add3A_778] : memref<320x128xf32, #tpu.memory_space<vmem>>[vector<16xi32>, vector<16xi32>], vector<16xf32>,
      %add3A_780 = arith.addf %add3A_775, %gather3A_779 : vector<16xf32>
      %add3A_781 = arith.constant 48 : i32
      %add3A_782 = vector.broadcast %add3A_781 : i32 to vector<16xi32>
      %add3A_783 = arith.addi %get3A_388, %add3A_782 : vector<16xi32>
      %gather3A_784 = tpu.vector_load_idx %arg13[%add3A_544, %add3A_783] : memref<320x128xf32, #tpu.memory_space<vmem>>[vector<16xi32>, vector<16xi32>], vector<16xf32>,
      %add3A_785 = arith.constant 48 : i32
      %add3A_786 = vector.broadcast %add3A_785 : i32 to vector<16xi32>
      %add3A_787 = arith.addi %get3A_398, %add3A_786 : vector<16xi32>
      %gather3A_788 = tpu.vector_load_idx %arg13[%add3A_550, %add3A_787] : memref<320x128xf32, #tpu.memory_space<vmem>>[vector<16xi32>, vector<16xi32>], vector<16xf32>,
      %add3A_789 = arith.addf %gather3A_784, %gather3A_788 : vector<16xf32>
      %add3A_790 = arith.constant 48 : i32
      %add3A_791 = vector.broadcast %add3A_790 : i32 to vector<16xi32>
      %add3A_792 = arith.addi %get3A_408, %add3A_791 : vector<16xi32>
      %gather3A_793 = tpu.vector_load_idx %arg13[%add3A_556, %add3A_792] : memref<320x128xf32, #tpu.memory_space<vmem>>[vector<16xi32>, vector<16xi32>], vector<16xf32>,
      %add3A_794 = arith.addf %add3A_789, %gather3A_793 : vector<16xf32>
      %add3A_795 = arith.constant 48 : i32
      %add3A_796 = vector.broadcast %add3A_795 : i32 to vector<16xi32>
      %add3A_797 = arith.addi %get3A_418, %add3A_796 : vector<16xi32>
      %gather3A_798 = tpu.vector_load_idx %arg13[%add3A_562, %add3A_797] : memref<320x128xf32, #tpu.memory_space<vmem>>[vector<16xi32>, vector<16xi32>], vector<16xf32>,
      %add3A_799 = arith.addf %add3A_794, %gather3A_798 : vector<16xf32>
      %add3A_800 = arith.constant 48 : i32
      %add3A_801 = vector.broadcast %add3A_800 : i32 to vector<16xi32>
      %add3A_802 = arith.addi %get3A_428, %add3A_801 : vector<16xi32>
      %gather3A_803 = tpu.vector_load_idx %arg13[%add3A_568, %add3A_802] : memref<320x128xf32, #tpu.memory_space<vmem>>[vector<16xi32>, vector<16xi32>], vector<16xf32>,
      %add3A_804 = arith.addf %add3A_799, %gather3A_803 : vector<16xf32>
      %add3A_805 = arith.constant 48 : i32
      %add3A_806 = vector.broadcast %add3A_805 : i32 to vector<16xi32>
      %add3A_807 = arith.addi %get3A_438, %add3A_806 : vector<16xi32>
      %gather3A_808 = tpu.vector_load_idx %arg13[%add3A_574, %add3A_807] : memref<320x128xf32, #tpu.memory_space<vmem>>[vector<16xi32>, vector<16xi32>], vector<16xf32>,
      %add3A_809 = arith.addf %add3A_804, %gather3A_808 : vector<16xf32>
      %add3A_810 = arith.constant 48 : i32
      %add3A_811 = vector.broadcast %add3A_810 : i32 to vector<16xi32>
      %add3A_812 = arith.addi %get3A_448, %add3A_811 : vector<16xi32>
      %gather3A_813 = tpu.vector_load_idx %arg13[%add3A_580, %add3A_812] : memref<320x128xf32, #tpu.memory_space<vmem>>[vector<16xi32>, vector<16xi32>], vector<16xf32>,
      %add3A_814 = arith.addf %add3A_809, %gather3A_813 : vector<16xf32>
      %add3A_815 = arith.constant 48 : i32
      %add3A_816 = vector.broadcast %add3A_815 : i32 to vector<16xi32>
      %add3A_817 = arith.addi %get3A_458, %add3A_816 : vector<16xi32>
      %gather3A_818 = tpu.vector_load_idx %arg13[%add3A_586, %add3A_817] : memref<320x128xf32, #tpu.memory_space<vmem>>[vector<16xi32>, vector<16xi32>], vector<16xf32>,
      %add3A_819 = arith.addf %add3A_814, %gather3A_818 : vector<16xf32>
      %add3A_820 = arith.constant 48 : i32
      %add3A_821 = vector.broadcast %add3A_820 : i32 to vector<16xi32>
      %add3A_822 = arith.addi %get3A_468, %add3A_821 : vector<16xi32>
      %gather3A_823 = tpu.vector_load_idx %arg13[%add3A_592, %add3A_822] : memref<320x128xf32, #tpu.memory_space<vmem>>[vector<16xi32>, vector<16xi32>], vector<16xf32>,
      %add3A_824 = arith.addf %add3A_819, %gather3A_823 : vector<16xf32>
      %add3A_825 = arith.constant 48 : i32
      %add3A_826 = vector.broadcast %add3A_825 : i32 to vector<16xi32>
      %add3A_827 = arith.addi %get3A_478, %add3A_826 : vector<16xi32>
      %gather3A_828 = tpu.vector_load_idx %arg13[%add3A_598, %add3A_827] : memref<320x128xf32, #tpu.memory_space<vmem>>[vector<16xi32>, vector<16xi32>], vector<16xf32>,
      %add3A_829 = arith.addf %add3A_824, %gather3A_828 : vector<16xf32>
      %gather3A_830 = tpu.vector_load_idx %arg14[%add3A_604, %get3A_488] : memref<192x128xf32, #tpu.memory_space<vmem>>[vector<16xi32>, vector<16xi32>], vector<16xf32>,
      %mul3A_831 = arith.mulf %add3A_682, %gather3A_830 : vector<16xf32>
      %add3A_832 = arith.constant 16 : i32
      %add3A_833 = vector.broadcast %add3A_832 : i32 to vector<16xi32>
      %add3A_834 = arith.addi %get3A_488, %add3A_833 : vector<16xi32>
      %gather3A_835 = tpu.vector_load_idx %arg14[%add3A_604, %add3A_834] : memref<192x128xf32, #tpu.memory_space<vmem>>[vector<16xi32>, vector<16xi32>], vector<16xf32>,
      %mul3A_836 = arith.mulf %add3A_731, %gather3A_835 : vector<16xf32>
      %add3A_837 = arith.addf %mul3A_831, %mul3A_836 : vector<16xf32>
      %add3A_838 = arith.constant 32 : i32
      %add3A_839 = vector.broadcast %add3A_838 : i32 to vector<16xi32>
      %add3A_840 = arith.addi %get3A_488, %add3A_839 : vector<16xi32>
      %gather3A_841 = tpu.vector_load_idx %arg14[%add3A_604, %add3A_840] : memref<192x128xf32, #tpu.memory_space<vmem>>[vector<16xi32>, vector<16xi32>], vector<16xf32>,
      %mul3A_842 = arith.mulf %add3A_780, %gather3A_841 : vector<16xf32>
      %add3A_843 = arith.addf %add3A_837, %mul3A_842 : vector<16xf32>
      %add3A_844 = arith.constant 48 : i32
      %add3A_845 = vector.broadcast %add3A_844 : i32 to vector<16xi32>
      %add3A_846 = arith.addi %get3A_488, %add3A_845 : vector<16xi32>
      %gather3A_847 = tpu.vector_load_idx %arg14[%add3A_604, %add3A_846] : memref<192x128xf32, #tpu.memory_space<vmem>>[vector<16xi32>, vector<16xi32>], vector<16xf32>,
      %mul3A_848 = arith.mulf %add3A_829, %gather3A_847 : vector<16xf32>
      %add3A_849 = arith.addf %add3A_843, %mul3A_848 : vector<16xf32>
      %mul3A_850 = arith.constant 6 : i32
      %mul3A_851 = arith.muli %scan3A_379, %mul3A_850 : i32
      %add3A_852 = arith.constant 0 : i32
      %add3A_853 = arith.addi %mul3A_851, %add3A_852 : i32
      %swap3A = arith.index_cast %add3A_853 : i32 to index
      %swap3A_854 = arith.constant 0 : index
      %swap3A_855 = tpu.vector_load %arg15[%swap3A, %swap3A_854] {strides = array<i32>} : memref<192x16xf32, #tpu.memory_space<vmem>>, vector<16xf32>,
      tpu.vector_store %arg15[%swap3A, %swap3A_854], %add3A_849 {strides = array<i32>} : memref<192x16xf32, #tpu.memory_space<vmem>>, vector<16xf32>,
      %gather3A_856 = tpu.vector_load_idx %arg14[%add3A_610, %get3A_498] : memref<192x128xf32, #tpu.memory_space<vmem>>[vector<16xi32>, vector<16xi32>], vector<16xf32>,
      %mul3A_857 = arith.mulf %add3A_682, %gather3A_856 : vector<16xf32>
      %add3A_858 = arith.constant 16 : i32
      %add3A_859 = vector.broadcast %add3A_858 : i32 to vector<16xi32>
      %add3A_860 = arith.addi %get3A_498, %add3A_859 : vector<16xi32>
      %gather3A_861 = tpu.vector_load_idx %arg14[%add3A_610, %add3A_860] : memref<192x128xf32, #tpu.memory_space<vmem>>[vector<16xi32>, vector<16xi32>], vector<16xf32>,
      %mul3A_862 = arith.mulf %add3A_731, %gather3A_861 : vector<16xf32>
      %add3A_863 = arith.addf %mul3A_857, %mul3A_862 : vector<16xf32>
      %add3A_864 = arith.constant 32 : i32
      %add3A_865 = vector.broadcast %add3A_864 : i32 to vector<16xi32>
      %add3A_866 = arith.addi %get3A_498, %add3A_865 : vector<16xi32>
      %gather3A_867 = tpu.vector_load_idx %arg14[%add3A_610, %add3A_866] : memref<192x128xf32, #tpu.memory_space<vmem>>[vector<16xi32>, vector<16xi32>], vector<16xf32>,
      %mul3A_868 = arith.mulf %add3A_780, %gather3A_867 : vector<16xf32>
      %add3A_869 = arith.addf %add3A_863, %mul3A_868 : vector<16xf32>
      %add3A_870 = arith.constant 48 : i32
      %add3A_871 = vector.broadcast %add3A_870 : i32 to vector<16xi32>
      %add3A_872 = arith.addi %get3A_498, %add3A_871 : vector<16xi32>
      %gather3A_873 = tpu.vector_load_idx %arg14[%add3A_610, %add3A_872] : memref<192x128xf32, #tpu.memory_space<vmem>>[vector<16xi32>, vector<16xi32>], vector<16xf32>,
      %mul3A_874 = arith.mulf %add3A_829, %gather3A_873 : vector<16xf32>
      %add3A_875 = arith.addf %add3A_869, %mul3A_874 : vector<16xf32>
      %neg3A = arith.constant 0.000000e+00 : f32
      %neg3A_876 = vector.broadcast %neg3A : f32 to vector<16xf32>
      %neg3A_877 = arith.subf %neg3A_876, %add3A_875 : vector<16xf32>
      %mul3A_878 = arith.constant 6 : i32
      %mul3A_879 = arith.muli %scan3A_379, %mul3A_878 : i32
      %add3A_880 = arith.constant 1 : i32
      %add3A_881 = arith.addi %mul3A_879, %add3A_880 : i32
      %swap3A_882 = arith.index_cast %add3A_881 : i32 to index
      %swap3A_883 = arith.constant 0 : index
      %swap3A_884 = tpu.vector_load %arg15[%swap3A_882, %swap3A_883] {strides = array<i32>} : memref<192x16xf32, #tpu.memory_space<vmem>>, vector<16xf32>,
      tpu.vector_store %arg15[%swap3A_882, %swap3A_883], %neg3A_877 {strides = array<i32>} : memref<192x16xf32, #tpu.memory_space<vmem>>, vector<16xf32>,
      %gather3A_885 = tpu.vector_load_idx %arg14[%add3A_616, %get3A_508] : memref<192x128xf32, #tpu.memory_space<vmem>>[vector<16xi32>, vector<16xi32>], vector<16xf32>,
      %mul3A_886 = arith.mulf %add3A_682, %gather3A_885 : vector<16xf32>
      %add3A_887 = arith.constant 16 : i32
      %add3A_888 = vector.broadcast %add3A_887 : i32 to vector<16xi32>
      %add3A_889 = arith.addi %get3A_508, %add3A_888 : vector<16xi32>
      %gather3A_890 = tpu.vector_load_idx %arg14[%add3A_616, %add3A_889] : memref<192x128xf32, #tpu.memory_space<vmem>>[vector<16xi32>, vector<16xi32>], vector<16xf32>,
      %mul3A_891 = arith.mulf %add3A_731, %gather3A_890 : vector<16xf32>
      %add3A_892 = arith.addf %mul3A_886, %mul3A_891 : vector<16xf32>
      %add3A_893 = arith.constant 32 : i32
      %add3A_894 = vector.broadcast %add3A_893 : i32 to vector<16xi32>
      %add3A_895 = arith.addi %get3A_508, %add3A_894 : vector<16xi32>
      %gather3A_896 = tpu.vector_load_idx %arg14[%add3A_616, %add3A_895] : memref<192x128xf32, #tpu.memory_space<vmem>>[vector<16xi32>, vector<16xi32>], vector<16xf32>,
      %mul3A_897 = arith.mulf %add3A_780, %gather3A_896 : vector<16xf32>
      %add3A_898 = arith.addf %add3A_892, %mul3A_897 : vector<16xf32>
      %add3A_899 = arith.constant 48 : i32
      %add3A_900 = vector.broadcast %add3A_899 : i32 to vector<16xi32>
      %add3A_901 = arith.addi %get3A_508, %add3A_900 : vector<16xi32>
      %gather3A_902 = tpu.vector_load_idx %arg14[%add3A_616, %add3A_901] : memref<192x128xf32, #tpu.memory_space<vmem>>[vector<16xi32>, vector<16xi32>], vector<16xf32>,
      %mul3A_903 = arith.mulf %add3A_829, %gather3A_902 : vector<16xf32>
      %add3A_904 = arith.addf %add3A_898, %mul3A_903 : vector<16xf32>
      %neg3A_905 = arith.constant 0.000000e+00 : f32
      %neg3A_906 = vector.broadcast %neg3A_905 : f32 to vector<16xf32>
      %neg3A_907 = arith.subf %neg3A_906, %add3A_904 : vector<16xf32>
      %mul3A_908 = arith.constant 6 : i32
      %mul3A_909 = arith.muli %scan3A_379, %mul3A_908 : i32
      %add3A_910 = arith.constant 2 : i32
      %add3A_911 = arith.addi %mul3A_909, %add3A_910 : i32
      %swap3A_912 = arith.index_cast %add3A_911 : i32 to index
      %swap3A_913 = arith.constant 0 : index
      %swap3A_914 = tpu.vector_load %arg15[%swap3A_912, %swap3A_913] {strides = array<i32>} : memref<192x16xf32, #tpu.memory_space<vmem>>, vector<16xf32>,
      tpu.vector_store %arg15[%swap3A_912, %swap3A_913], %neg3A_907 {strides = array<i32>} : memref<192x16xf32, #tpu.memory_space<vmem>>, vector<16xf32>,
      %gather3A_915 = tpu.vector_load_idx %arg14[%add3A_622, %get3A_518] : memref<192x128xf32, #tpu.memory_space<vmem>>[vector<16xi32>, vector<16xi32>], vector<16xf32>,
      %mul3A_916 = arith.mulf %add3A_682, %gather3A_915 : vector<16xf32>
      %add3A_917 = arith.constant 16 : i32
      %add3A_918 = vector.broadcast %add3A_917 : i32 to vector<16xi32>
      %add3A_919 = arith.addi %get3A_518, %add3A_918 : vector<16xi32>
      %gather3A_920 = tpu.vector_load_idx %arg14[%add3A_622, %add3A_919] : memref<192x128xf32, #tpu.memory_space<vmem>>[vector<16xi32>, vector<16xi32>], vector<16xf32>,
      %mul3A_921 = arith.mulf %add3A_731, %gather3A_920 : vector<16xf32>
      %add3A_922 = arith.addf %mul3A_916, %mul3A_921 : vector<16xf32>
      %add3A_923 = arith.constant 32 : i32
      %add3A_924 = vector.broadcast %add3A_923 : i32 to vector<16xi32>
      %add3A_925 = arith.addi %get3A_518, %add3A_924 : vector<16xi32>
      %gather3A_926 = tpu.vector_load_idx %arg14[%add3A_622, %add3A_925] : memref<192x128xf32, #tpu.memory_space<vmem>>[vector<16xi32>, vector<16xi32>], vector<16xf32>,
      %mul3A_927 = arith.mulf %add3A_780, %gather3A_926 : vector<16xf32>
      %add3A_928 = arith.addf %add3A_922, %mul3A_927 : vector<16xf32>
      %add3A_929 = arith.constant 48 : i32
      %add3A_930 = vector.broadcast %add3A_929 : i32 to vector<16xi32>
      %add3A_931 = arith.addi %get3A_518, %add3A_930 : vector<16xi32>
      %gather3A_932 = tpu.vector_load_idx %arg14[%add3A_622, %add3A_931] : memref<192x128xf32, #tpu.memory_space<vmem>>[vector<16xi32>, vector<16xi32>], vector<16xf32>,
      %mul3A_933 = arith.mulf %add3A_829, %gather3A_932 : vector<16xf32>
      %add3A_934 = arith.addf %add3A_928, %mul3A_933 : vector<16xf32>
      %neg3A_935 = arith.constant 0.000000e+00 : f32
      %neg3A_936 = vector.broadcast %neg3A_935 : f32 to vector<16xf32>
      %neg3A_937 = arith.subf %neg3A_936, %add3A_934 : vector<16xf32>
      %mul3A_938 = arith.constant 6 : i32
      %mul3A_939 = arith.muli %scan3A_379, %mul3A_938 : i32
      %add3A_940 = arith.constant 3 : i32
      %add3A_941 = arith.addi %mul3A_939, %add3A_940 : i32
      %swap3A_942 = arith.index_cast %add3A_941 : i32 to index
      %swap3A_943 = arith.constant 0 : index
      %swap3A_944 = tpu.vector_load %arg15[%swap3A_942, %swap3A_943] {strides = array<i32>} : memref<192x16xf32, #tpu.memory_space<vmem>>, vector<16xf32>,
      tpu.vector_store %arg15[%swap3A_942, %swap3A_943], %neg3A_937 {strides = array<i32>} : memref<192x16xf32, #tpu.memory_space<vmem>>, vector<16xf32>,
      %gather3A_945 = tpu.vector_load_idx %arg14[%add3A_628, %get3A_528] : memref<192x128xf32, #tpu.memory_space<vmem>>[vector<16xi32>, vector<16xi32>], vector<16xf32>,
      %mul3A_946 = arith.mulf %add3A_682, %gather3A_945 : vector<16xf32>
      %add3A_947 = arith.constant 16 : i32
      %add3A_948 = vector.broadcast %add3A_947 : i32 to vector<16xi32>
      %add3A_949 = arith.addi %get3A_528, %add3A_948 : vector<16xi32>
      %gather3A_950 = tpu.vector_load_idx %arg14[%add3A_628, %add3A_949] : memref<192x128xf32, #tpu.memory_space<vmem>>[vector<16xi32>, vector<16xi32>], vector<16xf32>,
      %mul3A_951 = arith.mulf %add3A_731, %gather3A_950 : vector<16xf32>
      %add3A_952 = arith.addf %mul3A_946, %mul3A_951 : vector<16xf32>
      %add3A_953 = arith.constant 32 : i32
      %add3A_954 = vector.broadcast %add3A_953 : i32 to vector<16xi32>
      %add3A_955 = arith.addi %get3A_528, %add3A_954 : vector<16xi32>
      %gather3A_956 = tpu.vector_load_idx %arg14[%add3A_628, %add3A_955] : memref<192x128xf32, #tpu.memory_space<vmem>>[vector<16xi32>, vector<16xi32>], vector<16xf32>,
      %mul3A_957 = arith.mulf %add3A_780, %gather3A_956 : vector<16xf32>
      %add3A_958 = arith.addf %add3A_952, %mul3A_957 : vector<16xf32>
      %add3A_959 = arith.constant 48 : i32
      %add3A_960 = vector.broadcast %add3A_959 : i32 to vector<16xi32>
      %add3A_961 = arith.addi %get3A_528, %add3A_960 : vector<16xi32>
      %gather3A_962 = tpu.vector_load_idx %arg14[%add3A_628, %add3A_961] : memref<192x128xf32, #tpu.memory_space<vmem>>[vector<16xi32>, vector<16xi32>], vector<16xf32>,
      %mul3A_963 = arith.mulf %add3A_829, %gather3A_962 : vector<16xf32>
      %add3A_964 = arith.addf %add3A_958, %mul3A_963 : vector<16xf32>
      %neg3A_965 = arith.constant 0.000000e+00 : f32
      %neg3A_966 = vector.broadcast %neg3A_965 : f32 to vector<16xf32>
      %neg3A_967 = arith.subf %neg3A_966, %add3A_964 : vector<16xf32>
      %mul3A_968 = arith.constant 6 : i32
      %mul3A_969 = arith.muli %scan3A_379, %mul3A_968 : i32
      %add3A_970 = arith.constant 4 : i32
      %add3A_971 = arith.addi %mul3A_969, %add3A_970 : i32
      %swap3A_972 = arith.index_cast %add3A_971 : i32 to index
      %swap3A_973 = arith.constant 0 : index
      %swap3A_974 = tpu.vector_load %arg15[%swap3A_972, %swap3A_973] {strides = array<i32>} : memref<192x16xf32, #tpu.memory_space<vmem>>, vector<16xf32>,
      tpu.vector_store %arg15[%swap3A_972, %swap3A_973], %neg3A_967 {strides = array<i32>} : memref<192x16xf32, #tpu.memory_space<vmem>>, vector<16xf32>,
      %gather3A_975 = tpu.vector_load_idx %arg14[%add3A_634, %get3A_538] : memref<192x128xf32, #tpu.memory_space<vmem>>[vector<16xi32>, vector<16xi32>], vector<16xf32>,
      %mul3A_976 = arith.mulf %add3A_682, %gather3A_975 : vector<16xf32>
      %add3A_977 = arith.constant 16 : i32
      %add3A_978 = vector.broadcast %add3A_977 : i32 to vector<16xi32>
      %add3A_979 = arith.addi %get3A_538, %add3A_978 : vector<16xi32>
      %gather3A_980 = tpu.vector_load_idx %arg14[%add3A_634, %add3A_979] : memref<192x128xf32, #tpu.memory_space<vmem>>[vector<16xi32>, vector<16xi32>], vector<16xf32>,
      %mul3A_981 = arith.mulf %add3A_731, %gather3A_980 : vector<16xf32>
      %add3A_982 = arith.addf %mul3A_976, %mul3A_981 : vector<16xf32>
      %add3A_983 = arith.constant 32 : i32
      %add3A_984 = vector.broadcast %add3A_983 : i32 to vector<16xi32>
      %add3A_985 = arith.addi %get3A_538, %add3A_984 : vector<16xi32>
      %gather3A_986 = tpu.vector_load_idx %arg14[%add3A_634, %add3A_985] : memref<192x128xf32, #tpu.memory_space<vmem>>[vector<16xi32>, vector<16xi32>], vector<16xf32>,
      %mul3A_987 = arith.mulf %add3A_780, %gather3A_986 : vector<16xf32>
      %add3A_988 = arith.addf %add3A_982, %mul3A_987 : vector<16xf32>
      %add3A_989 = arith.constant 48 : i32
      %add3A_990 = vector.broadcast %add3A_989 : i32 to vector<16xi32>
      %add3A_991 = arith.addi %get3A_538, %add3A_990 : vector<16xi32>
      %gather3A_992 = tpu.vector_load_idx %arg14[%add3A_634, %add3A_991] : memref<192x128xf32, #tpu.memory_space<vmem>>[vector<16xi32>, vector<16xi32>], vector<16xf32>,
      %mul3A_993 = arith.mulf %add3A_829, %gather3A_992 : vector<16xf32>
      %add3A_994 = arith.addf %add3A_988, %mul3A_993 : vector<16xf32>
      %neg3A_995 = arith.constant 0.000000e+00 : f32
      %neg3A_996 = vector.broadcast %neg3A_995 : f32 to vector<16xf32>
      %neg3A_997 = arith.subf %neg3A_996, %add3A_994 : vector<16xf32>
      %mul3A_998 = arith.constant 6 : i32
      %mul3A_999 = arith.muli %scan3A_379, %mul3A_998 : i32
      %add3A_1000 = arith.constant 5 : i32
      %add3A_1001 = arith.addi %mul3A_999, %add3A_1000 : i32
      %swap3A_1002 = arith.index_cast %add3A_1001 : i32 to index
      %swap3A_1003 = arith.constant 0 : index
      %swap3A_1004 = tpu.vector_load %arg15[%swap3A_1002, %swap3A_1003] {strides = array<i32>} : memref<192x16xf32, #tpu.memory_space<vmem>>, vector<16xf32>,
      tpu.vector_store %arg15[%swap3A_1002, %swap3A_1003], %neg3A_997 {strides = array<i32>} : memref<192x16xf32, #tpu.memory_space<vmem>>, vector<16xf32>,
    }
    %scan3A_190 = arith.constant 32 : i32
    %add3A_191 = arith.constant 32 : i32
    %add3A_192 = arith.addi %mul3A_2, %add3A_191 : i32
    %mul3A_193 = arith.constant 6 : i32
    %mul3A_194 = arith.muli %add3A_192, %mul3A_193 : i32
    "tpu.region"() ({
      %run_scoped3A = tpu.sem_alloc : memref<!tpu.dma_semaphore, #tpu.memory_space<semaphore_mem>>
      %dma_start3A_379 = arith.constant 0 : i32
      %dma_start3A_380 = tpu.memref_slice %arg8[%mul3A_194, %dma_start3A_379] : memref<24576x16xf32, #tpu.memory_space<hbm>> -> memref<192x16xf32, #tpu.memory_space<hbm>>
      %dma_start3A_381 = arith.constant 0 : i32
      %dma_start3A_382 = tpu.memref_slice %arg8[%mul3A_194, %dma_start3A_381] : memref<24576x16xf32, #tpu.memory_space<hbm>> -> memref<192x16xf32, #tpu.memory_space<hbm>>
      tpu.enqueue_dma source(%arg15 : memref<192x16xf32, #tpu.memory_space<vmem>>) target(%dma_start3A_382 : memref<192x16xf32, #tpu.memory_space<hbm>>) target_semaphore(%run_scoped3A : memref<!tpu.dma_semaphore, #tpu.memory_space<semaphore_mem>>)
      %dma_wait3A_383 = arith.constant 0 : i32
      %dma_wait3A_384 = tpu.memref_slice %arg8[%mul3A_194, %dma_wait3A_383] : memref<24576x16xf32, #tpu.memory_space<hbm>> -> memref<192x16xf32, #tpu.memory_space<hbm>>
      %dma_wait3A_385 = arith.constant 0 : i32
      %dma_wait3A_386 = tpu.memref_slice %arg8[%mul3A_194, %dma_wait3A_385] : memref<24576x16xf32, #tpu.memory_space<hbm>> -> memref<192x16xf32, #tpu.memory_space<hbm>>
      tpu.wait_dma2 semaphore(%run_scoped3A : memref<!tpu.dma_semaphore, #tpu.memory_space<semaphore_mem>>) src(%arg15 : memref<192x16xf32, #tpu.memory_space<vmem>>) dst(%dma_wait3A_386 : memref<192x16xf32, #tpu.memory_space<hbm>>)
      tpu.yield
    }) : () -> ()
    %dma_start3A_195 = arith.constant 0 : i32
    %dma_start3A_196 = arith.constant 0 : i32
    %dma_start3A_197 = tpu.memref_slice %arg13[%dma_start3A_195, %dma_start3A_196] : memref<320x128xf32, #tpu.memory_space<vmem>> -> memref<128x128xf32, #tpu.memory_space<vmem>>
    %dma_start3A_198 = arith.constant 640 : i32
    %dma_start3A_199 = tpu.memref_slice %arg9[%dma_start3A_198] : memref<1280xi32, #tpu.memory_space<vmem>> -> memref<128xi32, #tpu.memory_space<vmem>>
    %dma_start3A_200 = arith.constant 0 : i32
    %dma_start3A_201 = arith.constant 0 : i32
    %dma_start3A_202 = tpu.memref_slice %arg6[%dma_start3A_200, %dma_start3A_201] : memref<512000x128xf32, #tpu.memory_space<hbm>> -> memref<512000x128xf32, #tpu.memory_space<hbm>>
    tpu.enqueue_indirect_dma source(%dma_start3A_202 : memref<512000x128xf32, #tpu.memory_space<hbm>>) target(%dma_start3A_197 : memref<128x128xf32, #tpu.memory_space<vmem>>) offsets(%dma_start3A_199 : memref<128xi32, #tpu.memory_space<vmem>>) semaphore(%arg16 : memref<!tpu.dma_semaphore, #tpu.memory_space<semaphore_mem>>)
    %dma_start3A_203 = arith.constant 128 : i32
    %dma_start3A_204 = arith.constant 0 : i32
    %dma_start3A_205 = tpu.memref_slice %arg13[%dma_start3A_203, %dma_start3A_204] : memref<320x128xf32, #tpu.memory_space<vmem>> -> memref<128x128xf32, #tpu.memory_space<vmem>>
    %dma_start3A_206 = arith.constant 768 : i32
    %dma_start3A_207 = tpu.memref_slice %arg9[%dma_start3A_206] : memref<1280xi32, #tpu.memory_space<vmem>> -> memref<128xi32, #tpu.memory_space<vmem>>
    %dma_start3A_208 = arith.constant 0 : i32
    %dma_start3A_209 = arith.constant 0 : i32
    %dma_start3A_210 = tpu.memref_slice %arg6[%dma_start3A_208, %dma_start3A_209] : memref<512000x128xf32, #tpu.memory_space<hbm>> -> memref<512000x128xf32, #tpu.memory_space<hbm>>
    tpu.enqueue_indirect_dma source(%dma_start3A_210 : memref<512000x128xf32, #tpu.memory_space<hbm>>) target(%dma_start3A_205 : memref<128x128xf32, #tpu.memory_space<vmem>>) offsets(%dma_start3A_207 : memref<128xi32, #tpu.memory_space<vmem>>) semaphore(%arg16 : memref<!tpu.dma_semaphore, #tpu.memory_space<semaphore_mem>>)
    %dma_start3A_211 = arith.constant 256 : i32
    %dma_start3A_212 = arith.constant 0 : i32
    %dma_start3A_213 = tpu.memref_slice %arg13[%dma_start3A_211, %dma_start3A_212] : memref<320x128xf32, #tpu.memory_space<vmem>> -> memref<64x128xf32, #tpu.memory_space<vmem>>
    %dma_start3A_214 = arith.constant 896 : i32
    %dma_start3A_215 = tpu.memref_slice %arg9[%dma_start3A_214] : memref<1280xi32, #tpu.memory_space<vmem>> -> memref<64xi32, #tpu.memory_space<vmem>>
    %dma_start3A_216 = arith.constant 0 : i32
    %dma_start3A_217 = arith.constant 0 : i32
    %dma_start3A_218 = tpu.memref_slice %arg6[%dma_start3A_216, %dma_start3A_217] : memref<512000x128xf32, #tpu.memory_space<hbm>> -> memref<512000x128xf32, #tpu.memory_space<hbm>>
    tpu.enqueue_indirect_dma source(%dma_start3A_218 : memref<512000x128xf32, #tpu.memory_space<hbm>>) target(%dma_start3A_213 : memref<64x128xf32, #tpu.memory_space<vmem>>) offsets(%dma_start3A_215 : memref<64xi32, #tpu.memory_space<vmem>>) semaphore(%arg16 : memref<!tpu.dma_semaphore, #tpu.memory_space<semaphore_mem>>)
    %dma_start3A_219 = arith.constant 0 : i32
    %dma_start3A_220 = arith.constant 0 : i32
    %dma_start3A_221 = tpu.memref_slice %arg14[%dma_start3A_219, %dma_start3A_220] : memref<192x128xf32, #tpu.memory_space<vmem>> -> memref<128x128xf32, #tpu.memory_space<vmem>>
    %dma_start3A_222 = arith.constant 384 : i32
    %dma_start3A_223 = tpu.memref_slice %arg10[%dma_start3A_222] : memref<768xi32, #tpu.memory_space<vmem>> -> memref<128xi32, #tpu.memory_space<vmem>>
    %dma_start3A_224 = arith.constant 0 : i32
    %dma_start3A_225 = arith.constant 0 : i32
    %dma_start3A_226 = tpu.memref_slice %arg7[%dma_start3A_224, %dma_start3A_225] : memref<512000x128xf32, #tpu.memory_space<hbm>> -> memref<512000x128xf32, #tpu.memory_space<hbm>>
    tpu.enqueue_indirect_dma source(%dma_start3A_226 : memref<512000x128xf32, #tpu.memory_space<hbm>>) target(%dma_start3A_221 : memref<128x128xf32, #tpu.memory_space<vmem>>) offsets(%dma_start3A_223 : memref<128xi32, #tpu.memory_space<vmem>>) semaphore(%arg16 : memref<!tpu.dma_semaphore, #tpu.memory_space<semaphore_mem>>)
    %dma_start3A_227 = arith.constant 128 : i32
    %dma_start3A_228 = arith.constant 0 : i32
    %dma_start3A_229 = tpu.memref_slice %arg14[%dma_start3A_227, %dma_start3A_228] : memref<192x128xf32, #tpu.memory_space<vmem>> -> memref<64x128xf32, #tpu.memory_space<vmem>>
    %dma_start3A_230 = arith.constant 512 : i32
    %dma_start3A_231 = tpu.memref_slice %arg10[%dma_start3A_230] : memref<768xi32, #tpu.memory_space<vmem>> -> memref<64xi32, #tpu.memory_space<vmem>>
    %dma_start3A_232 = arith.constant 0 : i32
    %dma_start3A_233 = arith.constant 0 : i32
    %dma_start3A_234 = tpu.memref_slice %arg7[%dma_start3A_232, %dma_start3A_233] : memref<512000x128xf32, #tpu.memory_space<hbm>> -> memref<512000x128xf32, #tpu.memory_space<hbm>>
    tpu.enqueue_indirect_dma source(%dma_start3A_234 : memref<512000x128xf32, #tpu.memory_space<hbm>>) target(%dma_start3A_229 : memref<64x128xf32, #tpu.memory_space<vmem>>) offsets(%dma_start3A_231 : memref<64xi32, #tpu.memory_space<vmem>>) semaphore(%arg16 : memref<!tpu.dma_semaphore, #tpu.memory_space<semaphore_mem>>)
    %dma_wait3A_235 = arith.constant 0 : i32
    %dma_wait3A_236 = arith.constant 0 : i32
    %dma_wait3A_237 = tpu.memref_slice %arg13[%dma_wait3A_235, %dma_wait3A_236] : memref<320x128xf32, #tpu.memory_space<vmem>> -> memref<128x128xf32, #tpu.memory_space<vmem>>
    %dma_wait3A_238 = arith.constant 640 : i32
    %dma_wait3A_239 = tpu.memref_slice %arg9[%dma_wait3A_238] : memref<1280xi32, #tpu.memory_space<vmem>> -> memref<128xi32, #tpu.memory_space<vmem>>
    %dma_wait3A_240 = arith.constant 0 : i32
    %dma_wait3A_241 = arith.constant 0 : i32
    %dma_wait3A_242 = tpu.memref_slice %arg6[%dma_wait3A_240, %dma_wait3A_241] : memref<512000x128xf32, #tpu.memory_space<hbm>> -> memref<512000x128xf32, #tpu.memory_space<hbm>>
    tpu.wait_indirect_dma semaphore(%arg16 : memref<!tpu.dma_semaphore, #tpu.memory_space<semaphore_mem>>) src(%dma_wait3A_242 : memref<512000x128xf32, #tpu.memory_space<hbm>>) dst(%dma_wait3A_237 : memref<128x128xf32, #tpu.memory_space<vmem>>)
    %dma_wait3A_243 = arith.constant 128 : i32
    %dma_wait3A_244 = arith.constant 0 : i32
    %dma_wait3A_245 = tpu.memref_slice %arg13[%dma_wait3A_243, %dma_wait3A_244] : memref<320x128xf32, #tpu.memory_space<vmem>> -> memref<128x128xf32, #tpu.memory_space<vmem>>
    %dma_wait3A_246 = arith.constant 768 : i32
    %dma_wait3A_247 = tpu.memref_slice %arg9[%dma_wait3A_246] : memref<1280xi32, #tpu.memory_space<vmem>> -> memref<128xi32, #tpu.memory_space<vmem>>
    %dma_wait3A_248 = arith.constant 0 : i32
    %dma_wait3A_249 = arith.constant 0 : i32
    %dma_wait3A_250 = tpu.memref_slice %arg6[%dma_wait3A_248, %dma_wait3A_249] : memref<512000x128xf32, #tpu.memory_space<hbm>> -> memref<512000x128xf32, #tpu.memory_space<hbm>>
    tpu.wait_indirect_dma semaphore(%arg16 : memref<!tpu.dma_semaphore, #tpu.memory_space<semaphore_mem>>) src(%dma_wait3A_250 : memref<512000x128xf32, #tpu.memory_space<hbm>>) dst(%dma_wait3A_245 : memref<128x128xf32, #tpu.memory_space<vmem>>)
    %dma_wait3A_251 = arith.constant 256 : i32
    %dma_wait3A_252 = arith.constant 0 : i32
    %dma_wait3A_253 = tpu.memref_slice %arg13[%dma_wait3A_251, %dma_wait3A_252] : memref<320x128xf32, #tpu.memory_space<vmem>> -> memref<64x128xf32, #tpu.memory_space<vmem>>
    %dma_wait3A_254 = arith.constant 896 : i32
    %dma_wait3A_255 = tpu.memref_slice %arg9[%dma_wait3A_254] : memref<1280xi32, #tpu.memory_space<vmem>> -> memref<64xi32, #tpu.memory_space<vmem>>
    %dma_wait3A_256 = arith.constant 0 : i32
    %dma_wait3A_257 = arith.constant 0 : i32
    %dma_wait3A_258 = tpu.memref_slice %arg6[%dma_wait3A_256, %dma_wait3A_257] : memref<512000x128xf32, #tpu.memory_space<hbm>> -> memref<512000x128xf32, #tpu.memory_space<hbm>>
    tpu.wait_indirect_dma semaphore(%arg16 : memref<!tpu.dma_semaphore, #tpu.memory_space<semaphore_mem>>) src(%dma_wait3A_258 : memref<512000x128xf32, #tpu.memory_space<hbm>>) dst(%dma_wait3A_253 : memref<64x128xf32, #tpu.memory_space<vmem>>)
    %dma_wait3A_259 = arith.constant 0 : i32
    %dma_wait3A_260 = arith.constant 0 : i32
    %dma_wait3A_261 = tpu.memref_slice %arg14[%dma_wait3A_259, %dma_wait3A_260] : memref<192x128xf32, #tpu.memory_space<vmem>> -> memref<128x128xf32, #tpu.memory_space<vmem>>
    %dma_wait3A_262 = arith.constant 384 : i32
    %dma_wait3A_263 = tpu.memref_slice %arg10[%dma_wait3A_262] : memref<768xi32, #tpu.memory_space<vmem>> -> memref<128xi32, #tpu.memory_space<vmem>>
    %dma_wait3A_264 = arith.constant 0 : i32
    %dma_wait3A_265 = arith.constant 0 : i32
    %dma_wait3A_266 = tpu.memref_slice %arg7[%dma_wait3A_264, %dma_wait3A_265] : memref<512000x128xf32, #tpu.memory_space<hbm>> -> memref<512000x128xf32, #tpu.memory_space<hbm>>
    tpu.wait_indirect_dma semaphore(%arg16 : memref<!tpu.dma_semaphore, #tpu.memory_space<semaphore_mem>>) src(%dma_wait3A_266 : memref<512000x128xf32, #tpu.memory_space<hbm>>) dst(%dma_wait3A_261 : memref<128x128xf32, #tpu.memory_space<vmem>>)
    %dma_wait3A_267 = arith.constant 128 : i32
    %dma_wait3A_268 = arith.constant 0 : i32
    %dma_wait3A_269 = tpu.memref_slice %arg14[%dma_wait3A_267, %dma_wait3A_268] : memref<192x128xf32, #tpu.memory_space<vmem>> -> memref<64x128xf32, #tpu.memory_space<vmem>>
    %dma_wait3A_270 = arith.constant 512 : i32
    %dma_wait3A_271 = tpu.memref_slice %arg10[%dma_wait3A_270] : memref<768xi32, #tpu.memory_space<vmem>> -> memref<64xi32, #tpu.memory_space<vmem>>
    %dma_wait3A_272 = arith.constant 0 : i32
    %dma_wait3A_273 = arith.constant 0 : i32
    %dma_wait3A_274 = tpu.memref_slice %arg7[%dma_wait3A_272, %dma_wait3A_273] : memref<512000x128xf32, #tpu.memory_space<hbm>> -> memref<512000x128xf32, #tpu.memory_space<hbm>>
    tpu.wait_indirect_dma semaphore(%arg16 : memref<!tpu.dma_semaphore, #tpu.memory_space<semaphore_mem>>) src(%dma_wait3A_274 : memref<512000x128xf32, #tpu.memory_space<hbm>>) dst(%dma_wait3A_269 : memref<64x128xf32, #tpu.memory_space<vmem>>)
    %broadcast_in_dim3A_275 = arith.constant 0 : i32
    %broadcast_in_dim3A_276 = vector.broadcast %broadcast_in_dim3A_275 : i32 to vector<16xi32>
    %scan3A_277 = arith.constant 0 : i32
    %scan3A_278 = arith.constant 0 : i32
    %scan3A_279 = arith.constant 32 : i32
    %scan3A_280 = arith.addi %scan3A_278, %scan3A_279 : i32
    %scan3A_281 = arith.constant 1 : i32
    scf.for %scan3A_379 = %scan3A_278 to %scan3A_280 step %scan3A_281  : i32 {
      %add3A_380 = arith.constant 64 : i32
      %add3A_381 = arith.addi %add3A_380, %scan3A_379 : i32
      %mul3A_382 = arith.constant 10 : i32
      %mul3A_383 = arith.muli %add3A_381, %mul3A_382 : i32
      %add3A_384 = arith.constant 0 : i32
      %add3A_385 = arith.addi %mul3A_383, %add3A_384 : i32
      %mul3A_386 = arith.constant 16 : i32
      %mul3A_387 = arith.muli %add3A_385, %mul3A_386 : i32
      %get3A = arith.index_cast %mul3A_387 : i32 to index
      %get3A_388 = tpu.vector_load %arg11[%get3A] {strides = array<i32>} : memref<20480xi32, #tpu.memory_space<vmem>>, vector<16xi32>,
      %add3A_389 = arith.constant 64 : i32
      %add3A_390 = arith.addi %add3A_389, %scan3A_379 : i32
      %mul3A_391 = arith.constant 10 : i32
      %mul3A_392 = arith.muli %add3A_390, %mul3A_391 : i32
      %add3A_393 = arith.constant 1 : i32
      %add3A_394 = arith.addi %mul3A_392, %add3A_393 : i32
      %mul3A_395 = arith.constant 16 : i32
      %mul3A_396 = arith.muli %add3A_394, %mul3A_395 : i32
      %get3A_397 = arith.index_cast %mul3A_396 : i32 to index
      %get3A_398 = tpu.vector_load %arg11[%get3A_397] {strides = array<i32>} : memref<20480xi32, #tpu.memory_space<vmem>>, vector<16xi32>,
      %add3A_399 = arith.constant 64 : i32
      %add3A_400 = arith.addi %add3A_399, %scan3A_379 : i32
      %mul3A_401 = arith.constant 10 : i32
      %mul3A_402 = arith.muli %add3A_400, %mul3A_401 : i32
      %add3A_403 = arith.constant 2 : i32
      %add3A_404 = arith.addi %mul3A_402, %add3A_403 : i32
      %mul3A_405 = arith.constant 16 : i32
      %mul3A_406 = arith.muli %add3A_404, %mul3A_405 : i32
      %get3A_407 = arith.index_cast %mul3A_406 : i32 to index
      %get3A_408 = tpu.vector_load %arg11[%get3A_407] {strides = array<i32>} : memref<20480xi32, #tpu.memory_space<vmem>>, vector<16xi32>,
      %add3A_409 = arith.constant 64 : i32
      %add3A_410 = arith.addi %add3A_409, %scan3A_379 : i32
      %mul3A_411 = arith.constant 10 : i32
      %mul3A_412 = arith.muli %add3A_410, %mul3A_411 : i32
      %add3A_413 = arith.constant 3 : i32
      %add3A_414 = arith.addi %mul3A_412, %add3A_413 : i32
      %mul3A_415 = arith.constant 16 : i32
      %mul3A_416 = arith.muli %add3A_414, %mul3A_415 : i32
      %get3A_417 = arith.index_cast %mul3A_416 : i32 to index
      %get3A_418 = tpu.vector_load %arg11[%get3A_417] {strides = array<i32>} : memref<20480xi32, #tpu.memory_space<vmem>>, vector<16xi32>,
      %add3A_419 = arith.constant 64 : i32
      %add3A_420 = arith.addi %add3A_419, %scan3A_379 : i32
      %mul3A_421 = arith.constant 10 : i32
      %mul3A_422 = arith.muli %add3A_420, %mul3A_421 : i32
      %add3A_423 = arith.constant 4 : i32
      %add3A_424 = arith.addi %mul3A_422, %add3A_423 : i32
      %mul3A_425 = arith.constant 16 : i32
      %mul3A_426 = arith.muli %add3A_424, %mul3A_425 : i32
      %get3A_427 = arith.index_cast %mul3A_426 : i32 to index
      %get3A_428 = tpu.vector_load %arg11[%get3A_427] {strides = array<i32>} : memref<20480xi32, #tpu.memory_space<vmem>>, vector<16xi32>,
      %add3A_429 = arith.constant 64 : i32
      %add3A_430 = arith.addi %add3A_429, %scan3A_379 : i32
      %mul3A_431 = arith.constant 10 : i32
      %mul3A_432 = arith.muli %add3A_430, %mul3A_431 : i32
      %add3A_433 = arith.constant 5 : i32
      %add3A_434 = arith.addi %mul3A_432, %add3A_433 : i32
      %mul3A_435 = arith.constant 16 : i32
      %mul3A_436 = arith.muli %add3A_434, %mul3A_435 : i32
      %get3A_437 = arith.index_cast %mul3A_436 : i32 to index
      %get3A_438 = tpu.vector_load %arg11[%get3A_437] {strides = array<i32>} : memref<20480xi32, #tpu.memory_space<vmem>>, vector<16xi32>,
      %add3A_439 = arith.constant 64 : i32
      %add3A_440 = arith.addi %add3A_439, %scan3A_379 : i32
      %mul3A_441 = arith.constant 10 : i32
      %mul3A_442 = arith.muli %add3A_440, %mul3A_441 : i32
      %add3A_443 = arith.constant 6 : i32
      %add3A_444 = arith.addi %mul3A_442, %add3A_443 : i32
      %mul3A_445 = arith.constant 16 : i32
      %mul3A_446 = arith.muli %add3A_444, %mul3A_445 : i32
      %get3A_447 = arith.index_cast %mul3A_446 : i32 to index
      %get3A_448 = tpu.vector_load %arg11[%get3A_447] {strides = array<i32>} : memref<20480xi32, #tpu.memory_space<vmem>>, vector<16xi32>,
      %add3A_449 = arith.constant 64 : i32
      %add3A_450 = arith.addi %add3A_449, %scan3A_379 : i32
      %mul3A_451 = arith.constant 10 : i32
      %mul3A_452 = arith.muli %add3A_450, %mul3A_451 : i32
      %add3A_453 = arith.constant 7 : i32
      %add3A_454 = arith.addi %mul3A_452, %add3A_453 : i32
      %mul3A_455 = arith.constant 16 : i32
      %mul3A_456 = arith.muli %add3A_454, %mul3A_455 : i32
      %get3A_457 = arith.index_cast %mul3A_456 : i32 to index
      %get3A_458 = tpu.vector_load %arg11[%get3A_457] {strides = array<i32>} : memref<20480xi32, #tpu.memory_space<vmem>>, vector<16xi32>,
      %add3A_459 = arith.constant 64 : i32
      %add3A_460 = arith.addi %add3A_459, %scan3A_379 : i32
      %mul3A_461 = arith.constant 10 : i32
      %mul3A_462 = arith.muli %add3A_460, %mul3A_461 : i32
      %add3A_463 = arith.constant 8 : i32
      %add3A_464 = arith.addi %mul3A_462, %add3A_463 : i32
      %mul3A_465 = arith.constant 16 : i32
      %mul3A_466 = arith.muli %add3A_464, %mul3A_465 : i32
      %get3A_467 = arith.index_cast %mul3A_466 : i32 to index
      %get3A_468 = tpu.vector_load %arg11[%get3A_467] {strides = array<i32>} : memref<20480xi32, #tpu.memory_space<vmem>>, vector<16xi32>,
      %add3A_469 = arith.constant 64 : i32
      %add3A_470 = arith.addi %add3A_469, %scan3A_379 : i32
      %mul3A_471 = arith.constant 10 : i32
      %mul3A_472 = arith.muli %add3A_470, %mul3A_471 : i32
      %add3A_473 = arith.constant 9 : i32
      %add3A_474 = arith.addi %mul3A_472, %add3A_473 : i32
      %mul3A_475 = arith.constant 16 : i32
      %mul3A_476 = arith.muli %add3A_474, %mul3A_475 : i32
      %get3A_477 = arith.index_cast %mul3A_476 : i32 to index
      %get3A_478 = tpu.vector_load %arg11[%get3A_477] {strides = array<i32>} : memref<20480xi32, #tpu.memory_space<vmem>>, vector<16xi32>,
      %add3A_479 = arith.constant 64 : i32
      %add3A_480 = arith.addi %add3A_479, %scan3A_379 : i32
      %mul3A_481 = arith.constant 6 : i32
      %mul3A_482 = arith.muli %add3A_480, %mul3A_481 : i32
      %add3A_483 = arith.constant 0 : i32
      %add3A_484 = arith.addi %mul3A_482, %add3A_483 : i32
      %mul3A_485 = arith.constant 16 : i32
      %mul3A_486 = arith.muli %add3A_484, %mul3A_485 : i32
      %get3A_487 = arith.index_cast %mul3A_486 : i32 to index
      %get3A_488 = tpu.vector_load %arg12[%get3A_487] {strides = array<i32>} : memref<12288xi32, #tpu.memory_space<vmem>>, vector<16xi32>,
      %add3A_489 = arith.constant 64 : i32
      %add3A_490 = arith.addi %add3A_489, %scan3A_379 : i32
      %mul3A_491 = arith.constant 6 : i32
      %mul3A_492 = arith.muli %add3A_490, %mul3A_491 : i32
      %add3A_493 = arith.constant 1 : i32
      %add3A_494 = arith.addi %mul3A_492, %add3A_493 : i32
      %mul3A_495 = arith.constant 16 : i32
      %mul3A_496 = arith.muli %add3A_494, %mul3A_495 : i32
      %get3A_497 = arith.index_cast %mul3A_496 : i32 to index
      %get3A_498 = tpu.vector_load %arg12[%get3A_497] {strides = array<i32>} : memref<12288xi32, #tpu.memory_space<vmem>>, vector<16xi32>,
      %add3A_499 = arith.constant 64 : i32
      %add3A_500 = arith.addi %add3A_499, %scan3A_379 : i32
      %mul3A_501 = arith.constant 6 : i32
      %mul3A_502 = arith.muli %add3A_500, %mul3A_501 : i32
      %add3A_503 = arith.constant 2 : i32
      %add3A_504 = arith.addi %mul3A_502, %add3A_503 : i32
      %mul3A_505 = arith.constant 16 : i32
      %mul3A_506 = arith.muli %add3A_504, %mul3A_505 : i32
      %get3A_507 = arith.index_cast %mul3A_506 : i32 to index
      %get3A_508 = tpu.vector_load %arg12[%get3A_507] {strides = array<i32>} : memref<12288xi32, #tpu.memory_space<vmem>>, vector<16xi32>,
      %add3A_509 = arith.constant 64 : i32
      %add3A_510 = arith.addi %add3A_509, %scan3A_379 : i32
      %mul3A_511 = arith.constant 6 : i32
      %mul3A_512 = arith.muli %add3A_510, %mul3A_511 : i32
      %add3A_513 = arith.constant 3 : i32
      %add3A_514 = arith.addi %mul3A_512, %add3A_513 : i32
      %mul3A_515 = arith.constant 16 : i32
      %mul3A_516 = arith.muli %add3A_514, %mul3A_515 : i32
      %get3A_517 = arith.index_cast %mul3A_516 : i32 to index
      %get3A_518 = tpu.vector_load %arg12[%get3A_517] {strides = array<i32>} : memref<12288xi32, #tpu.memory_space<vmem>>, vector<16xi32>,
      %add3A_519 = arith.constant 64 : i32
      %add3A_520 = arith.addi %add3A_519, %scan3A_379 : i32
      %mul3A_521 = arith.constant 6 : i32
      %mul3A_522 = arith.muli %add3A_520, %mul3A_521 : i32
      %add3A_523 = arith.constant 4 : i32
      %add3A_524 = arith.addi %mul3A_522, %add3A_523 : i32
      %mul3A_525 = arith.constant 16 : i32
      %mul3A_526 = arith.muli %add3A_524, %mul3A_525 : i32
      %get3A_527 = arith.index_cast %mul3A_526 : i32 to index
      %get3A_528 = tpu.vector_load %arg12[%get3A_527] {strides = array<i32>} : memref<12288xi32, #tpu.memory_space<vmem>>, vector<16xi32>,
      %add3A_529 = arith.constant 64 : i32
      %add3A_530 = arith.addi %add3A_529, %scan3A_379 : i32
      %mul3A_531 = arith.constant 6 : i32
      %mul3A_532 = arith.muli %add3A_530, %mul3A_531 : i32
      %add3A_533 = arith.constant 5 : i32
      %add3A_534 = arith.addi %mul3A_532, %add3A_533 : i32
      %mul3A_535 = arith.constant 16 : i32
      %mul3A_536 = arith.muli %add3A_534, %mul3A_535 : i32
      %get3A_537 = arith.index_cast %mul3A_536 : i32 to index
      %get3A_538 = tpu.vector_load %arg12[%get3A_537] {strides = array<i32>} : memref<12288xi32, #tpu.memory_space<vmem>>, vector<16xi32>,
      %mul3A_539 = arith.constant 10 : i32
      %mul3A_540 = arith.muli %scan3A_379, %mul3A_539 : i32
      %add3A_541 = arith.constant 0 : i32
      %add3A_542 = arith.addi %mul3A_540, %add3A_541 : i32
      %add3A_543 = vector.broadcast %add3A_542 : i32 to vector<16xi32>
      %add3A_544 = arith.addi %broadcast_in_dim3A_276, %add3A_543 : vector<16xi32>
      %mul3A_545 = arith.constant 10 : i32
      %mul3A_546 = arith.muli %scan3A_379, %mul3A_545 : i32
      %add3A_547 = arith.constant 1 : i32
      %add3A_548 = arith.addi %mul3A_546, %add3A_547 : i32
      %add3A_549 = vector.broadcast %add3A_548 : i32 to vector<16xi32>
      %add3A_550 = arith.addi %broadcast_in_dim3A_276, %add3A_549 : vector<16xi32>
      %mul3A_551 = arith.constant 10 : i32
      %mul3A_552 = arith.muli %scan3A_379, %mul3A_551 : i32
      %add3A_553 = arith.constant 2 : i32
      %add3A_554 = arith.addi %mul3A_552, %add3A_553 : i32
      %add3A_555 = vector.broadcast %add3A_554 : i32 to vector<16xi32>
      %add3A_556 = arith.addi %broadcast_in_dim3A_276, %add3A_555 : vector<16xi32>
      %mul3A_557 = arith.constant 10 : i32
      %mul3A_558 = arith.muli %scan3A_379, %mul3A_557 : i32
      %add3A_559 = arith.constant 3 : i32
      %add3A_560 = arith.addi %mul3A_558, %add3A_559 : i32
      %add3A_561 = vector.broadcast %add3A_560 : i32 to vector<16xi32>
      %add3A_562 = arith.addi %broadcast_in_dim3A_276, %add3A_561 : vector<16xi32>
      %mul3A_563 = arith.constant 10 : i32
      %mul3A_564 = arith.muli %scan3A_379, %mul3A_563 : i32
      %add3A_565 = arith.constant 4 : i32
      %add3A_566 = arith.addi %mul3A_564, %add3A_565 : i32
      %add3A_567 = vector.broadcast %add3A_566 : i32 to vector<16xi32>
      %add3A_568 = arith.addi %broadcast_in_dim3A_276, %add3A_567 : vector<16xi32>
      %mul3A_569 = arith.constant 10 : i32
      %mul3A_570 = arith.muli %scan3A_379, %mul3A_569 : i32
      %add3A_571 = arith.constant 5 : i32
      %add3A_572 = arith.addi %mul3A_570, %add3A_571 : i32
      %add3A_573 = vector.broadcast %add3A_572 : i32 to vector<16xi32>
      %add3A_574 = arith.addi %broadcast_in_dim3A_276, %add3A_573 : vector<16xi32>
      %mul3A_575 = arith.constant 10 : i32
      %mul3A_576 = arith.muli %scan3A_379, %mul3A_575 : i32
      %add3A_577 = arith.constant 6 : i32
      %add3A_578 = arith.addi %mul3A_576, %add3A_577 : i32
      %add3A_579 = vector.broadcast %add3A_578 : i32 to vector<16xi32>
      %add3A_580 = arith.addi %broadcast_in_dim3A_276, %add3A_579 : vector<16xi32>
      %mul3A_581 = arith.constant 10 : i32
      %mul3A_582 = arith.muli %scan3A_379, %mul3A_581 : i32
      %add3A_583 = arith.constant 7 : i32
      %add3A_584 = arith.addi %mul3A_582, %add3A_583 : i32
      %add3A_585 = vector.broadcast %add3A_584 : i32 to vector<16xi32>
      %add3A_586 = arith.addi %broadcast_in_dim3A_276, %add3A_585 : vector<16xi32>
      %mul3A_587 = arith.constant 10 : i32
      %mul3A_588 = arith.muli %scan3A_379, %mul3A_587 : i32
      %add3A_589 = arith.constant 8 : i32
      %add3A_590 = arith.addi %mul3A_588, %add3A_589 : i32
      %add3A_591 = vector.broadcast %add3A_590 : i32 to vector<16xi32>
      %add3A_592 = arith.addi %broadcast_in_dim3A_276, %add3A_591 : vector<16xi32>
      %mul3A_593 = arith.constant 10 : i32
      %mul3A_594 = arith.muli %scan3A_379, %mul3A_593 : i32
      %add3A_595 = arith.constant 9 : i32
      %add3A_596 = arith.addi %mul3A_594, %add3A_595 : i32
      %add3A_597 = vector.broadcast %add3A_596 : i32 to vector<16xi32>
      %add3A_598 = arith.addi %broadcast_in_dim3A_276, %add3A_597 : vector<16xi32>
      %mul3A_599 = arith.constant 6 : i32
      %mul3A_600 = arith.muli %scan3A_379, %mul3A_599 : i32
      %add3A_601 = arith.constant 0 : i32
      %add3A_602 = arith.addi %mul3A_600, %add3A_601 : i32
      %add3A_603 = vector.broadcast %add3A_602 : i32 to vector<16xi32>
      %add3A_604 = arith.addi %broadcast_in_dim3A_276, %add3A_603 : vector<16xi32>
      %mul3A_605 = arith.constant 6 : i32
      %mul3A_606 = arith.muli %scan3A_379, %mul3A_605 : i32
      %add3A_607 = arith.constant 1 : i32
      %add3A_608 = arith.addi %mul3A_606, %add3A_607 : i32
      %add3A_609 = vector.broadcast %add3A_608 : i32 to vector<16xi32>
      %add3A_610 = arith.addi %broadcast_in_dim3A_276, %add3A_609 : vector<16xi32>
      %mul3A_611 = arith.constant 6 : i32
      %mul3A_612 = arith.muli %scan3A_379, %mul3A_611 : i32
      %add3A_613 = arith.constant 2 : i32
      %add3A_614 = arith.addi %mul3A_612, %add3A_613 : i32
      %add3A_615 = vector.broadcast %add3A_614 : i32 to vector<16xi32>
      %add3A_616 = arith.addi %broadcast_in_dim3A_276, %add3A_615 : vector<16xi32>
      %mul3A_617 = arith.constant 6 : i32
      %mul3A_618 = arith.muli %scan3A_379, %mul3A_617 : i32
      %add3A_619 = arith.constant 3 : i32
      %add3A_620 = arith.addi %mul3A_618, %add3A_619 : i32
      %add3A_621 = vector.broadcast %add3A_620 : i32 to vector<16xi32>
      %add3A_622 = arith.addi %broadcast_in_dim3A_276, %add3A_621 : vector<16xi32>
      %mul3A_623 = arith.constant 6 : i32
      %mul3A_624 = arith.muli %scan3A_379, %mul3A_623 : i32
      %add3A_625 = arith.constant 4 : i32
      %add3A_626 = arith.addi %mul3A_624, %add3A_625 : i32
      %add3A_627 = vector.broadcast %add3A_626 : i32 to vector<16xi32>
      %add3A_628 = arith.addi %broadcast_in_dim3A_276, %add3A_627 : vector<16xi32>
      %mul3A_629 = arith.constant 6 : i32
      %mul3A_630 = arith.muli %scan3A_379, %mul3A_629 : i32
      %add3A_631 = arith.constant 5 : i32
      %add3A_632 = arith.addi %mul3A_630, %add3A_631 : i32
      %add3A_633 = vector.broadcast %add3A_632 : i32 to vector<16xi32>
      %add3A_634 = arith.addi %broadcast_in_dim3A_276, %add3A_633 : vector<16xi32>
      %add3A_635 = arith.constant 0 : i32
      %add3A_636 = vector.broadcast %add3A_635 : i32 to vector<16xi32>
      %add3A_637 = arith.addi %get3A_388, %add3A_636 : vector<16xi32>
      %gather3A = tpu.vector_load_idx %arg13[%add3A_544, %add3A_637] : memref<320x128xf32, #tpu.memory_space<vmem>>[vector<16xi32>, vector<16xi32>], vector<16xf32>,
      %add3A_638 = arith.constant 0 : i32
      %add3A_639 = vector.broadcast %add3A_638 : i32 to vector<16xi32>
      %add3A_640 = arith.addi %get3A_398, %add3A_639 : vector<16xi32>
      %gather3A_641 = tpu.vector_load_idx %arg13[%add3A_550, %add3A_640] : memref<320x128xf32, #tpu.memory_space<vmem>>[vector<16xi32>, vector<16xi32>], vector<16xf32>,
      %add3A_642 = arith.addf %gather3A, %gather3A_641 : vector<16xf32>
      %add3A_643 = arith.constant 0 : i32
      %add3A_644 = vector.broadcast %add3A_643 : i32 to vector<16xi32>
      %add3A_645 = arith.addi %get3A_408, %add3A_644 : vector<16xi32>
      %gather3A_646 = tpu.vector_load_idx %arg13[%add3A_556, %add3A_645] : memref<320x128xf32, #tpu.memory_space<vmem>>[vector<16xi32>, vector<16xi32>], vector<16xf32>,
      %add3A_647 = arith.addf %add3A_642, %gather3A_646 : vector<16xf32>
      %add3A_648 = arith.constant 0 : i32
      %add3A_649 = vector.broadcast %add3A_648 : i32 to vector<16xi32>
      %add3A_650 = arith.addi %get3A_418, %add3A_649 : vector<16xi32>
      %gather3A_651 = tpu.vector_load_idx %arg13[%add3A_562, %add3A_650] : memref<320x128xf32, #tpu.memory_space<vmem>>[vector<16xi32>, vector<16xi32>], vector<16xf32>,
      %add3A_652 = arith.addf %add3A_647, %gather3A_651 : vector<16xf32>
      %add3A_653 = arith.constant 0 : i32
      %add3A_654 = vector.broadcast %add3A_653 : i32 to vector<16xi32>
      %add3A_655 = arith.addi %get3A_428, %add3A_654 : vector<16xi32>
      %gather3A_656 = tpu.vector_load_idx %arg13[%add3A_568, %add3A_655] : memref<320x128xf32, #tpu.memory_space<vmem>>[vector<16xi32>, vector<16xi32>], vector<16xf32>,
      %add3A_657 = arith.addf %add3A_652, %gather3A_656 : vector<16xf32>
      %add3A_658 = arith.constant 0 : i32
      %add3A_659 = vector.broadcast %add3A_658 : i32 to vector<16xi32>
      %add3A_660 = arith.addi %get3A_438, %add3A_659 : vector<16xi32>
      %gather3A_661 = tpu.vector_load_idx %arg13[%add3A_574, %add3A_660] : memref<320x128xf32, #tpu.memory_space<vmem>>[vector<16xi32>, vector<16xi32>], vector<16xf32>,
      %add3A_662 = arith.addf %add3A_657, %gather3A_661 : vector<16xf32>
      %add3A_663 = arith.constant 0 : i32
      %add3A_664 = vector.broadcast %add3A_663 : i32 to vector<16xi32>
      %add3A_665 = arith.addi %get3A_448, %add3A_664 : vector<16xi32>
      %gather3A_666 = tpu.vector_load_idx %arg13[%add3A_580, %add3A_665] : memref<320x128xf32, #tpu.memory_space<vmem>>[vector<16xi32>, vector<16xi32>], vector<16xf32>,
      %add3A_667 = arith.addf %add3A_662, %gather3A_666 : vector<16xf32>
      %add3A_668 = arith.constant 0 : i32
      %add3A_669 = vector.broadcast %add3A_668 : i32 to vector<16xi32>
      %add3A_670 = arith.addi %get3A_458, %add3A_669 : vector<16xi32>
      %gather3A_671 = tpu.vector_load_idx %arg13[%add3A_586, %add3A_670] : memref<320x128xf32, #tpu.memory_space<vmem>>[vector<16xi32>, vector<16xi32>], vector<16xf32>,
      %add3A_672 = arith.addf %add3A_667, %gather3A_671 : vector<16xf32>
      %add3A_673 = arith.constant 0 : i32
      %add3A_674 = vector.broadcast %add3A_673 : i32 to vector<16xi32>
      %add3A_675 = arith.addi %get3A_468, %add3A_674 : vector<16xi32>
      %gather3A_676 = tpu.vector_load_idx %arg13[%add3A_592, %add3A_675] : memref<320x128xf32, #tpu.memory_space<vmem>>[vector<16xi32>, vector<16xi32>], vector<16xf32>,
      %add3A_677 = arith.addf %add3A_672, %gather3A_676 : vector<16xf32>
      %add3A_678 = arith.constant 0 : i32
      %add3A_679 = vector.broadcast %add3A_678 : i32 to vector<16xi32>
      %add3A_680 = arith.addi %get3A_478, %add3A_679 : vector<16xi32>
      %gather3A_681 = tpu.vector_load_idx %arg13[%add3A_598, %add3A_680] : memref<320x128xf32, #tpu.memory_space<vmem>>[vector<16xi32>, vector<16xi32>], vector<16xf32>,
      %add3A_682 = arith.addf %add3A_677, %gather3A_681 : vector<16xf32>
      %add3A_683 = arith.constant 16 : i32
      %add3A_684 = vector.broadcast %add3A_683 : i32 to vector<16xi32>
      %add3A_685 = arith.addi %get3A_388, %add3A_684 : vector<16xi32>
      %gather3A_686 = tpu.vector_load_idx %arg13[%add3A_544, %add3A_685] : memref<320x128xf32, #tpu.memory_space<vmem>>[vector<16xi32>, vector<16xi32>], vector<16xf32>,
      %add3A_687 = arith.constant 16 : i32
      %add3A_688 = vector.broadcast %add3A_687 : i32 to vector<16xi32>
      %add3A_689 = arith.addi %get3A_398, %add3A_688 : vector<16xi32>
      %gather3A_690 = tpu.vector_load_idx %arg13[%add3A_550, %add3A_689] : memref<320x128xf32, #tpu.memory_space<vmem>>[vector<16xi32>, vector<16xi32>], vector<16xf32>,
      %add3A_691 = arith.addf %gather3A_686, %gather3A_690 : vector<16xf32>
      %add3A_692 = arith.constant 16 : i32
      %add3A_693 = vector.broadcast %add3A_692 : i32 to vector<16xi32>
      %add3A_694 = arith.addi %get3A_408, %add3A_693 : vector<16xi32>
      %gather3A_695 = tpu.vector_load_idx %arg13[%add3A_556, %add3A_694] : memref<320x128xf32, #tpu.memory_space<vmem>>[vector<16xi32>, vector<16xi32>], vector<16xf32>,
      %add3A_696 = arith.addf %add3A_691, %gather3A_695 : vector<16xf32>
      %add3A_697 = arith.constant 16 : i32
      %add3A_698 = vector.broadcast %add3A_697 : i32 to vector<16xi32>
      %add3A_699 = arith.addi %get3A_418, %add3A_698 : vector<16xi32>
      %gather3A_700 = tpu.vector_load_idx %arg13[%add3A_562, %add3A_699] : memref<320x128xf32, #tpu.memory_space<vmem>>[vector<16xi32>, vector<16xi32>], vector<16xf32>,
      %add3A_701 = arith.addf %add3A_696, %gather3A_700 : vector<16xf32>
      %add3A_702 = arith.constant 16 : i32
      %add3A_703 = vector.broadcast %add3A_702 : i32 to vector<16xi32>
      %add3A_704 = arith.addi %get3A_428, %add3A_703 : vector<16xi32>
      %gather3A_705 = tpu.vector_load_idx %arg13[%add3A_568, %add3A_704] : memref<320x128xf32, #tpu.memory_space<vmem>>[vector<16xi32>, vector<16xi32>], vector<16xf32>,
      %add3A_706 = arith.addf %add3A_701, %gather3A_705 : vector<16xf32>
      %add3A_707 = arith.constant 16 : i32
      %add3A_708 = vector.broadcast %add3A_707 : i32 to vector<16xi32>
      %add3A_709 = arith.addi %get3A_438, %add3A_708 : vector<16xi32>
      %gather3A_710 = tpu.vector_load_idx %arg13[%add3A_574, %add3A_709] : memref<320x128xf32, #tpu.memory_space<vmem>>[vector<16xi32>, vector<16xi32>], vector<16xf32>,
      %add3A_711 = arith.addf %add3A_706, %gather3A_710 : vector<16xf32>
      %add3A_712 = arith.constant 16 : i32
      %add3A_713 = vector.broadcast %add3A_712 : i32 to vector<16xi32>
      %add3A_714 = arith.addi %get3A_448, %add3A_713 : vector<16xi32>
      %gather3A_715 = tpu.vector_load_idx %arg13[%add3A_580, %add3A_714] : memref<320x128xf32, #tpu.memory_space<vmem>>[vector<16xi32>, vector<16xi32>], vector<16xf32>,
      %add3A_716 = arith.addf %add3A_711, %gather3A_715 : vector<16xf32>
      %add3A_717 = arith.constant 16 : i32
      %add3A_718 = vector.broadcast %add3A_717 : i32 to vector<16xi32>
      %add3A_719 = arith.addi %get3A_458, %add3A_718 : vector<16xi32>
      %gather3A_720 = tpu.vector_load_idx %arg13[%add3A_586, %add3A_719] : memref<320x128xf32, #tpu.memory_space<vmem>>[vector<16xi32>, vector<16xi32>], vector<16xf32>,
      %add3A_721 = arith.addf %add3A_716, %gather3A_720 : vector<16xf32>
      %add3A_722 = arith.constant 16 : i32
      %add3A_723 = vector.broadcast %add3A_722 : i32 to vector<16xi32>
      %add3A_724 = arith.addi %get3A_468, %add3A_723 : vector<16xi32>
      %gather3A_725 = tpu.vector_load_idx %arg13[%add3A_592, %add3A_724] : memref<320x128xf32, #tpu.memory_space<vmem>>[vector<16xi32>, vector<16xi32>], vector<16xf32>,
      %add3A_726 = arith.addf %add3A_721, %gather3A_725 : vector<16xf32>
      %add3A_727 = arith.constant 16 : i32
      %add3A_728 = vector.broadcast %add3A_727 : i32 to vector<16xi32>
      %add3A_729 = arith.addi %get3A_478, %add3A_728 : vector<16xi32>
      %gather3A_730 = tpu.vector_load_idx %arg13[%add3A_598, %add3A_729] : memref<320x128xf32, #tpu.memory_space<vmem>>[vector<16xi32>, vector<16xi32>], vector<16xf32>,
      %add3A_731 = arith.addf %add3A_726, %gather3A_730 : vector<16xf32>
      %add3A_732 = arith.constant 32 : i32
      %add3A_733 = vector.broadcast %add3A_732 : i32 to vector<16xi32>
      %add3A_734 = arith.addi %get3A_388, %add3A_733 : vector<16xi32>
      %gather3A_735 = tpu.vector_load_idx %arg13[%add3A_544, %add3A_734] : memref<320x128xf32, #tpu.memory_space<vmem>>[vector<16xi32>, vector<16xi32>], vector<16xf32>,
      %add3A_736 = arith.constant 32 : i32
      %add3A_737 = vector.broadcast %add3A_736 : i32 to vector<16xi32>
      %add3A_738 = arith.addi %get3A_398, %add3A_737 : vector<16xi32>
      %gather3A_739 = tpu.vector_load_idx %arg13[%add3A_550, %add3A_738] : memref<320x128xf32, #tpu.memory_space<vmem>>[vector<16xi32>, vector<16xi32>], vector<16xf32>,
      %add3A_740 = arith.addf %gather3A_735, %gather3A_739 : vector<16xf32>
      %add3A_741 = arith.constant 32 : i32
      %add3A_742 = vector.broadcast %add3A_741 : i32 to vector<16xi32>
      %add3A_743 = arith.addi %get3A_408, %add3A_742 : vector<16xi32>
      %gather3A_744 = tpu.vector_load_idx %arg13[%add3A_556, %add3A_743] : memref<320x128xf32, #tpu.memory_space<vmem>>[vector<16xi32>, vector<16xi32>], vector<16xf32>,
      %add3A_745 = arith.addf %add3A_740, %gather3A_744 : vector<16xf32>
      %add3A_746 = arith.constant 32 : i32
      %add3A_747 = vector.broadcast %add3A_746 : i32 to vector<16xi32>
      %add3A_748 = arith.addi %get3A_418, %add3A_747 : vector<16xi32>
      %gather3A_749 = tpu.vector_load_idx %arg13[%add3A_562, %add3A_748] : memref<320x128xf32, #tpu.memory_space<vmem>>[vector<16xi32>, vector<16xi32>], vector<16xf32>,
      %add3A_750 = arith.addf %add3A_745, %gather3A_749 : vector<16xf32>
      %add3A_751 = arith.constant 32 : i32
      %add3A_752 = vector.broadcast %add3A_751 : i32 to vector<16xi32>
      %add3A_753 = arith.addi %get3A_428, %add3A_752 : vector<16xi32>
      %gather3A_754 = tpu.vector_load_idx %arg13[%add3A_568, %add3A_753] : memref<320x128xf32, #tpu.memory_space<vmem>>[vector<16xi32>, vector<16xi32>], vector<16xf32>,
      %add3A_755 = arith.addf %add3A_750, %gather3A_754 : vector<16xf32>
      %add3A_756 = arith.constant 32 : i32
      %add3A_757 = vector.broadcast %add3A_756 : i32 to vector<16xi32>
      %add3A_758 = arith.addi %get3A_438, %add3A_757 : vector<16xi32>
      %gather3A_759 = tpu.vector_load_idx %arg13[%add3A_574, %add3A_758] : memref<320x128xf32, #tpu.memory_space<vmem>>[vector<16xi32>, vector<16xi32>], vector<16xf32>,
      %add3A_760 = arith.addf %add3A_755, %gather3A_759 : vector<16xf32>
      %add3A_761 = arith.constant 32 : i32
      %add3A_762 = vector.broadcast %add3A_761 : i32 to vector<16xi32>
      %add3A_763 = arith.addi %get3A_448, %add3A_762 : vector<16xi32>
      %gather3A_764 = tpu.vector_load_idx %arg13[%add3A_580, %add3A_763] : memref<320x128xf32, #tpu.memory_space<vmem>>[vector<16xi32>, vector<16xi32>], vector<16xf32>,
      %add3A_765 = arith.addf %add3A_760, %gather3A_764 : vector<16xf32>
      %add3A_766 = arith.constant 32 : i32
      %add3A_767 = vector.broadcast %add3A_766 : i32 to vector<16xi32>
      %add3A_768 = arith.addi %get3A_458, %add3A_767 : vector<16xi32>
      %gather3A_769 = tpu.vector_load_idx %arg13[%add3A_586, %add3A_768] : memref<320x128xf32, #tpu.memory_space<vmem>>[vector<16xi32>, vector<16xi32>], vector<16xf32>,
      %add3A_770 = arith.addf %add3A_765, %gather3A_769 : vector<16xf32>
      %add3A_771 = arith.constant 32 : i32
      %add3A_772 = vector.broadcast %add3A_771 : i32 to vector<16xi32>
      %add3A_773 = arith.addi %get3A_468, %add3A_772 : vector<16xi32>
      %gather3A_774 = tpu.vector_load_idx %arg13[%add3A_592, %add3A_773] : memref<320x128xf32, #tpu.memory_space<vmem>>[vector<16xi32>, vector<16xi32>], vector<16xf32>,
      %add3A_775 = arith.addf %add3A_770, %gather3A_774 : vector<16xf32>
      %add3A_776 = arith.constant 32 : i32
      %add3A_777 = vector.broadcast %add3A_776 : i32 to vector<16xi32>
      %add3A_778 = arith.addi %get3A_478, %add3A_777 : vector<16xi32>
      %gather3A_779 = tpu.vector_load_idx %arg13[%add3A_598, %add3A_778] : memref<320x128xf32, #tpu.memory_space<vmem>>[vector<16xi32>, vector<16xi32>], vector<16xf32>,
      %add3A_780 = arith.addf %add3A_775, %gather3A_779 : vector<16xf32>
      %add3A_781 = arith.constant 48 : i32
      %add3A_782 = vector.broadcast %add3A_781 : i32 to vector<16xi32>
      %add3A_783 = arith.addi %get3A_388, %add3A_782 : vector<16xi32>
      %gather3A_784 = tpu.vector_load_idx %arg13[%add3A_544, %add3A_783] : memref<320x128xf32, #tpu.memory_space<vmem>>[vector<16xi32>, vector<16xi32>], vector<16xf32>,
      %add3A_785 = arith.constant 48 : i32
      %add3A_786 = vector.broadcast %add3A_785 : i32 to vector<16xi32>
      %add3A_787 = arith.addi %get3A_398, %add3A_786 : vector<16xi32>
      %gather3A_788 = tpu.vector_load_idx %arg13[%add3A_550, %add3A_787] : memref<320x128xf32, #tpu.memory_space<vmem>>[vector<16xi32>, vector<16xi32>], vector<16xf32>,
      %add3A_789 = arith.addf %gather3A_784, %gather3A_788 : vector<16xf32>
      %add3A_790 = arith.constant 48 : i32
      %add3A_791 = vector.broadcast %add3A_790 : i32 to vector<16xi32>
      %add3A_792 = arith.addi %get3A_408, %add3A_791 : vector<16xi32>
      %gather3A_793 = tpu.vector_load_idx %arg13[%add3A_556, %add3A_792] : memref<320x128xf32, #tpu.memory_space<vmem>>[vector<16xi32>, vector<16xi32>], vector<16xf32>,
      %add3A_794 = arith.addf %add3A_789, %gather3A_793 : vector<16xf32>
      %add3A_795 = arith.constant 48 : i32
      %add3A_796 = vector.broadcast %add3A_795 : i32 to vector<16xi32>
      %add3A_797 = arith.addi %get3A_418, %add3A_796 : vector<16xi32>
      %gather3A_798 = tpu.vector_load_idx %arg13[%add3A_562, %add3A_797] : memref<320x128xf32, #tpu.memory_space<vmem>>[vector<16xi32>, vector<16xi32>], vector<16xf32>,
      %add3A_799 = arith.addf %add3A_794, %gather3A_798 : vector<16xf32>
      %add3A_800 = arith.constant 48 : i32
      %add3A_801 = vector.broadcast %add3A_800 : i32 to vector<16xi32>
      %add3A_802 = arith.addi %get3A_428, %add3A_801 : vector<16xi32>
      %gather3A_803 = tpu.vector_load_idx %arg13[%add3A_568, %add3A_802] : memref<320x128xf32, #tpu.memory_space<vmem>>[vector<16xi32>, vector<16xi32>], vector<16xf32>,
      %add3A_804 = arith.addf %add3A_799, %gather3A_803 : vector<16xf32>
      %add3A_805 = arith.constant 48 : i32
      %add3A_806 = vector.broadcast %add3A_805 : i32 to vector<16xi32>
      %add3A_807 = arith.addi %get3A_438, %add3A_806 : vector<16xi32>
      %gather3A_808 = tpu.vector_load_idx %arg13[%add3A_574, %add3A_807] : memref<320x128xf32, #tpu.memory_space<vmem>>[vector<16xi32>, vector<16xi32>], vector<16xf32>,
      %add3A_809 = arith.addf %add3A_804, %gather3A_808 : vector<16xf32>
      %add3A_810 = arith.constant 48 : i32
      %add3A_811 = vector.broadcast %add3A_810 : i32 to vector<16xi32>
      %add3A_812 = arith.addi %get3A_448, %add3A_811 : vector<16xi32>
      %gather3A_813 = tpu.vector_load_idx %arg13[%add3A_580, %add3A_812] : memref<320x128xf32, #tpu.memory_space<vmem>>[vector<16xi32>, vector<16xi32>], vector<16xf32>,
      %add3A_814 = arith.addf %add3A_809, %gather3A_813 : vector<16xf32>
      %add3A_815 = arith.constant 48 : i32
      %add3A_816 = vector.broadcast %add3A_815 : i32 to vector<16xi32>
      %add3A_817 = arith.addi %get3A_458, %add3A_816 : vector<16xi32>
      %gather3A_818 = tpu.vector_load_idx %arg13[%add3A_586, %add3A_817] : memref<320x128xf32, #tpu.memory_space<vmem>>[vector<16xi32>, vector<16xi32>], vector<16xf32>,
      %add3A_819 = arith.addf %add3A_814, %gather3A_818 : vector<16xf32>
      %add3A_820 = arith.constant 48 : i32
      %add3A_821 = vector.broadcast %add3A_820 : i32 to vector<16xi32>
      %add3A_822 = arith.addi %get3A_468, %add3A_821 : vector<16xi32>
      %gather3A_823 = tpu.vector_load_idx %arg13[%add3A_592, %add3A_822] : memref<320x128xf32, #tpu.memory_space<vmem>>[vector<16xi32>, vector<16xi32>], vector<16xf32>,
      %add3A_824 = arith.addf %add3A_819, %gather3A_823 : vector<16xf32>
      %add3A_825 = arith.constant 48 : i32
      %add3A_826 = vector.broadcast %add3A_825 : i32 to vector<16xi32>
      %add3A_827 = arith.addi %get3A_478, %add3A_826 : vector<16xi32>
      %gather3A_828 = tpu.vector_load_idx %arg13[%add3A_598, %add3A_827] : memref<320x128xf32, #tpu.memory_space<vmem>>[vector<16xi32>, vector<16xi32>], vector<16xf32>,
      %add3A_829 = arith.addf %add3A_824, %gather3A_828 : vector<16xf32>
      %gather3A_830 = tpu.vector_load_idx %arg14[%add3A_604, %get3A_488] : memref<192x128xf32, #tpu.memory_space<vmem>>[vector<16xi32>, vector<16xi32>], vector<16xf32>,
      %mul3A_831 = arith.mulf %add3A_682, %gather3A_830 : vector<16xf32>
      %add3A_832 = arith.constant 16 : i32
      %add3A_833 = vector.broadcast %add3A_832 : i32 to vector<16xi32>
      %add3A_834 = arith.addi %get3A_488, %add3A_833 : vector<16xi32>
      %gather3A_835 = tpu.vector_load_idx %arg14[%add3A_604, %add3A_834] : memref<192x128xf32, #tpu.memory_space<vmem>>[vector<16xi32>, vector<16xi32>], vector<16xf32>,
      %mul3A_836 = arith.mulf %add3A_731, %gather3A_835 : vector<16xf32>
      %add3A_837 = arith.addf %mul3A_831, %mul3A_836 : vector<16xf32>
      %add3A_838 = arith.constant 32 : i32
      %add3A_839 = vector.broadcast %add3A_838 : i32 to vector<16xi32>
      %add3A_840 = arith.addi %get3A_488, %add3A_839 : vector<16xi32>
      %gather3A_841 = tpu.vector_load_idx %arg14[%add3A_604, %add3A_840] : memref<192x128xf32, #tpu.memory_space<vmem>>[vector<16xi32>, vector<16xi32>], vector<16xf32>,
      %mul3A_842 = arith.mulf %add3A_780, %gather3A_841 : vector<16xf32>
      %add3A_843 = arith.addf %add3A_837, %mul3A_842 : vector<16xf32>
      %add3A_844 = arith.constant 48 : i32
      %add3A_845 = vector.broadcast %add3A_844 : i32 to vector<16xi32>
      %add3A_846 = arith.addi %get3A_488, %add3A_845 : vector<16xi32>
      %gather3A_847 = tpu.vector_load_idx %arg14[%add3A_604, %add3A_846] : memref<192x128xf32, #tpu.memory_space<vmem>>[vector<16xi32>, vector<16xi32>], vector<16xf32>,
      %mul3A_848 = arith.mulf %add3A_829, %gather3A_847 : vector<16xf32>
      %add3A_849 = arith.addf %add3A_843, %mul3A_848 : vector<16xf32>
      %mul3A_850 = arith.constant 6 : i32
      %mul3A_851 = arith.muli %scan3A_379, %mul3A_850 : i32
      %add3A_852 = arith.constant 0 : i32
      %add3A_853 = arith.addi %mul3A_851, %add3A_852 : i32
      %swap3A = arith.index_cast %add3A_853 : i32 to index
      %swap3A_854 = arith.constant 0 : index
      %swap3A_855 = tpu.vector_load %arg15[%swap3A, %swap3A_854] {strides = array<i32>} : memref<192x16xf32, #tpu.memory_space<vmem>>, vector<16xf32>,
      tpu.vector_store %arg15[%swap3A, %swap3A_854], %add3A_849 {strides = array<i32>} : memref<192x16xf32, #tpu.memory_space<vmem>>, vector<16xf32>,
      %gather3A_856 = tpu.vector_load_idx %arg14[%add3A_610, %get3A_498] : memref<192x128xf32, #tpu.memory_space<vmem>>[vector<16xi32>, vector<16xi32>], vector<16xf32>,
      %mul3A_857 = arith.mulf %add3A_682, %gather3A_856 : vector<16xf32>
      %add3A_858 = arith.constant 16 : i32
      %add3A_859 = vector.broadcast %add3A_858 : i32 to vector<16xi32>
      %add3A_860 = arith.addi %get3A_498, %add3A_859 : vector<16xi32>
      %gather3A_861 = tpu.vector_load_idx %arg14[%add3A_610, %add3A_860] : memref<192x128xf32, #tpu.memory_space<vmem>>[vector<16xi32>, vector<16xi32>], vector<16xf32>,
      %mul3A_862 = arith.mulf %add3A_731, %gather3A_861 : vector<16xf32>
      %add3A_863 = arith.addf %mul3A_857, %mul3A_862 : vector<16xf32>
      %add3A_864 = arith.constant 32 : i32
      %add3A_865 = vector.broadcast %add3A_864 : i32 to vector<16xi32>
      %add3A_866 = arith.addi %get3A_498, %add3A_865 : vector<16xi32>
      %gather3A_867 = tpu.vector_load_idx %arg14[%add3A_610, %add3A_866] : memref<192x128xf32, #tpu.memory_space<vmem>>[vector<16xi32>, vector<16xi32>], vector<16xf32>,
      %mul3A_868 = arith.mulf %add3A_780, %gather3A_867 : vector<16xf32>
      %add3A_869 = arith.addf %add3A_863, %mul3A_868 : vector<16xf32>
      %add3A_870 = arith.constant 48 : i32
      %add3A_871 = vector.broadcast %add3A_870 : i32 to vector<16xi32>
      %add3A_872 = arith.addi %get3A_498, %add3A_871 : vector<16xi32>
      %gather3A_873 = tpu.vector_load_idx %arg14[%add3A_610, %add3A_872] : memref<192x128xf32, #tpu.memory_space<vmem>>[vector<16xi32>, vector<16xi32>], vector<16xf32>,
      %mul3A_874 = arith.mulf %add3A_829, %gather3A_873 : vector<16xf32>
      %add3A_875 = arith.addf %add3A_869, %mul3A_874 : vector<16xf32>
      %neg3A = arith.constant 0.000000e+00 : f32
      %neg3A_876 = vector.broadcast %neg3A : f32 to vector<16xf32>
      %neg3A_877 = arith.subf %neg3A_876, %add3A_875 : vector<16xf32>
      %mul3A_878 = arith.constant 6 : i32
      %mul3A_879 = arith.muli %scan3A_379, %mul3A_878 : i32
      %add3A_880 = arith.constant 1 : i32
      %add3A_881 = arith.addi %mul3A_879, %add3A_880 : i32
      %swap3A_882 = arith.index_cast %add3A_881 : i32 to index
      %swap3A_883 = arith.constant 0 : index
      %swap3A_884 = tpu.vector_load %arg15[%swap3A_882, %swap3A_883] {strides = array<i32>} : memref<192x16xf32, #tpu.memory_space<vmem>>, vector<16xf32>,
      tpu.vector_store %arg15[%swap3A_882, %swap3A_883], %neg3A_877 {strides = array<i32>} : memref<192x16xf32, #tpu.memory_space<vmem>>, vector<16xf32>,
      %gather3A_885 = tpu.vector_load_idx %arg14[%add3A_616, %get3A_508] : memref<192x128xf32, #tpu.memory_space<vmem>>[vector<16xi32>, vector<16xi32>], vector<16xf32>,
      %mul3A_886 = arith.mulf %add3A_682, %gather3A_885 : vector<16xf32>
      %add3A_887 = arith.constant 16 : i32
      %add3A_888 = vector.broadcast %add3A_887 : i32 to vector<16xi32>
      %add3A_889 = arith.addi %get3A_508, %add3A_888 : vector<16xi32>
      %gather3A_890 = tpu.vector_load_idx %arg14[%add3A_616, %add3A_889] : memref<192x128xf32, #tpu.memory_space<vmem>>[vector<16xi32>, vector<16xi32>], vector<16xf32>,
      %mul3A_891 = arith.mulf %add3A_731, %gather3A_890 : vector<16xf32>
      %add3A_892 = arith.addf %mul3A_886, %mul3A_891 : vector<16xf32>
      %add3A_893 = arith.constant 32 : i32
      %add3A_894 = vector.broadcast %add3A_893 : i32 to vector<16xi32>
      %add3A_895 = arith.addi %get3A_508, %add3A_894 : vector<16xi32>
      %gather3A_896 = tpu.vector_load_idx %arg14[%add3A_616, %add3A_895] : memref<192x128xf32, #tpu.memory_space<vmem>>[vector<16xi32>, vector<16xi32>], vector<16xf32>,
      %mul3A_897 = arith.mulf %add3A_780, %gather3A_896 : vector<16xf32>
      %add3A_898 = arith.addf %add3A_892, %mul3A_897 : vector<16xf32>
      %add3A_899 = arith.constant 48 : i32
      %add3A_900 = vector.broadcast %add3A_899 : i32 to vector<16xi32>
      %add3A_901 = arith.addi %get3A_508, %add3A_900 : vector<16xi32>
      %gather3A_902 = tpu.vector_load_idx %arg14[%add3A_616, %add3A_901] : memref<192x128xf32, #tpu.memory_space<vmem>>[vector<16xi32>, vector<16xi32>], vector<16xf32>,
      %mul3A_903 = arith.mulf %add3A_829, %gather3A_902 : vector<16xf32>
      %add3A_904 = arith.addf %add3A_898, %mul3A_903 : vector<16xf32>
      %neg3A_905 = arith.constant 0.000000e+00 : f32
      %neg3A_906 = vector.broadcast %neg3A_905 : f32 to vector<16xf32>
      %neg3A_907 = arith.subf %neg3A_906, %add3A_904 : vector<16xf32>
      %mul3A_908 = arith.constant 6 : i32
      %mul3A_909 = arith.muli %scan3A_379, %mul3A_908 : i32
      %add3A_910 = arith.constant 2 : i32
      %add3A_911 = arith.addi %mul3A_909, %add3A_910 : i32
      %swap3A_912 = arith.index_cast %add3A_911 : i32 to index
      %swap3A_913 = arith.constant 0 : index
      %swap3A_914 = tpu.vector_load %arg15[%swap3A_912, %swap3A_913] {strides = array<i32>} : memref<192x16xf32, #tpu.memory_space<vmem>>, vector<16xf32>,
      tpu.vector_store %arg15[%swap3A_912, %swap3A_913], %neg3A_907 {strides = array<i32>} : memref<192x16xf32, #tpu.memory_space<vmem>>, vector<16xf32>,
      %gather3A_915 = tpu.vector_load_idx %arg14[%add3A_622, %get3A_518] : memref<192x128xf32, #tpu.memory_space<vmem>>[vector<16xi32>, vector<16xi32>], vector<16xf32>,
      %mul3A_916 = arith.mulf %add3A_682, %gather3A_915 : vector<16xf32>
      %add3A_917 = arith.constant 16 : i32
      %add3A_918 = vector.broadcast %add3A_917 : i32 to vector<16xi32>
      %add3A_919 = arith.addi %get3A_518, %add3A_918 : vector<16xi32>
      %gather3A_920 = tpu.vector_load_idx %arg14[%add3A_622, %add3A_919] : memref<192x128xf32, #tpu.memory_space<vmem>>[vector<16xi32>, vector<16xi32>], vector<16xf32>,
      %mul3A_921 = arith.mulf %add3A_731, %gather3A_920 : vector<16xf32>
      %add3A_922 = arith.addf %mul3A_916, %mul3A_921 : vector<16xf32>
      %add3A_923 = arith.constant 32 : i32
      %add3A_924 = vector.broadcast %add3A_923 : i32 to vector<16xi32>
      %add3A_925 = arith.addi %get3A_518, %add3A_924 : vector<16xi32>
      %gather3A_926 = tpu.vector_load_idx %arg14[%add3A_622, %add3A_925] : memref<192x128xf32, #tpu.memory_space<vmem>>[vector<16xi32>, vector<16xi32>], vector<16xf32>,
      %mul3A_927 = arith.mulf %add3A_780, %gather3A_926 : vector<16xf32>
      %add3A_928 = arith.addf %add3A_922, %mul3A_927 : vector<16xf32>
      %add3A_929 = arith.constant 48 : i32
      %add3A_930 = vector.broadcast %add3A_929 : i32 to vector<16xi32>
      %add3A_931 = arith.addi %get3A_518, %add3A_930 : vector<16xi32>
      %gather3A_932 = tpu.vector_load_idx %arg14[%add3A_622, %add3A_931] : memref<192x128xf32, #tpu.memory_space<vmem>>[vector<16xi32>, vector<16xi32>], vector<16xf32>,
      %mul3A_933 = arith.mulf %add3A_829, %gather3A_932 : vector<16xf32>
      %add3A_934 = arith.addf %add3A_928, %mul3A_933 : vector<16xf32>
      %neg3A_935 = arith.constant 0.000000e+00 : f32
      %neg3A_936 = vector.broadcast %neg3A_935 : f32 to vector<16xf32>
      %neg3A_937 = arith.subf %neg3A_936, %add3A_934 : vector<16xf32>
      %mul3A_938 = arith.constant 6 : i32
      %mul3A_939 = arith.muli %scan3A_379, %mul3A_938 : i32
      %add3A_940 = arith.constant 3 : i32
      %add3A_941 = arith.addi %mul3A_939, %add3A_940 : i32
      %swap3A_942 = arith.index_cast %add3A_941 : i32 to index
      %swap3A_943 = arith.constant 0 : index
      %swap3A_944 = tpu.vector_load %arg15[%swap3A_942, %swap3A_943] {strides = array<i32>} : memref<192x16xf32, #tpu.memory_space<vmem>>, vector<16xf32>,
      tpu.vector_store %arg15[%swap3A_942, %swap3A_943], %neg3A_937 {strides = array<i32>} : memref<192x16xf32, #tpu.memory_space<vmem>>, vector<16xf32>,
      %gather3A_945 = tpu.vector_load_idx %arg14[%add3A_628, %get3A_528] : memref<192x128xf32, #tpu.memory_space<vmem>>[vector<16xi32>, vector<16xi32>], vector<16xf32>,
      %mul3A_946 = arith.mulf %add3A_682, %gather3A_945 : vector<16xf32>
      %add3A_947 = arith.constant 16 : i32
      %add3A_948 = vector.broadcast %add3A_947 : i32 to vector<16xi32>
      %add3A_949 = arith.addi %get3A_528, %add3A_948 : vector<16xi32>
      %gather3A_950 = tpu.vector_load_idx %arg14[%add3A_628, %add3A_949] : memref<192x128xf32, #tpu.memory_space<vmem>>[vector<16xi32>, vector<16xi32>], vector<16xf32>,
      %mul3A_951 = arith.mulf %add3A_731, %gather3A_950 : vector<16xf32>
      %add3A_952 = arith.addf %mul3A_946, %mul3A_951 : vector<16xf32>
      %add3A_953 = arith.constant 32 : i32
      %add3A_954 = vector.broadcast %add3A_953 : i32 to vector<16xi32>
      %add3A_955 = arith.addi %get3A_528, %add3A_954 : vector<16xi32>
      %gather3A_956 = tpu.vector_load_idx %arg14[%add3A_628, %add3A_955] : memref<192x128xf32, #tpu.memory_space<vmem>>[vector<16xi32>, vector<16xi32>], vector<16xf32>,
      %mul3A_957 = arith.mulf %add3A_780, %gather3A_956 : vector<16xf32>
      %add3A_958 = arith.addf %add3A_952, %mul3A_957 : vector<16xf32>
      %add3A_959 = arith.constant 48 : i32
      %add3A_960 = vector.broadcast %add3A_959 : i32 to vector<16xi32>
      %add3A_961 = arith.addi %get3A_528, %add3A_960 : vector<16xi32>
      %gather3A_962 = tpu.vector_load_idx %arg14[%add3A_628, %add3A_961] : memref<192x128xf32, #tpu.memory_space<vmem>>[vector<16xi32>, vector<16xi32>], vector<16xf32>,
      %mul3A_963 = arith.mulf %add3A_829, %gather3A_962 : vector<16xf32>
      %add3A_964 = arith.addf %add3A_958, %mul3A_963 : vector<16xf32>
      %neg3A_965 = arith.constant 0.000000e+00 : f32
      %neg3A_966 = vector.broadcast %neg3A_965 : f32 to vector<16xf32>
      %neg3A_967 = arith.subf %neg3A_966, %add3A_964 : vector<16xf32>
      %mul3A_968 = arith.constant 6 : i32
      %mul3A_969 = arith.muli %scan3A_379, %mul3A_968 : i32
      %add3A_970 = arith.constant 4 : i32
      %add3A_971 = arith.addi %mul3A_969, %add3A_970 : i32
      %swap3A_972 = arith.index_cast %add3A_971 : i32 to index
      %swap3A_973 = arith.constant 0 : index
      %swap3A_974 = tpu.vector_load %arg15[%swap3A_972, %swap3A_973] {strides = array<i32>} : memref<192x16xf32, #tpu.memory_space<vmem>>, vector<16xf32>,
      tpu.vector_store %arg15[%swap3A_972, %swap3A_973], %neg3A_967 {strides = array<i32>} : memref<192x16xf32, #tpu.memory_space<vmem>>, vector<16xf32>,
      %gather3A_975 = tpu.vector_load_idx %arg14[%add3A_634, %get3A_538] : memref<192x128xf32, #tpu.memory_space<vmem>>[vector<16xi32>, vector<16xi32>], vector<16xf32>,
      %mul3A_976 = arith.mulf %add3A_682, %gather3A_975 : vector<16xf32>
      %add3A_977 = arith.constant 16 : i32
      %add3A_978 = vector.broadcast %add3A_977 : i32 to vector<16xi32>
      %add3A_979 = arith.addi %get3A_538, %add3A_978 : vector<16xi32>
      %gather3A_980 = tpu.vector_load_idx %arg14[%add3A_634, %add3A_979] : memref<192x128xf32, #tpu.memory_space<vmem>>[vector<16xi32>, vector<16xi32>], vector<16xf32>,
      %mul3A_981 = arith.mulf %add3A_731, %gather3A_980 : vector<16xf32>
      %add3A_982 = arith.addf %mul3A_976, %mul3A_981 : vector<16xf32>
      %add3A_983 = arith.constant 32 : i32
      %add3A_984 = vector.broadcast %add3A_983 : i32 to vector<16xi32>
      %add3A_985 = arith.addi %get3A_538, %add3A_984 : vector<16xi32>
      %gather3A_986 = tpu.vector_load_idx %arg14[%add3A_634, %add3A_985] : memref<192x128xf32, #tpu.memory_space<vmem>>[vector<16xi32>, vector<16xi32>], vector<16xf32>,
      %mul3A_987 = arith.mulf %add3A_780, %gather3A_986 : vector<16xf32>
      %add3A_988 = arith.addf %add3A_982, %mul3A_987 : vector<16xf32>
      %add3A_989 = arith.constant 48 : i32
      %add3A_990 = vector.broadcast %add3A_989 : i32 to vector<16xi32>
      %add3A_991 = arith.addi %get3A_538, %add3A_990 : vector<16xi32>
      %gather3A_992 = tpu.vector_load_idx %arg14[%add3A_634, %add3A_991] : memref<192x128xf32, #tpu.memory_space<vmem>>[vector<16xi32>, vector<16xi32>], vector<16xf32>,
      %mul3A_993 = arith.mulf %add3A_829, %gather3A_992 : vector<16xf32>
      %add3A_994 = arith.addf %add3A_988, %mul3A_993 : vector<16xf32>
      %neg3A_995 = arith.constant 0.000000e+00 : f32
      %neg3A_996 = vector.broadcast %neg3A_995 : f32 to vector<16xf32>
      %neg3A_997 = arith.subf %neg3A_996, %add3A_994 : vector<16xf32>
      %mul3A_998 = arith.constant 6 : i32
      %mul3A_999 = arith.muli %scan3A_379, %mul3A_998 : i32
      %add3A_1000 = arith.constant 5 : i32
      %add3A_1001 = arith.addi %mul3A_999, %add3A_1000 : i32
      %swap3A_1002 = arith.index_cast %add3A_1001 : i32 to index
      %swap3A_1003 = arith.constant 0 : index
      %swap3A_1004 = tpu.vector_load %arg15[%swap3A_1002, %swap3A_1003] {strides = array<i32>} : memref<192x16xf32, #tpu.memory_space<vmem>>, vector<16xf32>,
      tpu.vector_store %arg15[%swap3A_1002, %swap3A_1003], %neg3A_997 {strides = array<i32>} : memref<192x16xf32, #tpu.memory_space<vmem>>, vector<16xf32>,
    }
    %scan3A_282 = arith.constant 32 : i32
    %add3A_283 = arith.constant 64 : i32
    %add3A_284 = arith.addi %mul3A_2, %add3A_283 : i32
    %mul3A_285 = arith.constant 6 : i32
    %mul3A_286 = arith.muli %add3A_284, %mul3A_285 : i32
    "tpu.region"() ({
      %run_scoped3A = tpu.sem_alloc : memref<!tpu.dma_semaphore, #tpu.memory_space<semaphore_mem>>
      %dma_start3A_379 = arith.constant 0 : i32
      %dma_start3A_380 = tpu.memref_slice %arg8[%mul3A_286, %dma_start3A_379] : memref<24576x16xf32, #tpu.memory_space<hbm>> -> memref<192x16xf32, #tpu.memory_space<hbm>>
      %dma_start3A_381 = arith.constant 0 : i32
      %dma_start3A_382 = tpu.memref_slice %arg8[%mul3A_286, %dma_start3A_381] : memref<24576x16xf32, #tpu.memory_space<hbm>> -> memref<192x16xf32, #tpu.memory_space<hbm>>
      tpu.enqueue_dma source(%arg15 : memref<192x16xf32, #tpu.memory_space<vmem>>) target(%dma_start3A_382 : memref<192x16xf32, #tpu.memory_space<hbm>>) target_semaphore(%run_scoped3A : memref<!tpu.dma_semaphore, #tpu.memory_space<semaphore_mem>>)
      %dma_wait3A_383 = arith.constant 0 : i32
      %dma_wait3A_384 = tpu.memref_slice %arg8[%mul3A_286, %dma_wait3A_383] : memref<24576x16xf32, #tpu.memory_space<hbm>> -> memref<192x16xf32, #tpu.memory_space<hbm>>
      %dma_wait3A_385 = arith.constant 0 : i32
      %dma_wait3A_386 = tpu.memref_slice %arg8[%mul3A_286, %dma_wait3A_385] : memref<24576x16xf32, #tpu.memory_space<hbm>> -> memref<192x16xf32, #tpu.memory_space<hbm>>
      tpu.wait_dma2 semaphore(%run_scoped3A : memref<!tpu.dma_semaphore, #tpu.memory_space<semaphore_mem>>) src(%arg15 : memref<192x16xf32, #tpu.memory_space<vmem>>) dst(%dma_wait3A_386 : memref<192x16xf32, #tpu.memory_space<hbm>>)
      tpu.yield
    }) : () -> ()
    %dma_start3A_287 = arith.constant 0 : i32
    %dma_start3A_288 = arith.constant 0 : i32
    %dma_start3A_289 = tpu.memref_slice %arg13[%dma_start3A_287, %dma_start3A_288] : memref<320x128xf32, #tpu.memory_space<vmem>> -> memref<128x128xf32, #tpu.memory_space<vmem>>
    %dma_start3A_290 = arith.constant 960 : i32
    %dma_start3A_291 = tpu.memref_slice %arg9[%dma_start3A_290] : memref<1280xi32, #tpu.memory_space<vmem>> -> memref<128xi32, #tpu.memory_space<vmem>>
    %dma_start3A_292 = arith.constant 0 : i32
    %dma_start3A_293 = arith.constant 0 : i32
    %dma_start3A_294 = tpu.memref_slice %arg6[%dma_start3A_292, %dma_start3A_293] : memref<512000x128xf32, #tpu.memory_space<hbm>> -> memref<512000x128xf32, #tpu.memory_space<hbm>>
    tpu.enqueue_indirect_dma source(%dma_start3A_294 : memref<512000x128xf32, #tpu.memory_space<hbm>>) target(%dma_start3A_289 : memref<128x128xf32, #tpu.memory_space<vmem>>) offsets(%dma_start3A_291 : memref<128xi32, #tpu.memory_space<vmem>>) semaphore(%arg16 : memref<!tpu.dma_semaphore, #tpu.memory_space<semaphore_mem>>)
    %dma_start3A_295 = arith.constant 128 : i32
    %dma_start3A_296 = arith.constant 0 : i32
    %dma_start3A_297 = tpu.memref_slice %arg13[%dma_start3A_295, %dma_start3A_296] : memref<320x128xf32, #tpu.memory_space<vmem>> -> memref<128x128xf32, #tpu.memory_space<vmem>>
    %dma_start3A_298 = arith.constant 1088 : i32
    %dma_start3A_299 = tpu.memref_slice %arg9[%dma_start3A_298] : memref<1280xi32, #tpu.memory_space<vmem>> -> memref<128xi32, #tpu.memory_space<vmem>>
    %dma_start3A_300 = arith.constant 0 : i32
    %dma_start3A_301 = arith.constant 0 : i32
    %dma_start3A_302 = tpu.memref_slice %arg6[%dma_start3A_300, %dma_start3A_301] : memref<512000x128xf32, #tpu.memory_space<hbm>> -> memref<512000x128xf32, #tpu.memory_space<hbm>>
    tpu.enqueue_indirect_dma source(%dma_start3A_302 : memref<512000x128xf32, #tpu.memory_space<hbm>>) target(%dma_start3A_297 : memref<128x128xf32, #tpu.memory_space<vmem>>) offsets(%dma_start3A_299 : memref<128xi32, #tpu.memory_space<vmem>>) semaphore(%arg16 : memref<!tpu.dma_semaphore, #tpu.memory_space<semaphore_mem>>)
    %dma_start3A_303 = arith.constant 256 : i32
    %dma_start3A_304 = arith.constant 0 : i32
    %dma_start3A_305 = tpu.memref_slice %arg13[%dma_start3A_303, %dma_start3A_304] : memref<320x128xf32, #tpu.memory_space<vmem>> -> memref<64x128xf32, #tpu.memory_space<vmem>>
    %dma_start3A_306 = arith.constant 1216 : i32
    %dma_start3A_307 = tpu.memref_slice %arg9[%dma_start3A_306] : memref<1280xi32, #tpu.memory_space<vmem>> -> memref<64xi32, #tpu.memory_space<vmem>>
    %dma_start3A_308 = arith.constant 0 : i32
    %dma_start3A_309 = arith.constant 0 : i32
    %dma_start3A_310 = tpu.memref_slice %arg6[%dma_start3A_308, %dma_start3A_309] : memref<512000x128xf32, #tpu.memory_space<hbm>> -> memref<512000x128xf32, #tpu.memory_space<hbm>>
    tpu.enqueue_indirect_dma source(%dma_start3A_310 : memref<512000x128xf32, #tpu.memory_space<hbm>>) target(%dma_start3A_305 : memref<64x128xf32, #tpu.memory_space<vmem>>) offsets(%dma_start3A_307 : memref<64xi32, #tpu.memory_space<vmem>>) semaphore(%arg16 : memref<!tpu.dma_semaphore, #tpu.memory_space<semaphore_mem>>)
    %dma_start3A_311 = arith.constant 0 : i32
    %dma_start3A_312 = arith.constant 0 : i32
    %dma_start3A_313 = tpu.memref_slice %arg14[%dma_start3A_311, %dma_start3A_312] : memref<192x128xf32, #tpu.memory_space<vmem>> -> memref<128x128xf32, #tpu.memory_space<vmem>>
    %dma_start3A_314 = arith.constant 576 : i32
    %dma_start3A_315 = tpu.memref_slice %arg10[%dma_start3A_314] : memref<768xi32, #tpu.memory_space<vmem>> -> memref<128xi32, #tpu.memory_space<vmem>>
    %dma_start3A_316 = arith.constant 0 : i32
    %dma_start3A_317 = arith.constant 0 : i32
    %dma_start3A_318 = tpu.memref_slice %arg7[%dma_start3A_316, %dma_start3A_317] : memref<512000x128xf32, #tpu.memory_space<hbm>> -> memref<512000x128xf32, #tpu.memory_space<hbm>>
    tpu.enqueue_indirect_dma source(%dma_start3A_318 : memref<512000x128xf32, #tpu.memory_space<hbm>>) target(%dma_start3A_313 : memref<128x128xf32, #tpu.memory_space<vmem>>) offsets(%dma_start3A_315 : memref<128xi32, #tpu.memory_space<vmem>>) semaphore(%arg16 : memref<!tpu.dma_semaphore, #tpu.memory_space<semaphore_mem>>)
    %dma_start3A_319 = arith.constant 128 : i32
    %dma_start3A_320 = arith.constant 0 : i32
    %dma_start3A_321 = tpu.memref_slice %arg14[%dma_start3A_319, %dma_start3A_320] : memref<192x128xf32, #tpu.memory_space<vmem>> -> memref<64x128xf32, #tpu.memory_space<vmem>>
    %dma_start3A_322 = arith.constant 704 : i32
    %dma_start3A_323 = tpu.memref_slice %arg10[%dma_start3A_322] : memref<768xi32, #tpu.memory_space<vmem>> -> memref<64xi32, #tpu.memory_space<vmem>>
    %dma_start3A_324 = arith.constant 0 : i32
    %dma_start3A_325 = arith.constant 0 : i32
    %dma_start3A_326 = tpu.memref_slice %arg7[%dma_start3A_324, %dma_start3A_325] : memref<512000x128xf32, #tpu.memory_space<hbm>> -> memref<512000x128xf32, #tpu.memory_space<hbm>>
    tpu.enqueue_indirect_dma source(%dma_start3A_326 : memref<512000x128xf32, #tpu.memory_space<hbm>>) target(%dma_start3A_321 : memref<64x128xf32, #tpu.memory_space<vmem>>) offsets(%dma_start3A_323 : memref<64xi32, #tpu.memory_space<vmem>>) semaphore(%arg16 : memref<!tpu.dma_semaphore, #tpu.memory_space<semaphore_mem>>)
    %dma_wait3A_327 = arith.constant 0 : i32
    %dma_wait3A_328 = arith.constant 0 : i32
    %dma_wait3A_329 = tpu.memref_slice %arg13[%dma_wait3A_327, %dma_wait3A_328] : memref<320x128xf32, #tpu.memory_space<vmem>> -> memref<128x128xf32, #tpu.memory_space<vmem>>
    %dma_wait3A_330 = arith.constant 960 : i32
    %dma_wait3A_331 = tpu.memref_slice %arg9[%dma_wait3A_330] : memref<1280xi32, #tpu.memory_space<vmem>> -> memref<128xi32, #tpu.memory_space<vmem>>
    %dma_wait3A_332 = arith.constant 0 : i32
    %dma_wait3A_333 = arith.constant 0 : i32
    %dma_wait3A_334 = tpu.memref_slice %arg6[%dma_wait3A_332, %dma_wait3A_333] : memref<512000x128xf32, #tpu.memory_space<hbm>> -> memref<512000x128xf32, #tpu.memory_space<hbm>>
    tpu.wait_indirect_dma semaphore(%arg16 : memref<!tpu.dma_semaphore, #tpu.memory_space<semaphore_mem>>) src(%dma_wait3A_334 : memref<512000x128xf32, #tpu.memory_space<hbm>>) dst(%dma_wait3A_329 : memref<128x128xf32, #tpu.memory_space<vmem>>)
    %dma_wait3A_335 = arith.constant 128 : i32
    %dma_wait3A_336 = arith.constant 0 : i32
    %dma_wait3A_337 = tpu.memref_slice %arg13[%dma_wait3A_335, %dma_wait3A_336] : memref<320x128xf32, #tpu.memory_space<vmem>> -> memref<128x128xf32, #tpu.memory_space<vmem>>
    %dma_wait3A_338 = arith.constant 1088 : i32
    %dma_wait3A_339 = tpu.memref_slice %arg9[%dma_wait3A_338] : memref<1280xi32, #tpu.memory_space<vmem>> -> memref<128xi32, #tpu.memory_space<vmem>>
    %dma_wait3A_340 = arith.constant 0 : i32
    %dma_wait3A_341 = arith.constant 0 : i32
    %dma_wait3A_342 = tpu.memref_slice %arg6[%dma_wait3A_340, %dma_wait3A_341] : memref<512000x128xf32, #tpu.memory_space<hbm>> -> memref<512000x128xf32, #tpu.memory_space<hbm>>
    tpu.wait_indirect_dma semaphore(%arg16 : memref<!tpu.dma_semaphore, #tpu.memory_space<semaphore_mem>>) src(%dma_wait3A_342 : memref<512000x128xf32, #tpu.memory_space<hbm>>) dst(%dma_wait3A_337 : memref<128x128xf32, #tpu.memory_space<vmem>>)
    %dma_wait3A_343 = arith.constant 256 : i32
    %dma_wait3A_344 = arith.constant 0 : i32
    %dma_wait3A_345 = tpu.memref_slice %arg13[%dma_wait3A_343, %dma_wait3A_344] : memref<320x128xf32, #tpu.memory_space<vmem>> -> memref<64x128xf32, #tpu.memory_space<vmem>>
    %dma_wait3A_346 = arith.constant 1216 : i32
    %dma_wait3A_347 = tpu.memref_slice %arg9[%dma_wait3A_346] : memref<1280xi32, #tpu.memory_space<vmem>> -> memref<64xi32, #tpu.memory_space<vmem>>
    %dma_wait3A_348 = arith.constant 0 : i32
    %dma_wait3A_349 = arith.constant 0 : i32
    %dma_wait3A_350 = tpu.memref_slice %arg6[%dma_wait3A_348, %dma_wait3A_349] : memref<512000x128xf32, #tpu.memory_space<hbm>> -> memref<512000x128xf32, #tpu.memory_space<hbm>>
    tpu.wait_indirect_dma semaphore(%arg16 : memref<!tpu.dma_semaphore, #tpu.memory_space<semaphore_mem>>) src(%dma_wait3A_350 : memref<512000x128xf32, #tpu.memory_space<hbm>>) dst(%dma_wait3A_345 : memref<64x128xf32, #tpu.memory_space<vmem>>)
    %dma_wait3A_351 = arith.constant 0 : i32
    %dma_wait3A_352 = arith.constant 0 : i32
    %dma_wait3A_353 = tpu.memref_slice %arg14[%dma_wait3A_351, %dma_wait3A_352] : memref<192x128xf32, #tpu.memory_space<vmem>> -> memref<128x128xf32, #tpu.memory_space<vmem>>
    %dma_wait3A_354 = arith.constant 576 : i32
    %dma_wait3A_355 = tpu.memref_slice %arg10[%dma_wait3A_354] : memref<768xi32, #tpu.memory_space<vmem>> -> memref<128xi32, #tpu.memory_space<vmem>>
    %dma_wait3A_356 = arith.constant 0 : i32
    %dma_wait3A_357 = arith.constant 0 : i32
    %dma_wait3A_358 = tpu.memref_slice %arg7[%dma_wait3A_356, %dma_wait3A_357] : memref<512000x128xf32, #tpu.memory_space<hbm>> -> memref<512000x128xf32, #tpu.memory_space<hbm>>
    tpu.wait_indirect_dma semaphore(%arg16 : memref<!tpu.dma_semaphore, #tpu.memory_space<semaphore_mem>>) src(%dma_wait3A_358 : memref<512000x128xf32, #tpu.memory_space<hbm>>) dst(%dma_wait3A_353 : memref<128x128xf32, #tpu.memory_space<vmem>>)
    %dma_wait3A_359 = arith.constant 128 : i32
    %dma_wait3A_360 = arith.constant 0 : i32
    %dma_wait3A_361 = tpu.memref_slice %arg14[%dma_wait3A_359, %dma_wait3A_360] : memref<192x128xf32, #tpu.memory_space<vmem>> -> memref<64x128xf32, #tpu.memory_space<vmem>>
    %dma_wait3A_362 = arith.constant 704 : i32
    %dma_wait3A_363 = tpu.memref_slice %arg10[%dma_wait3A_362] : memref<768xi32, #tpu.memory_space<vmem>> -> memref<64xi32, #tpu.memory_space<vmem>>
    %dma_wait3A_364 = arith.constant 0 : i32
    %dma_wait3A_365 = arith.constant 0 : i32
    %dma_wait3A_366 = tpu.memref_slice %arg7[%dma_wait3A_364, %dma_wait3A_365] : memref<512000x128xf32, #tpu.memory_space<hbm>> -> memref<512000x128xf32, #tpu.memory_space<hbm>>
    tpu.wait_indirect_dma semaphore(%arg16 : memref<!tpu.dma_semaphore, #tpu.memory_space<semaphore_mem>>) src(%dma_wait3A_366 : memref<512000x128xf32, #tpu.memory_space<hbm>>) dst(%dma_wait3A_361 : memref<64x128xf32, #tpu.memory_space<vmem>>)
    %broadcast_in_dim3A_367 = arith.constant 0 : i32
    %broadcast_in_dim3A_368 = vector.broadcast %broadcast_in_dim3A_367 : i32 to vector<16xi32>
    %scan3A_369 = arith.constant 0 : i32
    %scan3A_370 = arith.constant 0 : i32
    %scan3A_371 = arith.constant 32 : i32
    %scan3A_372 = arith.addi %scan3A_370, %scan3A_371 : i32
    %scan3A_373 = arith.constant 1 : i32
    scf.for %scan3A_379 = %scan3A_370 to %scan3A_372 step %scan3A_373  : i32 {
      %add3A_380 = arith.constant 96 : i32
      %add3A_381 = arith.addi %add3A_380, %scan3A_379 : i32
      %mul3A_382 = arith.constant 10 : i32
      %mul3A_383 = arith.muli %add3A_381, %mul3A_382 : i32
      %add3A_384 = arith.constant 0 : i32
      %add3A_385 = arith.addi %mul3A_383, %add3A_384 : i32
      %mul3A_386 = arith.constant 16 : i32
      %mul3A_387 = arith.muli %add3A_385, %mul3A_386 : i32
      %get3A = arith.index_cast %mul3A_387 : i32 to index
      %get3A_388 = tpu.vector_load %arg11[%get3A] {strides = array<i32>} : memref<20480xi32, #tpu.memory_space<vmem>>, vector<16xi32>,
      %add3A_389 = arith.constant 96 : i32
      %add3A_390 = arith.addi %add3A_389, %scan3A_379 : i32
      %mul3A_391 = arith.constant 10 : i32
      %mul3A_392 = arith.muli %add3A_390, %mul3A_391 : i32
      %add3A_393 = arith.constant 1 : i32
      %add3A_394 = arith.addi %mul3A_392, %add3A_393 : i32
      %mul3A_395 = arith.constant 16 : i32
      %mul3A_396 = arith.muli %add3A_394, %mul3A_395 : i32
      %get3A_397 = arith.index_cast %mul3A_396 : i32 to index
      %get3A_398 = tpu.vector_load %arg11[%get3A_397] {strides = array<i32>} : memref<20480xi32, #tpu.memory_space<vmem>>, vector<16xi32>,
      %add3A_399 = arith.constant 96 : i32
      %add3A_400 = arith.addi %add3A_399, %scan3A_379 : i32
      %mul3A_401 = arith.constant 10 : i32
      %mul3A_402 = arith.muli %add3A_400, %mul3A_401 : i32
      %add3A_403 = arith.constant 2 : i32
      %add3A_404 = arith.addi %mul3A_402, %add3A_403 : i32
      %mul3A_405 = arith.constant 16 : i32
      %mul3A_406 = arith.muli %add3A_404, %mul3A_405 : i32
      %get3A_407 = arith.index_cast %mul3A_406 : i32 to index
      %get3A_408 = tpu.vector_load %arg11[%get3A_407] {strides = array<i32>} : memref<20480xi32, #tpu.memory_space<vmem>>, vector<16xi32>,
      %add3A_409 = arith.constant 96 : i32
      %add3A_410 = arith.addi %add3A_409, %scan3A_379 : i32
      %mul3A_411 = arith.constant 10 : i32
      %mul3A_412 = arith.muli %add3A_410, %mul3A_411 : i32
      %add3A_413 = arith.constant 3 : i32
      %add3A_414 = arith.addi %mul3A_412, %add3A_413 : i32
      %mul3A_415 = arith.constant 16 : i32
      %mul3A_416 = arith.muli %add3A_414, %mul3A_415 : i32
      %get3A_417 = arith.index_cast %mul3A_416 : i32 to index
      %get3A_418 = tpu.vector_load %arg11[%get3A_417] {strides = array<i32>} : memref<20480xi32, #tpu.memory_space<vmem>>, vector<16xi32>,
      %add3A_419 = arith.constant 96 : i32
      %add3A_420 = arith.addi %add3A_419, %scan3A_379 : i32
      %mul3A_421 = arith.constant 10 : i32
      %mul3A_422 = arith.muli %add3A_420, %mul3A_421 : i32
      %add3A_423 = arith.constant 4 : i32
      %add3A_424 = arith.addi %mul3A_422, %add3A_423 : i32
      %mul3A_425 = arith.constant 16 : i32
      %mul3A_426 = arith.muli %add3A_424, %mul3A_425 : i32
      %get3A_427 = arith.index_cast %mul3A_426 : i32 to index
      %get3A_428 = tpu.vector_load %arg11[%get3A_427] {strides = array<i32>} : memref<20480xi32, #tpu.memory_space<vmem>>, vector<16xi32>,
      %add3A_429 = arith.constant 96 : i32
      %add3A_430 = arith.addi %add3A_429, %scan3A_379 : i32
      %mul3A_431 = arith.constant 10 : i32
      %mul3A_432 = arith.muli %add3A_430, %mul3A_431 : i32
      %add3A_433 = arith.constant 5 : i32
      %add3A_434 = arith.addi %mul3A_432, %add3A_433 : i32
      %mul3A_435 = arith.constant 16 : i32
      %mul3A_436 = arith.muli %add3A_434, %mul3A_435 : i32
      %get3A_437 = arith.index_cast %mul3A_436 : i32 to index
      %get3A_438 = tpu.vector_load %arg11[%get3A_437] {strides = array<i32>} : memref<20480xi32, #tpu.memory_space<vmem>>, vector<16xi32>,
      %add3A_439 = arith.constant 96 : i32
      %add3A_440 = arith.addi %add3A_439, %scan3A_379 : i32
      %mul3A_441 = arith.constant 10 : i32
      %mul3A_442 = arith.muli %add3A_440, %mul3A_441 : i32
      %add3A_443 = arith.constant 6 : i32
      %add3A_444 = arith.addi %mul3A_442, %add3A_443 : i32
      %mul3A_445 = arith.constant 16 : i32
      %mul3A_446 = arith.muli %add3A_444, %mul3A_445 : i32
      %get3A_447 = arith.index_cast %mul3A_446 : i32 to index
      %get3A_448 = tpu.vector_load %arg11[%get3A_447] {strides = array<i32>} : memref<20480xi32, #tpu.memory_space<vmem>>, vector<16xi32>,
      %add3A_449 = arith.constant 96 : i32
      %add3A_450 = arith.addi %add3A_449, %scan3A_379 : i32
      %mul3A_451 = arith.constant 10 : i32
      %mul3A_452 = arith.muli %add3A_450, %mul3A_451 : i32
      %add3A_453 = arith.constant 7 : i32
      %add3A_454 = arith.addi %mul3A_452, %add3A_453 : i32
      %mul3A_455 = arith.constant 16 : i32
      %mul3A_456 = arith.muli %add3A_454, %mul3A_455 : i32
      %get3A_457 = arith.index_cast %mul3A_456 : i32 to index
      %get3A_458 = tpu.vector_load %arg11[%get3A_457] {strides = array<i32>} : memref<20480xi32, #tpu.memory_space<vmem>>, vector<16xi32>,
      %add3A_459 = arith.constant 96 : i32
      %add3A_460 = arith.addi %add3A_459, %scan3A_379 : i32
      %mul3A_461 = arith.constant 10 : i32
      %mul3A_462 = arith.muli %add3A_460, %mul3A_461 : i32
      %add3A_463 = arith.constant 8 : i32
      %add3A_464 = arith.addi %mul3A_462, %add3A_463 : i32
      %mul3A_465 = arith.constant 16 : i32
      %mul3A_466 = arith.muli %add3A_464, %mul3A_465 : i32
      %get3A_467 = arith.index_cast %mul3A_466 : i32 to index
      %get3A_468 = tpu.vector_load %arg11[%get3A_467] {strides = array<i32>} : memref<20480xi32, #tpu.memory_space<vmem>>, vector<16xi32>,
      %add3A_469 = arith.constant 96 : i32
      %add3A_470 = arith.addi %add3A_469, %scan3A_379 : i32
      %mul3A_471 = arith.constant 10 : i32
      %mul3A_472 = arith.muli %add3A_470, %mul3A_471 : i32
      %add3A_473 = arith.constant 9 : i32
      %add3A_474 = arith.addi %mul3A_472, %add3A_473 : i32
      %mul3A_475 = arith.constant 16 : i32
      %mul3A_476 = arith.muli %add3A_474, %mul3A_475 : i32
      %get3A_477 = arith.index_cast %mul3A_476 : i32 to index
      %get3A_478 = tpu.vector_load %arg11[%get3A_477] {strides = array<i32>} : memref<20480xi32, #tpu.memory_space<vmem>>, vector<16xi32>,
      %add3A_479 = arith.constant 96 : i32
      %add3A_480 = arith.addi %add3A_479, %scan3A_379 : i32
      %mul3A_481 = arith.constant 6 : i32
      %mul3A_482 = arith.muli %add3A_480, %mul3A_481 : i32
      %add3A_483 = arith.constant 0 : i32
      %add3A_484 = arith.addi %mul3A_482, %add3A_483 : i32
      %mul3A_485 = arith.constant 16 : i32
      %mul3A_486 = arith.muli %add3A_484, %mul3A_485 : i32
      %get3A_487 = arith.index_cast %mul3A_486 : i32 to index
      %get3A_488 = tpu.vector_load %arg12[%get3A_487] {strides = array<i32>} : memref<12288xi32, #tpu.memory_space<vmem>>, vector<16xi32>,
      %add3A_489 = arith.constant 96 : i32
      %add3A_490 = arith.addi %add3A_489, %scan3A_379 : i32
      %mul3A_491 = arith.constant 6 : i32
      %mul3A_492 = arith.muli %add3A_490, %mul3A_491 : i32
      %add3A_493 = arith.constant 1 : i32
      %add3A_494 = arith.addi %mul3A_492, %add3A_493 : i32
      %mul3A_495 = arith.constant 16 : i32
      %mul3A_496 = arith.muli %add3A_494, %mul3A_495 : i32
      %get3A_497 = arith.index_cast %mul3A_496 : i32 to index
      %get3A_498 = tpu.vector_load %arg12[%get3A_497] {strides = array<i32>} : memref<12288xi32, #tpu.memory_space<vmem>>, vector<16xi32>,
      %add3A_499 = arith.constant 96 : i32
      %add3A_500 = arith.addi %add3A_499, %scan3A_379 : i32
      %mul3A_501 = arith.constant 6 : i32
      %mul3A_502 = arith.muli %add3A_500, %mul3A_501 : i32
      %add3A_503 = arith.constant 2 : i32
      %add3A_504 = arith.addi %mul3A_502, %add3A_503 : i32
      %mul3A_505 = arith.constant 16 : i32
      %mul3A_506 = arith.muli %add3A_504, %mul3A_505 : i32
      %get3A_507 = arith.index_cast %mul3A_506 : i32 to index
      %get3A_508 = tpu.vector_load %arg12[%get3A_507] {strides = array<i32>} : memref<12288xi32, #tpu.memory_space<vmem>>, vector<16xi32>,
      %add3A_509 = arith.constant 96 : i32
      %add3A_510 = arith.addi %add3A_509, %scan3A_379 : i32
      %mul3A_511 = arith.constant 6 : i32
      %mul3A_512 = arith.muli %add3A_510, %mul3A_511 : i32
      %add3A_513 = arith.constant 3 : i32
      %add3A_514 = arith.addi %mul3A_512, %add3A_513 : i32
      %mul3A_515 = arith.constant 16 : i32
      %mul3A_516 = arith.muli %add3A_514, %mul3A_515 : i32
      %get3A_517 = arith.index_cast %mul3A_516 : i32 to index
      %get3A_518 = tpu.vector_load %arg12[%get3A_517] {strides = array<i32>} : memref<12288xi32, #tpu.memory_space<vmem>>, vector<16xi32>,
      %add3A_519 = arith.constant 96 : i32
      %add3A_520 = arith.addi %add3A_519, %scan3A_379 : i32
      %mul3A_521 = arith.constant 6 : i32
      %mul3A_522 = arith.muli %add3A_520, %mul3A_521 : i32
      %add3A_523 = arith.constant 4 : i32
      %add3A_524 = arith.addi %mul3A_522, %add3A_523 : i32
      %mul3A_525 = arith.constant 16 : i32
      %mul3A_526 = arith.muli %add3A_524, %mul3A_525 : i32
      %get3A_527 = arith.index_cast %mul3A_526 : i32 to index
      %get3A_528 = tpu.vector_load %arg12[%get3A_527] {strides = array<i32>} : memref<12288xi32, #tpu.memory_space<vmem>>, vector<16xi32>,
      %add3A_529 = arith.constant 96 : i32
      %add3A_530 = arith.addi %add3A_529, %scan3A_379 : i32
      %mul3A_531 = arith.constant 6 : i32
      %mul3A_532 = arith.muli %add3A_530, %mul3A_531 : i32
      %add3A_533 = arith.constant 5 : i32
      %add3A_534 = arith.addi %mul3A_532, %add3A_533 : i32
      %mul3A_535 = arith.constant 16 : i32
      %mul3A_536 = arith.muli %add3A_534, %mul3A_535 : i32
      %get3A_537 = arith.index_cast %mul3A_536 : i32 to index
      %get3A_538 = tpu.vector_load %arg12[%get3A_537] {strides = array<i32>} : memref<12288xi32, #tpu.memory_space<vmem>>, vector<16xi32>,
      %mul3A_539 = arith.constant 10 : i32
      %mul3A_540 = arith.muli %scan3A_379, %mul3A_539 : i32
      %add3A_541 = arith.constant 0 : i32
      %add3A_542 = arith.addi %mul3A_540, %add3A_541 : i32
      %add3A_543 = vector.broadcast %add3A_542 : i32 to vector<16xi32>
      %add3A_544 = arith.addi %broadcast_in_dim3A_368, %add3A_543 : vector<16xi32>
      %mul3A_545 = arith.constant 10 : i32
      %mul3A_546 = arith.muli %scan3A_379, %mul3A_545 : i32
      %add3A_547 = arith.constant 1 : i32
      %add3A_548 = arith.addi %mul3A_546, %add3A_547 : i32
      %add3A_549 = vector.broadcast %add3A_548 : i32 to vector<16xi32>
      %add3A_550 = arith.addi %broadcast_in_dim3A_368, %add3A_549 : vector<16xi32>
      %mul3A_551 = arith.constant 10 : i32
      %mul3A_552 = arith.muli %scan3A_379, %mul3A_551 : i32
      %add3A_553 = arith.constant 2 : i32
      %add3A_554 = arith.addi %mul3A_552, %add3A_553 : i32
      %add3A_555 = vector.broadcast %add3A_554 : i32 to vector<16xi32>
      %add3A_556 = arith.addi %broadcast_in_dim3A_368, %add3A_555 : vector<16xi32>
      %mul3A_557 = arith.constant 10 : i32
      %mul3A_558 = arith.muli %scan3A_379, %mul3A_557 : i32
      %add3A_559 = arith.constant 3 : i32
      %add3A_560 = arith.addi %mul3A_558, %add3A_559 : i32
      %add3A_561 = vector.broadcast %add3A_560 : i32 to vector<16xi32>
      %add3A_562 = arith.addi %broadcast_in_dim3A_368, %add3A_561 : vector<16xi32>
      %mul3A_563 = arith.constant 10 : i32
      %mul3A_564 = arith.muli %scan3A_379, %mul3A_563 : i32
      %add3A_565 = arith.constant 4 : i32
      %add3A_566 = arith.addi %mul3A_564, %add3A_565 : i32
      %add3A_567 = vector.broadcast %add3A_566 : i32 to vector<16xi32>
      %add3A_568 = arith.addi %broadcast_in_dim3A_368, %add3A_567 : vector<16xi32>
      %mul3A_569 = arith.constant 10 : i32
      %mul3A_570 = arith.muli %scan3A_379, %mul3A_569 : i32
      %add3A_571 = arith.constant 5 : i32
      %add3A_572 = arith.addi %mul3A_570, %add3A_571 : i32
      %add3A_573 = vector.broadcast %add3A_572 : i32 to vector<16xi32>
      %add3A_574 = arith.addi %broadcast_in_dim3A_368, %add3A_573 : vector<16xi32>
      %mul3A_575 = arith.constant 10 : i32
      %mul3A_576 = arith.muli %scan3A_379, %mul3A_575 : i32
      %add3A_577 = arith.constant 6 : i32
      %add3A_578 = arith.addi %mul3A_576, %add3A_577 : i32
      %add3A_579 = vector.broadcast %add3A_578 : i32 to vector<16xi32>
      %add3A_580 = arith.addi %broadcast_in_dim3A_368, %add3A_579 : vector<16xi32>
      %mul3A_581 = arith.constant 10 : i32
      %mul3A_582 = arith.muli %scan3A_379, %mul3A_581 : i32
      %add3A_583 = arith.constant 7 : i32
      %add3A_584 = arith.addi %mul3A_582, %add3A_583 : i32
      %add3A_585 = vector.broadcast %add3A_584 : i32 to vector<16xi32>
      %add3A_586 = arith.addi %broadcast_in_dim3A_368, %add3A_585 : vector<16xi32>
      %mul3A_587 = arith.constant 10 : i32
      %mul3A_588 = arith.muli %scan3A_379, %mul3A_587 : i32
      %add3A_589 = arith.constant 8 : i32
      %add3A_590 = arith.addi %mul3A_588, %add3A_589 : i32
      %add3A_591 = vector.broadcast %add3A_590 : i32 to vector<16xi32>
      %add3A_592 = arith.addi %broadcast_in_dim3A_368, %add3A_591 : vector<16xi32>
      %mul3A_593 = arith.constant 10 : i32
      %mul3A_594 = arith.muli %scan3A_379, %mul3A_593 : i32
      %add3A_595 = arith.constant 9 : i32
      %add3A_596 = arith.addi %mul3A_594, %add3A_595 : i32
      %add3A_597 = vector.broadcast %add3A_596 : i32 to vector<16xi32>
      %add3A_598 = arith.addi %broadcast_in_dim3A_368, %add3A_597 : vector<16xi32>
      %mul3A_599 = arith.constant 6 : i32
      %mul3A_600 = arith.muli %scan3A_379, %mul3A_599 : i32
      %add3A_601 = arith.constant 0 : i32
      %add3A_602 = arith.addi %mul3A_600, %add3A_601 : i32
      %add3A_603 = vector.broadcast %add3A_602 : i32 to vector<16xi32>
      %add3A_604 = arith.addi %broadcast_in_dim3A_368, %add3A_603 : vector<16xi32>
      %mul3A_605 = arith.constant 6 : i32
      %mul3A_606 = arith.muli %scan3A_379, %mul3A_605 : i32
      %add3A_607 = arith.constant 1 : i32
      %add3A_608 = arith.addi %mul3A_606, %add3A_607 : i32
      %add3A_609 = vector.broadcast %add3A_608 : i32 to vector<16xi32>
      %add3A_610 = arith.addi %broadcast_in_dim3A_368, %add3A_609 : vector<16xi32>
      %mul3A_611 = arith.constant 6 : i32
      %mul3A_612 = arith.muli %scan3A_379, %mul3A_611 : i32
      %add3A_613 = arith.constant 2 : i32
      %add3A_614 = arith.addi %mul3A_612, %add3A_613 : i32
      %add3A_615 = vector.broadcast %add3A_614 : i32 to vector<16xi32>
      %add3A_616 = arith.addi %broadcast_in_dim3A_368, %add3A_615 : vector<16xi32>
      %mul3A_617 = arith.constant 6 : i32
      %mul3A_618 = arith.muli %scan3A_379, %mul3A_617 : i32
      %add3A_619 = arith.constant 3 : i32
      %add3A_620 = arith.addi %mul3A_618, %add3A_619 : i32
      %add3A_621 = vector.broadcast %add3A_620 : i32 to vector<16xi32>
      %add3A_622 = arith.addi %broadcast_in_dim3A_368, %add3A_621 : vector<16xi32>
      %mul3A_623 = arith.constant 6 : i32
      %mul3A_624 = arith.muli %scan3A_379, %mul3A_623 : i32
      %add3A_625 = arith.constant 4 : i32
      %add3A_626 = arith.addi %mul3A_624, %add3A_625 : i32
      %add3A_627 = vector.broadcast %add3A_626 : i32 to vector<16xi32>
      %add3A_628 = arith.addi %broadcast_in_dim3A_368, %add3A_627 : vector<16xi32>
      %mul3A_629 = arith.constant 6 : i32
      %mul3A_630 = arith.muli %scan3A_379, %mul3A_629 : i32
      %add3A_631 = arith.constant 5 : i32
      %add3A_632 = arith.addi %mul3A_630, %add3A_631 : i32
      %add3A_633 = vector.broadcast %add3A_632 : i32 to vector<16xi32>
      %add3A_634 = arith.addi %broadcast_in_dim3A_368, %add3A_633 : vector<16xi32>
      %add3A_635 = arith.constant 0 : i32
      %add3A_636 = vector.broadcast %add3A_635 : i32 to vector<16xi32>
      %add3A_637 = arith.addi %get3A_388, %add3A_636 : vector<16xi32>
      %gather3A = tpu.vector_load_idx %arg13[%add3A_544, %add3A_637] : memref<320x128xf32, #tpu.memory_space<vmem>>[vector<16xi32>, vector<16xi32>], vector<16xf32>,
      %add3A_638 = arith.constant 0 : i32
      %add3A_639 = vector.broadcast %add3A_638 : i32 to vector<16xi32>
      %add3A_640 = arith.addi %get3A_398, %add3A_639 : vector<16xi32>
      %gather3A_641 = tpu.vector_load_idx %arg13[%add3A_550, %add3A_640] : memref<320x128xf32, #tpu.memory_space<vmem>>[vector<16xi32>, vector<16xi32>], vector<16xf32>,
      %add3A_642 = arith.addf %gather3A, %gather3A_641 : vector<16xf32>
      %add3A_643 = arith.constant 0 : i32
      %add3A_644 = vector.broadcast %add3A_643 : i32 to vector<16xi32>
      %add3A_645 = arith.addi %get3A_408, %add3A_644 : vector<16xi32>
      %gather3A_646 = tpu.vector_load_idx %arg13[%add3A_556, %add3A_645] : memref<320x128xf32, #tpu.memory_space<vmem>>[vector<16xi32>, vector<16xi32>], vector<16xf32>,
      %add3A_647 = arith.addf %add3A_642, %gather3A_646 : vector<16xf32>
      %add3A_648 = arith.constant 0 : i32
      %add3A_649 = vector.broadcast %add3A_648 : i32 to vector<16xi32>
      %add3A_650 = arith.addi %get3A_418, %add3A_649 : vector<16xi32>
      %gather3A_651 = tpu.vector_load_idx %arg13[%add3A_562, %add3A_650] : memref<320x128xf32, #tpu.memory_space<vmem>>[vector<16xi32>, vector<16xi32>], vector<16xf32>,
      %add3A_652 = arith.addf %add3A_647, %gather3A_651 : vector<16xf32>
      %add3A_653 = arith.constant 0 : i32
      %add3A_654 = vector.broadcast %add3A_653 : i32 to vector<16xi32>
      %add3A_655 = arith.addi %get3A_428, %add3A_654 : vector<16xi32>
      %gather3A_656 = tpu.vector_load_idx %arg13[%add3A_568, %add3A_655] : memref<320x128xf32, #tpu.memory_space<vmem>>[vector<16xi32>, vector<16xi32>], vector<16xf32>,
      %add3A_657 = arith.addf %add3A_652, %gather3A_656 : vector<16xf32>
      %add3A_658 = arith.constant 0 : i32
      %add3A_659 = vector.broadcast %add3A_658 : i32 to vector<16xi32>
      %add3A_660 = arith.addi %get3A_438, %add3A_659 : vector<16xi32>
      %gather3A_661 = tpu.vector_load_idx %arg13[%add3A_574, %add3A_660] : memref<320x128xf32, #tpu.memory_space<vmem>>[vector<16xi32>, vector<16xi32>], vector<16xf32>,
      %add3A_662 = arith.addf %add3A_657, %gather3A_661 : vector<16xf32>
      %add3A_663 = arith.constant 0 : i32
      %add3A_664 = vector.broadcast %add3A_663 : i32 to vector<16xi32>
      %add3A_665 = arith.addi %get3A_448, %add3A_664 : vector<16xi32>
      %gather3A_666 = tpu.vector_load_idx %arg13[%add3A_580, %add3A_665] : memref<320x128xf32, #tpu.memory_space<vmem>>[vector<16xi32>, vector<16xi32>], vector<16xf32>,
      %add3A_667 = arith.addf %add3A_662, %gather3A_666 : vector<16xf32>
      %add3A_668 = arith.constant 0 : i32
      %add3A_669 = vector.broadcast %add3A_668 : i32 to vector<16xi32>
      %add3A_670 = arith.addi %get3A_458, %add3A_669 : vector<16xi32>
      %gather3A_671 = tpu.vector_load_idx %arg13[%add3A_586, %add3A_670] : memref<320x128xf32, #tpu.memory_space<vmem>>[vector<16xi32>, vector<16xi32>], vector<16xf32>,
      %add3A_672 = arith.addf %add3A_667, %gather3A_671 : vector<16xf32>
      %add3A_673 = arith.constant 0 : i32
      %add3A_674 = vector.broadcast %add3A_673 : i32 to vector<16xi32>
      %add3A_675 = arith.addi %get3A_468, %add3A_674 : vector<16xi32>
      %gather3A_676 = tpu.vector_load_idx %arg13[%add3A_592, %add3A_675] : memref<320x128xf32, #tpu.memory_space<vmem>>[vector<16xi32>, vector<16xi32>], vector<16xf32>,
      %add3A_677 = arith.addf %add3A_672, %gather3A_676 : vector<16xf32>
      %add3A_678 = arith.constant 0 : i32
      %add3A_679 = vector.broadcast %add3A_678 : i32 to vector<16xi32>
      %add3A_680 = arith.addi %get3A_478, %add3A_679 : vector<16xi32>
      %gather3A_681 = tpu.vector_load_idx %arg13[%add3A_598, %add3A_680] : memref<320x128xf32, #tpu.memory_space<vmem>>[vector<16xi32>, vector<16xi32>], vector<16xf32>,
      %add3A_682 = arith.addf %add3A_677, %gather3A_681 : vector<16xf32>
      %add3A_683 = arith.constant 16 : i32
      %add3A_684 = vector.broadcast %add3A_683 : i32 to vector<16xi32>
      %add3A_685 = arith.addi %get3A_388, %add3A_684 : vector<16xi32>
      %gather3A_686 = tpu.vector_load_idx %arg13[%add3A_544, %add3A_685] : memref<320x128xf32, #tpu.memory_space<vmem>>[vector<16xi32>, vector<16xi32>], vector<16xf32>,
      %add3A_687 = arith.constant 16 : i32
      %add3A_688 = vector.broadcast %add3A_687 : i32 to vector<16xi32>
      %add3A_689 = arith.addi %get3A_398, %add3A_688 : vector<16xi32>
      %gather3A_690 = tpu.vector_load_idx %arg13[%add3A_550, %add3A_689] : memref<320x128xf32, #tpu.memory_space<vmem>>[vector<16xi32>, vector<16xi32>], vector<16xf32>,
      %add3A_691 = arith.addf %gather3A_686, %gather3A_690 : vector<16xf32>
      %add3A_692 = arith.constant 16 : i32
      %add3A_693 = vector.broadcast %add3A_692 : i32 to vector<16xi32>
      %add3A_694 = arith.addi %get3A_408, %add3A_693 : vector<16xi32>
      %gather3A_695 = tpu.vector_load_idx %arg13[%add3A_556, %add3A_694] : memref<320x128xf32, #tpu.memory_space<vmem>>[vector<16xi32>, vector<16xi32>], vector<16xf32>,
      %add3A_696 = arith.addf %add3A_691, %gather3A_695 : vector<16xf32>
      %add3A_697 = arith.constant 16 : i32
      %add3A_698 = vector.broadcast %add3A_697 : i32 to vector<16xi32>
      %add3A_699 = arith.addi %get3A_418, %add3A_698 : vector<16xi32>
      %gather3A_700 = tpu.vector_load_idx %arg13[%add3A_562, %add3A_699] : memref<320x128xf32, #tpu.memory_space<vmem>>[vector<16xi32>, vector<16xi32>], vector<16xf32>,
      %add3A_701 = arith.addf %add3A_696, %gather3A_700 : vector<16xf32>
      %add3A_702 = arith.constant 16 : i32
      %add3A_703 = vector.broadcast %add3A_702 : i32 to vector<16xi32>
      %add3A_704 = arith.addi %get3A_428, %add3A_703 : vector<16xi32>
      %gather3A_705 = tpu.vector_load_idx %arg13[%add3A_568, %add3A_704] : memref<320x128xf32, #tpu.memory_space<vmem>>[vector<16xi32>, vector<16xi32>], vector<16xf32>,
      %add3A_706 = arith.addf %add3A_701, %gather3A_705 : vector<16xf32>
      %add3A_707 = arith.constant 16 : i32
      %add3A_708 = vector.broadcast %add3A_707 : i32 to vector<16xi32>
      %add3A_709 = arith.addi %get3A_438, %add3A_708 : vector<16xi32>
      %gather3A_710 = tpu.vector_load_idx %arg13[%add3A_574, %add3A_709] : memref<320x128xf32, #tpu.memory_space<vmem>>[vector<16xi32>, vector<16xi32>], vector<16xf32>,
      %add3A_711 = arith.addf %add3A_706, %gather3A_710 : vector<16xf32>
      %add3A_712 = arith.constant 16 : i32
      %add3A_713 = vector.broadcast %add3A_712 : i32 to vector<16xi32>
      %add3A_714 = arith.addi %get3A_448, %add3A_713 : vector<16xi32>
      %gather3A_715 = tpu.vector_load_idx %arg13[%add3A_580, %add3A_714] : memref<320x128xf32, #tpu.memory_space<vmem>>[vector<16xi32>, vector<16xi32>], vector<16xf32>,
      %add3A_716 = arith.addf %add3A_711, %gather3A_715 : vector<16xf32>
      %add3A_717 = arith.constant 16 : i32
      %add3A_718 = vector.broadcast %add3A_717 : i32 to vector<16xi32>
      %add3A_719 = arith.addi %get3A_458, %add3A_718 : vector<16xi32>
      %gather3A_720 = tpu.vector_load_idx %arg13[%add3A_586, %add3A_719] : memref<320x128xf32, #tpu.memory_space<vmem>>[vector<16xi32>, vector<16xi32>], vector<16xf32>,
      %add3A_721 = arith.addf %add3A_716, %gather3A_720 : vector<16xf32>
      %add3A_722 = arith.constant 16 : i32
      %add3A_723 = vector.broadcast %add3A_722 : i32 to vector<16xi32>
      %add3A_724 = arith.addi %get3A_468, %add3A_723 : vector<16xi32>
      %gather3A_725 = tpu.vector_load_idx %arg13[%add3A_592, %add3A_724] : memref<320x128xf32, #tpu.memory_space<vmem>>[vector<16xi32>, vector<16xi32>], vector<16xf32>,
      %add3A_726 = arith.addf %add3A_721, %gather3A_725 : vector<16xf32>
      %add3A_727 = arith.constant 16 : i32
      %add3A_728 = vector.broadcast %add3A_727 : i32 to vector<16xi32>
      %add3A_729 = arith.addi %get3A_478, %add3A_728 : vector<16xi32>
      %gather3A_730 = tpu.vector_load_idx %arg13[%add3A_598, %add3A_729] : memref<320x128xf32, #tpu.memory_space<vmem>>[vector<16xi32>, vector<16xi32>], vector<16xf32>,
      %add3A_731 = arith.addf %add3A_726, %gather3A_730 : vector<16xf32>
      %add3A_732 = arith.constant 32 : i32
      %add3A_733 = vector.broadcast %add3A_732 : i32 to vector<16xi32>
      %add3A_734 = arith.addi %get3A_388, %add3A_733 : vector<16xi32>
      %gather3A_735 = tpu.vector_load_idx %arg13[%add3A_544, %add3A_734] : memref<320x128xf32, #tpu.memory_space<vmem>>[vector<16xi32>, vector<16xi32>], vector<16xf32>,
      %add3A_736 = arith.constant 32 : i32
      %add3A_737 = vector.broadcast %add3A_736 : i32 to vector<16xi32>
      %add3A_738 = arith.addi %get3A_398, %add3A_737 : vector<16xi32>
      %gather3A_739 = tpu.vector_load_idx %arg13[%add3A_550, %add3A_738] : memref<320x128xf32, #tpu.memory_space<vmem>>[vector<16xi32>, vector<16xi32>], vector<16xf32>,
      %add3A_740 = arith.addf %gather3A_735, %gather3A_739 : vector<16xf32>
      %add3A_741 = arith.constant 32 : i32
      %add3A_742 = vector.broadcast %add3A_741 : i32 to vector<16xi32>
      %add3A_743 = arith.addi %get3A_408, %add3A_742 : vector<16xi32>
      %gather3A_744 = tpu.vector_load_idx %arg13[%add3A_556, %add3A_743] : memref<320x128xf32, #tpu.memory_space<vmem>>[vector<16xi32>, vector<16xi32>], vector<16xf32>,
      %add3A_745 = arith.addf %add3A_740, %gather3A_744 : vector<16xf32>
      %add3A_746 = arith.constant 32 : i32
      %add3A_747 = vector.broadcast %add3A_746 : i32 to vector<16xi32>
      %add3A_748 = arith.addi %get3A_418, %add3A_747 : vector<16xi32>
      %gather3A_749 = tpu.vector_load_idx %arg13[%add3A_562, %add3A_748] : memref<320x128xf32, #tpu.memory_space<vmem>>[vector<16xi32>, vector<16xi32>], vector<16xf32>,
      %add3A_750 = arith.addf %add3A_745, %gather3A_749 : vector<16xf32>
      %add3A_751 = arith.constant 32 : i32
      %add3A_752 = vector.broadcast %add3A_751 : i32 to vector<16xi32>
      %add3A_753 = arith.addi %get3A_428, %add3A_752 : vector<16xi32>
      %gather3A_754 = tpu.vector_load_idx %arg13[%add3A_568, %add3A_753] : memref<320x128xf32, #tpu.memory_space<vmem>>[vector<16xi32>, vector<16xi32>], vector<16xf32>,
      %add3A_755 = arith.addf %add3A_750, %gather3A_754 : vector<16xf32>
      %add3A_756 = arith.constant 32 : i32
      %add3A_757 = vector.broadcast %add3A_756 : i32 to vector<16xi32>
      %add3A_758 = arith.addi %get3A_438, %add3A_757 : vector<16xi32>
      %gather3A_759 = tpu.vector_load_idx %arg13[%add3A_574, %add3A_758] : memref<320x128xf32, #tpu.memory_space<vmem>>[vector<16xi32>, vector<16xi32>], vector<16xf32>,
      %add3A_760 = arith.addf %add3A_755, %gather3A_759 : vector<16xf32>
      %add3A_761 = arith.constant 32 : i32
      %add3A_762 = vector.broadcast %add3A_761 : i32 to vector<16xi32>
      %add3A_763 = arith.addi %get3A_448, %add3A_762 : vector<16xi32>
      %gather3A_764 = tpu.vector_load_idx %arg13[%add3A_580, %add3A_763] : memref<320x128xf32, #tpu.memory_space<vmem>>[vector<16xi32>, vector<16xi32>], vector<16xf32>,
      %add3A_765 = arith.addf %add3A_760, %gather3A_764 : vector<16xf32>
      %add3A_766 = arith.constant 32 : i32
      %add3A_767 = vector.broadcast %add3A_766 : i32 to vector<16xi32>
      %add3A_768 = arith.addi %get3A_458, %add3A_767 : vector<16xi32>
      %gather3A_769 = tpu.vector_load_idx %arg13[%add3A_586, %add3A_768] : memref<320x128xf32, #tpu.memory_space<vmem>>[vector<16xi32>, vector<16xi32>], vector<16xf32>,
      %add3A_770 = arith.addf %add3A_765, %gather3A_769 : vector<16xf32>
      %add3A_771 = arith.constant 32 : i32
      %add3A_772 = vector.broadcast %add3A_771 : i32 to vector<16xi32>
      %add3A_773 = arith.addi %get3A_468, %add3A_772 : vector<16xi32>
      %gather3A_774 = tpu.vector_load_idx %arg13[%add3A_592, %add3A_773] : memref<320x128xf32, #tpu.memory_space<vmem>>[vector<16xi32>, vector<16xi32>], vector<16xf32>,
      %add3A_775 = arith.addf %add3A_770, %gather3A_774 : vector<16xf32>
      %add3A_776 = arith.constant 32 : i32
      %add3A_777 = vector.broadcast %add3A_776 : i32 to vector<16xi32>
      %add3A_778 = arith.addi %get3A_478, %add3A_777 : vector<16xi32>
      %gather3A_779 = tpu.vector_load_idx %arg13[%add3A_598, %add3A_778] : memref<320x128xf32, #tpu.memory_space<vmem>>[vector<16xi32>, vector<16xi32>], vector<16xf32>,
      %add3A_780 = arith.addf %add3A_775, %gather3A_779 : vector<16xf32>
      %add3A_781 = arith.constant 48 : i32
      %add3A_782 = vector.broadcast %add3A_781 : i32 to vector<16xi32>
      %add3A_783 = arith.addi %get3A_388, %add3A_782 : vector<16xi32>
      %gather3A_784 = tpu.vector_load_idx %arg13[%add3A_544, %add3A_783] : memref<320x128xf32, #tpu.memory_space<vmem>>[vector<16xi32>, vector<16xi32>], vector<16xf32>,
      %add3A_785 = arith.constant 48 : i32
      %add3A_786 = vector.broadcast %add3A_785 : i32 to vector<16xi32>
      %add3A_787 = arith.addi %get3A_398, %add3A_786 : vector<16xi32>
      %gather3A_788 = tpu.vector_load_idx %arg13[%add3A_550, %add3A_787] : memref<320x128xf32, #tpu.memory_space<vmem>>[vector<16xi32>, vector<16xi32>], vector<16xf32>,
      %add3A_789 = arith.addf %gather3A_784, %gather3A_788 : vector<16xf32>
      %add3A_790 = arith.constant 48 : i32
      %add3A_791 = vector.broadcast %add3A_790 : i32 to vector<16xi32>
      %add3A_792 = arith.addi %get3A_408, %add3A_791 : vector<16xi32>
      %gather3A_793 = tpu.vector_load_idx %arg13[%add3A_556, %add3A_792] : memref<320x128xf32, #tpu.memory_space<vmem>>[vector<16xi32>, vector<16xi32>], vector<16xf32>,
      %add3A_794 = arith.addf %add3A_789, %gather3A_793 : vector<16xf32>
      %add3A_795 = arith.constant 48 : i32
      %add3A_796 = vector.broadcast %add3A_795 : i32 to vector<16xi32>
      %add3A_797 = arith.addi %get3A_418, %add3A_796 : vector<16xi32>
      %gather3A_798 = tpu.vector_load_idx %arg13[%add3A_562, %add3A_797] : memref<320x128xf32, #tpu.memory_space<vmem>>[vector<16xi32>, vector<16xi32>], vector<16xf32>,
      %add3A_799 = arith.addf %add3A_794, %gather3A_798 : vector<16xf32>
      %add3A_800 = arith.constant 48 : i32
      %add3A_801 = vector.broadcast %add3A_800 : i32 to vector<16xi32>
      %add3A_802 = arith.addi %get3A_428, %add3A_801 : vector<16xi32>
      %gather3A_803 = tpu.vector_load_idx %arg13[%add3A_568, %add3A_802] : memref<320x128xf32, #tpu.memory_space<vmem>>[vector<16xi32>, vector<16xi32>], vector<16xf32>,
      %add3A_804 = arith.addf %add3A_799, %gather3A_803 : vector<16xf32>
      %add3A_805 = arith.constant 48 : i32
      %add3A_806 = vector.broadcast %add3A_805 : i32 to vector<16xi32>
      %add3A_807 = arith.addi %get3A_438, %add3A_806 : vector<16xi32>
      %gather3A_808 = tpu.vector_load_idx %arg13[%add3A_574, %add3A_807] : memref<320x128xf32, #tpu.memory_space<vmem>>[vector<16xi32>, vector<16xi32>], vector<16xf32>,
      %add3A_809 = arith.addf %add3A_804, %gather3A_808 : vector<16xf32>
      %add3A_810 = arith.constant 48 : i32
      %add3A_811 = vector.broadcast %add3A_810 : i32 to vector<16xi32>
      %add3A_812 = arith.addi %get3A_448, %add3A_811 : vector<16xi32>
      %gather3A_813 = tpu.vector_load_idx %arg13[%add3A_580, %add3A_812] : memref<320x128xf32, #tpu.memory_space<vmem>>[vector<16xi32>, vector<16xi32>], vector<16xf32>,
      %add3A_814 = arith.addf %add3A_809, %gather3A_813 : vector<16xf32>
      %add3A_815 = arith.constant 48 : i32
      %add3A_816 = vector.broadcast %add3A_815 : i32 to vector<16xi32>
      %add3A_817 = arith.addi %get3A_458, %add3A_816 : vector<16xi32>
      %gather3A_818 = tpu.vector_load_idx %arg13[%add3A_586, %add3A_817] : memref<320x128xf32, #tpu.memory_space<vmem>>[vector<16xi32>, vector<16xi32>], vector<16xf32>,
      %add3A_819 = arith.addf %add3A_814, %gather3A_818 : vector<16xf32>
      %add3A_820 = arith.constant 48 : i32
      %add3A_821 = vector.broadcast %add3A_820 : i32 to vector<16xi32>
      %add3A_822 = arith.addi %get3A_468, %add3A_821 : vector<16xi32>
      %gather3A_823 = tpu.vector_load_idx %arg13[%add3A_592, %add3A_822] : memref<320x128xf32, #tpu.memory_space<vmem>>[vector<16xi32>, vector<16xi32>], vector<16xf32>,
      %add3A_824 = arith.addf %add3A_819, %gather3A_823 : vector<16xf32>
      %add3A_825 = arith.constant 48 : i32
      %add3A_826 = vector.broadcast %add3A_825 : i32 to vector<16xi32>
      %add3A_827 = arith.addi %get3A_478, %add3A_826 : vector<16xi32>
      %gather3A_828 = tpu.vector_load_idx %arg13[%add3A_598, %add3A_827] : memref<320x128xf32, #tpu.memory_space<vmem>>[vector<16xi32>, vector<16xi32>], vector<16xf32>,
      %add3A_829 = arith.addf %add3A_824, %gather3A_828 : vector<16xf32>
      %gather3A_830 = tpu.vector_load_idx %arg14[%add3A_604, %get3A_488] : memref<192x128xf32, #tpu.memory_space<vmem>>[vector<16xi32>, vector<16xi32>], vector<16xf32>,
      %mul3A_831 = arith.mulf %add3A_682, %gather3A_830 : vector<16xf32>
      %add3A_832 = arith.constant 16 : i32
      %add3A_833 = vector.broadcast %add3A_832 : i32 to vector<16xi32>
      %add3A_834 = arith.addi %get3A_488, %add3A_833 : vector<16xi32>
      %gather3A_835 = tpu.vector_load_idx %arg14[%add3A_604, %add3A_834] : memref<192x128xf32, #tpu.memory_space<vmem>>[vector<16xi32>, vector<16xi32>], vector<16xf32>,
      %mul3A_836 = arith.mulf %add3A_731, %gather3A_835 : vector<16xf32>
      %add3A_837 = arith.addf %mul3A_831, %mul3A_836 : vector<16xf32>
      %add3A_838 = arith.constant 32 : i32
      %add3A_839 = vector.broadcast %add3A_838 : i32 to vector<16xi32>
      %add3A_840 = arith.addi %get3A_488, %add3A_839 : vector<16xi32>
      %gather3A_841 = tpu.vector_load_idx %arg14[%add3A_604, %add3A_840] : memref<192x128xf32, #tpu.memory_space<vmem>>[vector<16xi32>, vector<16xi32>], vector<16xf32>,
      %mul3A_842 = arith.mulf %add3A_780, %gather3A_841 : vector<16xf32>
      %add3A_843 = arith.addf %add3A_837, %mul3A_842 : vector<16xf32>
      %add3A_844 = arith.constant 48 : i32
      %add3A_845 = vector.broadcast %add3A_844 : i32 to vector<16xi32>
      %add3A_846 = arith.addi %get3A_488, %add3A_845 : vector<16xi32>
      %gather3A_847 = tpu.vector_load_idx %arg14[%add3A_604, %add3A_846] : memref<192x128xf32, #tpu.memory_space<vmem>>[vector<16xi32>, vector<16xi32>], vector<16xf32>,
      %mul3A_848 = arith.mulf %add3A_829, %gather3A_847 : vector<16xf32>
      %add3A_849 = arith.addf %add3A_843, %mul3A_848 : vector<16xf32>
      %mul3A_850 = arith.constant 6 : i32
      %mul3A_851 = arith.muli %scan3A_379, %mul3A_850 : i32
      %add3A_852 = arith.constant 0 : i32
      %add3A_853 = arith.addi %mul3A_851, %add3A_852 : i32
      %swap3A = arith.index_cast %add3A_853 : i32 to index
      %swap3A_854 = arith.constant 0 : index
      %swap3A_855 = tpu.vector_load %arg15[%swap3A, %swap3A_854] {strides = array<i32>} : memref<192x16xf32, #tpu.memory_space<vmem>>, vector<16xf32>,
      tpu.vector_store %arg15[%swap3A, %swap3A_854], %add3A_849 {strides = array<i32>} : memref<192x16xf32, #tpu.memory_space<vmem>>, vector<16xf32>,
      %gather3A_856 = tpu.vector_load_idx %arg14[%add3A_610, %get3A_498] : memref<192x128xf32, #tpu.memory_space<vmem>>[vector<16xi32>, vector<16xi32>], vector<16xf32>,
      %mul3A_857 = arith.mulf %add3A_682, %gather3A_856 : vector<16xf32>
      %add3A_858 = arith.constant 16 : i32
      %add3A_859 = vector.broadcast %add3A_858 : i32 to vector<16xi32>
      %add3A_860 = arith.addi %get3A_498, %add3A_859 : vector<16xi32>
      %gather3A_861 = tpu.vector_load_idx %arg14[%add3A_610, %add3A_860] : memref<192x128xf32, #tpu.memory_space<vmem>>[vector<16xi32>, vector<16xi32>], vector<16xf32>,
      %mul3A_862 = arith.mulf %add3A_731, %gather3A_861 : vector<16xf32>
      %add3A_863 = arith.addf %mul3A_857, %mul3A_862 : vector<16xf32>
      %add3A_864 = arith.constant 32 : i32
      %add3A_865 = vector.broadcast %add3A_864 : i32 to vector<16xi32>
      %add3A_866 = arith.addi %get3A_498, %add3A_865 : vector<16xi32>
      %gather3A_867 = tpu.vector_load_idx %arg14[%add3A_610, %add3A_866] : memref<192x128xf32, #tpu.memory_space<vmem>>[vector<16xi32>, vector<16xi32>], vector<16xf32>,
      %mul3A_868 = arith.mulf %add3A_780, %gather3A_867 : vector<16xf32>
      %add3A_869 = arith.addf %add3A_863, %mul3A_868 : vector<16xf32>
      %add3A_870 = arith.constant 48 : i32
      %add3A_871 = vector.broadcast %add3A_870 : i32 to vector<16xi32>
      %add3A_872 = arith.addi %get3A_498, %add3A_871 : vector<16xi32>
      %gather3A_873 = tpu.vector_load_idx %arg14[%add3A_610, %add3A_872] : memref<192x128xf32, #tpu.memory_space<vmem>>[vector<16xi32>, vector<16xi32>], vector<16xf32>,
      %mul3A_874 = arith.mulf %add3A_829, %gather3A_873 : vector<16xf32>
      %add3A_875 = arith.addf %add3A_869, %mul3A_874 : vector<16xf32>
      %neg3A = arith.constant 0.000000e+00 : f32
      %neg3A_876 = vector.broadcast %neg3A : f32 to vector<16xf32>
      %neg3A_877 = arith.subf %neg3A_876, %add3A_875 : vector<16xf32>
      %mul3A_878 = arith.constant 6 : i32
      %mul3A_879 = arith.muli %scan3A_379, %mul3A_878 : i32
      %add3A_880 = arith.constant 1 : i32
      %add3A_881 = arith.addi %mul3A_879, %add3A_880 : i32
      %swap3A_882 = arith.index_cast %add3A_881 : i32 to index
      %swap3A_883 = arith.constant 0 : index
      %swap3A_884 = tpu.vector_load %arg15[%swap3A_882, %swap3A_883] {strides = array<i32>} : memref<192x16xf32, #tpu.memory_space<vmem>>, vector<16xf32>,
      tpu.vector_store %arg15[%swap3A_882, %swap3A_883], %neg3A_877 {strides = array<i32>} : memref<192x16xf32, #tpu.memory_space<vmem>>, vector<16xf32>,
      %gather3A_885 = tpu.vector_load_idx %arg14[%add3A_616, %get3A_508] : memref<192x128xf32, #tpu.memory_space<vmem>>[vector<16xi32>, vector<16xi32>], vector<16xf32>,
      %mul3A_886 = arith.mulf %add3A_682, %gather3A_885 : vector<16xf32>
      %add3A_887 = arith.constant 16 : i32
      %add3A_888 = vector.broadcast %add3A_887 : i32 to vector<16xi32>
      %add3A_889 = arith.addi %get3A_508, %add3A_888 : vector<16xi32>
      %gather3A_890 = tpu.vector_load_idx %arg14[%add3A_616, %add3A_889] : memref<192x128xf32, #tpu.memory_space<vmem>>[vector<16xi32>, vector<16xi32>], vector<16xf32>,
      %mul3A_891 = arith.mulf %add3A_731, %gather3A_890 : vector<16xf32>
      %add3A_892 = arith.addf %mul3A_886, %mul3A_891 : vector<16xf32>
      %add3A_893 = arith.constant 32 : i32
      %add3A_894 = vector.broadcast %add3A_893 : i32 to vector<16xi32>
      %add3A_895 = arith.addi %get3A_508, %add3A_894 : vector<16xi32>
      %gather3A_896 = tpu.vector_load_idx %arg14[%add3A_616, %add3A_895] : memref<192x128xf32, #tpu.memory_space<vmem>>[vector<16xi32>, vector<16xi32>], vector<16xf32>,
      %mul3A_897 = arith.mulf %add3A_780, %gather3A_896 : vector<16xf32>
      %add3A_898 = arith.addf %add3A_892, %mul3A_897 : vector<16xf32>
      %add3A_899 = arith.constant 48 : i32
      %add3A_900 = vector.broadcast %add3A_899 : i32 to vector<16xi32>
      %add3A_901 = arith.addi %get3A_508, %add3A_900 : vector<16xi32>
      %gather3A_902 = tpu.vector_load_idx %arg14[%add3A_616, %add3A_901] : memref<192x128xf32, #tpu.memory_space<vmem>>[vector<16xi32>, vector<16xi32>], vector<16xf32>,
      %mul3A_903 = arith.mulf %add3A_829, %gather3A_902 : vector<16xf32>
      %add3A_904 = arith.addf %add3A_898, %mul3A_903 : vector<16xf32>
      %neg3A_905 = arith.constant 0.000000e+00 : f32
      %neg3A_906 = vector.broadcast %neg3A_905 : f32 to vector<16xf32>
      %neg3A_907 = arith.subf %neg3A_906, %add3A_904 : vector<16xf32>
      %mul3A_908 = arith.constant 6 : i32
      %mul3A_909 = arith.muli %scan3A_379, %mul3A_908 : i32
      %add3A_910 = arith.constant 2 : i32
      %add3A_911 = arith.addi %mul3A_909, %add3A_910 : i32
      %swap3A_912 = arith.index_cast %add3A_911 : i32 to index
      %swap3A_913 = arith.constant 0 : index
      %swap3A_914 = tpu.vector_load %arg15[%swap3A_912, %swap3A_913] {strides = array<i32>} : memref<192x16xf32, #tpu.memory_space<vmem>>, vector<16xf32>,
      tpu.vector_store %arg15[%swap3A_912, %swap3A_913], %neg3A_907 {strides = array<i32>} : memref<192x16xf32, #tpu.memory_space<vmem>>, vector<16xf32>,
      %gather3A_915 = tpu.vector_load_idx %arg14[%add3A_622, %get3A_518] : memref<192x128xf32, #tpu.memory_space<vmem>>[vector<16xi32>, vector<16xi32>], vector<16xf32>,
      %mul3A_916 = arith.mulf %add3A_682, %gather3A_915 : vector<16xf32>
      %add3A_917 = arith.constant 16 : i32
      %add3A_918 = vector.broadcast %add3A_917 : i32 to vector<16xi32>
      %add3A_919 = arith.addi %get3A_518, %add3A_918 : vector<16xi32>
      %gather3A_920 = tpu.vector_load_idx %arg14[%add3A_622, %add3A_919] : memref<192x128xf32, #tpu.memory_space<vmem>>[vector<16xi32>, vector<16xi32>], vector<16xf32>,
      %mul3A_921 = arith.mulf %add3A_731, %gather3A_920 : vector<16xf32>
      %add3A_922 = arith.addf %mul3A_916, %mul3A_921 : vector<16xf32>
      %add3A_923 = arith.constant 32 : i32
      %add3A_924 = vector.broadcast %add3A_923 : i32 to vector<16xi32>
      %add3A_925 = arith.addi %get3A_518, %add3A_924 : vector<16xi32>
      %gather3A_926 = tpu.vector_load_idx %arg14[%add3A_622, %add3A_925] : memref<192x128xf32, #tpu.memory_space<vmem>>[vector<16xi32>, vector<16xi32>], vector<16xf32>,
      %mul3A_927 = arith.mulf %add3A_780, %gather3A_926 : vector<16xf32>
      %add3A_928 = arith.addf %add3A_922, %mul3A_927 : vector<16xf32>
      %add3A_929 = arith.constant 48 : i32
      %add3A_930 = vector.broadcast %add3A_929 : i32 to vector<16xi32>
      %add3A_931 = arith.addi %get3A_518, %add3A_930 : vector<16xi32>
      %gather3A_932 = tpu.vector_load_idx %arg14[%add3A_622, %add3A_931] : memref<192x128xf32, #tpu.memory_space<vmem>>[vector<16xi32>, vector<16xi32>], vector<16xf32>,
      %mul3A_933 = arith.mulf %add3A_829, %gather3A_932 : vector<16xf32>
      %add3A_934 = arith.addf %add3A_928, %mul3A_933 : vector<16xf32>
      %neg3A_935 = arith.constant 0.000000e+00 : f32
      %neg3A_936 = vector.broadcast %neg3A_935 : f32 to vector<16xf32>
      %neg3A_937 = arith.subf %neg3A_936, %add3A_934 : vector<16xf32>
      %mul3A_938 = arith.constant 6 : i32
      %mul3A_939 = arith.muli %scan3A_379, %mul3A_938 : i32
      %add3A_940 = arith.constant 3 : i32
      %add3A_941 = arith.addi %mul3A_939, %add3A_940 : i32
      %swap3A_942 = arith.index_cast %add3A_941 : i32 to index
      %swap3A_943 = arith.constant 0 : index
      %swap3A_944 = tpu.vector_load %arg15[%swap3A_942, %swap3A_943] {strides = array<i32>} : memref<192x16xf32, #tpu.memory_space<vmem>>, vector<16xf32>,
      tpu.vector_store %arg15[%swap3A_942, %swap3A_943], %neg3A_937 {strides = array<i32>} : memref<192x16xf32, #tpu.memory_space<vmem>>, vector<16xf32>,
      %gather3A_945 = tpu.vector_load_idx %arg14[%add3A_628, %get3A_528] : memref<192x128xf32, #tpu.memory_space<vmem>>[vector<16xi32>, vector<16xi32>], vector<16xf32>,
      %mul3A_946 = arith.mulf %add3A_682, %gather3A_945 : vector<16xf32>
      %add3A_947 = arith.constant 16 : i32
      %add3A_948 = vector.broadcast %add3A_947 : i32 to vector<16xi32>
      %add3A_949 = arith.addi %get3A_528, %add3A_948 : vector<16xi32>
      %gather3A_950 = tpu.vector_load_idx %arg14[%add3A_628, %add3A_949] : memref<192x128xf32, #tpu.memory_space<vmem>>[vector<16xi32>, vector<16xi32>], vector<16xf32>,
      %mul3A_951 = arith.mulf %add3A_731, %gather3A_950 : vector<16xf32>
      %add3A_952 = arith.addf %mul3A_946, %mul3A_951 : vector<16xf32>
      %add3A_953 = arith.constant 32 : i32
      %add3A_954 = vector.broadcast %add3A_953 : i32 to vector<16xi32>
      %add3A_955 = arith.addi %get3A_528, %add3A_954 : vector<16xi32>
      %gather3A_956 = tpu.vector_load_idx %arg14[%add3A_628, %add3A_955] : memref<192x128xf32, #tpu.memory_space<vmem>>[vector<16xi32>, vector<16xi32>], vector<16xf32>,
      %mul3A_957 = arith.mulf %add3A_780, %gather3A_956 : vector<16xf32>
      %add3A_958 = arith.addf %add3A_952, %mul3A_957 : vector<16xf32>
      %add3A_959 = arith.constant 48 : i32
      %add3A_960 = vector.broadcast %add3A_959 : i32 to vector<16xi32>
      %add3A_961 = arith.addi %get3A_528, %add3A_960 : vector<16xi32>
      %gather3A_962 = tpu.vector_load_idx %arg14[%add3A_628, %add3A_961] : memref<192x128xf32, #tpu.memory_space<vmem>>[vector<16xi32>, vector<16xi32>], vector<16xf32>,
      %mul3A_963 = arith.mulf %add3A_829, %gather3A_962 : vector<16xf32>
      %add3A_964 = arith.addf %add3A_958, %mul3A_963 : vector<16xf32>
      %neg3A_965 = arith.constant 0.000000e+00 : f32
      %neg3A_966 = vector.broadcast %neg3A_965 : f32 to vector<16xf32>
      %neg3A_967 = arith.subf %neg3A_966, %add3A_964 : vector<16xf32>
      %mul3A_968 = arith.constant 6 : i32
      %mul3A_969 = arith.muli %scan3A_379, %mul3A_968 : i32
      %add3A_970 = arith.constant 4 : i32
      %add3A_971 = arith.addi %mul3A_969, %add3A_970 : i32
      %swap3A_972 = arith.index_cast %add3A_971 : i32 to index
      %swap3A_973 = arith.constant 0 : index
      %swap3A_974 = tpu.vector_load %arg15[%swap3A_972, %swap3A_973] {strides = array<i32>} : memref<192x16xf32, #tpu.memory_space<vmem>>, vector<16xf32>,
      tpu.vector_store %arg15[%swap3A_972, %swap3A_973], %neg3A_967 {strides = array<i32>} : memref<192x16xf32, #tpu.memory_space<vmem>>, vector<16xf32>,
      %gather3A_975 = tpu.vector_load_idx %arg14[%add3A_634, %get3A_538] : memref<192x128xf32, #tpu.memory_space<vmem>>[vector<16xi32>, vector<16xi32>], vector<16xf32>,
      %mul3A_976 = arith.mulf %add3A_682, %gather3A_975 : vector<16xf32>
      %add3A_977 = arith.constant 16 : i32
      %add3A_978 = vector.broadcast %add3A_977 : i32 to vector<16xi32>
      %add3A_979 = arith.addi %get3A_538, %add3A_978 : vector<16xi32>
      %gather3A_980 = tpu.vector_load_idx %arg14[%add3A_634, %add3A_979] : memref<192x128xf32, #tpu.memory_space<vmem>>[vector<16xi32>, vector<16xi32>], vector<16xf32>,
      %mul3A_981 = arith.mulf %add3A_731, %gather3A_980 : vector<16xf32>
      %add3A_982 = arith.addf %mul3A_976, %mul3A_981 : vector<16xf32>
      %add3A_983 = arith.constant 32 : i32
      %add3A_984 = vector.broadcast %add3A_983 : i32 to vector<16xi32>
      %add3A_985 = arith.addi %get3A_538, %add3A_984 : vector<16xi32>
      %gather3A_986 = tpu.vector_load_idx %arg14[%add3A_634, %add3A_985] : memref<192x128xf32, #tpu.memory_space<vmem>>[vector<16xi32>, vector<16xi32>], vector<16xf32>,
      %mul3A_987 = arith.mulf %add3A_780, %gather3A_986 : vector<16xf32>
      %add3A_988 = arith.addf %add3A_982, %mul3A_987 : vector<16xf32>
      %add3A_989 = arith.constant 48 : i32
      %add3A_990 = vector.broadcast %add3A_989 : i32 to vector<16xi32>
      %add3A_991 = arith.addi %get3A_538, %add3A_990 : vector<16xi32>
      %gather3A_992 = tpu.vector_load_idx %arg14[%add3A_634, %add3A_991] : memref<192x128xf32, #tpu.memory_space<vmem>>[vector<16xi32>, vector<16xi32>], vector<16xf32>,
      %mul3A_993 = arith.mulf %add3A_829, %gather3A_992 : vector<16xf32>
      %add3A_994 = arith.addf %add3A_988, %mul3A_993 : vector<16xf32>
      %neg3A_995 = arith.constant 0.000000e+00 : f32
      %neg3A_996 = vector.broadcast %neg3A_995 : f32 to vector<16xf32>
      %neg3A_997 = arith.subf %neg3A_996, %add3A_994 : vector<16xf32>
      %mul3A_998 = arith.constant 6 : i32
      %mul3A_999 = arith.muli %scan3A_379, %mul3A_998 : i32
      %add3A_1000 = arith.constant 5 : i32
      %add3A_1001 = arith.addi %mul3A_999, %add3A_1000 : i32
      %swap3A_1002 = arith.index_cast %add3A_1001 : i32 to index
      %swap3A_1003 = arith.constant 0 : index
      %swap3A_1004 = tpu.vector_load %arg15[%swap3A_1002, %swap3A_1003] {strides = array<i32>} : memref<192x16xf32, #tpu.memory_space<vmem>>, vector<16xf32>,
      tpu.vector_store %arg15[%swap3A_1002, %swap3A_1003], %neg3A_997 {strides = array<i32>} : memref<192x16xf32, #tpu.memory_space<vmem>>, vector<16xf32>,
    }
    %scan3A_374 = arith.constant 32 : i32
    %add3A_375 = arith.constant 96 : i32
    %add3A_376 = arith.addi %mul3A_2, %add3A_375 : i32
    %mul3A_377 = arith.constant 6 : i32
    %mul3A_378 = arith.muli %add3A_376, %mul3A_377 : i32
    "tpu.region"() ({
      %run_scoped3A = tpu.sem_alloc : memref<!tpu.dma_semaphore, #tpu.memory_space<semaphore_mem>>
      %dma_start3A_379 = arith.constant 0 : i32
      %dma_start3A_380 = tpu.memref_slice %arg8[%mul3A_378, %dma_start3A_379] : memref<24576x16xf32, #tpu.memory_space<hbm>> -> memref<192x16xf32, #tpu.memory_space<hbm>>
      %dma_start3A_381 = arith.constant 0 : i32
      %dma_start3A_382 = tpu.memref_slice %arg8[%mul3A_378, %dma_start3A_381] : memref<24576x16xf32, #tpu.memory_space<hbm>> -> memref<192x16xf32, #tpu.memory_space<hbm>>
      tpu.enqueue_dma source(%arg15 : memref<192x16xf32, #tpu.memory_space<vmem>>) target(%dma_start3A_382 : memref<192x16xf32, #tpu.memory_space<hbm>>) target_semaphore(%run_scoped3A : memref<!tpu.dma_semaphore, #tpu.memory_space<semaphore_mem>>)
      %dma_wait3A_383 = arith.constant 0 : i32
      %dma_wait3A_384 = tpu.memref_slice %arg8[%mul3A_378, %dma_wait3A_383] : memref<24576x16xf32, #tpu.memory_space<hbm>> -> memref<192x16xf32, #tpu.memory_space<hbm>>
      %dma_wait3A_385 = arith.constant 0 : i32
      %dma_wait3A_386 = tpu.memref_slice %arg8[%mul3A_378, %dma_wait3A_385] : memref<24576x16xf32, #tpu.memory_space<hbm>> -> memref<192x16xf32, #tpu.memory_space<hbm>>
      tpu.wait_dma2 semaphore(%run_scoped3A : memref<!tpu.dma_semaphore, #tpu.memory_space<semaphore_mem>>) src(%arg15 : memref<192x16xf32, #tpu.memory_space<vmem>>) dst(%dma_wait3A_386 : memref<192x16xf32, #tpu.memory_space<hbm>>)
      tpu.yield
    }) : () -> ()
    return
  }
}

module attributes {stable_mosaic.version = 14 : i64} {
  func.func @_tc_relayout_body(%arg0: i32, %arg1: memref<64x25600xf32, #tpu.memory_space<vmem>>, %arg2: memref<64x25600xf32, #tpu.memory_space<vmem>>, %arg3: memref<25600x128xf32, #tpu.memory_space<vmem>>) attributes {dimension_semantics = [#tpu.dimension_semantics<arbitrary>], iteration_bounds = array<i64: 20>, scalar_prefetch = 0 : i64, scratch_operands = 0 : i64, tpu.core_type = #tpu.core_type<tc>, window_params = [{transform_indices = @transform_0, window_bounds = array<i64: 64, 25600>}, {transform_indices = @transform_1, window_bounds = array<i64: 64, 25600>}, {transform_indices = @transform_2, window_bounds = array<i64: 25600, 128>}]} {
    %iota3A = tpu.iota {dimensions = array<i32: 0>} : vector<64x128xi32>
    %iota3A_0 = tpu.iota {dimensions = array<i32: 1>} : vector<64x128xi32>
    %eq3A = arith.cmpi eq, %iota3A, %iota3A_0 : vector<64x128xi32>
    %convert_element_type3A = arith.extui %eq3A : vector<64x128xi1> to vector<64x128xi32>
    %convert_element_type3A_1 = arith.sitofp %convert_element_type3A : vector<64x128xi32> to vector<64x128xf32>
    %sub3A = arith.constant 64 : i32
    %sub3A_2 = vector.broadcast %sub3A : i32 to vector<64x128xi32>
    %sub3A_3 = arith.subi %iota3A_0, %sub3A_2 : vector<64x128xi32>
    %eq3A_4 = arith.cmpi eq, %iota3A, %sub3A_3 : vector<64x128xi32>
    %convert_element_type3A_5 = arith.extui %eq3A_4 : vector<64x128xi1> to vector<64x128xi32>
    %convert_element_type3A_6 = arith.sitofp %convert_element_type3A_5 : vector<64x128xi32> to vector<64x128xf32>
    %get3A = arith.constant 0 : index
    %get3A_7 = arith.constant 0 : index
    %get3A_8 = vector.load %arg1[%get3A, %get3A_7] : memref<64x25600xf32, #tpu.memory_space<vmem>>, vector<64x25600xf32>
    %dot_general3A = arith.constant dense<0.000000e+00> : vector<25600x128xf32>
    %dot_general3A_9 = tpu.matmul %get3A_8, %convert_element_type3A_1, %dot_general3A {dimension_numbers = #tpu.dot_dimension_numbers<[0], [0], [1], [1], [0, 1, 1, 1], [], []>, transpose_lhs_hint = false} : vector<64x25600xf32>, vector<64x128xf32>, vector<25600x128xf32> -> vector<25600x128xf32>
    %get3A_10 = arith.constant 0 : index
    %get3A_11 = arith.constant 0 : index
    %get3A_12 = vector.load %arg2[%get3A_10, %get3A_11] : memref<64x25600xf32, #tpu.memory_space<vmem>>, vector<64x25600xf32>
    %dot_general3A_13 = arith.constant dense<0.000000e+00> : vector<25600x128xf32>
    %dot_general3A_14 = tpu.matmul %get3A_12, %convert_element_type3A_6, %dot_general3A_13 {dimension_numbers = #tpu.dot_dimension_numbers<[0], [0], [1], [1], [0, 1, 1, 1], [], []>, transpose_lhs_hint = false} : vector<64x25600xf32>, vector<64x128xf32>, vector<25600x128xf32> -> vector<25600x128xf32>
    %add3A = arith.addf %dot_general3A_9, %dot_general3A_14 : vector<25600x128xf32>
    %swap3A = arith.constant 0 : index
    %swap3A_15 = arith.constant 0 : index
    %swap3A_16 = vector.load %arg3[%swap3A, %swap3A_15] : memref<25600x128xf32, #tpu.memory_space<vmem>>, vector<25600x128xf32>
    tpu.vector_store %arg3[%swap3A, %swap3A_15], %add3A {strides = array<i32>} : memref<25600x128xf32, #tpu.memory_space<vmem>>, vector<25600x128xf32>,
    return
  }
  func.func @transform_0(%arg0: i32) -> (i32, i32) {
    %c0_i32 = arith.constant 0 : i32
    %c0_i32_0 = arith.constant 0 : i32
    return %c0_i32, %arg0 : i32, i32
  }
  func.func @transform_1(%arg0: i32) -> (i32, i32) {
    %add3A = arith.constant 20 : i32
    %add3A_0 = arith.addi %arg0, %add3A : i32
    %min3A = arith.constant 39 : i32
    %min3A_1 = arith.minsi %add3A_0, %min3A : i32
    %c0_i32 = arith.constant 0 : i32
    %c0_i32_2 = arith.constant 0 : i32
    return %c0_i32, %min3A_1 : i32, i32
  }
  func.func @transform_2(%arg0: i32) -> (i32, i32) {
    %c0_i32 = arith.constant 0 : i32
    %c0_i32_0 = arith.constant 0 : i32
    return %arg0, %c0_i32 : i32, i32
  }
}

module attributes {stable_mosaic.version = 14 : i64} {
  func.func @_tc_loss_body(%arg0: memref<3072x128xf32, #tpu.memory_space<vmem>>, %arg1: memref<1x1xf32, #tpu.memory_space<smem>>) attributes {dimension_semantics = [], scalar_prefetch = 0 : i64, scratch_operands = 0 : i64, tpu.core_type = #tpu.core_type<tc>} {
    %get3A = arith.constant 0 : index
    %get3A_0 = arith.constant 0 : index
    %get3A_1 = vector.load %arg0[%get3A, %get3A_0] : memref<3072x128xf32, #tpu.memory_space<vmem>>, vector<3072x128xf32>
    %iota3A = tpu.iota {dimensions = array<i32: 0>} : vector<128x8xi32>
    %jit3A = arith.constant 16 : i32
    %div3A = vector.broadcast %jit3A : i32 to vector<128x8xi32>
    %div3A_2 = arith.divsi %iota3A, %div3A : vector<128x8xi32>
    %sign3A = arith.constant 0 : i32
    %sign3A_3 = vector.broadcast %sign3A : i32 to vector<128x8xi32>
    %sign3A_4 = arith.cmpi sgt, %iota3A, %sign3A_3 : vector<128x8xi32>
    %sign3A_5 = arith.extui %sign3A_4 : vector<128x8xi1> to vector<128x8xi32>
    %sign3A_6 = arith.constant 0 : i32
    %sign3A_7 = vector.broadcast %sign3A_6 : i32 to vector<128x8xi32>
    %sign3A_8 = arith.cmpi slt, %iota3A, %sign3A_7 : vector<128x8xi32>
    %sign3A_9 = arith.extui %sign3A_8 : vector<128x8xi1> to vector<128x8xi32>
    %sign3A_10 = arith.subi %sign3A_5, %sign3A_9 : vector<128x8xi32>
    %sign3A_11 = arith.constant 0 : i32
    %sign3A_12 = arith.cmpi sgt, %jit3A, %sign3A_11 : i32
    %sign3A_13 = arith.extui %sign3A_12 : i1 to i32
    %sign3A_14 = arith.constant 0 : i32
    %sign3A_15 = arith.cmpi slt, %jit3A, %sign3A_14 : i32
    %sign3A_16 = arith.extui %sign3A_15 : i1 to i32
    %sign3A_17 = arith.subi %sign3A_13, %sign3A_16 : i32
    %ne3A = vector.broadcast %sign3A_17 : i32 to vector<128x8xi32>
    %ne3A_18 = arith.cmpi ne, %sign3A_10, %ne3A : vector<128x8xi32>
    %rem3A = vector.broadcast %jit3A : i32 to vector<128x8xi32>
    %rem3A_19 = arith.remsi %iota3A, %rem3A : vector<128x8xi32>
    %ne3A_20 = arith.constant 0 : i32
    %ne3A_21 = vector.broadcast %ne3A_20 : i32 to vector<128x8xi32>
    %ne3A_22 = arith.cmpi ne, %rem3A_19, %ne3A_21 : vector<128x8xi32>
    %and3A = arith.andi %ne3A_18, %ne3A_22 : vector<128x8xi1>
    %sub3A = arith.constant 1 : i32
    %sub3A_23 = vector.broadcast %sub3A : i32 to vector<128x8xi32>
    %sub3A_24 = arith.subi %div3A_2, %sub3A_23 : vector<128x8xi32>
    %select_n3A = arith.select %and3A, %sub3A_24, %div3A_2 : vector<128x8xi1>, vector<128x8xi32>
    %iota3A_25 = tpu.iota {dimensions = array<i32: 1>} : vector<128x8xi32>
    %eq3A = arith.cmpi eq, %select_n3A, %iota3A_25 : vector<128x8xi32>
    %convert_element_type3A = arith.extui %eq3A : vector<128x8xi1> to vector<128x8xi32>
    %convert_element_type3A_26 = arith.sitofp %convert_element_type3A : vector<128x8xi32> to vector<128x8xf32>
    %dot_general3A = arith.constant dense<0.000000e+00> : vector<3072x8xf32>
    %dot_general3A_27 = tpu.matmul %get3A_1, %convert_element_type3A_26, %dot_general3A {dimension_numbers = #tpu.dot_dimension_numbers<[1], [0], [0], [1], [0, 0, 1, 1], [], []>, transpose_lhs_hint = false} : vector<3072x128xf32>, vector<128x8xf32>, vector<3072x8xf32> -> vector<3072x8xf32>
    %min3A = arith.constant 0.000000e+00 : f32
    %min3A_28 = vector.broadcast %min3A : f32 to vector<3072x8xf32>
    %min3A_29 = arith.minimumf %dot_general3A_27, %min3A_28 : vector<3072x8xf32>
    %abs3A = math.absf %dot_general3A_27 : vector<3072x8xf32>
    %neg3A = arith.constant 0.000000e+00 : f32
    %neg3A_30 = vector.broadcast %neg3A : f32 to vector<3072x8xf32>
    %neg3A_31 = arith.subf %neg3A_30, %abs3A : vector<3072x8xf32>
    %exp3A = math.exp %neg3A_31 : vector<3072x8xf32>
    %log1p3A = math.log1p %exp3A : vector<3072x8xf32>
    %sub3A_32 = arith.subf %min3A_29, %log1p3A : vector<3072x8xf32>
    %reduce_sum3A = vector.shape_cast %sub3A_32 : vector<3072x8xf32> to vector<1x3072x8xf32>
    %reduce_sum3A_33 = arith.constant dense<0.000000e+00> : vector<1xf32>
    %reduce_sum3A_34 = vector.multi_reduction <add>, %reduce_sum3A, %reduce_sum3A_33 [1, 2] : vector<1x3072x8xf32> to vector<1xf32>
    %reduce_sum3A_35 = vector.shape_cast %reduce_sum3A_34 : vector<1xf32> to vector<1x1x1xf32>
    %reduce_sum3A_36 = vector.extract %reduce_sum3A_35[0, 0, 0] : f32 from vector<1x1x1xf32>
    %neg3A_37 = arith.constant 0.000000e+00 : f32
    %neg3A_38 = arith.subf %neg3A_37, %reduce_sum3A_36 : f32
    %swap3A = arith.constant 0 : index
    %swap3A_39 = arith.constant 0 : index
    %swap3A_40 = memref.load %arg1[%swap3A, %swap3A_39] : memref<1x1xf32, #tpu.memory_space<smem>>
    memref.store %neg3A_38, %arg1[%swap3A, %swap3A_39] : memref<1x1xf32, #tpu.memory_space<smem>>
    return
  }
}

</mosaic_0001>

<sc_bundles>
// kernel: kernel.6.cloned.1.call-start
scs
__scs_entry_jumppad:
0x0: {  	(pc) =	sbr.rel $0x88, $3  }
0x1: {  	(tag) =	ssettag $0x0;
	lr =	simm.s32 $0x1  }
0x2: {  	[smem:$0x3F9C] =	sst lr;
	_ =	strace $0xD0000000  }
0x3: {  	_ = 	snop  }
0x4: {  	_ = 	snop  }
0x5: {  	_ = 	snop  }
0x6: {  	_ = 	snop  }
0x7: {  	_ = 	snop  }
__scs_overlays_trampoline_lowered:
0x8: {  	[smem:$0x3FAB] =	sst s0  }
0x9: {  	[smem:$0x3FAC] =	sst s1  }
0xa: {  	[smem:$0x3FAD] =	sst s2  }
0xb: {  	[smem:$0x3FAE] =	sst s3  }
0xc: {  	[smem:$0x3FAF] =	sst s4  }
0xd: {  	[smem:$0x3FB0] =	sst s5  }
0xe: {  	[smem:$0x3FB1] =	sst s6  }
0xf: {  	[smem:$0x3FB2] =	sst s7  }
0x10: {  	[smem:$0x3FB3] =	sst s8  }
0x11: {  	[smem:$0x3FB4] =	sst s9;
	s0 =	simm.s32 @!p0 $0x0  }
0x12: {  	s1 =	sld [smem:$0x3F9A];
	s0 =	simm.s32 @p0 $0x1  }
0x13: {  	[smem:$0x3FB5] =	sst s0;
	s0 =	simm.s32 @!p1 $0x0  }
0x14: {  	s2 =	sld [smem:$0x3F99];
	s0 =	simm.s32 @p1 $0x1  }
0x15: {  	[smem:$0x3FB6] =	sst s0;
	s0 =	simm.s32 @!p2 $0x0  }
0x16: {  	s3 =	sld [smem:$0x3FDB];
	s0 =	simm.s32 @p2 $0x1  }
0x17: {  	s4 =	simm.s32 $0x1BF5;
	[smem:$0x3FB8] =	sst s0  }
0x18: {  	s0 =	sld [smem:$0x3F9B];
	_ =	swait.ge [sflag:s4], $0x0  }
0x19: {  	s7 =	sld [smem:$0x3F9C]  }
0x1a: {  	s8 =	sadd.s32 $0xFFFFE003, lr  }
0x1b: {  	s9 =	sadd.s32 $0xFFFFFEF7, lr;
	s5 =	simm.s32 $0xFFFFFFFF;
	p2 =	slt.u32 s8, $0xFFFFF086  }
0x1c: {  	p1 =	slt.u32 s9, $0xF7A;
	s5 =	simm.s32 @!p2 $0x0  }
0x1d: {  	s5 =	simm.s32 @p1 $0x1;
	p0 =	seq.s32 s7, s2  }
0x1e: {  	s7 =	smul.u32 @!p0 $0xF7A, s2;
	p2 =	seq.s32 @!p0 s5, $0x0  }
0x1f: {  	s9 =	smul.u32 $0xF7A, s1;
	s8 =	simm.s32 @!p0 $0x1BF5;
	p2 =	por !p2, p0  }
0x20: {  	[sflag:s8] =	ssyncset.s32 @!p0 $0xFFFFF086;
	s6 =	sadd.s32 @!p0 s3, s7;
	s7 =	simm.s32 @!p0 $0x108  }
0x21: {  	s3 =	sadd.s32 s3, s9;
	s6 =	sadd.s32 @!p0 $0x88, s6;
	s7 =	simm.s32 @p2 $0x1082  }
0x22: {  	[simem:s7], [sflag:s8] =	dma.local @!p0 [hbm:s6], $0xF7A  }
0x23: {  	s9 =	sor.u32 $0xD0000000, s2;
	s6 =	simm.s32 $0x108;
	_ =	swait.ge @!p0 [sflag:s8], $0x0  }
0x24: {  	s3 =	sadd.s32 $0x88, s3;
	s6 =	simm.s32 @!p1 $0x1082;
	[sflag:s4] =	ssyncset.s32 $0xFFFFF086  }
0x25: {  	[simem:s6], [sflag:s4] =	dma.local [hbm:s3], $0xF7A  }
0x26: {  	[smem:$0x3F9C] =	sst s1;
	(tag) =	ssettag s2;
	_ =	strace s9  }
0x27: {  	s1 =	sld [smem:$0x3FAC]  }
0x28: {  	s2 =	sld [smem:$0x3FAD]  }
0x29: {  	s4 =	sld [smem:$0x3FAF]  }
0x2a: {  	p0 =	seq.s32 s5, $0x0;
	s5 =	sld [smem:$0x3FB0]  }
0x2b: {  	s6 =	sld [smem:$0x3FB1]  }
0x2c: {  	s7 =	sld [smem:$0x3FB2]  }
0x2d: {  	s3 =	simm.s32 $0x108;
	s8 =	sld [smem:$0x3FB3]  }
0x2e: {  	s3 =	simm.s32 @!p0 $0x1082;
	s9 =	sld [smem:$0x3FB4]  }
0x2f: {  	lr =	sadd.s32 s0, s3;
	s0 =	sld [smem:$0x3FAB]  }
0x30: {  	s3 =	sld [smem:$0x3FAE]  }
0x31: {  	[smem:$0x3FB7] =	sst s10  }
0x32: {  	s10 =	sld [smem:$0x3FB5];
	_ =	sdelay $0x3  }
0x33: {  	p0 =	seq.s32 s10, $0x1;
	s10 =	sld [smem:$0x3FB7];
	_ =	sdelay $0x3  }
0x34: {  	[smem:$0x3FB7] =	sst s10  }
0x35: {  	s10 =	sld [smem:$0x3FB6];
	_ =	sdelay $0x3  }
0x36: {  	p1 =	seq.s32 s10, $0x1;
	s10 =	sld [smem:$0x3FB7];
	_ =	sdelay $0x3  }
0x37: {  	[smem:$0x3FB7] =	sst s10  }
0x38: {  	s10 =	sld [smem:$0x3FB8]  }
0x39: {  	_ = 	snop;
	(pc) =	sbr.ind lr, $3  }
0x3a: {  	_ = 	snop  }
0x3b: {  	_ = 	snop  }
0x3c: {  	p2 =	seq.s32 s10, $0x1;
	s10 =	sld [smem:$0x3FB7]  }
0x3d: {  	_ =	shalt  }
0x3e: {  	_ =	shalt  }
0x3f: {  	_ =	shalt  }
0x40: {  	_ =	shalt  }
0x41: {  	_ =	shalt  }
0x42: {  	_ =	shalt  }
0x43: {  	_ =	shalt  }
0x44: {  	_ =	shalt  }
0x45: {  	_ =	shalt  }
0x46: {  	_ =	shalt  }
0x47: {  	_ =	shalt  }
0x48: {  	_ =	shalt  }
0x49: {  	_ =	shalt  }
0x4a: {  	_ =	shalt  }
0x4b: {  	_ =	shalt  }
0x4c: {  	_ =	shalt  }
0x4d: {  	_ =	shalt  }
0x4e: {  	_ =	shalt  }
0x4f: {  	_ =	shalt  }
0x50: {  	_ =	shalt  }
0x51: {  	_ =	shalt  }
0x52: {  	_ =	shalt  }
0x53: {  	_ =	shalt  }
0x54: {  	_ =	shalt  }
0x55: {  	_ =	shalt  }
0x56: {  	_ =	shalt  }
0x57: {  	_ =	shalt  }
0x58: {  	_ =	shalt  }
0x59: {  	_ =	shalt  }
0x5a: {  	_ =	shalt  }
0x5b: {  	_ =	shalt  }
0x5c: {  	_ =	shalt  }
0x5d: {  	_ =	shalt  }
0x5e: {  	_ =	shalt  }
0x5f: {  	_ =	shalt  }
0x60: {  	_ =	shalt  }
0x61: {  	_ =	shalt  }
0x62: {  	_ =	shalt  }
0x63: {  	_ =	shalt  }
0x64: {  	_ =	shalt  }
0x65: {  	_ =	shalt  }
0x66: {  	_ =	shalt  }
0x67: {  	_ =	shalt  }
0x68: {  	_ =	shalt  }
0x69: {  	_ =	shalt  }
0x6a: {  	_ =	shalt  }
0x6b: {  	_ =	shalt  }
0x6c: {  	_ =	shalt  }
0x6d: {  	_ =	shalt  }
0x6e: {  	_ =	shalt  }
0x6f: {  	_ =	shalt  }
0x70: {  	_ =	shalt  }
0x71: {  	_ =	shalt  }
0x72: {  	_ =	shalt  }
0x73: {  	_ =	shalt  }
0x74: {  	_ =	shalt  }
0x75: {  	_ =	shalt  }
0x76: {  	_ =	shalt  }
0x77: {  	_ =	shalt  }
0x78: {  	_ =	shalt  }
0x79: {  	_ =	shalt  }
0x7a: {  	_ =	shalt  }
0x7b: {  	_ =	shalt  }
0x7c: {  	_ =	shalt  }
0x7d: {  	_ =	shalt  }
0x7e: {  	_ =	shalt  }
0x7f: {  	_ =	shalt  }
0x80: {  	_ =	shalt  }
0x81: {  	_ =	shalt  }
0x82: {  	_ =	shalt  }
0x83: {  	_ =	shalt  }
0x84: {  	_ =	shalt  }
0x85: {  	_ =	shalt  }
0x86: {  	_ =	shalt  }
0x87: {  	_ =	shalt  }
.Lfunc_end0:
.L_simem_size_0:
called_computation_lowered:
.L_overlay_start_0:
0x88: {  	s2 =	sld [smem:$0x3FD9]  }
0x89: {  	s3 =	sld [smem:$0x3FFE];
	_ =	sdelay $0x1  }
0x8a: {  	s1 =	srdreg.scid  }
0x8b: {  	s0 =	sand.u32 $0x1, s1  }
0x8c: {  	s16 =	sshll.u32 s0, $0xA;
	s2 =	sadd.s32 s3, s2  }
0x8d: {  	s2 =	sadd.s32 s2, s16  }
0x8e: {  	[smem:$0x3FC3] =	sst s2  }
0x8f: {  	_ = 	snop  }
0x90: {  	(tm) =	ssettm $0x1  }
0x91: {  	s17 =	sld [smem:$0x3FFB];
	_ =	sdelay $0x3  }
0x92: {  	_ =	strace s17  }
0x93: {  	s2 =	sld [smem:$0x3FFC];
	_ =	sdelay $0x3  }
0x94: {  	_ =	strace s2  }
0x95: {  	s2 =	sld [smem:$0x3FFD];
	_ =	sdelay $0x3  }
0x96: {  	_ =	strace s2  }
0x97: {  	_ =	strace $0x8FFFFFFF  }
0x98: {  	s18 =	sld [smem:$0x3FDB];
	_ =	sdelay $0x1  }
0x99: {  	s19 =	simm.s32 $_scs_section_size  }
0x9a: {  	s4 =	simm.s32 $_size__tile_overlayer_lowered;
	s5 =	simm.s32 $_tile_overlayer_lowered  }
0x9b: {  	s22 =	simm.s32 $0x1BFF;
	s21 =	sshll.u32 s5, $0x1;
	s2 =	sadd.s32 s19, s18  }
0x9c: {  	s6 =	simm.s32 $0x0;
	s20 =	sshll.u32 s4, $0x1;
	s4 =	sadd.s32 s21, s2  }
0x9d: {  	[timem:s6], [sflag:s22] =	dma.local [hbm:s4], s20  }
0x9e: {  	_ =	swait.ge [sflag:s22], s20  }
0x9f: {  	s3 =	ssub.s32 $0x0, s20;
	[sflag:s22] =	ssyncset.done $0x0  }
0xa0: {  	[sflag:s22] =	ssyncadd.s32 s3;
	_ =	sdelay $0x1  }
0xa1: {  	s23 =	simm.s32 $0x1B8B  }
0xa2: {  	_ =	swait.ge [sflag:s23], $0x1  }
0xa3: {  	[sflag:s23] =	ssyncset.done $0x0  }
0xa4: {  	s25 =	simm.s32 $0x1B8E;
	s24 =	sld [smem:$0x3FFE];
	[sflag:s23] =	ssyncadd.s32 $0xFFFFFFFF  }
0xa5: {  	s26 =	simm.s32 $execute0_lowered;
	[smem:$0x3FD2] =	sst s25  }
0xa6: {  	s4 =	sshll.u32 s26, $0x1;
	_ =	strace $0x80000046;
	[dreg:$0x1] =	wrdreg $0xFFFFFFFF  }
0xa7: {  	s28 =	simm.s32 $_size_execute0_lowered;
	s2 =	sadd.s32 s2, s4;
	[dreg:$0x0] =	wrdreg $0x0  }
0xa8: {  	s4 =	sshll.u32 s28, $0x1;
	[dreg:$0x2] =	wrdreg s2  }
0xa9: {  	[dreg:$0x3] =	wrdreg s4  }
0xaa: {  	[dreg:$0x4] =	wrdreg $0xC0  }
0xab: {  	_ =	task [dreg:s6], $0x5FFFF  }
0xac: {  	[dreg:$0x1] =	wrdreg $0xFFFFFFFF  }
0xad: {  	[dreg:$0x0] =	wrdreg $0x60  }
0xae: {  	[dreg:$0x2] =	wrdreg s24  }
0xaf: {  	[dreg:$0x3] =	wrdreg $0x9  }
0xb0: {  	_ =	task.clear_ibuf [dreg:s6], $0x4FFFF;
	_ =	strace $0x90000046  }
0xb1: {  	s29 =	simm.s32 $0x9;
	_ =	strace $0x80000048  }
0xb2: {  	_ =	swait.ge [sflag:s29], $0x1  }
0xb3: {  	[sflag:s29] =	ssyncadd.s32 $0xFFFFFFFF  }
0xb4: {  	_ =	strace $0x90000048  }
0xb5: {  	_ =	sfence  }
0xb6: {  	s30 =	sld [smem:$0x0];
	_ =	sdelay $0x2  }
0xb7: {  	s31 =	sshll.u32 s1, $0xD;
	s1 =	sshrl.u32 s1, $0x2  }
0xb8: {  	s3 =	sand.u32 $0x4000, s31;
	s1 =	sadd.s32 s1, s30  }
0xb9: {  	s0 =	sor.u32 s3, s0;
	s1 =	sshll.u32 s1, $0x11  }
0xba: {  	s0 =	sor.u32 s1, s0  }
0xbb: {  	s0 =	sadd.s32 $0x8F2B, s0  }
0xbc: {  	[sflag:s0] =	ssyncadd.remote.s32 $0x1  }
0xbd: {  	_ =	sfence.sel $0xFFFF  }
0xbe: {  	[dreg:$0x0] =	wrdreg $0xFFFFFFFF;
	(pc) =	sbr.abs _section_cstart, $3  }
0xbf: {  	[dreg:$0x1] =	wrdreg $0xFFFFFFFF  }
0xc0: {  	_ =	task.clear_ibuf [dreg:s6], $0x2FFFF;
	_ =	strace $0x9FFFFFFF  }
0xc1: {  	(tm) =	ssettm $0x7FFFFFFF  }
tec
execute0_lowered:
.L_overlay_start_1:
0x0: {  	(tag) =	ssettag $0x1  }
0x1: {  	s0 =	srdreg.scid;
	s1 =	stileid.u32  }
0x2: {  	s0 =	sand.u32 $0x1, s0;
	s1 =	sshll.u32 s1, $0x1  }
0x3: {  	s5 =	rddreg [dreg:$0x0];
	s2 =	simm.s32 $0x0;
	s1 =	sor.u32 s0, s1  }
0x4: {  	s14 =	simm.s32 $0x2;
	s18 =	simm.s32 $0x80;
	s3 =	smul.u32 $0xA0, s1  }
0x5: {  	s19 =	simm.s32 $0x8800;
	s20 =	simm.s32 $0xC800;
	s4 =	smul.u32 $0xA00, s1  }
0x6: {  	s21 =	simm.s32 $0x40;
	s28 =	simm.s32 $0x1;
	s6 =	smul.u32 $0x60, s1  }
0x7: {  	s29 =	simm.s32 $0x18800;
	s0 =	ssub.s32 $0x2, s0;
	s7 =	smul.u32 $0x600, s1  }
0x8: {  	[smem:$0x7FF] =	sst s2;
	s10 =	sshrl.u32 s0, $0x1;
	s11 =	smul.u32 $0x18000, s1  }
0x9: {  	_ =	strace $0x80000047;
	s1 =	smul.u32 $0x3000, s1;
	s0 =	ssub.s32 s0, s10  }
0xa: {  	s8 =	sadd.s32 s3, s5;
	s9 =	sadd.s32 s4, s5;
	s6 =	sadd.s32 s6, s5  }
0xb: {  	s7 =	sadd.s32 s7, s5;
	s3 =	sadd.s32 $0x22800, s5;
	s0 =	smax.u32 s0, $0x1  }
0xc: {  	s4 =	sadd.s32 $0x7F2800, s5;
	s8 =	sadd.s32 $0x1400, s8;
	[dreg:$0x9] =	wrdreg s0  }
0xd: {  	s5 =	sadd.s32 $0xFC2800, s5;
	s6 =	sadd.s32 $0x800, s6;
	[dreg:$0x2] =	wrdreg s8  }
0xe: {  	s23 =	sshrl.u32 s11, $0x3;
	s24 =	sadd.s32 $0xE800, s9;
	[dreg:$0x3] =	wrdreg s6  }
0xf: {  	s25 =	sadd.s32 s5, s23;
	s26 =	sadd.s32 $0x2800, s7;
	[dreg:$0x4] =	wrdreg s24  }
0x10: {  	s23 =	simm.s32 $0x10800;
	[dreg:$0x5] =	wrdreg s26;
	s31 =	sadd.s32 $0x1800, s25  }
0x11: {  	s8 =	sadd.s32 s5, s1;
	s1 =	sadd.s32 $0x2400, s25;
	[dreg:$0x7] =	wrdreg s31  }
0x12: {  	s24 =	simm.s32 $0x12800;
	s30 =	sadd.s32 $0xC00, s8;
	[dreg:$0x8] =	wrdreg s1  }
0x13: {  	s26 =	simm.s32 $0x16800;
	s25 =	simm.s32 $0x0;
	[dreg:$0x6] =	wrdreg s30  }
.LBB2_1:
0x14: {  	s0 =	rddreg [dreg:$0x2]  }
0x15: {  	[tilespmem:s2], [sflag:$0x2] =	stream.linear.gather [hbm4b:s0+s2], $0x500, $0x38;
	[tilespmem:$0x1E800] =	vst v63  }
0x16: {  	_ =	swait.ge [sflag:s14], $0x500  }
0x17: {  	[sflag:s14] =	ssyncset.done $0x0  }
0x18: {  	s1 =	simm.s32 $0x500;
	s13 =	rddreg [dreg:$0x3];
	[sflag:s14] =	ssyncadd.s32 $0xFFFFFB00  }
0x19: {  	[tilespmem:s1], [sflag:$0x2] =	stream.linear.gather [hbm4b:s13+s2], $0x300, $0x38;
	[tilespmem:$0x1E800] =	vst v63  }
0x1a: {  	_ =	swait.ge [sflag:s14], $0x300  }
0x1b: {  	[sflag:s14] =	ssyncset.done $0x0  }
0x1c: {  	s5 =	simm.s32 $0x800;
	s15 =	rddreg [dreg:$0x4];
	[sflag:s14] =	ssyncadd.s32 $0xFFFFFD00  }
0x1d: {  	[tilespmem:s5], [sflag:$0x2] =	stream.linear.gather [hbm4b:s15+s2], $0x5000, $0x38;
	[tilespmem:$0x1E800] =	vst v63  }
0x1e: {  	_ =	swait.ge [sflag:s14], $0x5000  }
0x1f: {  	[sflag:s14] =	ssyncset.done $0x0  }
0x20: {  	s17 =	simm.s32 $0x5800;
	s16 =	rddreg [dreg:$0x5];
	[sflag:s14] =	ssyncadd.s32 $0xFFFFB000  }
0x21: {  	[tilespmem:s17], [sflag:$0x2] =	stream.linear.gather [hbm4b:s16+s2], $0x3000, $0x38;
	[tilespmem:$0x1E800] =	vst v63  }
0x22: {  	_ =	swait.ge [sflag:s14], $0x3000  }
0x23: {  	[sflag:s14] =	ssyncset.done $0x0  }
0x24: {  	[sflag:s14] =	ssyncadd.s32 $0xFFFFD000  }
0x25: {  	[tilespmem:s19], [sflag:$0x1] =	stream.indirect.gather [hbm4b:s3+s18], $0x80, s2, s18, $0xb8;
	[tilespmem:$0x1E800] =	vst v63  }
0x26: {  	_ = 	snop  }
0x27: {  	[tilespmem:s20], [sflag:$0x1] =	stream.indirect.gather [hbm4b:s3+s18], $0x80, s18, s18, $0xb8;
	[tilespmem:$0x1E800] =	vst v63  }
0x28: {  	s22 =	simm.s32 $0x100  }
0x29: {  	[tilespmem:s23], [sflag:$0x1] =	stream.indirect.gather [hbm4b:s3+s21], $0x80, s22, s21, $0xb8;
	[tilespmem:$0x1E800] =	vst v63  }
0x2a: {  	_ = 	snop  }
0x2b: {  	[tilespmem:s24], [sflag:$0x1] =	stream.indirect.gather [hbm4b:s4+s18], $0x80, s1, s18, $0xb8;
	[tilespmem:$0x1E800] =	vst v63  }
0x2c: {  	s31 =	simm.s32 $0x580  }
0x2d: {  	[tilespmem:s26], [sflag:$0x1] =	stream.indirect.gather [hbm4b:s4+s21], $0x80, s31, s21, $0xb8;
	[tilespmem:$0x1E800] =	vst v63  }
0x2e: {  	_ =	swait.ge [sflag:s28], $0x4000  }
0x2f: {  	[sflag:s28] =	ssyncset.done $0x0  }
0x30: {  	[sflag:s28] =	ssyncadd.s32 $0xFFFFC000  }
0x31: {  	_ =	swait.ge [sflag:s28], $0x4000  }
0x32: {  	[sflag:s28] =	ssyncset.done $0x0  }
0x33: {  	[sflag:s28] =	ssyncadd.s32 $0xFFFFC000  }
0x34: {  	_ =	swait.ge [sflag:s28], $0x2000  }
0x35: {  	[sflag:s28] =	ssyncset.done $0x0  }
0x36: {  	[sflag:s28] =	ssyncadd.s32 $0xFFFFE000  }
0x37: {  	_ =	swait.ge [sflag:s28], $0x4000  }
0x38: {  	[sflag:s28] =	ssyncset.done $0x0  }
0x39: {  	[sflag:s28] =	ssyncadd.s32 $0xFFFFC000  }
0x3a: {  	s30 =	simm.s32 $0x0;
	_ =	swait.ge [sflag:s28], $0x2000  }
0x3b: {  	s0 =	simm.s32 $0x850;
	s16 =	simm.s32 $0x5830;
	[sflag:s28] =	ssyncset.done $0x0  }
0x3c: {  	s17 =	simm.s32 $0x0;
	s1 =	simm.s32 $0x18980;
	[sflag:s28] =	ssyncadd.s32 $0xFFFFE000  }
.LBB2_2:
0x3d: {  	v10 =	vld [tilespmem:s0+$0xFFFFFFB0]  }
0x3e: {  	v8 =	vld [tilespmem:s0+$0xFFFFFFC0]  }
0x3f: {  	v6 =	vld [tilespmem:s0+$0xFFFFFFD0]  }
0x40: {  	v0 =	vld [tilespmem:s0+$0xFFFFFFE0];
	_ =	sdelay $0x2  }
0x41: {  	v1 =	vand.u32 $0xFFFFFF80, v10;
	v2 =	vand.u32 $0x7F, v10  }
0x42: {  	v4 =	vand.u32 $0xFFFFFF80, v8;
	v25 =	vand.u32 $0x7F, v8;
	v27 =	vand.u32 $0xFFFFFF80, v6  }
0x43: {  	v7 =	vand.u32 $0x7F, v6;
	v9 =	vand.u32 $0xFFFFFF80, v0;
	v11 =	vand.u32 $0x7F, v0  }
0x44: {  	v33 =	vadd.s32 $0x10, v10;
	v14 =	vadd.s32 $0x10, v8;
	v15 =	vadd.s32 $0x10, v6  }
0x45: {  	v39 =	vadd.s32 $0x10, v0;
	v55 =	vadd.s32 $0x20, v10;
	v21 =	vadd.s32 $0x20, v8  }
0x46: {  	s12 =	sshll.u32 s30, $0x7;
	v63 =	vadd.s32 $0x20, v6;
	v23 =	vadd.s32 $0x20, v0;
	v10 =	vadd.s32 $0x30, v10  }
0x47: {  	s11 =	sadd.s32 $0x80, s12;
	s15 =	sadd.s32 $0x180, s12;
	v8 =	vadd.s32 $0x30, v8;
	v6 =	vadd.s32 $0x30, v6;
	v0 =	vadd.s32 $0x30, v0  }
0x48: {  	v3 =	vadd.s32 s12, v1;
	v26 =	vadd.s32 s11, v4;
	v9 =	vadd.s32 s15, v9  }
0x49: {  	v1 =	vld [tilespmem:s0+$0xFFFFFFF0];
	v34 =	vand.u32 $0xFFFFFF80, v33;
	v35 =	vand.u32 $0xFFFFFF80, v14;
	v5 =	vor.u32 v2, v3  }
0x4a: {  	s10 =	sadd.s32 $0x100, s12;
	v14 =	vand.u32 $0x7F, v14;
	v37 =	vand.u32 $0xFFFFFF80, v15;
	v4 =	vor.u32 v25, v26  }
0x4b: {  	v15 =	vand.u32 $0x7F, v15;
	v17 =	vand.u32 $0xFFFFFF80, v39;
	v2 =	vadd.s32 s10, v27  }
0x4c: {  	v56 =	vand.u32 $0xFFFFFF80, v55;
	v22 =	vand.u32 $0xFFFFFF80, v21;
	v3 =	vld [tilespmem:s0+$0x0];
	v7 =	vor.u32 v7, v2  }
0x4d: {  	v57 =	vand.u32 $0x7F, v21;
	v24 =	vand.u32 $0xFFFFFF80, v23;
	v9 =	vor.u32 v11, v9;
	v2 =	vld [tilespmem:s0+$0x10]  }
0x4e: {  	s5 =	sadd.s32 $0x200, s12;
	v17 =	vadd.s32 s15, v17;
	v58 =	vadd.s32 s11, v22;
	v28 =	vand.u32 $0xFFFFFF80, v1;
	v5 =	vld.idx.msk [tilespmem:v5+s19+$0x0], $0xffff  }
0x4f: {  	v22 =	vand.u32 $0xFFFFFF80, v63;
	v12 =	vand.u32 $0x7F, v1;
	v4 =	vld.idx.msk [tilespmem:v4+s19+$0x0], $0xffff;
	v11 =	vadd.s32 s5, v28  }
0x50: {  	v25 =	vand.u32 $0x7F, v23;
	v59 =	vor.u32 v57, v58;
	v11 =	vor.u32 v12, v11  }
0x51: {  	s6 =	sadd.s32 $0x280, s12;
	v18 =	vadd.s32 $0x10, v1;
	v26 =	vadd.s32 $0x20, v1;
	v29 =	vand.u32 $0xFFFFFF80, v3;
	v7 =	vld.idx.msk [tilespmem:v7+s19+$0x0], $0xffff  }
0x52: {  	s22 =	sadd.s32 $0x300, s12;
	v13 =	vand.u32 $0x7F, v3;
	v12 =	vadd.s32 s6, v29;
	v30 =	vand.u32 $0xFFFFFF80, v2  }
0x53: {  	v9 =	vld.idx.msk [tilespmem:v9+s19+$0x0], $0xffff;
	v31 =	vand.u32 $0x7F, v2;
	v12 =	vor.u32 v13, v12;
	v13 =	vadd.s32 s22, v30  }
0x54: {  	v58 =	vld [tilespmem:s16+$0xFFFFFFD0];
	v1 =	vadd.s32 $0x30, v1;
	v13 =	vor.u32 v31, v13;
	v4 =	vadd.f32 v4, v5  }
0x55: {  	v42 =	vand.u32 $0xFFFFFF80, v18;
	v18 =	vand.u32 $0x7F, v18;
	v19 =	vadd.s32 $0x10, v3;
	v11 =	vld.idx.msk [tilespmem:v11+s19+$0x0], $0xffff  }
0x56: {  	v28 =	vand.u32 $0xFFFFFF80, v26;
	v44 =	vand.u32 $0xFFFFFF80, v19;
	v4 =	vadd.f32 v7, v4  }
0x57: {  	v45 =	vand.u32 $0x7F, v19;
	v20 =	vadd.s32 $0x10, v2;
	v19 =	vadd.s32 s12, v56;
	v5 =	vld [tilespmem:s0+$0x20]  }
0x58: {  	v29 =	vand.u32 $0x7F, v26;
	v56 =	vand.u32 $0xFFFFFF80, v1;
	v32 =	vld.idx.msk [tilespmem:v12+s19+$0x0], $0xffff;
	v4 =	vadd.f32 v9, v4  }
0x59: {  	v1 =	vand.u32 $0x7F, v1;
	v26 =	vand.u32 $0x7F, v58;
	v46 =	vadd.s32 s6, v44;
	v13 =	vld.idx.msk [tilespmem:v13+s19+$0x0], $0xffff  }
0x5a: {  	v12 =	vand.u32 $0x7F, v33;
	v9 =	vadd.s32 s12, v34;
	v11 =	vadd.f32 v11, v4;
	v4 =	vld [tilespmem:s0+$0x30]  }
0x5b: {  	v48 =	vand.u32 $0xFFFFFF80, v20;
	v9 =	vor.u32 v12, v9;
	v12 =	vadd.s32 s11, v35  }
0x5c: {  	s9 =	sadd.s32 $0x380, s12;
	v38 =	vand.u32 $0xFFFFFF80, v5;
	v16 =	vand.u32 $0x7F, v5;
	v36 =	vor.u32 v14, v12  }
0x5d: {  	v12 =	vadd.s32 s10, v37;
	v14 =	vadd.s32 s9, v38;
	v7 =	vadd.f32 v32, v11  }
0x5e: {  	v49 =	vand.u32 $0x7F, v20;
	v12 =	vor.u32 v15, v12;
	v14 =	vor.u32 v16, v14  }
0x5f: {  	s7 =	sadd.s32 $0x400, s12;
	v13 =	vadd.f32 v13, v7;
	v7 =	vand.u32 $0x7F, v39;
	v40 =	vand.u32 $0xFFFFFF80, v4  }
0x60: {  	v41 =	vand.u32 $0x7F, v4;
	v17 =	vor.u32 v7, v17;
	v15 =	vadd.s32 s7, v40  }
0x61: {  	v20 =	vand.u32 $0x7F, v55;
	v30 =	vadd.s32 $0x20, v3;
	v9 =	vld.idx.msk [tilespmem:v9+s19+$0x0], $0xffff;
	v15 =	vor.u32 v41, v15  }
0x62: {  	v19 =	vor.u32 v20, v19;
	v50 =	vadd.s32 $0x10, v5;
	v11 =	vld.idx.msk [tilespmem:v36+s19+$0x0], $0xffff;
	v7 =	vadd.s32 s5, v42  }
0x63: {  	v53 =	vand.u32 $0xFFFFFF80, v50;
	v12 =	vld.idx.msk [tilespmem:v12+s19+$0x0], $0xffff;
	v43 =	vor.u32 v18, v7;
	v18 =	vadd.s32 s22, v48  }
0x64: {  	v54 =	vand.u32 $0x7F, v50;
	v14 =	vld.idx.msk [tilespmem:v14+s19+$0x0], $0xffff;
	v52 =	vor.u32 v49, v18;
	v18 =	vadd.s32 s9, v53  }
0x65: {  	v55 =	vand.u32 $0xFFFFFF80, v0;
	v3 =	vadd.s32 $0x30, v3;
	v18 =	vor.u32 v54, v18;
	v51 =	vld.idx.msk [tilespmem:v17+s19+$0x0], $0xffff  }
0x66: {  	v0 =	vand.u32 $0x7F, v0;
	v47 =	vor.u32 v45, v46;
	v57 =	vand.u32 $0xFFFFFF80, v3;
	v15 =	vld.idx.msk [tilespmem:v15+s19+$0x0], $0xffff  }
0x67: {  	v3 =	vand.u32 $0x7F, v3;
	v34 =	vadd.s32 $0x20, v2;
	v9 =	vadd.f32 v11, v9  }
0x68: {  	v33 =	vand.u32 $0x7F, v30;
	v2 =	vadd.s32 $0x30, v2;
	v35 =	vand.u32 $0xFFFFFF80, v34  }
0x69: {  	v21 =	vld.idx.msk [tilespmem:v19+s19+$0x0], $0xffff;
	v19 =	vand.u32 $0x7F, v34;
	v13 =	vadd.f32 v14, v13;
	v9 =	vadd.f32 v12, v9  }
0x6a: {  	v46 =	vadd.s32 $0x20, v5;
	v5 =	vadd.s32 $0x30, v5;
	v62 =	vld.idx.msk [tilespmem:v18+s19+$0x0], $0xffff;
	v18 =	vand.u32 $0x7F, v63  }
0x6b: {  	v12 =	vadd.f32 v51, v9;
	v9 =	vadd.f32 v15, v13;
	v15 =	vadd.s32 s10, v22  }
0x6c: {  	v37 =	vand.u32 $0xFFFFFF80, v8;
	v8 =	vand.u32 $0x7F, v8;
	v16 =	vld.idx.msk [tilespmem:v43+s19+$0x0], $0xffff;
	v15 =	vor.u32 v18, v15  }
0x6d: {  	v38 =	vand.u32 $0xFFFFFF80, v6;
	v6 =	vand.u32 $0x7F, v6;
	v32 =	vand.u32 $0xFFFFFF80, v30;
	v7 =	vld [tilespmem:s0+$0x40]  }
0x6e: {  	v36 =	vand.u32 $0xFFFFFF80, v10;
	v10 =	vand.u32 $0x7F, v10;
	v39 =	vadd.s32 $0x10, v4;
	v11 =	vld.idx.msk [tilespmem:v47+s19+$0x0], $0xffff  }
0x6f: {  	v20 =	vadd.s32 s12, v36;
	v40 =	vand.u32 $0xFFFFFF80, v39;
	v48 =	vand.u32 $0x7F, v46;
	v14 =	vld.idx.msk [tilespmem:v59+s19+$0x0], $0xffff  }
0x70: {  	v10 =	vor.u32 v10, v20;
	v41 =	vand.u32 $0x7F, v39;
	v42 =	vadd.s32 s7, v40  }
0x71: {  	v49 =	vadd.s32 $0x20, v4;
	v4 =	vadd.s32 $0x30, v4;
	v12 =	vadd.f32 v16, v12;
	v15 =	vld.idx.msk [tilespmem:v15+s19+$0x0], $0xffff  }
0x72: {  	v50 =	vand.u32 $0xFFFFFF80, v49;
	v47 =	vand.u32 $0xFFFFFF80, v46;
	v60 =	vand.u32 $0xFFFFFF80, v7;
	v17 =	vld.idx.msk [tilespmem:v52+s19+$0x0], $0xffff  }
0x73: {  	v61 =	vand.u32 $0x7F, v7;
	v18 =	vadd.s32 s22, v35;
	v11 =	vadd.f32 v11, v12  }
0x74: {  	v12 =	vadd.f32 v14, v21;
	v18 =	vor.u32 v19, v18;
	v19 =	vadd.s32 s11, v37  }
0x75: {  	v43 =	vadd.s32 $0x10, v7;
	v59 =	vadd.s32 s6, v57;
	v8 =	vor.u32 v8, v19  }
0x76: {  	v44 =	vand.u32 $0xFFFFFF80, v43;
	v12 =	vadd.f32 v15, v12;
	v15 =	vadd.s32 s10, v38  }
0x77: {  	s13 =	sadd.s32 $0x480, s12;
	v11 =	vadd.f32 v17, v11;
	v17 =	vadd.s32 s15, v24;
	v6 =	vor.u32 v6, v15  }
0x78: {  	v45 =	vand.u32 $0x7F, v43;
	v13 =	vadd.s32 s13, v60;
	v27 =	vor.u32 v25, v17  }
0x79: {  	v10 =	vld.idx.msk [tilespmem:v10+s19+$0x0], $0xffff;
	v52 =	vadd.s32 $0x20, v7;
	v13 =	vor.u32 v61, v13;
	v17 =	vadd.s32 s5, v28  }
0x7a: {  	v3 =	vor.u32 v3, v59;
	v7 =	vadd.s32 $0x30, v7;
	v31 =	vor.u32 v29, v17;
	v8 =	vld.idx.msk [tilespmem:v8+s19+$0x0], $0xffff  }
0x7b: {  	v53 =	vand.u32 $0xFFFFFF80, v52;
	v54 =	vand.u32 $0x7F, v52;
	v17 =	vadd.s32 s6, v32  }
0x7c: {  	v34 =	vand.u32 $0xFFFFFF80, v7;
	v7 =	vand.u32 $0x7F, v7;
	v17 =	vor.u32 v33, v17;
	v6 =	vld.idx.msk [tilespmem:v6+s19+$0x0], $0xffff  }
0x7d: {  	v51 =	vand.u32 $0x7F, v49;
	v61 =	vand.u32 $0xFFFFFF80, v2;
	v2 =	vand.u32 $0x7F, v2;
	v16 =	vld.idx.msk [tilespmem:v27+s19+$0x0], $0xffff  }
0x7e: {  	v24 =	vand.u32 $0xFFFFFF80, v4;
	v4 =	vand.u32 $0x7F, v4;
	v25 =	vand.u32 $0xFFFFFF80, v58;
	v60 =	vld.idx.msk [tilespmem:v13+s19+$0x0], $0xffff  }
0x7f: {  	v11 =	vadd.f32 v62, v11;
	v13 =	vadd.s32 s22, v61;
	v14 =	vld.idx.msk [tilespmem:v31+s19+$0x0], $0xffff;
	v8 =	vadd.f32 v8, v10  }
0x80: {  	v62 =	vand.u32 $0xFFFFFF80, v5;
	v2 =	vor.u32 v2, v13;
	v27 =	vadd.s32 $0x10, v58  }
0x81: {  	v28 =	vand.u32 $0xFFFFFF80, v27;
	v17 =	vld.idx.msk [tilespmem:v17+s19+$0x0], $0xffff;
	v6 =	vadd.f32 v6, v8;
	v8 =	vadd.s32 s15, v55  }
0x82: {  	s12 =	sshll.u32 s17, $0x7;
	v21 =	vand.u32 $0x7F, v27;
	v12 =	vadd.f32 v16, v12;
	v0 =	vor.u32 v0, v8  }
0x83: {  	v18 =	vld.idx.msk [tilespmem:v18+s19+$0x0], $0xffff;
	v15 =	vor.u32 v41, v42;
	v20 =	vadd.s32 s12, v28;
	v8 =	vadd.s32 s5, v56  }
0x84: {  	v40 =	vld [tilespmem:s16+$0xFFFFFFE0];
	v16 =	vadd.s32 s13, v44;
	v12 =	vadd.f32 v14, v12;
	v1 =	vor.u32 v1, v8  }
0x85: {  	v3 =	vld.idx.msk [tilespmem:v3+s19+$0x0], $0xffff;
	v30 =	vor.u32 v21, v20;
	v14 =	vor.u32 v45, v16;
	v16 =	vadd.s32 s9, v47  }
0x86: {  	v29 =	vadd.s32 $0x20, v58;
	v2 =	vld.idx.msk [tilespmem:v2+s19+$0x0], $0xffff;
	v16 =	vor.u32 v48, v16;
	v12 =	vadd.f32 v17, v12  }
0x87: {  	v5 =	vand.u32 $0x7F, v5;
	v32 =	vand.u32 $0x7F, v29;
	v17 =	vadd.s32 s7, v50;
	v0 =	vld.idx.msk [tilespmem:v0+s19+$0x0], $0xffff  }
0x88: {  	v15 =	vld.idx.msk [tilespmem:v15+s19+$0x0], $0xffff;
	v17 =	vor.u32 v51, v17;
	v12 =	vadd.f32 v18, v12;
	v18 =	vadd.s32 s13, v53  }
0x89: {  	v31 =	vand.u32 $0xFFFFFF80, v29;
	v10 =	vor.u32 v54, v18;
	v18 =	vadd.s32 s9, v62;
	v1 =	vld.idx.msk [tilespmem:v1+s19+$0x0], $0xffff  }
0x8a: {  	v20 =	vadd.s32 s12, v31;
	v36 =	vld.idx.msk [tilespmem:v30+s24+$0x0], $0xffff;
	v5 =	vor.u32 v5, v18;
	v18 =	vadd.s32 s12, v25  }
0x8b: {  	v33 =	vor.u32 v32, v20;
	v63 =	vld.idx.msk [tilespmem:v16+s19+$0x0], $0xffff;
	v16 =	vadd.s32 s7, v24;
	v18 =	vor.u32 v26, v18  }
0x8c: {  	v20 =	vadd.s32 s13, v34;
	v14 =	vld.idx.msk [tilespmem:v14+s19+$0x0], $0xffff;
	v4 =	vor.u32 v4, v16;
	v0 =	vadd.f32 v0, v6  }
0x8d: {  	v19 =	vadd.s32 $0x30, v58;
	v7 =	vor.u32 v7, v20;
	v17 =	vld.idx.msk [tilespmem:v17+s19+$0x0], $0xffff  }
0x8e: {  	v35 =	vand.u32 $0xFFFFFF80, v19;
	v10 =	vld.idx.msk [tilespmem:v10+s19+$0x0], $0xffff;
	v0 =	vadd.f32 v1, v0  }
0x8f: {  	v37 =	vand.u32 $0x7F, v19;
	v5 =	vld.idx.msk [tilespmem:v5+s19+$0x0], $0xffff;
	v1 =	vadd.s32 s12, v35  }
0x90: {  	v18 =	vld.idx.msk [tilespmem:v18+s24+$0x0], $0xffff;
	v38 =	vor.u32 v37, v1;
	v3 =	vadd.f32 v3, v0  }
0x91: {  	v11 =	vadd.f32 v15, v11;
	v4 =	vld.idx.msk [tilespmem:v4+s19+$0x0], $0xffff  }
0x92: {  	v7 =	vld.idx.msk [tilespmem:v7+s19+$0x0], $0xffff;
	v12 =	vadd.f32 v63, v12;
	v3 =	vadd.f32 v2, v3  }
0x93: {  	v6 =	vld.idx.msk [tilespmem:v33+s24+$0x0], $0xffff;
	v1 =	vadd.f32 v14, v11;
	v0 =	vadd.f32 v60, v9  }
0x94: {  	v46 =	vand.u32 $0xFFFFFF80, v40;
	v39 =	vadd.f32 v17, v12;
	v3 =	vadd.f32 v5, v3  }
0x95: {  	v52 =	vadd.s32 $0x20, v40;
	v42 =	vmul.f32 v36, v1;
	v41 =	vmul.f32 v18, v0;
	v43 =	vld.idx.msk [tilespmem:v38+s24+$0x0], $0xffff  }
0x96: {  	v48 =	vadd.s32 $0x10, v40;
	v2 =	vadd.f32 v10, v39;
	v3 =	vadd.f32 v4, v3  }
0x97: {  	v47 =	vand.u32 $0x7F, v40;
	v50 =	vand.u32 $0xFFFFFF80, v48;
	s13 =	sadd.s32 $0x80, s12;
	v44 =	vadd.f32 v42, v41  }
0x98: {  	v45 =	vmul.f32 v6, v2;
	v5 =	vadd.s32 s13, v46;
	v3 =	vadd.f32 v7, v3  }
0x99: {  	v54 =	vand.u32 $0xFFFFFF80, v52;
	v6 =	vadd.s32 s13, v50;
	v5 =	vor.u32 v47, v5  }
0x9a: {  	v4 =	vadd.f32 v45, v44;
	v7 =	vand.u32 $0x7F, v48;
	v49 =	vmul.f32 v43, v3  }
0x9b: {  	v51 =	vld [tilespmem:s16+$0xFFFFFFF0];
	v56 =	vadd.s32 s13, v54;
	v6 =	vor.u32 v7, v6  }
0x9c: {  	v53 =	vld [tilespmem:s16+$0x0];
	v11 =	vand.u32 $0x7F, v52;
	v9 =	vadd.s32 $0x30, v40;
	v8 =	vadd.f32 v49, v4  }
0x9d: {  	v55 =	vld [tilespmem:s16+$0x10];
	v11 =	vor.u32 v11, v56;
	v57 =	vand.u32 $0xFFFFFF80, v9  }
0x9e: {  	v58 =	vand.u32 $0x7F, v9;
	v59 =	vadd.s32 s13, v57;
	v4 =	vld [tilespmem:s16+$0x20];
	[tilespmem:s1+$0xFFFFFE80] =	vst v8  }
0x9f: {  	v8 =	vor.u32 v58, v59;
	v5 =	vld.idx.msk [tilespmem:v5+s24+$0x0], $0xffff  }
0xa0: {  	v6 =	vld.idx.msk [tilespmem:v6+s24+$0x0], $0xffff;
	_ =	sdelay $0x1  }
0xa1: {  	v60 =	vld.idx.msk [tilespmem:v11+s24+$0x0], $0xffff;
	_ =	sdelay $0x1  }
0xa2: {  	v8 =	vld.idx.msk [tilespmem:v8+s24+$0x0], $0xffff  }
0xa3: {  	v5 =	vmul.f32 v5, v0;
	v6 =	vmul.f32 v6, v1;
	_ =	sdelay $0x1  }
0xa4: {  	v61 =	vmul.f32 v60, v2;
	v5 =	vadd.f32 v6, v5  }
0xa5: {  	v13 =	vand.u32 $0x7F, v51;
	v63 =	vand.u32 $0xFFFFFF80, v51;
	v14 =	vadd.s32 $0x10, v51  }
0xa6: {  	s15 =	sadd.s32 $0x100, s12;
	v16 =	vand.u32 $0xFFFFFF80, v14;
	v5 =	vadd.f32 v61, v5;
	v62 =	vmul.f32 v8, v3  }
0xa7: {  	v17 =	vand.u32 $0x7F, v14;
	v18 =	vadd.s32 $0x20, v51;
	v8 =	vadd.s32 s15, v63  }
0xa8: {  	v15 =	vor.u32 v13, v8;
	v8 =	vadd.s32 s15, v16;
	v5 =	vadd.f32 v62, v5  }
0xa9: {  	v10 =	vadd.s32 $0x30, v51;
	v19 =	vand.u32 $0xFFFFFF80, v18;
	v8 =	vor.u32 v17, v8  }
0xaa: {  	v9 =	vadd.s32 s15, v19;
	v11 =	vand.u32 $0x7F, v18;
	v5 =	vsub.f32 $0.0e+00, v5  }
0xab: {  	v20 =	vand.u32 $0xFFFFFF80, v10;
	v9 =	vor.u32 v11, v9  }
0xac: {  	v21 =	vand.u32 $0x7F, v10;
	v22 =	vadd.s32 s15, v20;
	[tilespmem:s1+$0xFFFFFF00] =	vst v5  }
0xad: {  	v5 =	vor.u32 v21, v22;
	v6 =	vld.idx.msk [tilespmem:v15+s24+$0x0], $0xffff  }
0xae: {  	v8 =	vld.idx.msk [tilespmem:v8+s24+$0x0], $0xffff;
	_ =	sdelay $0x1  }
0xaf: {  	v9 =	vld.idx.msk [tilespmem:v9+s24+$0x0], $0xffff;
	_ =	sdelay $0x1  }
0xb0: {  	v5 =	vld.idx.msk [tilespmem:v5+s24+$0x0], $0xffff  }
0xb1: {  	v6 =	vmul.f32 v6, v0;
	v8 =	vmul.f32 v8, v1;
	_ =	sdelay $0x1  }
0xb2: {  	v23 =	vmul.f32 v9, v2;
	v6 =	vadd.f32 v8, v6  }
0xb3: {  	v24 =	vand.u32 $0xFFFFFF80, v53;
	v25 =	vand.u32 $0x7F, v53;
	v26 =	vadd.s32 $0x10, v53  }
0xb4: {  	s22 =	sadd.s32 $0x180, s12;
	v30 =	vadd.s32 $0x20, v53;
	v6 =	vadd.f32 v23, v6;
	v5 =	vmul.f32 v5, v3  }
0xb5: {  	v28 =	vand.u32 $0xFFFFFF80, v26;
	v29 =	vand.u32 $0x7F, v26;
	v8 =	vadd.s32 s22, v24  }
0xb6: {  	v27 =	vor.u32 v25, v8;
	v8 =	vadd.s32 s22, v28;
	v5 =	vadd.f32 v5, v6  }
0xb7: {  	v32 =	vadd.s32 $0x30, v53;
	v31 =	vand.u32 $0xFFFFFF80, v30;
	v8 =	vor.u32 v29, v8  }
0xb8: {  	v10 =	vand.u32 $0x7F, v30;
	v9 =	vadd.s32 s22, v31;
	v5 =	vsub.f32 $0.0e+00, v5  }
0xb9: {  	v33 =	vand.u32 $0xFFFFFF80, v32;
	v9 =	vor.u32 v10, v9  }
0xba: {  	v34 =	vand.u32 $0x7F, v32;
	v10 =	vadd.s32 s22, v33;
	[tilespmem:s1+$0xFFFFFF80] =	vst v5  }
0xbb: {  	v5 =	vor.u32 v34, v10;
	v6 =	vld.idx.msk [tilespmem:v27+s24+$0x0], $0xffff  }
0xbc: {  	v8 =	vld.idx.msk [tilespmem:v8+s24+$0x0], $0xffff;
	_ =	sdelay $0x1  }
0xbd: {  	v9 =	vld.idx.msk [tilespmem:v9+s24+$0x0], $0xffff;
	_ =	sdelay $0x1  }
0xbe: {  	v5 =	vld.idx.msk [tilespmem:v5+s24+$0x0], $0xffff  }
0xbf: {  	v6 =	vmul.f32 v6, v0;
	v8 =	vmul.f32 v8, v1;
	_ =	sdelay $0x1  }
0xc0: {  	v35 =	vmul.f32 v9, v2;
	v6 =	vadd.f32 v8, v6  }
0xc1: {  	v37 =	vand.u32 $0x7F, v55;
	v36 =	vand.u32 $0xFFFFFF80, v55;
	v38 =	vadd.s32 $0x10, v55  }
0xc2: {  	s31 =	sadd.s32 $0x200, s12;
	v42 =	vadd.s32 $0x20, v55;
	v6 =	vadd.f32 v35, v6;
	v5 =	vmul.f32 v5, v3  }
0xc3: {  	v40 =	vand.u32 $0xFFFFFF80, v38;
	v41 =	vand.u32 $0x7F, v38;
	v8 =	vadd.s32 s31, v36  }
0xc4: {  	v39 =	vor.u32 v37, v8;
	v8 =	vadd.s32 s31, v40;
	v5 =	vadd.f32 v5, v6  }
0xc5: {  	v7 =	vadd.s32 $0x30, v55;
	v43 =	vand.u32 $0xFFFFFF80, v42;
	v8 =	vor.u32 v41, v8  }
0xc6: {  	v10 =	vand.u32 $0x7F, v42;
	v9 =	vadd.s32 s31, v43;
	v5 =	vsub.f32 $0.0e+00, v5  }
0xc7: {  	v44 =	vand.u32 $0xFFFFFF80, v7;
	v9 =	vor.u32 v10, v9  }
0xc8: {  	v45 =	vand.u32 $0x7F, v7;
	v46 =	vadd.s32 s31, v44;
	[tilespmem:s1+$0x0] =	vst v5  }
0xc9: {  	v5 =	vor.u32 v45, v46;
	v6 =	vld.idx.msk [tilespmem:v39+s24+$0x0], $0xffff  }
0xca: {  	v47 =	vld.idx.msk [tilespmem:v8+s24+$0x0], $0xffff;
	_ =	sdelay $0x1  }
0xcb: {  	v48 =	vld.idx.msk [tilespmem:v9+s24+$0x0], $0xffff;
	_ =	sdelay $0x1  }
0xcc: {  	v5 =	vld.idx.msk [tilespmem:v5+s24+$0x0], $0xffff  }
0xcd: {  	v6 =	vmul.f32 v6, v0;
	v7 =	vmul.f32 v47, v1;
	_ =	sdelay $0x1  }
0xce: {  	v49 =	vmul.f32 v48, v2;
	v6 =	vadd.f32 v7, v6  }
0xcf: {  	v50 =	vand.u32 $0xFFFFFF80, v4;
	v51 =	vand.u32 $0x7F, v4;
	v52 =	vadd.s32 $0x10, v4  }
0xd0: {  	s5 =	sadd.s32 $0x280, s12;
	v56 =	vadd.s32 $0x20, v4;
	v6 =	vadd.f32 v49, v6;
	v5 =	vmul.f32 v5, v3  }
0xd1: {  	v54 =	vand.u32 $0xFFFFFF80, v52;
	v55 =	vand.u32 $0x7F, v52;
	v7 =	vadd.s32 s5, v50  }
0xd2: {  	v53 =	vor.u32 v51, v7;
	v7 =	vadd.s32 s5, v54;
	v5 =	vadd.f32 v5, v6  }
0xd3: {  	v4 =	vadd.s32 $0x30, v4;
	v57 =	vand.u32 $0xFFFFFF80, v56;
	v7 =	vor.u32 v55, v7  }
0xd4: {  	v9 =	vand.u32 $0x7F, v56;
	v8 =	vadd.s32 s5, v57;
	v5 =	vsub.f32 $0.0e+00, v5  }
0xd5: {  	v58 =	vand.u32 $0xFFFFFF80, v4;
	v8 =	vor.u32 v9, v8  }
0xd6: {  	v4 =	vand.u32 $0x7F, v4;
	v59 =	vadd.s32 s5, v58;
	[tilespmem:s1+$0x80] =	vst v5  }
0xd7: {  	v4 =	vor.u32 v4, v59;
	v6 =	vld.idx.msk [tilespmem:v53+s24+$0x0], $0xffff  }
0xd8: {  	v60 =	vld.idx.msk [tilespmem:v7+s24+$0x0], $0xffff;
	_ =	sdelay $0x1  }
0xd9: {  	v61 =	vld.idx.msk [tilespmem:v8+s24+$0x0], $0xffff;
	_ =	sdelay $0x1  }
0xda: {  	v4 =	vld.idx.msk [tilespmem:v4+s24+$0x0], $0xffff  }
0xdb: {  	v0 =	vmul.f32 v6, v0;
	v1 =	vmul.f32 v60, v1;
	_ =	sdelay $0x1  }
0xdc: {  	v62 =	vmul.f32 v61, v2;
	v0 =	vadd.f32 v1, v0;
	_ =	sdelay $0x1  }
0xdd: {  	v63 =	vmul.f32 v4, v3;
	v0 =	vadd.f32 v62, v0  }
0xde: {  	p0 =	sne.s32 s30, $0x136  }
.Ltmp0:
0xdf: {  	v0 =	vadd.f32 v63, v0;
	(pc) =	sbr.rel @p0 .LBB2_2-.Ltmp0, $4  }
0xe0: {  	_ = 	snop  }
0xe1: {  	v0 =	vsub.f32 $0.0e+00, v0  }
0xe2: {  	s30 =	sadd.s32 $0xA, s30;
	s17 =	sadd.s32 $0x6, s17  }
0xe3: {  	s0 =	sadd.s32 $0xA0, s0;
	s16 =	sadd.s32 $0x60, s16;
	[tilespmem:s1+$0x100] =	vst v0;
	s1 =	sadd.s32 $0x300, s1  }
0xe4: {  	[hbm4b:s8+s2] =	stream.linear.scatter [tilespmem:s29], [sflag:$0x2], $0x6000, $0x38;
	[tilespmem:$0x1E800] =	vst v63  }
0xe5: {  	_ =	swait.ge [sflag:s14], $0x6000  }
0xe6: {  	[sflag:s14] =	ssyncset.done $0x0  }
0xe7: {  	s0 =	simm.s32 $0x140;
	[sflag:s14] =	ssyncadd.s32 $0xFFFFA000  }
0xe8: {  	[tilespmem:s19], [sflag:$0x1] =	stream.indirect.gather [hbm4b:s3+s18], $0x80, s0, s18, $0xb8;
	[tilespmem:$0x1E800] =	vst v63  }
0xe9: {  	s15 =	simm.s32 $0x1C0  }
0xea: {  	[tilespmem:s20], [sflag:$0x1] =	stream.indirect.gather [hbm4b:s3+s18], $0x80, s15, s18, $0xb8;
	[tilespmem:$0x1E800] =	vst v63  }
0xeb: {  	s16 =	simm.s32 $0x240  }
0xec: {  	[tilespmem:s23], [sflag:$0x1] =	stream.indirect.gather [hbm4b:s3+s21], $0x80, s16, s21, $0xb8;
	[tilespmem:$0x1E800] =	vst v63  }
0xed: {  	s17 =	simm.s32 $0x5C0  }
0xee: {  	[tilespmem:s24], [sflag:$0x1] =	stream.indirect.gather [hbm4b:s4+s18], $0x80, s17, s18, $0xb8;
	[tilespmem:$0x1E800] =	vst v63  }
0xef: {  	s22 =	simm.s32 $0x640  }
0xf0: {  	[tilespmem:s26], [sflag:$0x1] =	stream.indirect.gather [hbm4b:s4+s21], $0x80, s22, s21, $0xb8;
	[tilespmem:$0x1E800] =	vst v63  }
0xf1: {  	_ =	swait.ge [sflag:s28], $0x4000  }
0xf2: {  	[sflag:s28] =	ssyncset.done $0x0  }
0xf3: {  	[sflag:s28] =	ssyncadd.s32 $0xFFFFC000  }
0xf4: {  	_ =	swait.ge [sflag:s28], $0x4000  }
0xf5: {  	[sflag:s28] =	ssyncset.done $0x0  }
0xf6: {  	[sflag:s28] =	ssyncadd.s32 $0xFFFFC000  }
0xf7: {  	_ =	swait.ge [sflag:s28], $0x2000  }
0xf8: {  	[sflag:s28] =	ssyncset.done $0x0  }
0xf9: {  	[sflag:s28] =	ssyncadd.s32 $0xFFFFE000  }
0xfa: {  	_ =	swait.ge [sflag:s28], $0x4000  }
0xfb: {  	[sflag:s28] =	ssyncset.done $0x0  }
0xfc: {  	[sflag:s28] =	ssyncadd.s32 $0xFFFFC000  }
0xfd: {  	s30 =	simm.s32 $0x9;
	s31 =	simm.s32 $0x6450;
	_ =	swait.ge [sflag:s28], $0x2000  }
0xfe: {  	s1 =	simm.s32 $0x1400;
	s0 =	simm.s32 $0x5;
	[sflag:s28] =	ssyncset.done $0x0  }
0xff: {  	s16 =	simm.s32 $0x1C90;
	s17 =	simm.s32 $0x18980;
	[sflag:s28] =	ssyncadd.s32 $0xFFFFE000  }
.LBB2_4:
0x100: {  	v9 =	vld [tilespmem:s16+$0xFFFFFF70]  }
0x101: {  	v8 =	vld [tilespmem:s16+$0xFFFFFF80]  }
0x102: {  	v6 =	vld [tilespmem:s16+$0xFFFFFF90]  }
0x103: {  	v0 =	vld [tilespmem:s16+$0xFFFFFFA0];
	_ =	sdelay $0x2  }
0x104: {  	v1 =	vand.u32 $0xFFFFFF80, v9;
	v2 =	vand.u32 $0x7F, v9  }
0x105: {  	v4 =	vand.u32 $0xFFFFFF80, v8;
	v24 =	vand.u32 $0x7F, v8;
	v26 =	vand.u32 $0xFFFFFF80, v6  }
0x106: {  	v7 =	vand.u32 $0x7F, v6;
	v10 =	vand.u32 $0xFFFFFF80, v0;
	v11 =	vand.u32 $0x7F, v0  }
0x107: {  	v32 =	vadd.s32 $0x10, v9;
	v14 =	vadd.s32 $0x10, v8;
	v15 =	vadd.s32 $0x10, v6  }
0x108: {  	s22 =	sshll.u32 s30, $0x7;
	v38 =	vadd.s32 $0x10, v0;
	v54 =	vadd.s32 $0x20, v9;
	v21 =	vadd.s32 $0x20, v8  }
0x109: {  	s13 =	sadd.s32 $0xFFFFFB80, s22;
	s12 =	sadd.s32 $0xFFFFFC00, s22;
	v62 =	vadd.s32 $0x20, v6;
	v9 =	vadd.s32 $0x30, v9;
	v8 =	vadd.s32 $0x30, v8  }
0x10a: {  	s15 =	sadd.s32 $0xFFFFFD00, s22;
	v6 =	vadd.s32 $0x30, v6;
	v3 =	vadd.s32 s13, v1;
	v25 =	vadd.s32 s12, v4  }
0x10b: {  	v10 =	vadd.s32 s15, v10;
	v33 =	vand.u32 $0xFFFFFF80, v32;
	v34 =	vand.u32 $0xFFFFFF80, v14  }
0x10c: {  	v1 =	vld [tilespmem:s16+$0xFFFFFFB0];
	v14 =	vand.u32 $0x7F, v14;
	v36 =	vand.u32 $0xFFFFFF80, v15;
	v5 =	vor.u32 v2, v3  }
0x10d: {  	s11 =	sadd.s32 $0xFFFFFC80, s22;
	v15 =	vand.u32 $0x7F, v15;
	v17 =	vand.u32 $0xFFFFFF80, v38;
	v4 =	vor.u32 v24, v25  }
0x10e: {  	v55 =	vand.u32 $0xFFFFFF80, v54;
	v22 =	vand.u32 $0xFFFFFF80, v21;
	v2 =	vadd.s32 s11, v26  }
0x10f: {  	v56 =	vand.u32 $0x7F, v21;
	v21 =	vand.u32 $0xFFFFFF80, v62;
	v3 =	vld [tilespmem:s16+$0xFFFFFFC0];
	v7 =	vor.u32 v7, v2  }
0x110: {  	v10 =	vor.u32 v11, v10;
	v17 =	vadd.s32 s15, v17;
	v57 =	vadd.s32 s12, v22;
	v2 =	vld [tilespmem:s16+$0xFFFFFFD0]  }
0x111: {  	s6 =	sadd.s32 $0xFFFFFD80, s22;
	v22 =	vadd.s32 $0x20, v0;
	v0 =	vadd.s32 $0x30, v0;
	v27 =	vand.u32 $0xFFFFFF80, v1;
	v5 =	vld.idx.msk [tilespmem:v5+s19+$0x0], $0xffff  }
0x112: {  	v58 =	vor.u32 v56, v57;
	v12 =	vand.u32 $0x7F, v1;
	v4 =	vld.idx.msk [tilespmem:v4+s19+$0x0], $0xffff;
	v11 =	vadd.s32 s6, v27  }
0x113: {  	v23 =	vand.u32 $0xFFFFFF80, v22;
	v24 =	vand.u32 $0x7F, v22;
	v11 =	vor.u32 v12, v11  }
0x114: {  	s7 =	sadd.s32 $0xFFFFFE00, s22;
	v18 =	vadd.s32 $0x10, v1;
	v25 =	vadd.s32 $0x20, v1;
	v28 =	vand.u32 $0xFFFFFF80, v3;
	v7 =	vld.idx.msk [tilespmem:v7+s19+$0x0], $0xffff  }
0x115: {  	s5 =	sadd.s32 $0xFFFFFE80, s22;
	v13 =	vand.u32 $0x7F, v3;
	v12 =	vadd.s32 s7, v28;
	v29 =	vand.u32 $0xFFFFFF80, v2  }
0x116: {  	v10 =	vld.idx.msk [tilespmem:v10+s19+$0x0], $0xffff;
	v30 =	vand.u32 $0x7F, v2;
	v12 =	vor.u32 v13, v12;
	v13 =	vadd.s32 s5, v29  }
0x117: {  	v57 =	vld [tilespmem:s31+$0xFFFFFFB0];
	v1 =	vadd.s32 $0x30, v1;
	v13 =	vor.u32 v30, v13;
	v4 =	vadd.f32 v4, v5  }
0x118: {  	v41 =	vand.u32 $0xFFFFFF80, v18;
	v18 =	vand.u32 $0x7F, v18;
	v19 =	vadd.s32 $0x10, v3;
	v11 =	vld.idx.msk [tilespmem:v11+s19+$0x0], $0xffff  }
0x119: {  	v27 =	vand.u32 $0xFFFFFF80, v25;
	v43 =	vand.u32 $0xFFFFFF80, v19;
	v4 =	vadd.f32 v7, v4  }
0x11a: {  	v44 =	vand.u32 $0x7F, v19;
	v20 =	vadd.s32 $0x10, v2;
	v19 =	vadd.s32 s13, v55;
	v5 =	vld [tilespmem:s16+$0xFFFFFFE0]  }
0x11b: {  	v28 =	vand.u32 $0x7F, v25;
	v55 =	vand.u32 $0xFFFFFF80, v1;
	v31 =	vld.idx.msk [tilespmem:v12+s19+$0x0], $0xffff;
	v4 =	vadd.f32 v10, v4  }
0x11c: {  	s9 =	sand.u32 $0x3FE0, s1;
	v1 =	vand.u32 $0x7F, v1;
	v25 =	vand.u32 $0x7F, v57;
	v45 =	vadd.s32 s7, v43;
	v13 =	vld.idx.msk [tilespmem:v13+s19+$0x0], $0xffff  }
0x11d: {  	v12 =	vand.u32 $0x7F, v32;
	v10 =	vadd.s32 s13, v33;
	v11 =	vadd.f32 v11, v4;
	v4 =	vld [tilespmem:s9+$0x880]  }
0x11e: {  	v47 =	vand.u32 $0xFFFFFF80, v20;
	v10 =	vor.u32 v12, v10;
	v12 =	vadd.s32 s12, v34  }
0x11f: {  	s10 =	sadd.s32 $0xFFFFFF00, s22;
	v37 =	vand.u32 $0xFFFFFF80, v5;
	v16 =	vand.u32 $0x7F, v5;
	v35 =	vor.u32 v14, v12  }
0x120: {  	v12 =	vadd.s32 s11, v36;
	v14 =	vadd.s32 s10, v37;
	v7 =	vadd.f32 v31, v11  }
0x121: {  	v48 =	vand.u32 $0x7F, v20;
	v12 =	vor.u32 v15, v12;
	v14 =	vor.u32 v16, v14  }
0x122: {  	s9 =	sadd.s32 $0xFFFFFF80, s22;
	v13 =	vadd.f32 v13, v7;
	v7 =	vand.u32 $0x7F, v38;
	v39 =	vand.u32 $0xFFFFFF80, v4  }
0x123: {  	v40 =	vand.u32 $0x7F, v4;
	v17 =	vor.u32 v7, v17;
	v15 =	vadd.s32 s9, v39  }
0x124: {  	v20 =	vand.u32 $0x7F, v54;
	v29 =	vadd.s32 $0x20, v3;
	v10 =	vld.idx.msk [tilespmem:v10+s19+$0x0], $0xffff;
	v15 =	vor.u32 v40, v15  }
0x125: {  	v19 =	vor.u32 v20, v19;
	v49 =	vadd.s32 $0x10, v5;
	v11 =	vld.idx.msk [tilespmem:v35+s19+$0x0], $0xffff;
	v7 =	vadd.s32 s6, v41  }
0x126: {  	v52 =	vand.u32 $0xFFFFFF80, v49;
	v12 =	vld.idx.msk [tilespmem:v12+s19+$0x0], $0xffff;
	v42 =	vor.u32 v18, v7;
	v18 =	vadd.s32 s5, v47  }
0x127: {  	v53 =	vand.u32 $0x7F, v49;
	v14 =	vld.idx.msk [tilespmem:v14+s19+$0x0], $0xffff;
	v51 =	vor.u32 v48, v18;
	v18 =	vadd.s32 s10, v52  }
0x128: {  	v54 =	vand.u32 $0xFFFFFF80, v0;
	v3 =	vadd.s32 $0x30, v3;
	v18 =	vor.u32 v53, v18;
	v50 =	vld.idx.msk [tilespmem:v17+s19+$0x0], $0xffff  }
0x129: {  	v0 =	vand.u32 $0x7F, v0;
	v46 =	vor.u32 v44, v45;
	v56 =	vand.u32 $0xFFFFFF80, v3;
	v15 =	vld.idx.msk [tilespmem:v15+s19+$0x0], $0xffff  }
0x12a: {  	v3 =	vand.u32 $0x7F, v3;
	v33 =	vadd.s32 $0x20, v2;
	v10 =	vadd.f32 v11, v10  }
0x12b: {  	v32 =	vand.u32 $0x7F, v29;
	v2 =	vadd.s32 $0x30, v2;
	v34 =	vand.u32 $0xFFFFFF80, v33  }
0x12c: {  	v63 =	vld.idx.msk [tilespmem:v19+s19+$0x0], $0xffff;
	v19 =	vand.u32 $0x7F, v33;
	v13 =	vadd.f32 v14, v13;
	v10 =	vadd.f32 v12, v10  }
0x12d: {  	v45 =	vadd.s32 $0x20, v5;
	v5 =	vadd.s32 $0x30, v5;
	v61 =	vld.idx.msk [tilespmem:v18+s19+$0x0], $0xffff;
	v18 =	vand.u32 $0x7F, v62  }
0x12e: {  	v12 =	vadd.f32 v50, v10;
	v10 =	vadd.f32 v15, v13;
	v15 =	vadd.s32 s11, v21  }
0x12f: {  	v36 =	vand.u32 $0xFFFFFF80, v8;
	v8 =	vand.u32 $0x7F, v8;
	v16 =	vld.idx.msk [tilespmem:v42+s19+$0x0], $0xffff;
	v15 =	vor.u32 v18, v15  }
0x130: {  	v37 =	vand.u32 $0xFFFFFF80, v6;
	v6 =	vand.u32 $0x7F, v6;
	v31 =	vand.u32 $0xFFFFFF80, v29;
	v7 =	vld [tilespmem:s16+$0x0]  }
0x131: {  	v35 =	vand.u32 $0xFFFFFF80, v9;
	v9 =	vand.u32 $0x7F, v9;
	v38 =	vadd.s32 $0x10, v4;
	v11 =	vld.idx.msk [tilespmem:v46+s19+$0x0], $0xffff  }
0x132: {  	v20 =	vadd.s32 s13, v35;
	v39 =	vand.u32 $0xFFFFFF80, v38;
	v47 =	vand.u32 $0x7F, v45;
	v14 =	vld.idx.msk [tilespmem:v58+s19+$0x0], $0xffff  }
0x133: {  	v9 =	vor.u32 v9, v20;
	v40 =	vand.u32 $0x7F, v38;
	v41 =	vadd.s32 s9, v39;
	v17 =	vld.idx.msk [tilespmem:v51+s19+$0x0], $0xffff  }
0x134: {  	v48 =	vadd.s32 $0x20, v4;
	v4 =	vadd.s32 $0x30, v4;
	v12 =	vadd.f32 v16, v12;
	v15 =	vld.idx.msk [tilespmem:v15+s19+$0x0], $0xffff  }
0x135: {  	v49 =	vand.u32 $0xFFFFFF80, v48;
	v46 =	vand.u32 $0xFFFFFF80, v45;
	v59 =	vand.u32 $0xFFFFFF80, v7  }
0x136: {  	v60 =	vand.u32 $0x7F, v7;
	v18 =	vadd.s32 s5, v34;
	v11 =	vadd.f32 v11, v12  }
0x137: {  	v12 =	vadd.f32 v14, v63;
	v18 =	vor.u32 v19, v18;
	v19 =	vadd.s32 s12, v36  }
0x138: {  	v8 =	vor.u32 v8, v19;
	v11 =	vadd.f32 v17, v11;
	v17 =	vadd.s32 s15, v23  }
0x139: {  	v26 =	vor.u32 v24, v17;
	v12 =	vadd.f32 v15, v12;
	v15 =	vadd.s32 s11, v37  }
0x13a: {  	v42 =	vadd.s32 $0x10, v7;
	v58 =	vadd.s32 s7, v56;
	v6 =	vor.u32 v6, v15  }
0x13b: {  	v43 =	vand.u32 $0xFFFFFF80, v42;
	v44 =	vand.u32 $0x7F, v42;
	v17 =	vadd.s32 s6, v27  }
0x13c: {  	v9 =	vld.idx.msk [tilespmem:v9+s19+$0x0], $0xffff;
	v51 =	vadd.s32 $0x20, v7;
	v13 =	vadd.s32 s22, v59;
	v30 =	vor.u32 v28, v17  }
0x13d: {  	v3 =	vor.u32 v3, v58;
	v13 =	vor.u32 v60, v13;
	v17 =	vadd.s32 s7, v31;
	v8 =	vld.idx.msk [tilespmem:v8+s19+$0x0], $0xffff  }
0x13e: {  	v7 =	vadd.s32 $0x30, v7;
	v52 =	vand.u32 $0xFFFFFF80, v51;
	v17 =	vor.u32 v32, v17;
	v16 =	vld.idx.msk [tilespmem:v26+s19+$0x0], $0xffff  }
0x13f: {  	v53 =	vand.u32 $0x7F, v51;
	v33 =	vand.u32 $0xFFFFFF80, v7;
	v7 =	vand.u32 $0x7F, v7;
	v6 =	vld.idx.msk [tilespmem:v6+s19+$0x0], $0xffff  }
0x140: {  	v50 =	vand.u32 $0x7F, v48;
	v60 =	vand.u32 $0xFFFFFF80, v2;
	v2 =	vand.u32 $0x7F, v2  }
0x141: {  	v63 =	vand.u32 $0xFFFFFF80, v4;
	v4 =	vand.u32 $0x7F, v4;
	v24 =	vand.u32 $0xFFFFFF80, v57;
	v14 =	vld.idx.msk [tilespmem:v30+s19+$0x0], $0xffff  }
0x142: {  	v11 =	vadd.f32 v61, v11;
	v59 =	vld.idx.msk [tilespmem:v13+s19+$0x0], $0xffff;
	v13 =	vadd.s32 s5, v60;
	v8 =	vadd.f32 v8, v9  }
0x143: {  	v61 =	vand.u32 $0xFFFFFF80, v5;
	v5 =	vand.u32 $0x7F, v5;
	v2 =	vor.u32 v2, v13;
	v17 =	vld.idx.msk [tilespmem:v17+s19+$0x0], $0xffff  }
0x144: {  	v12 =	vadd.f32 v16, v12;
	v6 =	vadd.f32 v6, v8;
	v8 =	vadd.s32 s15, v54  }
0x145: {  	v28 =	vadd.s32 $0x20, v57;
	v18 =	vld.idx.msk [tilespmem:v18+s19+$0x0], $0xffff;
	v15 =	vor.u32 v40, v41;
	v0 =	vor.u32 v0, v8  }
0x146: {  	v16 =	vadd.s32 s22, v43;
	v12 =	vadd.f32 v14, v12;
	v8 =	vadd.s32 s6, v55  }
0x147: {  	v39 =	vld [tilespmem:s31+$0xFFFFFFC0];
	v14 =	vor.u32 v44, v16;
	v16 =	vadd.s32 s10, v46;
	v1 =	vor.u32 v1, v8  }
0x148: {  	v3 =	vld.idx.msk [tilespmem:v3+s19+$0x0], $0xffff;
	v26 =	vadd.s32 $0x10, v57;
	v16 =	vor.u32 v47, v16;
	v12 =	vadd.f32 v17, v12  }
0x149: {  	v31 =	vand.u32 $0x7F, v28;
	v27 =	vand.u32 $0xFFFFFF80, v26;
	v2 =	vld.idx.msk [tilespmem:v2+s19+$0x0], $0xffff;
	v17 =	vadd.s32 s9, v49  }
0x14a: {  	s7 =	sshll.u32 s0, $0x7;
	v17 =	vor.u32 v50, v17;
	v12 =	vadd.f32 v18, v12;
	v18 =	vadd.s32 s22, v52;
	v0 =	vld.idx.msk [tilespmem:v0+s19+$0x0], $0xffff  }
0x14b: {  	v21 =	vand.u32 $0x7F, v26;
	v15 =	vld.idx.msk [tilespmem:v15+s19+$0x0], $0xffff;
	v9 =	vor.u32 v53, v18;
	v18 =	vadd.s32 s10, v61;
	s10 =	sadd.s32 $0xFFFFFD80, s7  }
0x14c: {  	v30 =	vand.u32 $0xFFFFFF80, v28;
	v5 =	vor.u32 v5, v18;
	v18 =	vadd.s32 s10, v24;
	v1 =	vld.idx.msk [tilespmem:v1+s19+$0x0], $0xffff  }
0x14d: {  	v62 =	vld.idx.msk [tilespmem:v16+s19+$0x0], $0xffff;
	v16 =	vadd.s32 s9, v63;
	v20 =	vadd.s32 s10, v27;
	v18 =	vor.u32 v25, v18  }
0x14e: {  	v14 =	vld.idx.msk [tilespmem:v14+s19+$0x0], $0xffff;
	v4 =	vor.u32 v4, v16;
	v29 =	vor.u32 v21, v20;
	v20 =	vadd.s32 s10, v30  }
0x14f: {  	v17 =	vld.idx.msk [tilespmem:v17+s19+$0x0], $0xffff;
	v32 =	vor.u32 v31, v20;
	v20 =	vadd.s32 s22, v33;
	v0 =	vadd.f32 v0, v6  }
0x150: {  	v19 =	vadd.s32 $0x30, v57;
	v7 =	vor.u32 v7, v20;
	v9 =	vld.idx.msk [tilespmem:v9+s19+$0x0], $0xffff  }
0x151: {  	v34 =	vand.u32 $0xFFFFFF80, v19;
	v5 =	vld.idx.msk [tilespmem:v5+s19+$0x0], $0xffff;
	v0 =	vadd.f32 v1, v0  }
0x152: {  	v36 =	vand.u32 $0x7F, v19;
	v18 =	vld.idx.msk [tilespmem:v18+s24+$0x0], $0xffff;
	v1 =	vadd.s32 s10, v34  }
0x153: {  	v35 =	vld.idx.msk [tilespmem:v29+s24+$0x0], $0xffff;
	v37 =	vor.u32 v36, v1;
	v3 =	vadd.f32 v3, v0  }
0x154: {  	v11 =	vadd.f32 v15, v11;
	v4 =	vld.idx.msk [tilespmem:v4+s19+$0x0], $0xffff  }
0x155: {  	v12 =	vadd.f32 v62, v12;
	v7 =	vld.idx.msk [tilespmem:v7+s19+$0x0], $0xffff;
	v3 =	vadd.f32 v2, v3  }
0x156: {  	v6 =	vld.idx.msk [tilespmem:v32+s24+$0x0], $0xffff;
	v1 =	vadd.f32 v14, v11;
	v0 =	vadd.f32 v59, v10  }
0x157: {  	v45 =	vand.u32 $0xFFFFFF80, v39;
	v38 =	vadd.f32 v17, v12;
	v3 =	vadd.f32 v5, v3  }
0x158: {  	v51 =	vadd.s32 $0x20, v39;
	v41 =	vmul.f32 v35, v1;
	v40 =	vmul.f32 v18, v0;
	v42 =	vld.idx.msk [tilespmem:v37+s24+$0x0], $0xffff  }
0x159: {  	v47 =	vadd.s32 $0x10, v39;
	v2 =	vadd.f32 v9, v38;
	v3 =	vadd.f32 v4, v3  }
0x15a: {  	s11 =	sadd.s32 $0xFFFFFE00, s7;
	v46 =	vand.u32 $0x7F, v39;
	v49 =	vand.u32 $0xFFFFFF80, v47;
	v43 =	vadd.f32 v41, v40  }
0x15b: {  	v44 =	vmul.f32 v6, v2;
	v5 =	vadd.s32 s11, v45;
	v3 =	vadd.f32 v7, v3  }
0x15c: {  	v53 =	vand.u32 $0xFFFFFF80, v51;
	v6 =	vadd.s32 s11, v49;
	v5 =	vor.u32 v46, v5  }
0x15d: {  	v4 =	vadd.f32 v44, v43;
	v7 =	vand.u32 $0x7F, v47;
	v48 =	vmul.f32 v42, v3  }
0x15e: {  	v50 =	vld [tilespmem:s31+$0xFFFFFFD0];
	v55 =	vadd.s32 s11, v53;
	v6 =	vor.u32 v7, v6  }
0x15f: {  	v52 =	vld [tilespmem:s31+$0xFFFFFFE0];
	v11 =	vand.u32 $0x7F, v51;
	v10 =	vadd.s32 $0x30, v39;
	v8 =	vadd.f32 v48, v4  }
0x160: {  	v54 =	vld [tilespmem:s31+$0xFFFFFFF0];
	v11 =	vor.u32 v11, v55;
	v56 =	vand.u32 $0xFFFFFF80, v10  }
0x161: {  	v57 =	vand.u32 $0x7F, v10;
	v58 =	vadd.s32 s11, v56;
	v4 =	vld [tilespmem:s31+$0x0];
	[tilespmem:s17+$0xFFFFFE80] =	vst v8  }
0x162: {  	v8 =	vor.u32 v57, v58;
	v5 =	vld.idx.msk [tilespmem:v5+s24+$0x0], $0xffff  }
0x163: {  	v6 =	vld.idx.msk [tilespmem:v6+s24+$0x0], $0xffff;
	_ =	sdelay $0x1  }
0x164: {  	v59 =	vld.idx.msk [tilespmem:v11+s24+$0x0], $0xffff;
	_ =	sdelay $0x1  }
0x165: {  	v8 =	vld.idx.msk [tilespmem:v8+s24+$0x0], $0xffff  }
0x166: {  	v5 =	vmul.f32 v5, v0;
	v6 =	vmul.f32 v6, v1;
	_ =	sdelay $0x1  }
0x167: {  	v13 =	vadd.s32 $0x10, v50;
	v60 =	vmul.f32 v59, v2;
	v5 =	vadd.f32 v6, v5  }
0x168: {  	v63 =	vand.u32 $0x7F, v50;
	v15 =	vand.u32 $0xFFFFFF80, v13  }
0x169: {  	s12 =	sadd.s32 $0xFFFFFE80, s7;
	v62 =	vand.u32 $0xFFFFFF80, v50;
	v5 =	vadd.f32 v60, v5;
	v61 =	vmul.f32 v8, v3  }
0x16a: {  	v16 =	vand.u32 $0x7F, v13;
	v17 =	vadd.s32 $0x20, v50;
	v8 =	vadd.s32 s12, v62  }
0x16b: {  	v14 =	vor.u32 v63, v8;
	v8 =	vadd.s32 s12, v15;
	v5 =	vadd.f32 v61, v5  }
0x16c: {  	v18 =	vand.u32 $0xFFFFFF80, v17;
	v9 =	vadd.s32 $0x30, v50;
	v8 =	vor.u32 v16, v8  }
0x16d: {  	v10 =	vadd.s32 s12, v18;
	v11 =	vand.u32 $0x7F, v17;
	v5 =	vsub.f32 $0.0e+00, v5  }
0x16e: {  	v19 =	vand.u32 $0xFFFFFF80, v9;
	v10 =	vor.u32 v11, v10  }
0x16f: {  	v20 =	vand.u32 $0x7F, v9;
	v21 =	vadd.s32 s12, v19;
	[tilespmem:s17+$0xFFFFFF00] =	vst v5  }
0x170: {  	v5 =	vor.u32 v20, v21;
	v6 =	vld.idx.msk [tilespmem:v14+s24+$0x0], $0xffff  }
0x171: {  	v8 =	vld.idx.msk [tilespmem:v8+s24+$0x0], $0xffff;
	_ =	sdelay $0x1  }
0x172: {  	v22 =	vld.idx.msk [tilespmem:v10+s24+$0x0], $0xffff;
	_ =	sdelay $0x1  }
0x173: {  	v5 =	vld.idx.msk [tilespmem:v5+s24+$0x0], $0xffff  }
0x174: {  	v6 =	vmul.f32 v6, v0;
	v8 =	vmul.f32 v8, v1;
	_ =	sdelay $0x1  }
0x175: {  	v23 =	vmul.f32 v22, v2;
	v6 =	vadd.f32 v8, v6  }
0x176: {  	v24 =	vand.u32 $0xFFFFFF80, v52;
	v25 =	vand.u32 $0x7F, v52;
	v26 =	vadd.s32 $0x10, v52  }
0x177: {  	s13 =	sadd.s32 $0xFFFFFF00, s7;
	v30 =	vadd.s32 $0x20, v52;
	v6 =	vadd.f32 v23, v6;
	v5 =	vmul.f32 v5, v3  }
0x178: {  	v28 =	vand.u32 $0xFFFFFF80, v26;
	v29 =	vand.u32 $0x7F, v26;
	v8 =	vadd.s32 s13, v24  }
0x179: {  	v27 =	vor.u32 v25, v8;
	v8 =	vadd.s32 s13, v28;
	v5 =	vadd.f32 v5, v6  }
0x17a: {  	v31 =	vand.u32 $0xFFFFFF80, v30;
	v32 =	vadd.s32 $0x30, v52;
	v8 =	vor.u32 v29, v8  }
0x17b: {  	v9 =	vadd.s32 s13, v31;
	v10 =	vand.u32 $0x7F, v30;
	v5 =	vsub.f32 $0.0e+00, v5  }
0x17c: {  	v33 =	vand.u32 $0xFFFFFF80, v32;
	v9 =	vor.u32 v10, v9  }
0x17d: {  	v34 =	vand.u32 $0x7F, v32;
	v10 =	vadd.s32 s13, v33;
	[tilespmem:s17+$0xFFFFFF80] =	vst v5  }
0x17e: {  	v5 =	vor.u32 v34, v10;
	v6 =	vld.idx.msk [tilespmem:v27+s24+$0x0], $0xffff  }
0x17f: {  	v8 =	vld.idx.msk [tilespmem:v8+s24+$0x0], $0xffff;
	_ =	sdelay $0x1  }
0x180: {  	v9 =	vld.idx.msk [tilespmem:v9+s24+$0x0], $0xffff;
	_ =	sdelay $0x1  }
0x181: {  	v5 =	vld.idx.msk [tilespmem:v5+s24+$0x0], $0xffff  }
0x182: {  	v6 =	vmul.f32 v6, v0;
	v8 =	vmul.f32 v8, v1;
	_ =	sdelay $0x1  }
0x183: {  	v35 =	vmul.f32 v9, v2;
	v6 =	vadd.f32 v8, v6  }
0x184: {  	v36 =	vand.u32 $0xFFFFFF80, v54;
	v38 =	vadd.s32 $0x10, v54;
	v37 =	vand.u32 $0x7F, v54  }
0x185: {  	s22 =	sadd.s32 $0xFFFFFF80, s7;
	v40 =	vand.u32 $0xFFFFFF80, v38;
	v6 =	vadd.f32 v35, v6;
	v5 =	vmul.f32 v5, v3  }
0x186: {  	v41 =	vand.u32 $0x7F, v38;
	v42 =	vadd.s32 $0x20, v54;
	v8 =	vadd.s32 s22, v36  }
0x187: {  	v39 =	vor.u32 v37, v8;
	v8 =	vadd.s32 s22, v40;
	v5 =	vadd.f32 v5, v6  }
0x188: {  	v7 =	vadd.s32 $0x30, v54;
	v43 =	vand.u32 $0xFFFFFF80, v42;
	v8 =	vor.u32 v41, v8  }
0x189: {  	v10 =	vand.u32 $0x7F, v42;
	v9 =	vadd.s32 s22, v43;
	v5 =	vsub.f32 $0.0e+00, v5  }
0x18a: {  	v44 =	vand.u32 $0xFFFFFF80, v7;
	v9 =	vor.u32 v10, v9  }
0x18b: {  	v45 =	vand.u32 $0x7F, v7;
	v46 =	vadd.s32 s22, v44;
	[tilespmem:s17+$0x0] =	vst v5  }
0x18c: {  	v5 =	vor.u32 v45, v46;
	v6 =	vld.idx.msk [tilespmem:v39+s24+$0x0], $0xffff  }
0x18d: {  	v47 =	vld.idx.msk [tilespmem:v8+s24+$0x0], $0xffff;
	_ =	sdelay $0x1  }
0x18e: {  	v48 =	vld.idx.msk [tilespmem:v9+s24+$0x0], $0xffff;
	_ =	sdelay $0x1  }
0x18f: {  	v5 =	vld.idx.msk [tilespmem:v5+s24+$0x0], $0xffff  }
0x190: {  	v6 =	vmul.f32 v6, v0;
	v7 =	vmul.f32 v47, v1;
	_ =	sdelay $0x1  }
0x191: {  	v49 =	vmul.f32 v48, v2;
	v6 =	vadd.f32 v7, v6  }
0x192: {  	v50 =	vand.u32 $0xFFFFFF80, v4;
	v51 =	vand.u32 $0x7F, v4;
	v52 =	vadd.s32 $0x10, v4  }
0x193: {  	v56 =	vadd.s32 $0x20, v4;
	v6 =	vadd.f32 v49, v6;
	v5 =	vmul.f32 v5, v3  }
0x194: {  	v54 =	vand.u32 $0xFFFFFF80, v52;
	v55 =	vand.u32 $0x7F, v52;
	v7 =	vadd.s32 s7, v50  }
0x195: {  	v53 =	vor.u32 v51, v7;
	v7 =	vadd.s32 s7, v54;
	v5 =	vadd.f32 v5, v6  }
0x196: {  	v4 =	vadd.s32 $0x30, v4;
	v57 =	vand.u32 $0xFFFFFF80, v56;
	v7 =	vor.u32 v55, v7  }
0x197: {  	v9 =	vand.u32 $0x7F, v56;
	v8 =	vadd.s32 s7, v57;
	v5 =	vsub.f32 $0.0e+00, v5  }
0x198: {  	v58 =	vand.u32 $0xFFFFFF80, v4;
	v8 =	vor.u32 v9, v8  }
0x199: {  	v4 =	vand.u32 $0x7F, v4;
	v59 =	vadd.s32 s7, v58;
	[tilespmem:s17+$0x80] =	vst v5  }
0x19a: {  	v4 =	vor.u32 v4, v59;
	v6 =	vld.idx.msk [tilespmem:v53+s24+$0x0], $0xffff  }
0x19b: {  	v60 =	vld.idx.msk [tilespmem:v7+s24+$0x0], $0xffff;
	_ =	sdelay $0x1  }
0x19c: {  	v61 =	vld.idx.msk [tilespmem:v8+s24+$0x0], $0xffff;
	_ =	sdelay $0x1  }
0x19d: {  	v4 =	vld.idx.msk [tilespmem:v4+s24+$0x0], $0xffff  }
0x19e: {  	v0 =	vmul.f32 v6, v0;
	v1 =	vmul.f32 v60, v1;
	_ =	sdelay $0x1  }
0x19f: {  	v62 =	vmul.f32 v61, v2;
	v0 =	vadd.f32 v1, v0;
	_ =	sdelay $0x1  }
0x1a0: {  	v63 =	vmul.f32 v4, v3;
	v0 =	vadd.f32 v62, v0  }
0x1a1: {  	p0 =	sne.s32 s30, $0x13F  }
.Ltmp1:
0x1a2: {  	v0 =	vadd.f32 v63, v0;
	(pc) =	sbr.rel @p0 .LBB2_4-.Ltmp1, $4  }
0x1a3: {  	_ = 	snop  }
0x1a4: {  	v0 =	vsub.f32 $0.0e+00, v0  }
0x1a5: {  	s1 =	sadd.s32 $0xA0, s1;
	s30 =	sadd.s32 $0xA, s30;
	s16 =	sadd.s32 $0xA0, s16  }
0x1a6: {  	s0 =	sadd.s32 $0x6, s0;
	s31 =	sadd.s32 $0x60, s31;
	[tilespmem:s17+$0x100] =	vst v0;
	s17 =	sadd.s32 $0x300, s17  }
0x1a7: {  	s0 =	rddreg [dreg:$0x6]  }
0x1a8: {  	[hbm4b:s0+s2] =	stream.linear.scatter [tilespmem:s29], [sflag:$0x2], $0x6000, $0x38;
	[tilespmem:$0x1E800] =	vst v63  }
0x1a9: {  	_ =	swait.ge [sflag:s14], $0x6000  }
0x1aa: {  	[sflag:s14] =	ssyncset.done $0x0  }
0x1ab: {  	s13 =	simm.s32 $0x280;
	[sflag:s14] =	ssyncadd.s32 $0xFFFFA000  }
0x1ac: {  	[tilespmem:s19], [sflag:$0x1] =	stream.indirect.gather [hbm4b:s3+s18], $0x80, s13, s18, $0xb8;
	[tilespmem:$0x1E800] =	vst v63  }
0x1ad: {  	s15 =	simm.s32 $0x300  }
0x1ae: {  	[tilespmem:s20], [sflag:$0x1] =	stream.indirect.gather [hbm4b:s3+s18], $0x80, s15, s18, $0xb8;
	[tilespmem:$0x1E800] =	vst v63  }
0x1af: {  	s16 =	simm.s32 $0x380  }
0x1b0: {  	[tilespmem:s23], [sflag:$0x1] =	stream.indirect.gather [hbm4b:s3+s21], $0x80, s16, s21, $0xb8;
	[tilespmem:$0x1E800] =	vst v63  }
0x1b1: {  	s17 =	simm.s32 $0x680  }
0x1b2: {  	[tilespmem:s24], [sflag:$0x1] =	stream.indirect.gather [hbm4b:s4+s18], $0x80, s17, s18, $0xb8;
	[tilespmem:$0x1E800] =	vst v63  }
0x1b3: {  	s22 =	simm.s32 $0x700  }
0x1b4: {  	[tilespmem:s26], [sflag:$0x1] =	stream.indirect.gather [hbm4b:s4+s21], $0x80, s22, s21, $0xb8;
	[tilespmem:$0x1E800] =	vst v63  }
0x1b5: {  	_ =	swait.ge [sflag:s28], $0x4000  }
0x1b6: {  	[sflag:s28] =	ssyncset.done $0x0  }
0x1b7: {  	[sflag:s28] =	ssyncadd.s32 $0xFFFFC000  }
0x1b8: {  	_ =	swait.ge [sflag:s28], $0x4000  }
0x1b9: {  	[sflag:s28] =	ssyncset.done $0x0  }
0x1ba: {  	[sflag:s28] =	ssyncadd.s32 $0xFFFFC000  }
0x1bb: {  	_ =	swait.ge [sflag:s28], $0x2000  }
0x1bc: {  	[sflag:s28] =	ssyncset.done $0x0  }
0x1bd: {  	[sflag:s28] =	ssyncadd.s32 $0xFFFFE000  }
0x1be: {  	_ =	swait.ge [sflag:s28], $0x4000  }
0x1bf: {  	[sflag:s28] =	ssyncset.done $0x0  }
0x1c0: {  	[sflag:s28] =	ssyncadd.s32 $0xFFFFC000  }
0x1c1: {  	s30 =	simm.s32 $0x9;
	s31 =	simm.s32 $0x7050;
	_ =	swait.ge [sflag:s28], $0x2000  }
0x1c2: {  	s1 =	simm.s32 $0x2800;
	s0 =	simm.s32 $0x5;
	[sflag:s28] =	ssyncset.done $0x0  }
0x1c3: {  	s16 =	simm.s32 $0x3090;
	s17 =	simm.s32 $0x18980;
	[sflag:s28] =	ssyncadd.s32 $0xFFFFE000  }
.LBB2_6:
0x1c4: {  	v9 =	vld [tilespmem:s16+$0xFFFFFF70]  }
0x1c5: {  	v8 =	vld [tilespmem:s16+$0xFFFFFF80]  }
0x1c6: {  	v6 =	vld [tilespmem:s16+$0xFFFFFF90]  }
0x1c7: {  	v0 =	vld [tilespmem:s16+$0xFFFFFFA0];
	_ =	sdelay $0x2  }
0x1c8: {  	v1 =	vand.u32 $0xFFFFFF80, v9;
	v2 =	vand.u32 $0x7F, v9  }
0x1c9: {  	v4 =	vand.u32 $0xFFFFFF80, v8;
	v24 =	vand.u32 $0x7F, v8;
	v26 =	vand.u32 $0xFFFFFF80, v6  }
0x1ca: {  	v7 =	vand.u32 $0x7F, v6;
	v10 =	vand.u32 $0xFFFFFF80, v0;
	v11 =	vand.u32 $0x7F, v0  }
0x1cb: {  	v32 =	vadd.s32 $0x10, v9;
	v14 =	vadd.s32 $0x10, v8;
	v15 =	vadd.s32 $0x10, v6  }
0x1cc: {  	s22 =	sshll.u32 s30, $0x7;
	v38 =	vadd.s32 $0x10, v0;
	v54 =	vadd.s32 $0x20, v9;
	v21 =	vadd.s32 $0x20, v8  }
0x1cd: {  	s13 =	sadd.s32 $0xFFFFFB80, s22;
	s12 =	sadd.s32 $0xFFFFFC00, s22;
	v62 =	vadd.s32 $0x20, v6;
	v9 =	vadd.s32 $0x30, v9;
	v8 =	vadd.s32 $0x30, v8  }
0x1ce: {  	s5 =	sadd.s32 $0xFFFFFD00, s22;
	v6 =	vadd.s32 $0x30, v6;
	v3 =	vadd.s32 s13, v1;
	v25 =	vadd.s32 s12, v4  }
0x1cf: {  	v10 =	vadd.s32 s5, v10;
	v33 =	vand.u32 $0xFFFFFF80, v32;
	v34 =	vand.u32 $0xFFFFFF80, v14  }
0x1d0: {  	v1 =	vld [tilespmem:s16+$0xFFFFFFB0];
	v14 =	vand.u32 $0x7F, v14;
	v36 =	vand.u32 $0xFFFFFF80, v15;
	v5 =	vor.u32 v2, v3  }
0x1d1: {  	s11 =	sadd.s32 $0xFFFFFC80, s22;
	v15 =	vand.u32 $0x7F, v15;
	v17 =	vand.u32 $0xFFFFFF80, v38;
	v4 =	vor.u32 v24, v25  }
0x1d2: {  	v55 =	vand.u32 $0xFFFFFF80, v54;
	v22 =	vand.u32 $0xFFFFFF80, v21;
	v2 =	vadd.s32 s11, v26  }
0x1d3: {  	v56 =	vand.u32 $0x7F, v21;
	v21 =	vand.u32 $0xFFFFFF80, v62;
	v3 =	vld [tilespmem:s16+$0xFFFFFFC0];
	v7 =	vor.u32 v7, v2  }
0x1d4: {  	v10 =	vor.u32 v11, v10;
	v17 =	vadd.s32 s5, v17;
	v57 =	vadd.s32 s12, v22;
	v2 =	vld [tilespmem:s16+$0xFFFFFFD0]  }
0x1d5: {  	s6 =	sadd.s32 $0xFFFFFD80, s22;
	v22 =	vadd.s32 $0x20, v0;
	v0 =	vadd.s32 $0x30, v0;
	v27 =	vand.u32 $0xFFFFFF80, v1;
	v5 =	vld.idx.msk [tilespmem:v5+s19+$0x0], $0xffff  }
0x1d6: {  	v58 =	vor.u32 v56, v57;
	v12 =	vand.u32 $0x7F, v1;
	v4 =	vld.idx.msk [tilespmem:v4+s19+$0x0], $0xffff;
	v11 =	vadd.s32 s6, v27  }
0x1d7: {  	v23 =	vand.u32 $0xFFFFFF80, v22;
	v24 =	vand.u32 $0x7F, v22;
	v11 =	vor.u32 v12, v11  }
0x1d8: {  	s7 =	sadd.s32 $0xFFFFFE00, s22;
	v18 =	vadd.s32 $0x10, v1;
	v25 =	vadd.s32 $0x20, v1;
	v28 =	vand.u32 $0xFFFFFF80, v3;
	v7 =	vld.idx.msk [tilespmem:v7+s19+$0x0], $0xffff  }
0x1d9: {  	s15 =	sadd.s32 $0xFFFFFE80, s22;
	v13 =	vand.u32 $0x7F, v3;
	v12 =	vadd.s32 s7, v28;
	v29 =	vand.u32 $0xFFFFFF80, v2  }
0x1da: {  	v10 =	vld.idx.msk [tilespmem:v10+s19+$0x0], $0xffff;
	v30 =	vand.u32 $0x7F, v2;
	v12 =	vor.u32 v13, v12;
	v13 =	vadd.s32 s15, v29  }
0x1db: {  	v57 =	vld [tilespmem:s31+$0xFFFFFFB0];
	v1 =	vadd.s32 $0x30, v1;
	v13 =	vor.u32 v30, v13;
	v4 =	vadd.f32 v4, v5  }
0x1dc: {  	v41 =	vand.u32 $0xFFFFFF80, v18;
	v18 =	vand.u32 $0x7F, v18;
	v19 =	vadd.s32 $0x10, v3;
	v11 =	vld.idx.msk [tilespmem:v11+s19+$0x0], $0xffff  }
0x1dd: {  	v27 =	vand.u32 $0xFFFFFF80, v25;
	v43 =	vand.u32 $0xFFFFFF80, v19;
	v4 =	vadd.f32 v7, v4  }
0x1de: {  	v44 =	vand.u32 $0x7F, v19;
	v20 =	vadd.s32 $0x10, v2;
	v19 =	vadd.s32 s13, v55;
	v5 =	vld [tilespmem:s16+$0xFFFFFFE0]  }
0x1df: {  	v28 =	vand.u32 $0x7F, v25;
	v55 =	vand.u32 $0xFFFFFF80, v1;
	v31 =	vld.idx.msk [tilespmem:v12+s19+$0x0], $0xffff;
	v4 =	vadd.f32 v10, v4  }
0x1e0: {  	s9 =	sand.u32 $0x3FE0, s1;
	v1 =	vand.u32 $0x7F, v1;
	v25 =	vand.u32 $0x7F, v57;
	v45 =	vadd.s32 s7, v43;
	v13 =	vld.idx.msk [tilespmem:v13+s19+$0x0], $0xffff  }
0x1e1: {  	v12 =	vand.u32 $0x7F, v32;
	v10 =	vadd.s32 s13, v33;
	v11 =	vadd.f32 v11, v4;
	v4 =	vld [tilespmem:s9+$0x880]  }
0x1e2: {  	v47 =	vand.u32 $0xFFFFFF80, v20;
	v10 =	vor.u32 v12, v10;
	v12 =	vadd.s32 s12, v34  }
0x1e3: {  	s10 =	sadd.s32 $0xFFFFFF00, s22;
	v37 =	vand.u32 $0xFFFFFF80, v5;
	v16 =	vand.u32 $0x7F, v5;
	v35 =	vor.u32 v14, v12  }
0x1e4: {  	v12 =	vadd.s32 s11, v36;
	v14 =	vadd.s32 s10, v37;
	v7 =	vadd.f32 v31, v11  }
0x1e5: {  	v48 =	vand.u32 $0x7F, v20;
	v12 =	vor.u32 v15, v12;
	v14 =	vor.u32 v16, v14  }
0x1e6: {  	s9 =	sadd.s32 $0xFFFFFF80, s22;
	v13 =	vadd.f32 v13, v7;
	v7 =	vand.u32 $0x7F, v38;
	v39 =	vand.u32 $0xFFFFFF80, v4  }
0x1e7: {  	v40 =	vand.u32 $0x7F, v4;
	v17 =	vor.u32 v7, v17;
	v15 =	vadd.s32 s9, v39  }
0x1e8: {  	v20 =	vand.u32 $0x7F, v54;
	v29 =	vadd.s32 $0x20, v3;
	v10 =	vld.idx.msk [tilespmem:v10+s19+$0x0], $0xffff;
	v15 =	vor.u32 v40, v15  }
0x1e9: {  	v19 =	vor.u32 v20, v19;
	v49 =	vadd.s32 $0x10, v5;
	v11 =	vld.idx.msk [tilespmem:v35+s19+$0x0], $0xffff;
	v7 =	vadd.s32 s6, v41  }
0x1ea: {  	v52 =	vand.u32 $0xFFFFFF80, v49;
	v12 =	vld.idx.msk [tilespmem:v12+s19+$0x0], $0xffff;
	v42 =	vor.u32 v18, v7;
	v18 =	vadd.s32 s15, v47  }
0x1eb: {  	v53 =	vand.u32 $0x7F, v49;
	v14 =	vld.idx.msk [tilespmem:v14+s19+$0x0], $0xffff;
	v51 =	vor.u32 v48, v18;
	v18 =	vadd.s32 s10, v52  }
0x1ec: {  	v54 =	vand.u32 $0xFFFFFF80, v0;
	v3 =	vadd.s32 $0x30, v3;
	v18 =	vor.u32 v53, v18;
	v50 =	vld.idx.msk [tilespmem:v17+s19+$0x0], $0xffff  }
0x1ed: {  	v0 =	vand.u32 $0x7F, v0;
	v46 =	vor.u32 v44, v45;
	v56 =	vand.u32 $0xFFFFFF80, v3;
	v15 =	vld.idx.msk [tilespmem:v15+s19+$0x0], $0xffff  }
0x1ee: {  	v3 =	vand.u32 $0x7F, v3;
	v33 =	vadd.s32 $0x20, v2;
	v10 =	vadd.f32 v11, v10  }
0x1ef: {  	v32 =	vand.u32 $0x7F, v29;
	v2 =	vadd.s32 $0x30, v2;
	v34 =	vand.u32 $0xFFFFFF80, v33  }
0x1f0: {  	v63 =	vld.idx.msk [tilespmem:v19+s19+$0x0], $0xffff;
	v19 =	vand.u32 $0x7F, v33;
	v13 =	vadd.f32 v14, v13;
	v10 =	vadd.f32 v12, v10  }
0x1f1: {  	v45 =	vadd.s32 $0x20, v5;
	v5 =	vadd.s32 $0x30, v5;
	v61 =	vld.idx.msk [tilespmem:v18+s19+$0x0], $0xffff;
	v18 =	vand.u32 $0x7F, v62  }
0x1f2: {  	v12 =	vadd.f32 v50, v10;
	v10 =	vadd.f32 v15, v13;
	v15 =	vadd.s32 s11, v21  }
0x1f3: {  	v36 =	vand.u32 $0xFFFFFF80, v8;
	v8 =	vand.u32 $0x7F, v8;
	v16 =	vld.idx.msk [tilespmem:v42+s19+$0x0], $0xffff;
	v15 =	vor.u32 v18, v15  }
0x1f4: {  	v37 =	vand.u32 $0xFFFFFF80, v6;
	v6 =	vand.u32 $0x7F, v6;
	v31 =	vand.u32 $0xFFFFFF80, v29;
	v7 =	vld [tilespmem:s16+$0x0]  }
0x1f5: {  	v35 =	vand.u32 $0xFFFFFF80, v9;
	v9 =	vand.u32 $0x7F, v9;
	v38 =	vadd.s32 $0x10, v4;
	v11 =	vld.idx.msk [tilespmem:v46+s19+$0x0], $0xffff  }
0x1f6: {  	v20 =	vadd.s32 s13, v35;
	v39 =	vand.u32 $0xFFFFFF80, v38;
	v47 =	vand.u32 $0x7F, v45;
	v14 =	vld.idx.msk [tilespmem:v58+s19+$0x0], $0xffff  }
0x1f7: {  	v9 =	vor.u32 v9, v20;
	v40 =	vand.u32 $0x7F, v38;
	v41 =	vadd.s32 s9, v39;
	v17 =	vld.idx.msk [tilespmem:v51+s19+$0x0], $0xffff  }
0x1f8: {  	v48 =	vadd.s32 $0x20, v4;
	v4 =	vadd.s32 $0x30, v4;
	v12 =	vadd.f32 v16, v12;
	v15 =	vld.idx.msk [tilespmem:v15+s19+$0x0], $0xffff  }
0x1f9: {  	v49 =	vand.u32 $0xFFFFFF80, v48;
	v46 =	vand.u32 $0xFFFFFF80, v45;
	v59 =	vand.u32 $0xFFFFFF80, v7  }
0x1fa: {  	v60 =	vand.u32 $0x7F, v7;
	v18 =	vadd.s32 s15, v34;
	v11 =	vadd.f32 v11, v12  }
0x1fb: {  	v12 =	vadd.f32 v14, v63;
	v18 =	vor.u32 v19, v18;
	v19 =	vadd.s32 s12, v36  }
0x1fc: {  	v8 =	vor.u32 v8, v19;
	v11 =	vadd.f32 v17, v11;
	v17 =	vadd.s32 s5, v23  }
0x1fd: {  	v26 =	vor.u32 v24, v17;
	v12 =	vadd.f32 v15, v12;
	v15 =	vadd.s32 s11, v37  }
0x1fe: {  	v42 =	vadd.s32 $0x10, v7;
	v58 =	vadd.s32 s7, v56;
	v6 =	vor.u32 v6, v15  }
0x1ff: {  	v43 =	vand.u32 $0xFFFFFF80, v42;
	v44 =	vand.u32 $0x7F, v42;
	v17 =	vadd.s32 s6, v27  }
0x200: {  	v9 =	vld.idx.msk [tilespmem:v9+s19+$0x0], $0xffff;
	v51 =	vadd.s32 $0x20, v7;
	v13 =	vadd.s32 s22, v59;
	v30 =	vor.u32 v28, v17  }
0x201: {  	v3 =	vor.u32 v3, v58;
	v13 =	vor.u32 v60, v13;
	v17 =	vadd.s32 s7, v31;
	v8 =	vld.idx.msk [tilespmem:v8+s19+$0x0], $0xffff  }
0x202: {  	v7 =	vadd.s32 $0x30, v7;
	v52 =	vand.u32 $0xFFFFFF80, v51;
	v17 =	vor.u32 v32, v17;
	v16 =	vld.idx.msk [tilespmem:v26+s19+$0x0], $0xffff  }
0x203: {  	v53 =	vand.u32 $0x7F, v51;
	v33 =	vand.u32 $0xFFFFFF80, v7;
	v7 =	vand.u32 $0x7F, v7;
	v6 =	vld.idx.msk [tilespmem:v6+s19+$0x0], $0xffff  }
0x204: {  	v50 =	vand.u32 $0x7F, v48;
	v60 =	vand.u32 $0xFFFFFF80, v2;
	v2 =	vand.u32 $0x7F, v2  }
0x205: {  	v63 =	vand.u32 $0xFFFFFF80, v4;
	v4 =	vand.u32 $0x7F, v4;
	v24 =	vand.u32 $0xFFFFFF80, v57;
	v14 =	vld.idx.msk [tilespmem:v30+s19+$0x0], $0xffff  }
0x206: {  	v11 =	vadd.f32 v61, v11;
	v59 =	vld.idx.msk [tilespmem:v13+s19+$0x0], $0xffff;
	v13 =	vadd.s32 s15, v60;
	v8 =	vadd.f32 v8, v9  }
0x207: {  	v61 =	vand.u32 $0xFFFFFF80, v5;
	v5 =	vand.u32 $0x7F, v5;
	v2 =	vor.u32 v2, v13;
	v17 =	vld.idx.msk [tilespmem:v17+s19+$0x0], $0xffff  }
0x208: {  	v12 =	vadd.f32 v16, v12;
	v6 =	vadd.f32 v6, v8;
	v8 =	vadd.s32 s5, v54  }
0x209: {  	v28 =	vadd.s32 $0x20, v57;
	v18 =	vld.idx.msk [tilespmem:v18+s19+$0x0], $0xffff;
	v15 =	vor.u32 v40, v41;
	v0 =	vor.u32 v0, v8  }
0x20a: {  	v16 =	vadd.s32 s22, v43;
	v12 =	vadd.f32 v14, v12;
	v8 =	vadd.s32 s6, v55  }
0x20b: {  	v39 =	vld [tilespmem:s31+$0xFFFFFFC0];
	v14 =	vor.u32 v44, v16;
	v16 =	vadd.s32 s10, v46;
	v1 =	vor.u32 v1, v8  }
0x20c: {  	v3 =	vld.idx.msk [tilespmem:v3+s19+$0x0], $0xffff;
	v26 =	vadd.s32 $0x10, v57;
	v16 =	vor.u32 v47, v16;
	v12 =	vadd.f32 v17, v12  }
0x20d: {  	v31 =	vand.u32 $0x7F, v28;
	v27 =	vand.u32 $0xFFFFFF80, v26;
	v2 =	vld.idx.msk [tilespmem:v2+s19+$0x0], $0xffff;
	v17 =	vadd.s32 s9, v49  }
0x20e: {  	s7 =	sshll.u32 s0, $0x7;
	v17 =	vor.u32 v50, v17;
	v12 =	vadd.f32 v18, v12;
	v18 =	vadd.s32 s22, v52;
	v0 =	vld.idx.msk [tilespmem:v0+s19+$0x0], $0xffff  }
0x20f: {  	v21 =	vand.u32 $0x7F, v26;
	v15 =	vld.idx.msk [tilespmem:v15+s19+$0x0], $0xffff;
	v9 =	vor.u32 v53, v18;
	v18 =	vadd.s32 s10, v61;
	s10 =	sadd.s32 $0xFFFFFD80, s7  }
0x210: {  	v30 =	vand.u32 $0xFFFFFF80, v28;
	v5 =	vor.u32 v5, v18;
	v18 =	vadd.s32 s10, v24;
	v1 =	vld.idx.msk [tilespmem:v1+s19+$0x0], $0xffff  }
0x211: {  	v62 =	vld.idx.msk [tilespmem:v16+s19+$0x0], $0xffff;
	v16 =	vadd.s32 s9, v63;
	v20 =	vadd.s32 s10, v27;
	v18 =	vor.u32 v25, v18  }
0x212: {  	v14 =	vld.idx.msk [tilespmem:v14+s19+$0x0], $0xffff;
	v4 =	vor.u32 v4, v16;
	v29 =	vor.u32 v21, v20;
	v20 =	vadd.s32 s10, v30  }
0x213: {  	v17 =	vld.idx.msk [tilespmem:v17+s19+$0x0], $0xffff;
	v32 =	vor.u32 v31, v20;
	v20 =	vadd.s32 s22, v33;
	v0 =	vadd.f32 v0, v6  }
0x214: {  	v19 =	vadd.s32 $0x30, v57;
	v7 =	vor.u32 v7, v20;
	v9 =	vld.idx.msk [tilespmem:v9+s19+$0x0], $0xffff  }
0x215: {  	v34 =	vand.u32 $0xFFFFFF80, v19;
	v5 =	vld.idx.msk [tilespmem:v5+s19+$0x0], $0xffff;
	v0 =	vadd.f32 v1, v0  }
0x216: {  	v36 =	vand.u32 $0x7F, v19;
	v18 =	vld.idx.msk [tilespmem:v18+s24+$0x0], $0xffff;
	v1 =	vadd.s32 s10, v34  }
0x217: {  	v35 =	vld.idx.msk [tilespmem:v29+s24+$0x0], $0xffff;
	v37 =	vor.u32 v36, v1;
	v3 =	vadd.f32 v3, v0  }
0x218: {  	v11 =	vadd.f32 v15, v11;
	v4 =	vld.idx.msk [tilespmem:v4+s19+$0x0], $0xffff  }
0x219: {  	v12 =	vadd.f32 v62, v12;
	v7 =	vld.idx.msk [tilespmem:v7+s19+$0x0], $0xffff;
	v3 =	vadd.f32 v2, v3  }
0x21a: {  	v6 =	vld.idx.msk [tilespmem:v32+s24+$0x0], $0xffff;
	v1 =	vadd.f32 v14, v11;
	v0 =	vadd.f32 v59, v10  }
0x21b: {  	v45 =	vand.u32 $0xFFFFFF80, v39;
	v38 =	vadd.f32 v17, v12;
	v3 =	vadd.f32 v5, v3  }
0x21c: {  	v51 =	vadd.s32 $0x20, v39;
	v41 =	vmul.f32 v35, v1;
	v40 =	vmul.f32 v18, v0;
	v42 =	vld.idx.msk [tilespmem:v37+s24+$0x0], $0xffff  }
0x21d: {  	v47 =	vadd.s32 $0x10, v39;
	v2 =	vadd.f32 v9, v38;
	v3 =	vadd.f32 v4, v3  }
0x21e: {  	s11 =	sadd.s32 $0xFFFFFE00, s7;
	v46 =	vand.u32 $0x7F, v39;
	v49 =	vand.u32 $0xFFFFFF80, v47;
	v43 =	vadd.f32 v41, v40  }
0x21f: {  	v44 =	vmul.f32 v6, v2;
	v5 =	vadd.s32 s11, v45;
	v3 =	vadd.f32 v7, v3  }
0x220: {  	v53 =	vand.u32 $0xFFFFFF80, v51;
	v6 =	vadd.s32 s11, v49;
	v5 =	vor.u32 v46, v5  }
0x221: {  	v4 =	vadd.f32 v44, v43;
	v7 =	vand.u32 $0x7F, v47;
	v48 =	vmul.f32 v42, v3  }
0x222: {  	v50 =	vld [tilespmem:s31+$0xFFFFFFD0];
	v55 =	vadd.s32 s11, v53;
	v6 =	vor.u32 v7, v6  }
0x223: {  	v52 =	vld [tilespmem:s31+$0xFFFFFFE0];
	v11 =	vand.u32 $0x7F, v51;
	v10 =	vadd.s32 $0x30, v39;
	v8 =	vadd.f32 v48, v4  }
0x224: {  	v54 =	vld [tilespmem:s31+$0xFFFFFFF0];
	v11 =	vor.u32 v11, v55;
	v56 =	vand.u32 $0xFFFFFF80, v10  }
0x225: {  	v57 =	vand.u32 $0x7F, v10;
	v58 =	vadd.s32 s11, v56;
	v4 =	vld [tilespmem:s31+$0x0];
	[tilespmem:s17+$0xFFFFFE80] =	vst v8  }
0x226: {  	v8 =	vor.u32 v57, v58;
	v5 =	vld.idx.msk [tilespmem:v5+s24+$0x0], $0xffff  }
0x227: {  	v6 =	vld.idx.msk [tilespmem:v6+s24+$0x0], $0xffff;
	_ =	sdelay $0x1  }
0x228: {  	v59 =	vld.idx.msk [tilespmem:v11+s24+$0x0], $0xffff;
	_ =	sdelay $0x1  }
0x229: {  	v8 =	vld.idx.msk [tilespmem:v8+s24+$0x0], $0xffff  }
0x22a: {  	v5 =	vmul.f32 v5, v0;
	v6 =	vmul.f32 v6, v1;
	_ =	sdelay $0x1  }
0x22b: {  	v13 =	vadd.s32 $0x10, v50;
	v60 =	vmul.f32 v59, v2;
	v5 =	vadd.f32 v6, v5  }
0x22c: {  	v63 =	vand.u32 $0x7F, v50;
	v15 =	vand.u32 $0xFFFFFF80, v13  }
0x22d: {  	s12 =	sadd.s32 $0xFFFFFE80, s7;
	v62 =	vand.u32 $0xFFFFFF80, v50;
	v5 =	vadd.f32 v60, v5;
	v61 =	vmul.f32 v8, v3  }
0x22e: {  	v16 =	vand.u32 $0x7F, v13;
	v17 =	vadd.s32 $0x20, v50;
	v8 =	vadd.s32 s12, v62  }
0x22f: {  	v14 =	vor.u32 v63, v8;
	v8 =	vadd.s32 s12, v15;
	v5 =	vadd.f32 v61, v5  }
0x230: {  	v18 =	vand.u32 $0xFFFFFF80, v17;
	v9 =	vadd.s32 $0x30, v50;
	v8 =	vor.u32 v16, v8  }
0x231: {  	v10 =	vadd.s32 s12, v18;
	v11 =	vand.u32 $0x7F, v17;
	v5 =	vsub.f32 $0.0e+00, v5  }
0x232: {  	v19 =	vand.u32 $0xFFFFFF80, v9;
	v10 =	vor.u32 v11, v10  }
0x233: {  	v20 =	vand.u32 $0x7F, v9;
	v21 =	vadd.s32 s12, v19;
	[tilespmem:s17+$0xFFFFFF00] =	vst v5  }
0x234: {  	v5 =	vor.u32 v20, v21;
	v6 =	vld.idx.msk [tilespmem:v14+s24+$0x0], $0xffff  }
0x235: {  	v8 =	vld.idx.msk [tilespmem:v8+s24+$0x0], $0xffff;
	_ =	sdelay $0x1  }
0x236: {  	v22 =	vld.idx.msk [tilespmem:v10+s24+$0x0], $0xffff;
	_ =	sdelay $0x1  }
0x237: {  	v5 =	vld.idx.msk [tilespmem:v5+s24+$0x0], $0xffff  }
0x238: {  	v6 =	vmul.f32 v6, v0;
	v8 =	vmul.f32 v8, v1;
	_ =	sdelay $0x1  }
0x239: {  	v23 =	vmul.f32 v22, v2;
	v6 =	vadd.f32 v8, v6  }
0x23a: {  	v24 =	vand.u32 $0xFFFFFF80, v52;
	v25 =	vand.u32 $0x7F, v52;
	v26 =	vadd.s32 $0x10, v52  }
0x23b: {  	s13 =	sadd.s32 $0xFFFFFF00, s7;
	v30 =	vadd.s32 $0x20, v52;
	v6 =	vadd.f32 v23, v6;
	v5 =	vmul.f32 v5, v3  }
0x23c: {  	v28 =	vand.u32 $0xFFFFFF80, v26;
	v29 =	vand.u32 $0x7F, v26;
	v8 =	vadd.s32 s13, v24  }
0x23d: {  	v27 =	vor.u32 v25, v8;
	v8 =	vadd.s32 s13, v28;
	v5 =	vadd.f32 v5, v6  }
0x23e: {  	v31 =	vand.u32 $0xFFFFFF80, v30;
	v32 =	vadd.s32 $0x30, v52;
	v8 =	vor.u32 v29, v8  }
0x23f: {  	v9 =	vadd.s32 s13, v31;
	v10 =	vand.u32 $0x7F, v30;
	v5 =	vsub.f32 $0.0e+00, v5  }
0x240: {  	v33 =	vand.u32 $0xFFFFFF80, v32;
	v9 =	vor.u32 v10, v9  }
0x241: {  	v34 =	vand.u32 $0x7F, v32;
	v10 =	vadd.s32 s13, v33;
	[tilespmem:s17+$0xFFFFFF80] =	vst v5  }
0x242: {  	v5 =	vor.u32 v34, v10;
	v6 =	vld.idx.msk [tilespmem:v27+s24+$0x0], $0xffff  }
0x243: {  	v8 =	vld.idx.msk [tilespmem:v8+s24+$0x0], $0xffff;
	_ =	sdelay $0x1  }
0x244: {  	v9 =	vld.idx.msk [tilespmem:v9+s24+$0x0], $0xffff;
	_ =	sdelay $0x1  }
0x245: {  	v5 =	vld.idx.msk [tilespmem:v5+s24+$0x0], $0xffff  }
0x246: {  	v6 =	vmul.f32 v6, v0;
	v8 =	vmul.f32 v8, v1;
	_ =	sdelay $0x1  }
0x247: {  	v35 =	vmul.f32 v9, v2;
	v6 =	vadd.f32 v8, v6  }
0x248: {  	v36 =	vand.u32 $0xFFFFFF80, v54;
	v38 =	vadd.s32 $0x10, v54;
	v37 =	vand.u32 $0x7F, v54  }
0x249: {  	s22 =	sadd.s32 $0xFFFFFF80, s7;
	v40 =	vand.u32 $0xFFFFFF80, v38;
	v6 =	vadd.f32 v35, v6;
	v5 =	vmul.f32 v5, v3  }
0x24a: {  	v41 =	vand.u32 $0x7F, v38;
	v42 =	vadd.s32 $0x20, v54;
	v8 =	vadd.s32 s22, v36  }
0x24b: {  	v39 =	vor.u32 v37, v8;
	v8 =	vadd.s32 s22, v40;
	v5 =	vadd.f32 v5, v6  }
0x24c: {  	v7 =	vadd.s32 $0x30, v54;
	v43 =	vand.u32 $0xFFFFFF80, v42;
	v8 =	vor.u32 v41, v8  }
0x24d: {  	v10 =	vand.u32 $0x7F, v42;
	v9 =	vadd.s32 s22, v43;
	v5 =	vsub.f32 $0.0e+00, v5  }
0x24e: {  	v44 =	vand.u32 $0xFFFFFF80, v7;
	v9 =	vor.u32 v10, v9  }
0x24f: {  	v45 =	vand.u32 $0x7F, v7;
	v46 =	vadd.s32 s22, v44;
	[tilespmem:s17+$0x0] =	vst v5  }
0x250: {  	v5 =	vor.u32 v45, v46;
	v6 =	vld.idx.msk [tilespmem:v39+s24+$0x0], $0xffff  }
0x251: {  	v47 =	vld.idx.msk [tilespmem:v8+s24+$0x0], $0xffff;
	_ =	sdelay $0x1  }
0x252: {  	v48 =	vld.idx.msk [tilespmem:v9+s24+$0x0], $0xffff;
	_ =	sdelay $0x1  }
0x253: {  	v5 =	vld.idx.msk [tilespmem:v5+s24+$0x0], $0xffff  }
0x254: {  	v6 =	vmul.f32 v6, v0;
	v7 =	vmul.f32 v47, v1;
	_ =	sdelay $0x1  }
0x255: {  	v49 =	vmul.f32 v48, v2;
	v6 =	vadd.f32 v7, v6  }
0x256: {  	v50 =	vand.u32 $0xFFFFFF80, v4;
	v51 =	vand.u32 $0x7F, v4;
	v52 =	vadd.s32 $0x10, v4  }
0x257: {  	v56 =	vadd.s32 $0x20, v4;
	v6 =	vadd.f32 v49, v6;
	v5 =	vmul.f32 v5, v3  }
0x258: {  	v54 =	vand.u32 $0xFFFFFF80, v52;
	v55 =	vand.u32 $0x7F, v52;
	v7 =	vadd.s32 s7, v50  }
0x259: {  	v53 =	vor.u32 v51, v7;
	v7 =	vadd.s32 s7, v54;
	v5 =	vadd.f32 v5, v6  }
0x25a: {  	v4 =	vadd.s32 $0x30, v4;
	v57 =	vand.u32 $0xFFFFFF80, v56;
	v7 =	vor.u32 v55, v7  }
0x25b: {  	v9 =	vand.u32 $0x7F, v56;
	v8 =	vadd.s32 s7, v57;
	v5 =	vsub.f32 $0.0e+00, v5  }
0x25c: {  	v58 =	vand.u32 $0xFFFFFF80, v4;
	v8 =	vor.u32 v9, v8  }
0x25d: {  	v4 =	vand.u32 $0x7F, v4;
	v59 =	vadd.s32 s7, v58;
	[tilespmem:s17+$0x80] =	vst v5  }
0x25e: {  	v4 =	vor.u32 v4, v59;
	v6 =	vld.idx.msk [tilespmem:v53+s24+$0x0], $0xffff  }
0x25f: {  	v60 =	vld.idx.msk [tilespmem:v7+s24+$0x0], $0xffff;
	_ =	sdelay $0x1  }
0x260: {  	v61 =	vld.idx.msk [tilespmem:v8+s24+$0x0], $0xffff;
	_ =	sdelay $0x1  }
0x261: {  	v4 =	vld.idx.msk [tilespmem:v4+s24+$0x0], $0xffff  }
0x262: {  	v0 =	vmul.f32 v6, v0;
	v1 =	vmul.f32 v60, v1;
	_ =	sdelay $0x1  }
0x263: {  	v62 =	vmul.f32 v61, v2;
	v0 =	vadd.f32 v1, v0;
	_ =	sdelay $0x1  }
0x264: {  	v63 =	vmul.f32 v4, v3;
	v0 =	vadd.f32 v62, v0  }
0x265: {  	p0 =	sne.s32 s30, $0x13F  }
.Ltmp2:
0x266: {  	v0 =	vadd.f32 v63, v0;
	(pc) =	sbr.rel @p0 .LBB2_6-.Ltmp2, $4  }
0x267: {  	_ = 	snop  }
0x268: {  	v0 =	vsub.f32 $0.0e+00, v0  }
0x269: {  	s1 =	sadd.s32 $0xA0, s1;
	s30 =	sadd.s32 $0xA, s30;
	s16 =	sadd.s32 $0xA0, s16  }
0x26a: {  	s0 =	sadd.s32 $0x6, s0;
	s31 =	sadd.s32 $0x60, s31;
	[tilespmem:s17+$0x100] =	vst v0;
	s17 =	sadd.s32 $0x300, s17  }
0x26b: {  	s0 =	rddreg [dreg:$0x7]  }
0x26c: {  	[hbm4b:s0+s2] =	stream.linear.scatter [tilespmem:s29], [sflag:$0x2], $0x6000, $0x38;
	[tilespmem:$0x1E800] =	vst v63  }
0x26d: {  	_ =	swait.ge [sflag:s14], $0x6000  }
0x26e: {  	[sflag:s14] =	ssyncset.done $0x0  }
0x26f: {  	s13 =	simm.s32 $0x3C0;
	[sflag:s14] =	ssyncadd.s32 $0xFFFFA000  }
0x270: {  	[tilespmem:s19], [sflag:$0x1] =	stream.indirect.gather [hbm4b:s3+s18], $0x80, s13, s18, $0xb8;
	[tilespmem:$0x1E800] =	vst v63  }
0x271: {  	s15 =	simm.s32 $0x440  }
0x272: {  	[tilespmem:s20], [sflag:$0x1] =	stream.indirect.gather [hbm4b:s3+s18], $0x80, s15, s18, $0xb8;
	[tilespmem:$0x1E800] =	vst v63  }
0x273: {  	s16 =	simm.s32 $0x4C0  }
0x274: {  	[tilespmem:s23], [sflag:$0x1] =	stream.indirect.gather [hbm4b:s3+s21], $0x80, s16, s21, $0xb8;
	[tilespmem:$0x1E800] =	vst v63  }
0x275: {  	s17 =	simm.s32 $0x740  }
0x276: {  	[tilespmem:s24], [sflag:$0x1] =	stream.indirect.gather [hbm4b:s4+s18], $0x80, s17, s18, $0xb8;
	[tilespmem:$0x1E800] =	vst v63  }
0x277: {  	s22 =	simm.s32 $0x7C0  }
0x278: {  	[tilespmem:s26], [sflag:$0x1] =	stream.indirect.gather [hbm4b:s4+s21], $0x80, s22, s21, $0xb8;
	[tilespmem:$0x1E800] =	vst v63  }
0x279: {  	_ =	swait.ge [sflag:s28], $0x4000  }
0x27a: {  	[sflag:s28] =	ssyncset.done $0x0  }
0x27b: {  	[sflag:s28] =	ssyncadd.s32 $0xFFFFC000  }
0x27c: {  	_ =	swait.ge [sflag:s28], $0x4000  }
0x27d: {  	[sflag:s28] =	ssyncset.done $0x0  }
0x27e: {  	[sflag:s28] =	ssyncadd.s32 $0xFFFFC000  }
0x27f: {  	_ =	swait.ge [sflag:s28], $0x2000  }
0x280: {  	[sflag:s28] =	ssyncset.done $0x0  }
0x281: {  	[sflag:s28] =	ssyncadd.s32 $0xFFFFE000  }
0x282: {  	_ =	swait.ge [sflag:s28], $0x4000  }
0x283: {  	[sflag:s28] =	ssyncset.done $0x0  }
0x284: {  	[sflag:s28] =	ssyncadd.s32 $0xFFFFC000  }
0x285: {  	s30 =	simm.s32 $0x9;
	s31 =	simm.s32 $0x7C50;
	_ =	swait.ge [sflag:s28], $0x2000  }
0x286: {  	s1 =	simm.s32 $0x3C00;
	s0 =	simm.s32 $0x5;
	[sflag:s28] =	ssyncset.done $0x0  }
0x287: {  	s16 =	simm.s32 $0x4490;
	s17 =	simm.s32 $0x18980;
	[sflag:s28] =	ssyncadd.s32 $0xFFFFE000  }
.LBB2_8:
0x288: {  	v9 =	vld [tilespmem:s16+$0xFFFFFF70]  }
0x289: {  	v8 =	vld [tilespmem:s16+$0xFFFFFF80]  }
0x28a: {  	v6 =	vld [tilespmem:s16+$0xFFFFFF90]  }
0x28b: {  	v0 =	vld [tilespmem:s16+$0xFFFFFFA0];
	_ =	sdelay $0x2  }
0x28c: {  	v1 =	vand.u32 $0xFFFFFF80, v9;
	v2 =	vand.u32 $0x7F, v9  }
0x28d: {  	v4 =	vand.u32 $0xFFFFFF80, v8;
	v24 =	vand.u32 $0x7F, v8;
	v26 =	vand.u32 $0xFFFFFF80, v6  }
0x28e: {  	v7 =	vand.u32 $0x7F, v6;
	v10 =	vand.u32 $0xFFFFFF80, v0;
	v11 =	vand.u32 $0x7F, v0  }
0x28f: {  	v32 =	vadd.s32 $0x10, v9;
	v14 =	vadd.s32 $0x10, v8;
	v15 =	vadd.s32 $0x10, v6  }
0x290: {  	s22 =	sshll.u32 s30, $0x7;
	v38 =	vadd.s32 $0x10, v0;
	v54 =	vadd.s32 $0x20, v9;
	v21 =	vadd.s32 $0x20, v8  }
0x291: {  	s13 =	sadd.s32 $0xFFFFFB80, s22;
	s12 =	sadd.s32 $0xFFFFFC00, s22;
	v62 =	vadd.s32 $0x20, v6;
	v9 =	vadd.s32 $0x30, v9;
	v8 =	vadd.s32 $0x30, v8  }
0x292: {  	s5 =	sadd.s32 $0xFFFFFD00, s22;
	v6 =	vadd.s32 $0x30, v6;
	v3 =	vadd.s32 s13, v1;
	v25 =	vadd.s32 s12, v4  }
0x293: {  	v10 =	vadd.s32 s5, v10;
	v33 =	vand.u32 $0xFFFFFF80, v32;
	v34 =	vand.u32 $0xFFFFFF80, v14  }
0x294: {  	v1 =	vld [tilespmem:s16+$0xFFFFFFB0];
	v14 =	vand.u32 $0x7F, v14;
	v36 =	vand.u32 $0xFFFFFF80, v15;
	v5 =	vor.u32 v2, v3  }
0x295: {  	s11 =	sadd.s32 $0xFFFFFC80, s22;
	v15 =	vand.u32 $0x7F, v15;
	v17 =	vand.u32 $0xFFFFFF80, v38;
	v4 =	vor.u32 v24, v25  }
0x296: {  	v55 =	vand.u32 $0xFFFFFF80, v54;
	v22 =	vand.u32 $0xFFFFFF80, v21;
	v2 =	vadd.s32 s11, v26  }
0x297: {  	v56 =	vand.u32 $0x7F, v21;
	v21 =	vand.u32 $0xFFFFFF80, v62;
	v3 =	vld [tilespmem:s16+$0xFFFFFFC0];
	v7 =	vor.u32 v7, v2  }
0x298: {  	v10 =	vor.u32 v11, v10;
	v17 =	vadd.s32 s5, v17;
	v57 =	vadd.s32 s12, v22;
	v2 =	vld [tilespmem:s16+$0xFFFFFFD0]  }
0x299: {  	s6 =	sadd.s32 $0xFFFFFD80, s22;
	v22 =	vadd.s32 $0x20, v0;
	v0 =	vadd.s32 $0x30, v0;
	v27 =	vand.u32 $0xFFFFFF80, v1;
	v5 =	vld.idx.msk [tilespmem:v5+s19+$0x0], $0xffff  }
0x29a: {  	v58 =	vor.u32 v56, v57;
	v12 =	vand.u32 $0x7F, v1;
	v4 =	vld.idx.msk [tilespmem:v4+s19+$0x0], $0xffff;
	v11 =	vadd.s32 s6, v27  }
0x29b: {  	v23 =	vand.u32 $0xFFFFFF80, v22;
	v24 =	vand.u32 $0x7F, v22;
	v11 =	vor.u32 v12, v11  }
0x29c: {  	s7 =	sadd.s32 $0xFFFFFE00, s22;
	v18 =	vadd.s32 $0x10, v1;
	v25 =	vadd.s32 $0x20, v1;
	v28 =	vand.u32 $0xFFFFFF80, v3;
	v7 =	vld.idx.msk [tilespmem:v7+s19+$0x0], $0xffff  }
0x29d: {  	s15 =	sadd.s32 $0xFFFFFE80, s22;
	v13 =	vand.u32 $0x7F, v3;
	v12 =	vadd.s32 s7, v28;
	v29 =	vand.u32 $0xFFFFFF80, v2  }
0x29e: {  	v10 =	vld.idx.msk [tilespmem:v10+s19+$0x0], $0xffff;
	v30 =	vand.u32 $0x7F, v2;
	v12 =	vor.u32 v13, v12;
	v13 =	vadd.s32 s15, v29  }
0x29f: {  	v57 =	vld [tilespmem:s31+$0xFFFFFFB0];
	v1 =	vadd.s32 $0x30, v1;
	v13 =	vor.u32 v30, v13;
	v4 =	vadd.f32 v4, v5  }
0x2a0: {  	v41 =	vand.u32 $0xFFFFFF80, v18;
	v18 =	vand.u32 $0x7F, v18;
	v19 =	vadd.s32 $0x10, v3;
	v11 =	vld.idx.msk [tilespmem:v11+s19+$0x0], $0xffff  }
0x2a1: {  	v27 =	vand.u32 $0xFFFFFF80, v25;
	v43 =	vand.u32 $0xFFFFFF80, v19;
	v4 =	vadd.f32 v7, v4  }
0x2a2: {  	v44 =	vand.u32 $0x7F, v19;
	v20 =	vadd.s32 $0x10, v2;
	v19 =	vadd.s32 s13, v55;
	v5 =	vld [tilespmem:s16+$0xFFFFFFE0]  }
0x2a3: {  	v28 =	vand.u32 $0x7F, v25;
	v55 =	vand.u32 $0xFFFFFF80, v1;
	v31 =	vld.idx.msk [tilespmem:v12+s19+$0x0], $0xffff;
	v4 =	vadd.f32 v10, v4  }
0x2a4: {  	s9 =	sand.u32 $0x7FE0, s1;
	v1 =	vand.u32 $0x7F, v1;
	v25 =	vand.u32 $0x7F, v57;
	v45 =	vadd.s32 s7, v43;
	v13 =	vld.idx.msk [tilespmem:v13+s19+$0x0], $0xffff  }
0x2a5: {  	v12 =	vand.u32 $0x7F, v32;
	v10 =	vadd.s32 s13, v33;
	v11 =	vadd.f32 v11, v4;
	v4 =	vld [tilespmem:s9+$0x880]  }
0x2a6: {  	v47 =	vand.u32 $0xFFFFFF80, v20;
	v10 =	vor.u32 v12, v10;
	v12 =	vadd.s32 s12, v34  }
0x2a7: {  	s10 =	sadd.s32 $0xFFFFFF00, s22;
	v37 =	vand.u32 $0xFFFFFF80, v5;
	v16 =	vand.u32 $0x7F, v5;
	v35 =	vor.u32 v14, v12  }
0x2a8: {  	v12 =	vadd.s32 s11, v36;
	v14 =	vadd.s32 s10, v37;
	v7 =	vadd.f32 v31, v11  }
0x2a9: {  	v48 =	vand.u32 $0x7F, v20;
	v12 =	vor.u32 v15, v12;
	v14 =	vor.u32 v16, v14  }
0x2aa: {  	s9 =	sadd.s32 $0xFFFFFF80, s22;
	v13 =	vadd.f32 v13, v7;
	v7 =	vand.u32 $0x7F, v38;
	v39 =	vand.u32 $0xFFFFFF80, v4  }
0x2ab: {  	v40 =	vand.u32 $0x7F, v4;
	v17 =	vor.u32 v7, v17;
	v15 =	vadd.s32 s9, v39  }
0x2ac: {  	v20 =	vand.u32 $0x7F, v54;
	v29 =	vadd.s32 $0x20, v3;
	v10 =	vld.idx.msk [tilespmem:v10+s19+$0x0], $0xffff;
	v15 =	vor.u32 v40, v15  }
0x2ad: {  	v19 =	vor.u32 v20, v19;
	v49 =	vadd.s32 $0x10, v5;
	v11 =	vld.idx.msk [tilespmem:v35+s19+$0x0], $0xffff;
	v7 =	vadd.s32 s6, v41  }
0x2ae: {  	v52 =	vand.u32 $0xFFFFFF80, v49;
	v12 =	vld.idx.msk [tilespmem:v12+s19+$0x0], $0xffff;
	v42 =	vor.u32 v18, v7;
	v18 =	vadd.s32 s15, v47  }
0x2af: {  	v53 =	vand.u32 $0x7F, v49;
	v14 =	vld.idx.msk [tilespmem:v14+s19+$0x0], $0xffff;
	v51 =	vor.u32 v48, v18;
	v18 =	vadd.s32 s10, v52  }
0x2b0: {  	v54 =	vand.u32 $0xFFFFFF80, v0;
	v3 =	vadd.s32 $0x30, v3;
	v18 =	vor.u32 v53, v18;
	v50 =	vld.idx.msk [tilespmem:v17+s19+$0x0], $0xffff  }
0x2b1: {  	v0 =	vand.u32 $0x7F, v0;
	v46 =	vor.u32 v44, v45;
	v56 =	vand.u32 $0xFFFFFF80, v3;
	v15 =	vld.idx.msk [tilespmem:v15+s19+$0x0], $0xffff  }
0x2b2: {  	v3 =	vand.u32 $0x7F, v3;
	v33 =	vadd.s32 $0x20, v2;
	v10 =	vadd.f32 v11, v10  }
0x2b3: {  	v32 =	vand.u32 $0x7F, v29;
	v2 =	vadd.s32 $0x30, v2;
	v34 =	vand.u32 $0xFFFFFF80, v33  }
0x2b4: {  	v63 =	vld.idx.msk [tilespmem:v19+s19+$0x0], $0xffff;
	v19 =	vand.u32 $0x7F, v33;
	v13 =	vadd.f32 v14, v13;
	v10 =	vadd.f32 v12, v10  }
0x2b5: {  	v45 =	vadd.s32 $0x20, v5;
	v5 =	vadd.s32 $0x30, v5;
	v61 =	vld.idx.msk [tilespmem:v18+s19+$0x0], $0xffff;
	v18 =	vand.u32 $0x7F, v62  }
0x2b6: {  	v12 =	vadd.f32 v50, v10;
	v10 =	vadd.f32 v15, v13;
	v15 =	vadd.s32 s11, v21  }
0x2b7: {  	v36 =	vand.u32 $0xFFFFFF80, v8;
	v8 =	vand.u32 $0x7F, v8;
	v16 =	vld.idx.msk [tilespmem:v42+s19+$0x0], $0xffff;
	v15 =	vor.u32 v18, v15  }
0x2b8: {  	v37 =	vand.u32 $0xFFFFFF80, v6;
	v6 =	vand.u32 $0x7F, v6;
	v31 =	vand.u32 $0xFFFFFF80, v29;
	v7 =	vld [tilespmem:s16+$0x0]  }
0x2b9: {  	v35 =	vand.u32 $0xFFFFFF80, v9;
	v9 =	vand.u32 $0x7F, v9;
	v38 =	vadd.s32 $0x10, v4;
	v11 =	vld.idx.msk [tilespmem:v46+s19+$0x0], $0xffff  }
0x2ba: {  	v20 =	vadd.s32 s13, v35;
	v39 =	vand.u32 $0xFFFFFF80, v38;
	v47 =	vand.u32 $0x7F, v45;
	v14 =	vld.idx.msk [tilespmem:v58+s19+$0x0], $0xffff  }
0x2bb: {  	v9 =	vor.u32 v9, v20;
	v40 =	vand.u32 $0x7F, v38;
	v41 =	vadd.s32 s9, v39;
	v17 =	vld.idx.msk [tilespmem:v51+s19+$0x0], $0xffff  }
0x2bc: {  	v48 =	vadd.s32 $0x20, v4;
	v4 =	vadd.s32 $0x30, v4;
	v12 =	vadd.f32 v16, v12;
	v15 =	vld.idx.msk [tilespmem:v15+s19+$0x0], $0xffff  }
0x2bd: {  	v49 =	vand.u32 $0xFFFFFF80, v48;
	v46 =	vand.u32 $0xFFFFFF80, v45;
	v59 =	vand.u32 $0xFFFFFF80, v7  }
0x2be: {  	v60 =	vand.u32 $0x7F, v7;
	v18 =	vadd.s32 s15, v34;
	v11 =	vadd.f32 v11, v12  }
0x2bf: {  	v12 =	vadd.f32 v14, v63;
	v18 =	vor.u32 v19, v18;
	v19 =	vadd.s32 s12, v36  }
0x2c0: {  	v8 =	vor.u32 v8, v19;
	v11 =	vadd.f32 v17, v11;
	v17 =	vadd.s32 s5, v23  }
0x2c1: {  	v26 =	vor.u32 v24, v17;
	v12 =	vadd.f32 v15, v12;
	v15 =	vadd.s32 s11, v37  }
0x2c2: {  	v42 =	vadd.s32 $0x10, v7;
	v58 =	vadd.s32 s7, v56;
	v6 =	vor.u32 v6, v15  }
0x2c3: {  	v43 =	vand.u32 $0xFFFFFF80, v42;
	v44 =	vand.u32 $0x7F, v42;
	v17 =	vadd.s32 s6, v27  }
0x2c4: {  	v9 =	vld.idx.msk [tilespmem:v9+s19+$0x0], $0xffff;
	v51 =	vadd.s32 $0x20, v7;
	v13 =	vadd.s32 s22, v59;
	v30 =	vor.u32 v28, v17  }
0x2c5: {  	v3 =	vor.u32 v3, v58;
	v13 =	vor.u32 v60, v13;
	v17 =	vadd.s32 s7, v31;
	v8 =	vld.idx.msk [tilespmem:v8+s19+$0x0], $0xffff  }
0x2c6: {  	v7 =	vadd.s32 $0x30, v7;
	v52 =	vand.u32 $0xFFFFFF80, v51;
	v17 =	vor.u32 v32, v17;
	v16 =	vld.idx.msk [tilespmem:v26+s19+$0x0], $0xffff  }
0x2c7: {  	v53 =	vand.u32 $0x7F, v51;
	v33 =	vand.u32 $0xFFFFFF80, v7;
	v7 =	vand.u32 $0x7F, v7;
	v6 =	vld.idx.msk [tilespmem:v6+s19+$0x0], $0xffff  }
0x2c8: {  	v50 =	vand.u32 $0x7F, v48;
	v60 =	vand.u32 $0xFFFFFF80, v2;
	v2 =	vand.u32 $0x7F, v2  }
0x2c9: {  	v63 =	vand.u32 $0xFFFFFF80, v4;
	v4 =	vand.u32 $0x7F, v4;
	v24 =	vand.u32 $0xFFFFFF80, v57;
	v14 =	vld.idx.msk [tilespmem:v30+s19+$0x0], $0xffff  }
0x2ca: {  	v11 =	vadd.f32 v61, v11;
	v59 =	vld.idx.msk [tilespmem:v13+s19+$0x0], $0xffff;
	v13 =	vadd.s32 s15, v60;
	v8 =	vadd.f32 v8, v9  }
0x2cb: {  	v61 =	vand.u32 $0xFFFFFF80, v5;
	v5 =	vand.u32 $0x7F, v5;
	v2 =	vor.u32 v2, v13;
	v17 =	vld.idx.msk [tilespmem:v17+s19+$0x0], $0xffff  }
0x2cc: {  	v12 =	vadd.f32 v16, v12;
	v6 =	vadd.f32 v6, v8;
	v8 =	vadd.s32 s5, v54  }
0x2cd: {  	v28 =	vadd.s32 $0x20, v57;
	v18 =	vld.idx.msk [tilespmem:v18+s19+$0x0], $0xffff;
	v15 =	vor.u32 v40, v41;
	v0 =	vor.u32 v0, v8  }
0x2ce: {  	v16 =	vadd.s32 s22, v43;
	v12 =	vadd.f32 v14, v12;
	v8 =	vadd.s32 s6, v55  }
0x2cf: {  	v39 =	vld [tilespmem:s31+$0xFFFFFFC0];
	v14 =	vor.u32 v44, v16;
	v16 =	vadd.s32 s10, v46;
	v1 =	vor.u32 v1, v8  }
0x2d0: {  	v3 =	vld.idx.msk [tilespmem:v3+s19+$0x0], $0xffff;
	v26 =	vadd.s32 $0x10, v57;
	v16 =	vor.u32 v47, v16;
	v12 =	vadd.f32 v17, v12  }
0x2d1: {  	v31 =	vand.u32 $0x7F, v28;
	v27 =	vand.u32 $0xFFFFFF80, v26;
	v2 =	vld.idx.msk [tilespmem:v2+s19+$0x0], $0xffff;
	v17 =	vadd.s32 s9, v49  }
0x2d2: {  	s7 =	sshll.u32 s0, $0x7;
	v17 =	vor.u32 v50, v17;
	v12 =	vadd.f32 v18, v12;
	v18 =	vadd.s32 s22, v52;
	v0 =	vld.idx.msk [tilespmem:v0+s19+$0x0], $0xffff  }
0x2d3: {  	v21 =	vand.u32 $0x7F, v26;
	v15 =	vld.idx.msk [tilespmem:v15+s19+$0x0], $0xffff;
	v9 =	vor.u32 v53, v18;
	v18 =	vadd.s32 s10, v61;
	s10 =	sadd.s32 $0xFFFFFD80, s7  }
0x2d4: {  	v30 =	vand.u32 $0xFFFFFF80, v28;
	v5 =	vor.u32 v5, v18;
	v18 =	vadd.s32 s10, v24;
	v1 =	vld.idx.msk [tilespmem:v1+s19+$0x0], $0xffff  }
0x2d5: {  	v62 =	vld.idx.msk [tilespmem:v16+s19+$0x0], $0xffff;
	v16 =	vadd.s32 s9, v63;
	v20 =	vadd.s32 s10, v27;
	v18 =	vor.u32 v25, v18  }
0x2d6: {  	v14 =	vld.idx.msk [tilespmem:v14+s19+$0x0], $0xffff;
	v4 =	vor.u32 v4, v16;
	v29 =	vor.u32 v21, v20;
	v20 =	vadd.s32 s10, v30  }
0x2d7: {  	v17 =	vld.idx.msk [tilespmem:v17+s19+$0x0], $0xffff;
	v32 =	vor.u32 v31, v20;
	v20 =	vadd.s32 s22, v33;
	v0 =	vadd.f32 v0, v6  }
0x2d8: {  	v19 =	vadd.s32 $0x30, v57;
	v7 =	vor.u32 v7, v20;
	v9 =	vld.idx.msk [tilespmem:v9+s19+$0x0], $0xffff  }
0x2d9: {  	v34 =	vand.u32 $0xFFFFFF80, v19;
	v5 =	vld.idx.msk [tilespmem:v5+s19+$0x0], $0xffff;
	v0 =	vadd.f32 v1, v0  }
0x2da: {  	v36 =	vand.u32 $0x7F, v19;
	v18 =	vld.idx.msk [tilespmem:v18+s24+$0x0], $0xffff;
	v1 =	vadd.s32 s10, v34  }
0x2db: {  	v35 =	vld.idx.msk [tilespmem:v29+s24+$0x0], $0xffff;
	v37 =	vor.u32 v36, v1;
	v3 =	vadd.f32 v3, v0  }
0x2dc: {  	v11 =	vadd.f32 v15, v11;
	v4 =	vld.idx.msk [tilespmem:v4+s19+$0x0], $0xffff  }
0x2dd: {  	v12 =	vadd.f32 v62, v12;
	v7 =	vld.idx.msk [tilespmem:v7+s19+$0x0], $0xffff;
	v3 =	vadd.f32 v2, v3  }
0x2de: {  	v6 =	vld.idx.msk [tilespmem:v32+s24+$0x0], $0xffff;
	v1 =	vadd.f32 v14, v11;
	v0 =	vadd.f32 v59, v10  }
0x2df: {  	v45 =	vand.u32 $0xFFFFFF80, v39;
	v38 =	vadd.f32 v17, v12;
	v3 =	vadd.f32 v5, v3  }
0x2e0: {  	v51 =	vadd.s32 $0x20, v39;
	v41 =	vmul.f32 v35, v1;
	v40 =	vmul.f32 v18, v0;
	v42 =	vld.idx.msk [tilespmem:v37+s24+$0x0], $0xffff  }
0x2e1: {  	v47 =	vadd.s32 $0x10, v39;
	v2 =	vadd.f32 v9, v38;
	v3 =	vadd.f32 v4, v3  }
0x2e2: {  	s11 =	sadd.s32 $0xFFFFFE00, s7;
	v46 =	vand.u32 $0x7F, v39;
	v49 =	vand.u32 $0xFFFFFF80, v47;
	v43 =	vadd.f32 v41, v40  }
0x2e3: {  	v44 =	vmul.f32 v6, v2;
	v5 =	vadd.s32 s11, v45;
	v3 =	vadd.f32 v7, v3  }
0x2e4: {  	v53 =	vand.u32 $0xFFFFFF80, v51;
	v6 =	vadd.s32 s11, v49;
	v5 =	vor.u32 v46, v5  }
0x2e5: {  	v4 =	vadd.f32 v44, v43;
	v7 =	vand.u32 $0x7F, v47;
	v48 =	vmul.f32 v42, v3  }
0x2e6: {  	v50 =	vld [tilespmem:s31+$0xFFFFFFD0];
	v55 =	vadd.s32 s11, v53;
	v6 =	vor.u32 v7, v6  }
0x2e7: {  	v52 =	vld [tilespmem:s31+$0xFFFFFFE0];
	v11 =	vand.u32 $0x7F, v51;
	v10 =	vadd.s32 $0x30, v39;
	v8 =	vadd.f32 v48, v4  }
0x2e8: {  	v54 =	vld [tilespmem:s31+$0xFFFFFFF0];
	v11 =	vor.u32 v11, v55;
	v56 =	vand.u32 $0xFFFFFF80, v10  }
0x2e9: {  	v57 =	vand.u32 $0x7F, v10;
	v58 =	vadd.s32 s11, v56;
	v4 =	vld [tilespmem:s31+$0x0];
	[tilespmem:s17+$0xFFFFFE80] =	vst v8  }
0x2ea: {  	v8 =	vor.u32 v57, v58;
	v5 =	vld.idx.msk [tilespmem:v5+s24+$0x0], $0xffff  }
0x2eb: {  	v6 =	vld.idx.msk [tilespmem:v6+s24+$0x0], $0xffff;
	_ =	sdelay $0x1  }
0x2ec: {  	v59 =	vld.idx.msk [tilespmem:v11+s24+$0x0], $0xffff;
	_ =	sdelay $0x1  }
0x2ed: {  	v8 =	vld.idx.msk [tilespmem:v8+s24+$0x0], $0xffff  }
0x2ee: {  	v5 =	vmul.f32 v5, v0;
	v6 =	vmul.f32 v6, v1;
	_ =	sdelay $0x1  }
0x2ef: {  	v13 =	vadd.s32 $0x10, v50;
	v60 =	vmul.f32 v59, v2;
	v5 =	vadd.f32 v6, v5  }
0x2f0: {  	v63 =	vand.u32 $0x7F, v50;
	v15 =	vand.u32 $0xFFFFFF80, v13  }
0x2f1: {  	s12 =	sadd.s32 $0xFFFFFE80, s7;
	v62 =	vand.u32 $0xFFFFFF80, v50;
	v5 =	vadd.f32 v60, v5;
	v61 =	vmul.f32 v8, v3  }
0x2f2: {  	v16 =	vand.u32 $0x7F, v13;
	v17 =	vadd.s32 $0x20, v50;
	v8 =	vadd.s32 s12, v62  }
0x2f3: {  	v14 =	vor.u32 v63, v8;
	v8 =	vadd.s32 s12, v15;
	v5 =	vadd.f32 v61, v5  }
0x2f4: {  	v18 =	vand.u32 $0xFFFFFF80, v17;
	v9 =	vadd.s32 $0x30, v50;
	v8 =	vor.u32 v16, v8  }
0x2f5: {  	v10 =	vadd.s32 s12, v18;
	v11 =	vand.u32 $0x7F, v17;
	v5 =	vsub.f32 $0.0e+00, v5  }
0x2f6: {  	v19 =	vand.u32 $0xFFFFFF80, v9;
	v10 =	vor.u32 v11, v10  }
0x2f7: {  	v20 =	vand.u32 $0x7F, v9;
	v21 =	vadd.s32 s12, v19;
	[tilespmem:s17+$0xFFFFFF00] =	vst v5  }
0x2f8: {  	v5 =	vor.u32 v20, v21;
	v6 =	vld.idx.msk [tilespmem:v14+s24+$0x0], $0xffff  }
0x2f9: {  	v8 =	vld.idx.msk [tilespmem:v8+s24+$0x0], $0xffff;
	_ =	sdelay $0x1  }
0x2fa: {  	v22 =	vld.idx.msk [tilespmem:v10+s24+$0x0], $0xffff;
	_ =	sdelay $0x1  }
0x2fb: {  	v5 =	vld.idx.msk [tilespmem:v5+s24+$0x0], $0xffff  }
0x2fc: {  	v6 =	vmul.f32 v6, v0;
	v8 =	vmul.f32 v8, v1;
	_ =	sdelay $0x1  }
0x2fd: {  	v23 =	vmul.f32 v22, v2;
	v6 =	vadd.f32 v8, v6  }
0x2fe: {  	v24 =	vand.u32 $0xFFFFFF80, v52;
	v25 =	vand.u32 $0x7F, v52;
	v26 =	vadd.s32 $0x10, v52  }
0x2ff: {  	s13 =	sadd.s32 $0xFFFFFF00, s7;
	v30 =	vadd.s32 $0x20, v52;
	v6 =	vadd.f32 v23, v6;
	v5 =	vmul.f32 v5, v3  }
0x300: {  	v28 =	vand.u32 $0xFFFFFF80, v26;
	v29 =	vand.u32 $0x7F, v26;
	v8 =	vadd.s32 s13, v24  }
0x301: {  	v27 =	vor.u32 v25, v8;
	v8 =	vadd.s32 s13, v28;
	v5 =	vadd.f32 v5, v6  }
0x302: {  	v31 =	vand.u32 $0xFFFFFF80, v30;
	v32 =	vadd.s32 $0x30, v52;
	v8 =	vor.u32 v29, v8  }
0x303: {  	v9 =	vadd.s32 s13, v31;
	v10 =	vand.u32 $0x7F, v30;
	v5 =	vsub.f32 $0.0e+00, v5  }
0x304: {  	v33 =	vand.u32 $0xFFFFFF80, v32;
	v9 =	vor.u32 v10, v9  }
0x305: {  	v34 =	vand.u32 $0x7F, v32;
	v10 =	vadd.s32 s13, v33;
	[tilespmem:s17+$0xFFFFFF80] =	vst v5  }
0x306: {  	v5 =	vor.u32 v34, v10;
	v6 =	vld.idx.msk [tilespmem:v27+s24+$0x0], $0xffff  }
0x307: {  	v8 =	vld.idx.msk [tilespmem:v8+s24+$0x0], $0xffff;
	_ =	sdelay $0x1  }
0x308: {  	v9 =	vld.idx.msk [tilespmem:v9+s24+$0x0], $0xffff;
	_ =	sdelay $0x1  }
0x309: {  	v5 =	vld.idx.msk [tilespmem:v5+s24+$0x0], $0xffff  }
0x30a: {  	v6 =	vmul.f32 v6, v0;
	v8 =	vmul.f32 v8, v1;
	_ =	sdelay $0x1  }
0x30b: {  	v35 =	vmul.f32 v9, v2;
	v6 =	vadd.f32 v8, v6  }
0x30c: {  	v36 =	vand.u32 $0xFFFFFF80, v54;
	v38 =	vadd.s32 $0x10, v54;
	v37 =	vand.u32 $0x7F, v54  }
0x30d: {  	s22 =	sadd.s32 $0xFFFFFF80, s7;
	v40 =	vand.u32 $0xFFFFFF80, v38;
	v6 =	vadd.f32 v35, v6;
	v5 =	vmul.f32 v5, v3  }
0x30e: {  	v41 =	vand.u32 $0x7F, v38;
	v42 =	vadd.s32 $0x20, v54;
	v8 =	vadd.s32 s22, v36  }
0x30f: {  	v39 =	vor.u32 v37, v8;
	v8 =	vadd.s32 s22, v40;
	v5 =	vadd.f32 v5, v6  }
0x310: {  	v7 =	vadd.s32 $0x30, v54;
	v43 =	vand.u32 $0xFFFFFF80, v42;
	v8 =	vor.u32 v41, v8  }
0x311: {  	v10 =	vand.u32 $0x7F, v42;
	v9 =	vadd.s32 s22, v43;
	v5 =	vsub.f32 $0.0e+00, v5  }
0x312: {  	v44 =	vand.u32 $0xFFFFFF80, v7;
	v9 =	vor.u32 v10, v9  }
0x313: {  	v45 =	vand.u32 $0x7F, v7;
	v46 =	vadd.s32 s22, v44;
	[tilespmem:s17+$0x0] =	vst v5  }
0x314: {  	v5 =	vor.u32 v45, v46;
	v6 =	vld.idx.msk [tilespmem:v39+s24+$0x0], $0xffff  }
0x315: {  	v47 =	vld.idx.msk [tilespmem:v8+s24+$0x0], $0xffff;
	_ =	sdelay $0x1  }
0x316: {  	v48 =	vld.idx.msk [tilespmem:v9+s24+$0x0], $0xffff;
	_ =	sdelay $0x1  }
0x317: {  	v5 =	vld.idx.msk [tilespmem:v5+s24+$0x0], $0xffff  }
0x318: {  	v6 =	vmul.f32 v6, v0;
	v7 =	vmul.f32 v47, v1;
	_ =	sdelay $0x1  }
0x319: {  	v49 =	vmul.f32 v48, v2;
	v6 =	vadd.f32 v7, v6  }
0x31a: {  	v50 =	vand.u32 $0xFFFFFF80, v4;
	v51 =	vand.u32 $0x7F, v4;
	v52 =	vadd.s32 $0x10, v4  }
0x31b: {  	v56 =	vadd.s32 $0x20, v4;
	v6 =	vadd.f32 v49, v6;
	v5 =	vmul.f32 v5, v3  }
0x31c: {  	v54 =	vand.u32 $0xFFFFFF80, v52;
	v55 =	vand.u32 $0x7F, v52;
	v7 =	vadd.s32 s7, v50  }
0x31d: {  	v53 =	vor.u32 v51, v7;
	v7 =	vadd.s32 s7, v54;
	v5 =	vadd.f32 v5, v6  }
0x31e: {  	v4 =	vadd.s32 $0x30, v4;
	v57 =	vand.u32 $0xFFFFFF80, v56;
	v7 =	vor.u32 v55, v7  }
0x31f: {  	v9 =	vand.u32 $0x7F, v56;
	v8 =	vadd.s32 s7, v57;
	v5 =	vsub.f32 $0.0e+00, v5  }
0x320: {  	v58 =	vand.u32 $0xFFFFFF80, v4;
	v8 =	vor.u32 v9, v8  }
0x321: {  	v4 =	vand.u32 $0x7F, v4;
	v59 =	vadd.s32 s7, v58;
	[tilespmem:s17+$0x80] =	vst v5  }
0x322: {  	v4 =	vor.u32 v4, v59;
	v6 =	vld.idx.msk [tilespmem:v53+s24+$0x0], $0xffff  }
0x323: {  	v60 =	vld.idx.msk [tilespmem:v7+s24+$0x0], $0xffff;
	_ =	sdelay $0x1  }
0x324: {  	v61 =	vld.idx.msk [tilespmem:v8+s24+$0x0], $0xffff;
	_ =	sdelay $0x1  }
0x325: {  	v4 =	vld.idx.msk [tilespmem:v4+s24+$0x0], $0xffff  }
0x326: {  	v0 =	vmul.f32 v6, v0;
	v1 =	vmul.f32 v60, v1;
	_ =	sdelay $0x1  }
0x327: {  	v62 =	vmul.f32 v61, v2;
	v0 =	vadd.f32 v1, v0;
	_ =	sdelay $0x1  }
0x328: {  	v63 =	vmul.f32 v4, v3;
	v0 =	vadd.f32 v62, v0  }
0x329: {  	p0 =	sne.s32 s30, $0x13F  }
.Ltmp3:
0x32a: {  	v0 =	vadd.f32 v63, v0;
	(pc) =	sbr.rel @p0 .LBB2_8-.Ltmp3, $4  }
0x32b: {  	_ = 	snop  }
0x32c: {  	v0 =	vsub.f32 $0.0e+00, v0  }
0x32d: {  	s1 =	sadd.s32 $0xA0, s1;
	s30 =	sadd.s32 $0xA, s30;
	s16 =	sadd.s32 $0xA0, s16  }
0x32e: {  	s0 =	sadd.s32 $0x6, s0;
	s31 =	sadd.s32 $0x60, s31;
	[tilespmem:s17+$0x100] =	vst v0;
	s17 =	sadd.s32 $0x300, s17  }
0x32f: {  	s0 =	rddreg [dreg:$0x8]  }
0x330: {  	[hbm4b:s0+s2] =	stream.linear.scatter [tilespmem:s29], [sflag:$0x2], $0x6000, $0x38;
	[tilespmem:$0x1E800] =	vst v63  }
0x331: {  	_ =	swait.ge [sflag:s14], $0x6000  }
0x332: {  	s25 =	sadd.s32 $0x1, s25;
	s31 =	rddreg [dreg:$0x9]  }
0x333: {  	p0 =	sne.s32 s25, s31  }
.Ltmp4:
0x334: {  	_ = 	snop;
	(pc) =	sbr.rel @p0 .LBB2_1-.Ltmp4, $3  }
0x335: {  	_ =	sdelay $0x1  }
0x336: {  	[sflag:s14] =	ssyncset.done $0x0  }
0x337: {  	[sflag:s14] =	ssyncadd.s32 $0xFFFFA000  }
0x338: {  	_ =	sfence.sel $0x180000  }
0x339: {  	[bflag:$0x0] =	sbarrier.arrive $0xFFFF  }
0x33a: {  	_ =	strace $0x90000047  }
0x33b: {  	s0 =	stileid.u32;
	[bflag:$0x2] =	sbarrier.arrive $0xFFFF  }
0x33c: {  	p0 =	sne.s32 s0, $0x0;
	s0 =	rddreg [dreg:$0x1]  }
0x33d: {  	s0 =	sadd.s32 @!p0 $0x100000, s0  }
0x33e: {  	[sflag:s0] =	ssyncadd.tile.s32 @!p0 $0x1;
	_ =	shalt  }
.Lfunc_end2:
_tile_overlayer_lowered:
.L_overlay_start_2:
0x33f: {  	(tag) =	ssettag $0x2  }
0x340: {  	s0 =	rddreg [dreg:$0x0];
	s2 =	stileid.u32  }
0x341: {  	s1 =	rddreg [dreg:$0x1];
	p0 =	sne.s32 s2, $0x0  }
0x342: {  	s3 =	rddreg [dreg:$0x2];
	[bflag:$0x3] =	sbarrier.arrive $0xFFFF;
	s2 =	simm.s32 @!p0 $0x1C02  }
0x343: {  	[timem:s3], [sflag:s2] =	dma.local @!p0 [hbm:s0], s1  }
0x344: {  	s0 =	simm.s32 @!p0 $0x2  }
0x345: {  	_ =	swait.ge @!p0 [sflag:s0], s1  }
0x346: {  	s1 =	ssub.s32 @!p0 $0x0, s1;
	[sflag:s0] =	ssyncset.done @!p0 $0x0  }
0x347: {  	[sflag:s0] =	ssyncadd.s32 @!p0 s1  }
0x348: {  	[bflag:$0x3] =	sbarrier.arrive $0xFFFF  }
0x349: {  	_ =	shalt  }

</sc_bundles>
